<compile_context>
chip_gen: v7x
topology: tpu7x:2x2x1
jax: 0.10.2.dev20260603
libtpu: 0.0.44.dev20260713+nightly
codegen_flags: <defaults>
</compile_context>

<pallas_src>
import functools

import jax
import jax.numpy as jnp
from jax import lax
from jax.experimental import pallas as pl
from jax.experimental.pallas import tpu as pltpu
from jax.experimental.pallas import tpu_sc as plsc

_EMB = 4096
_NE = 64
_K = 8
_LANES = 16


def _mm_body(x_ref, w_ref, out_ref):
    out_ref[...] = lax.dot_general(
        x_ref[...], w_ref[...], (((1,), (1,)), ((), ())),
        preferred_element_type=jnp.float32,
        precision=lax.Precision.DEFAULT)


def _matmul(x, W, n_rows, row_base, bt=512):
    base_blk = row_base // bt
    return pl.pallas_call(
        _mm_body,
        grid=(n_rows // bt,),
        in_specs=[
            pl.BlockSpec((bt, _EMB), lambda i: (base_blk + i, 0)),
            pl.BlockSpec((_NE, _EMB), lambda i: (0, 0)),
        ],
        out_specs=pl.BlockSpec((bt, _NE), lambda i: (i, 0)),
        out_shape=jax.ShapeDtypeStruct((n_rows, _NE), jnp.float32),
    )(x, W)


def _topk_one_token(lg_v, vout_v, t, iota, mask8):
    k0 = lg_v[t, 0:16]
    k1 = lg_v[t, 16:32]
    k2 = lg_v[t, 32:48]
    k3 = lg_v[t, 48:64]
    s0k, s0v = plsc.sort_key_val(k0, iota, descending=True)
    s1k, s1v = plsc.sort_key_val(k1, iota + 16, descending=True)
    s2k, s2v = plsc.sort_key_val(k2, iota + 32, descending=True)
    s3k, s3v = plsc.sort_key_val(k3, iota + 48, descending=True)
    c01k = jnp.where(mask8, s0k, lax.rev(s1k, (0,)))
    c01v = jnp.where(mask8, s0v, lax.rev(s1v, (0,)))
    m01k, m01v = plsc.sort_key_val(c01k, c01v, descending=True)
    c23k = jnp.where(mask8, s2k, lax.rev(s3k, (0,)))
    c23v = jnp.where(mask8, s2v, lax.rev(s3v, (0,)))
    m23k, m23v = plsc.sort_key_val(c23k, c23v, descending=True)
    cfk = jnp.where(mask8, m01k, lax.rev(m23k, (0,)))
    cfv = jnp.where(mask8, m01v, lax.rev(m23v, (0,)))
    fk, fv = plsc.sort_key_val(cfk, cfv, descending=True)
    e = jnp.where(mask8, jnp.exp(fk), 0.0)
    s = jnp.sum(e)
    packed = jnp.where(mask8, e / s, plsc.bitcast(lax.rev(fv, (0,)), jnp.float32))
    vout_v[t, :] = packed


def _sc_topk(logits):
    n_tok = logits.shape[0]
    mesh = plsc.VectorSubcoreMesh(core_axis_name="c", subcore_axis_name="s")
    n_workers = mesh.num_cores * mesh.num_subcores
    tpw = n_tok // n_workers

    @functools.partial(
        pl.kernel,
        mesh=mesh,
        out_type=jax.ShapeDtypeStruct((n_tok, _LANES), jnp.float32),
        scratch_types=[
            pltpu.VMEM((tpw, _NE), jnp.float32),
            pltpu.VMEM((tpw, _LANES), jnp.float32),
        ],
        compiler_params=pltpu.CompilerParams(
            needs_layout_passes=False, use_tc_tiling_on_sc=False),
    )
    def sc_kernel(logits_hbm, packed_hbm, lg_v, vout_v):
        wid = lax.axis_index("s") * mesh.num_cores + lax.axis_index("c")
        base = wid * tpw
        pltpu.sync_copy(logits_hbm.at[pl.ds(base, tpw), :], lg_v)
        iota = lax.iota(jnp.int32, _LANES)
        mask8 = iota < _K

        @plsc.parallel_loop(0, tpw, 1, unroll=16)
        def body(t):
            _topk_one_token(lg_v, vout_v, t, iota, mask8)
        pltpu.sync_copy(vout_v, packed_hbm.at[pl.ds(base, tpw), :])

    return sc_kernel(logits)


def kernel(x, W):
    n_tok = x.shape[0]
    sizes = (9728, 9728, 9728, 3584)
    assert sum(sizes) == n_tok
    parts = []
    base = 0
    for cs in sizes:
        logits = _matmul(x, W, cs, base)
        parts.append(_sc_topk(logits))
        base += cs
    packed = jnp.concatenate(parts, axis=0)
    vals = packed[:, :_K]
    idx = lax.bitcast_convert_type(packed[:, _LANES - 1:_K - 1:-1], jnp.int32)
    return vals, idx

# --- scband reference (transcript-rebuilt; emitter-appended) ---
"""Pipeline reference for scband-mo-erouter-14276471291956 (READ-ONLY COPY).

The authoritative reference and input builder live on the scoring server;
editing this copy changes nothing except your own understanding.
"""

import jax, jax.numpy as jnp
import numpy as np

EMB_DIM = 4096
N_EXPERTS = 64
TOP_K = 8
N_TOKENS = 32768


def setup_inputs(seed: int = 0) -> dict:
    key = jax.random.key(seed)
    k1, k2 = jax.random.split(key)
    x = jax.random.normal(k1, (N_TOKENS, EMB_DIM), dtype=jnp.float32)
    # nn.Linear(emb_dim, n_experts, bias=False) weight: [n_experts, emb_dim]
    W = jax.random.normal(k2, (N_EXPERTS, EMB_DIM), dtype=jnp.float32) * (1.0 / np.sqrt(EMB_DIM))
    return {"x": x, "W": W}


def reference(x, W):
    # router_logits = self.proj(x)
    router_logits = x @ W.T
    # softmax in float32
    router_probs = jax.nn.softmax(router_logits.astype(jnp.float32), axis=-1)
    # top-k over experts
    values, indices = jax.lax.top_k(router_probs, TOP_K)
    # moe_norm_topk_prob=True -> renormalize the top-k probabilities
    values = values / jnp.sum(values, axis=-1, keepdims=True)
    return values, indices

if __name__ == "__main__":
    import jax
    _d = setup_inputs()
    print(jax.jit(kernel)(*tuple(_d.values())))

</pallas_src>

<mosaic_0001>
#map = affine_map<(d0, d1) -> (0, 0)>
module attributes {stable_mosaic.version = 14 : i64} {
  func.func @sc_kernel(%arg0: i32, %arg1: i32, %arg2: memref<9728x64xf32, #tpu.memory_space<hbm>>, %arg3: memref<9728x16xf32, #tpu.memory_space<hbm>>, %arg4: memref<304x64xf32, #tpu.memory_space<vmem>>, %arg5: memref<304x16xf32, #tpu.memory_space<vmem>>) attributes {dimension_semantics = [#tpu.dimension_semantics<core_parallel>, #tpu.dimension_semantics<subcore_parallel>], iteration_bounds = array<i64: 2, 16>, scalar_prefetch = 0 : i64, scratch_operands = 2 : i64, tpu.core_type = #tpu.core_type<sc_vector_subcore>, window_params = [{transform_indices = #map}, {transform_indices = #map}]} {
    %mul3A = arith.constant 2 : i32
    %mul3A_0 = arith.muli %arg1, %mul3A : i32
    %add3A = arith.addi %mul3A_0, %arg0 : i32
    %mul3A_1 = arith.constant 304 : i32
    %mul3A_2 = arith.muli %add3A, %mul3A_1 : i32
    "tpu.region"() ({
      %run_scoped3A = tpu.sem_alloc : memref<!tpu.dma_semaphore, #tpu.memory_space<semaphore_mem>>
      %dma_start3A = arith.constant 0 : i32
      %dma_start3A_7 = tpu.memref_slice %arg2[%mul3A_2, %dma_start3A] : memref<9728x64xf32, #tpu.memory_space<hbm>> -> memref<304x64xf32, #tpu.memory_space<hbm>>
      %dma_start3A_8 = arith.constant 0 : i32
      %dma_start3A_9 = tpu.memref_slice %arg2[%mul3A_2, %dma_start3A_8] : memref<9728x64xf32, #tpu.memory_space<hbm>> -> memref<304x64xf32, #tpu.memory_space<hbm>>
      tpu.enqueue_dma source(%dma_start3A_9 : memref<304x64xf32, #tpu.memory_space<hbm>>) target(%arg4 : memref<304x64xf32, #tpu.memory_space<vmem>>) target_semaphore(%run_scoped3A : memref<!tpu.dma_semaphore, #tpu.memory_space<semaphore_mem>>)
      %dma_wait3A = arith.constant 0 : i32
      %dma_wait3A_10 = tpu.memref_slice %arg2[%mul3A_2, %dma_wait3A] : memref<9728x64xf32, #tpu.memory_space<hbm>> -> memref<304x64xf32, #tpu.memory_space<hbm>>
      %dma_wait3A_11 = arith.constant 0 : i32
      %dma_wait3A_12 = tpu.memref_slice %arg2[%mul3A_2, %dma_wait3A_11] : memref<9728x64xf32, #tpu.memory_space<hbm>> -> memref<304x64xf32, #tpu.memory_space<hbm>>
      tpu.wait_dma2 semaphore(%run_scoped3A : memref<!tpu.dma_semaphore, #tpu.memory_space<semaphore_mem>>) src(%dma_wait3A_12 : memref<304x64xf32, #tpu.memory_space<hbm>>) dst(%arg4 : memref<304x64xf32, #tpu.memory_space<vmem>>)
      tpu.yield
    }) : () -> ()
    %iota3A = tpu.iota {dimensions = array<i32: 0>} : vector<16xi32>
    %lt3A = arith.constant 8 : i32
    %lt3A_3 = vector.broadcast %lt3A : i32 to vector<16xi32>
    %lt3A_4 = arith.cmpi slt, %iota3A, %lt3A_3 : vector<16xi32>
    %parallel_loop3A = arith.constant 0 : i32
    %parallel_loop3A_5 = arith.constant 304 : i32
    %parallel_loop3A_6 = arith.constant 1 : i32
    scf.for %parallel_loop3A_7 = %parallel_loop3A to %parallel_loop3A_5 step %parallel_loop3A_6  : i32 {
      %parallel_loop3A_8 = arith.index_cast %parallel_loop3A_7 : i32 to index
      %parallel_loop3A_9 = arith.constant 0 : index
      %parallel_loop3A_10 = tpu.vector_load %arg4[%parallel_loop3A_8, %parallel_loop3A_9] {strides = array<i32>} : memref<304x64xf32, #tpu.memory_space<vmem>>, vector<16xf32>,
      %parallel_loop3A_11 = arith.index_cast %parallel_loop3A_7 : i32 to index
      %parallel_loop3A_12 = arith.constant 16 : index
      %parallel_loop3A_13 = tpu.vector_load %arg4[%parallel_loop3A_11, %parallel_loop3A_12] {strides = array<i32>} : memref<304x64xf32, #tpu.memory_space<vmem>>, vector<16xf32>,
      %parallel_loop3A_14 = arith.index_cast %parallel_loop3A_7 : i32 to index
      %parallel_loop3A_15 = arith.constant 32 : index
      %parallel_loop3A_16 = tpu.vector_load %arg4[%parallel_loop3A_14, %parallel_loop3A_15] {strides = array<i32>} : memref<304x64xf32, #tpu.memory_space<vmem>>, vector<16xf32>,
      %parallel_loop3A_17 = arith.index_cast %parallel_loop3A_7 : i32 to index
      %parallel_loop3A_18 = arith.constant 48 : index
      %parallel_loop3A_19 = tpu.vector_load %arg4[%parallel_loop3A_17, %parallel_loop3A_18] {strides = array<i32>} : memref<304x64xf32, #tpu.memory_space<vmem>>, vector<16xf32>,
      %parallel_loop3A_20 = arith.constant dense<true> : vector<16xi1>
      %parallel_loop3A_21, %parallel_loop3A_22, %parallel_loop3A_23 = tpu.sort %parallel_loop3A_10, %iota3A masked %parallel_loop3A_20 {descending = true} : (vector<16xf32>, vector<16xi32>, vector<16xi1>) -> (vector<16xi1>, vector<16xf32>, vector<16xi32>)
      %parallel_loop3A_24 = arith.constant 16 : i32
      %parallel_loop3A_25 = vector.broadcast %parallel_loop3A_24 : i32 to vector<16xi32>
      %parallel_loop3A_26 = arith.addi %iota3A, %parallel_loop3A_25 : vector<16xi32>
      %parallel_loop3A_27 = arith.constant dense<true> : vector<16xi1>
      %parallel_loop3A_28, %parallel_loop3A_29, %parallel_loop3A_30 = tpu.sort %parallel_loop3A_13, %parallel_loop3A_26 masked %parallel_loop3A_27 {descending = true} : (vector<16xf32>, vector<16xi32>, vector<16xi1>) -> (vector<16xi1>, vector<16xf32>, vector<16xi32>)
      %parallel_loop3A_31 = arith.constant 32 : i32
      %parallel_loop3A_32 = vector.broadcast %parallel_loop3A_31 : i32 to vector<16xi32>
      %parallel_loop3A_33 = arith.addi %iota3A, %parallel_loop3A_32 : vector<16xi32>
      %parallel_loop3A_34 = arith.constant dense<true> : vector<16xi1>
      %parallel_loop3A_35, %parallel_loop3A_36, %parallel_loop3A_37 = tpu.sort %parallel_loop3A_16, %parallel_loop3A_33 masked %parallel_loop3A_34 {descending = true} : (vector<16xf32>, vector<16xi32>, vector<16xi1>) -> (vector<16xi1>, vector<16xf32>, vector<16xi32>)
      %parallel_loop3A_38 = arith.constant 48 : i32
      %parallel_loop3A_39 = vector.broadcast %parallel_loop3A_38 : i32 to vector<16xi32>
      %parallel_loop3A_40 = arith.addi %iota3A, %parallel_loop3A_39 : vector<16xi32>
      %parallel_loop3A_41 = arith.constant dense<true> : vector<16xi1>
      %parallel_loop3A_42, %parallel_loop3A_43, %parallel_loop3A_44 = tpu.sort %parallel_loop3A_19, %parallel_loop3A_40 masked %parallel_loop3A_41 {descending = true} : (vector<16xf32>, vector<16xi32>, vector<16xi1>) -> (vector<16xi1>, vector<16xf32>, vector<16xi32>)
      %parallel_loop3A_45 = arith.constant 15 : i32
      %parallel_loop3A_46 = vector.broadcast %parallel_loop3A_45 : i32 to vector<16xi32>
      %parallel_loop3A_47 = tpu.iota {dimensions = array<i32: 0>} : vector<16xi32>
      %parallel_loop3A_48 = arith.subi %parallel_loop3A_46, %parallel_loop3A_47 : vector<16xi32>
      %parallel_loop3A_49 = tpu.dynamic_gather %parallel_loop3A_29[%parallel_loop3A_48] in [0] : vector<16xf32>, vector<16xi32> -> vector<16xf32>
      %parallel_loop3A_50 = arith.select %lt3A_4, %parallel_loop3A_22, %parallel_loop3A_49 : vector<16xi1>, vector<16xf32>
      %parallel_loop3A_51 = arith.constant 15 : i32
      %parallel_loop3A_52 = vector.broadcast %parallel_loop3A_51 : i32 to vector<16xi32>
      %parallel_loop3A_53 = tpu.iota {dimensions = array<i32: 0>} : vector<16xi32>
      %parallel_loop3A_54 = arith.subi %parallel_loop3A_52, %parallel_loop3A_53 : vector<16xi32>
      %parallel_loop3A_55 = tpu.dynamic_gather %parallel_loop3A_30[%parallel_loop3A_54] in [0] : vector<16xi32>, vector<16xi32> -> vector<16xi32>
      %parallel_loop3A_56 = arith.select %lt3A_4, %parallel_loop3A_23, %parallel_loop3A_55 : vector<16xi1>, vector<16xi32>
      %parallel_loop3A_57 = arith.constant dense<true> : vector<16xi1>
      %parallel_loop3A_58, %parallel_loop3A_59, %parallel_loop3A_60 = tpu.sort %parallel_loop3A_50, %parallel_loop3A_56 masked %parallel_loop3A_57 {descending = true} : (vector<16xf32>, vector<16xi32>, vector<16xi1>) -> (vector<16xi1>, vector<16xf32>, vector<16xi32>)
      %parallel_loop3A_61 = arith.constant 15 : i32
      %parallel_loop3A_62 = vector.broadcast %parallel_loop3A_61 : i32 to vector<16xi32>
      %parallel_loop3A_63 = tpu.iota {dimensions = array<i32: 0>} : vector<16xi32>
      %parallel_loop3A_64 = arith.subi %parallel_loop3A_62, %parallel_loop3A_63 : vector<16xi32>
      %parallel_loop3A_65 = tpu.dynamic_gather %parallel_loop3A_43[%parallel_loop3A_64] in [0] : vector<16xf32>, vector<16xi32> -> vector<16xf32>
      %parallel_loop3A_66 = arith.select %lt3A_4, %parallel_loop3A_36, %parallel_loop3A_65 : vector<16xi1>, vector<16xf32>
      %parallel_loop3A_67 = arith.constant 15 : i32
      %parallel_loop3A_68 = vector.broadcast %parallel_loop3A_67 : i32 to vector<16xi32>
      %parallel_loop3A_69 = tpu.iota {dimensions = array<i32: 0>} : vector<16xi32>
      %parallel_loop3A_70 = arith.subi %parallel_loop3A_68, %parallel_loop3A_69 : vector<16xi32>
      %parallel_loop3A_71 = tpu.dynamic_gather %parallel_loop3A_44[%parallel_loop3A_70] in [0] : vector<16xi32>, vector<16xi32> -> vector<16xi32>
      %parallel_loop3A_72 = arith.select %lt3A_4, %parallel_loop3A_37, %parallel_loop3A_71 : vector<16xi1>, vector<16xi32>
      %parallel_loop3A_73 = arith.constant dense<true> : vector<16xi1>
      %parallel_loop3A_74, %parallel_loop3A_75, %parallel_loop3A_76 = tpu.sort %parallel_loop3A_66, %parallel_loop3A_72 masked %parallel_loop3A_73 {descending = true} : (vector<16xf32>, vector<16xi32>, vector<16xi1>) -> (vector<16xi1>, vector<16xf32>, vector<16xi32>)
      %parallel_loop3A_77 = arith.constant 15 : i32
      %parallel_loop3A_78 = vector.broadcast %parallel_loop3A_77 : i32 to vector<16xi32>
      %parallel_loop3A_79 = tpu.iota {dimensions = array<i32: 0>} : vector<16xi32>
      %parallel_loop3A_80 = arith.subi %parallel_loop3A_78, %parallel_loop3A_79 : vector<16xi32>
      %parallel_loop3A_81 = tpu.dynamic_gather %parallel_loop3A_75[%parallel_loop3A_80] in [0] : vector<16xf32>, vector<16xi32> -> vector<16xf32>
      %parallel_loop3A_82 = arith.select %lt3A_4, %parallel_loop3A_59, %parallel_loop3A_81 : vector<16xi1>, vector<16xf32>
      %parallel_loop3A_83 = arith.constant 15 : i32
      %parallel_loop3A_84 = vector.broadcast %parallel_loop3A_83 : i32 to vector<16xi32>
      %parallel_loop3A_85 = tpu.iota {dimensions = array<i32: 0>} : vector<16xi32>
      %parallel_loop3A_86 = arith.subi %parallel_loop3A_84, %parallel_loop3A_85 : vector<16xi32>
      %parallel_loop3A_87 = tpu.dynamic_gather %parallel_loop3A_76[%parallel_loop3A_86] in [0] : vector<16xi32>, vector<16xi32> -> vector<16xi32>
      %parallel_loop3A_88 = arith.select %lt3A_4, %parallel_loop3A_60, %parallel_loop3A_87 : vector<16xi1>, vector<16xi32>
      %parallel_loop3A_89 = arith.constant dense<true> : vector<16xi1>
      %parallel_loop3A_90, %parallel_loop3A_91, %parallel_loop3A_92 = tpu.sort %parallel_loop3A_82, %parallel_loop3A_88 masked %parallel_loop3A_89 {descending = true} : (vector<16xf32>, vector<16xi32>, vector<16xi1>) -> (vector<16xi1>, vector<16xf32>, vector<16xi32>)
      %parallel_loop3A_93 = math.exp %parallel_loop3A_91 : vector<16xf32>
      %parallel_loop3A_94 = arith.constant 0.000000e+00 : f32
      %parallel_loop3A_95 = vector.broadcast %parallel_loop3A_94 : f32 to vector<16xf32>
      %parallel_loop3A_96 = arith.select %lt3A_4, %parallel_loop3A_93, %parallel_loop3A_95 : vector<16xi1>, vector<16xf32>
      %parallel_loop3A_97 = arith.constant true
      %parallel_loop3A_98 = vector.broadcast %parallel_loop3A_97 : i1 to vector<16xi1>
      %parallel_loop3A_99 = tpu.scan <sum>, %parallel_loop3A_96 masked %parallel_loop3A_98 : vector<16xf32>, vector<16xi1> -> vector<16xf32>
      %parallel_loop3A_100 = vector.extract %parallel_loop3A_99[15] : f32 from vector<16xf32>
      %parallel_loop3A_101 = vector.broadcast %parallel_loop3A_100 : f32 to vector<16xf32>
      %parallel_loop3A_102 = arith.divf %parallel_loop3A_96, %parallel_loop3A_101 : vector<16xf32>
      %parallel_loop3A_103 = arith.constant 15 : i32
      %parallel_loop3A_104 = vector.broadcast %parallel_loop3A_103 : i32 to vector<16xi32>
      %parallel_loop3A_105 = tpu.iota {dimensions = array<i32: 0>} : vector<16xi32>
      %parallel_loop3A_106 = arith.subi %parallel_loop3A_104, %parallel_loop3A_105 : vector<16xi32>
      %parallel_loop3A_107 = tpu.dynamic_gather %parallel_loop3A_92[%parallel_loop3A_106] in [0] : vector<16xi32>, vector<16xi32> -> vector<16xi32>
      %parallel_loop3A_108 = vector.bitcast %parallel_loop3A_107 : vector<16xi32> to vector<16xf32>
      %parallel_loop3A_109 = arith.select %lt3A_4, %parallel_loop3A_102, %parallel_loop3A_108 : vector<16xi1>, vector<16xf32>
      %parallel_loop3A_110 = arith.index_cast %parallel_loop3A_7 : i32 to index
      %parallel_loop3A_111 = arith.constant 0 : index
      %parallel_loop3A_112 = tpu.vector_load %arg5[%parallel_loop3A_110, %parallel_loop3A_111] {strides = array<i32>} : memref<304x16xf32, #tpu.memory_space<vmem>>, vector<16xf32>,
      tpu.vector_store %arg5[%parallel_loop3A_110, %parallel_loop3A_111], %parallel_loop3A_109 {strides = array<i32>} : memref<304x16xf32, #tpu.memory_space<vmem>>, vector<16xf32>,
    } {sc.loop_unroll_factor = 16 : i64, sc.parallel_access}
    "tpu.region"() ({
      %run_scoped3A = tpu.sem_alloc : memref<!tpu.dma_semaphore, #tpu.memory_space<semaphore_mem>>
      %dma_start3A = arith.constant 0 : i32
      %dma_start3A_7 = tpu.memref_slice %arg3[%mul3A_2, %dma_start3A] : memref<9728x16xf32, #tpu.memory_space<hbm>> -> memref<304x16xf32, #tpu.memory_space<hbm>>
      %dma_start3A_8 = arith.constant 0 : i32
      %dma_start3A_9 = tpu.memref_slice %arg3[%mul3A_2, %dma_start3A_8] : memref<9728x16xf32, #tpu.memory_space<hbm>> -> memref<304x16xf32, #tpu.memory_space<hbm>>
      tpu.enqueue_dma source(%arg5 : memref<304x16xf32, #tpu.memory_space<vmem>>) target(%dma_start3A_9 : memref<304x16xf32, #tpu.memory_space<hbm>>) target_semaphore(%run_scoped3A : memref<!tpu.dma_semaphore, #tpu.memory_space<semaphore_mem>>)
      %dma_wait3A = arith.constant 0 : i32
      %dma_wait3A_10 = tpu.memref_slice %arg3[%mul3A_2, %dma_wait3A] : memref<9728x16xf32, #tpu.memory_space<hbm>> -> memref<304x16xf32, #tpu.memory_space<hbm>>
      %dma_wait3A_11 = arith.constant 0 : i32
      %dma_wait3A_12 = tpu.memref_slice %arg3[%mul3A_2, %dma_wait3A_11] : memref<9728x16xf32, #tpu.memory_space<hbm>> -> memref<304x16xf32, #tpu.memory_space<hbm>>
      tpu.wait_dma2 semaphore(%run_scoped3A : memref<!tpu.dma_semaphore, #tpu.memory_space<semaphore_mem>>) src(%arg5 : memref<304x16xf32, #tpu.memory_space<vmem>>) dst(%dma_wait3A_12 : memref<304x16xf32, #tpu.memory_space<hbm>>)
      tpu.yield
    }) : () -> ()
    return
  }
}

#map = affine_map<(d0, d1) -> (0, 0)>
module attributes {stable_mosaic.version = 14 : i64} {
  func.func @sc_kernel(%arg0: i32, %arg1: i32, %arg2: memref<9728x64xf32, #tpu.memory_space<hbm>>, %arg3: memref<9728x16xf32, #tpu.memory_space<hbm>>, %arg4: memref<304x64xf32, #tpu.memory_space<vmem>>, %arg5: memref<304x16xf32, #tpu.memory_space<vmem>>) attributes {dimension_semantics = [#tpu.dimension_semantics<core_parallel>, #tpu.dimension_semantics<subcore_parallel>], iteration_bounds = array<i64: 2, 16>, scalar_prefetch = 0 : i64, scratch_operands = 2 : i64, tpu.core_type = #tpu.core_type<sc_vector_subcore>, window_params = [{transform_indices = #map}, {transform_indices = #map}]} {
    %mul3A = arith.constant 2 : i32
    %mul3A_0 = arith.muli %arg1, %mul3A : i32
    %add3A = arith.addi %mul3A_0, %arg0 : i32
    %mul3A_1 = arith.constant 304 : i32
    %mul3A_2 = arith.muli %add3A, %mul3A_1 : i32
    "tpu.region"() ({
      %run_scoped3A = tpu.sem_alloc : memref<!tpu.dma_semaphore, #tpu.memory_space<semaphore_mem>>
      %dma_start3A = arith.constant 0 : i32
      %dma_start3A_7 = tpu.memref_slice %arg2[%mul3A_2, %dma_start3A] : memref<9728x64xf32, #tpu.memory_space<hbm>> -> memref<304x64xf32, #tpu.memory_space<hbm>>
      %dma_start3A_8 = arith.constant 0 : i32
      %dma_start3A_9 = tpu.memref_slice %arg2[%mul3A_2, %dma_start3A_8] : memref<9728x64xf32, #tpu.memory_space<hbm>> -> memref<304x64xf32, #tpu.memory_space<hbm>>
      tpu.enqueue_dma source(%dma_start3A_9 : memref<304x64xf32, #tpu.memory_space<hbm>>) target(%arg4 : memref<304x64xf32, #tpu.memory_space<vmem>>) target_semaphore(%run_scoped3A : memref<!tpu.dma_semaphore, #tpu.memory_space<semaphore_mem>>)
      %dma_wait3A = arith.constant 0 : i32
      %dma_wait3A_10 = tpu.memref_slice %arg2[%mul3A_2, %dma_wait3A] : memref<9728x64xf32, #tpu.memory_space<hbm>> -> memref<304x64xf32, #tpu.memory_space<hbm>>
      %dma_wait3A_11 = arith.constant 0 : i32
      %dma_wait3A_12 = tpu.memref_slice %arg2[%mul3A_2, %dma_wait3A_11] : memref<9728x64xf32, #tpu.memory_space<hbm>> -> memref<304x64xf32, #tpu.memory_space<hbm>>
      tpu.wait_dma2 semaphore(%run_scoped3A : memref<!tpu.dma_semaphore, #tpu.memory_space<semaphore_mem>>) src(%dma_wait3A_12 : memref<304x64xf32, #tpu.memory_space<hbm>>) dst(%arg4 : memref<304x64xf32, #tpu.memory_space<vmem>>)
      tpu.yield
    }) : () -> ()
    %iota3A = tpu.iota {dimensions = array<i32: 0>} : vector<16xi32>
    %lt3A = arith.constant 8 : i32
    %lt3A_3 = vector.broadcast %lt3A : i32 to vector<16xi32>
    %lt3A_4 = arith.cmpi slt, %iota3A, %lt3A_3 : vector<16xi32>
    %parallel_loop3A = arith.constant 0 : i32
    %parallel_loop3A_5 = arith.constant 304 : i32
    %parallel_loop3A_6 = arith.constant 1 : i32
    scf.for %parallel_loop3A_7 = %parallel_loop3A to %parallel_loop3A_5 step %parallel_loop3A_6  : i32 {
      %parallel_loop3A_8 = arith.index_cast %parallel_loop3A_7 : i32 to index
      %parallel_loop3A_9 = arith.constant 0 : index
      %parallel_loop3A_10 = tpu.vector_load %arg4[%parallel_loop3A_8, %parallel_loop3A_9] {strides = array<i32>} : memref<304x64xf32, #tpu.memory_space<vmem>>, vector<16xf32>,
      %parallel_loop3A_11 = arith.index_cast %parallel_loop3A_7 : i32 to index
      %parallel_loop3A_12 = arith.constant 16 : index
      %parallel_loop3A_13 = tpu.vector_load %arg4[%parallel_loop3A_11, %parallel_loop3A_12] {strides = array<i32>} : memref<304x64xf32, #tpu.memory_space<vmem>>, vector<16xf32>,
      %parallel_loop3A_14 = arith.index_cast %parallel_loop3A_7 : i32 to index
      %parallel_loop3A_15 = arith.constant 32 : index
      %parallel_loop3A_16 = tpu.vector_load %arg4[%parallel_loop3A_14, %parallel_loop3A_15] {strides = array<i32>} : memref<304x64xf32, #tpu.memory_space<vmem>>, vector<16xf32>,
      %parallel_loop3A_17 = arith.index_cast %parallel_loop3A_7 : i32 to index
      %parallel_loop3A_18 = arith.constant 48 : index
      %parallel_loop3A_19 = tpu.vector_load %arg4[%parallel_loop3A_17, %parallel_loop3A_18] {strides = array<i32>} : memref<304x64xf32, #tpu.memory_space<vmem>>, vector<16xf32>,
      %parallel_loop3A_20 = arith.constant dense<true> : vector<16xi1>
      %parallel_loop3A_21, %parallel_loop3A_22, %parallel_loop3A_23 = tpu.sort %parallel_loop3A_10, %iota3A masked %parallel_loop3A_20 {descending = true} : (vector<16xf32>, vector<16xi32>, vector<16xi1>) -> (vector<16xi1>, vector<16xf32>, vector<16xi32>)
      %parallel_loop3A_24 = arith.constant 16 : i32
      %parallel_loop3A_25 = vector.broadcast %parallel_loop3A_24 : i32 to vector<16xi32>
      %parallel_loop3A_26 = arith.addi %iota3A, %parallel_loop3A_25 : vector<16xi32>
      %parallel_loop3A_27 = arith.constant dense<true> : vector<16xi1>
      %parallel_loop3A_28, %parallel_loop3A_29, %parallel_loop3A_30 = tpu.sort %parallel_loop3A_13, %parallel_loop3A_26 masked %parallel_loop3A_27 {descending = true} : (vector<16xf32>, vector<16xi32>, vector<16xi1>) -> (vector<16xi1>, vector<16xf32>, vector<16xi32>)
      %parallel_loop3A_31 = arith.constant 32 : i32
      %parallel_loop3A_32 = vector.broadcast %parallel_loop3A_31 : i32 to vector<16xi32>
      %parallel_loop3A_33 = arith.addi %iota3A, %parallel_loop3A_32 : vector<16xi32>
      %parallel_loop3A_34 = arith.constant dense<true> : vector<16xi1>
      %parallel_loop3A_35, %parallel_loop3A_36, %parallel_loop3A_37 = tpu.sort %parallel_loop3A_16, %parallel_loop3A_33 masked %parallel_loop3A_34 {descending = true} : (vector<16xf32>, vector<16xi32>, vector<16xi1>) -> (vector<16xi1>, vector<16xf32>, vector<16xi32>)
      %parallel_loop3A_38 = arith.constant 48 : i32
      %parallel_loop3A_39 = vector.broadcast %parallel_loop3A_38 : i32 to vector<16xi32>
      %parallel_loop3A_40 = arith.addi %iota3A, %parallel_loop3A_39 : vector<16xi32>
      %parallel_loop3A_41 = arith.constant dense<true> : vector<16xi1>
      %parallel_loop3A_42, %parallel_loop3A_43, %parallel_loop3A_44 = tpu.sort %parallel_loop3A_19, %parallel_loop3A_40 masked %parallel_loop3A_41 {descending = true} : (vector<16xf32>, vector<16xi32>, vector<16xi1>) -> (vector<16xi1>, vector<16xf32>, vector<16xi32>)
      %parallel_loop3A_45 = arith.constant 15 : i32
      %parallel_loop3A_46 = vector.broadcast %parallel_loop3A_45 : i32 to vector<16xi32>
      %parallel_loop3A_47 = tpu.iota {dimensions = array<i32: 0>} : vector<16xi32>
      %parallel_loop3A_48 = arith.subi %parallel_loop3A_46, %parallel_loop3A_47 : vector<16xi32>
      %parallel_loop3A_49 = tpu.dynamic_gather %parallel_loop3A_29[%parallel_loop3A_48] in [0] : vector<16xf32>, vector<16xi32> -> vector<16xf32>
      %parallel_loop3A_50 = arith.select %lt3A_4, %parallel_loop3A_22, %parallel_loop3A_49 : vector<16xi1>, vector<16xf32>
      %parallel_loop3A_51 = arith.constant 15 : i32
      %parallel_loop3A_52 = vector.broadcast %parallel_loop3A_51 : i32 to vector<16xi32>
      %parallel_loop3A_53 = tpu.iota {dimensions = array<i32: 0>} : vector<16xi32>
      %parallel_loop3A_54 = arith.subi %parallel_loop3A_52, %parallel_loop3A_53 : vector<16xi32>
      %parallel_loop3A_55 = tpu.dynamic_gather %parallel_loop3A_30[%parallel_loop3A_54] in [0] : vector<16xi32>, vector<16xi32> -> vector<16xi32>
      %parallel_loop3A_56 = arith.select %lt3A_4, %parallel_loop3A_23, %parallel_loop3A_55 : vector<16xi1>, vector<16xi32>
      %parallel_loop3A_57 = arith.constant dense<true> : vector<16xi1>
      %parallel_loop3A_58, %parallel_loop3A_59, %parallel_loop3A_60 = tpu.sort %parallel_loop3A_50, %parallel_loop3A_56 masked %parallel_loop3A_57 {descending = true} : (vector<16xf32>, vector<16xi32>, vector<16xi1>) -> (vector<16xi1>, vector<16xf32>, vector<16xi32>)
      %parallel_loop3A_61 = arith.constant 15 : i32
      %parallel_loop3A_62 = vector.broadcast %parallel_loop3A_61 : i32 to vector<16xi32>
      %parallel_loop3A_63 = tpu.iota {dimensions = array<i32: 0>} : vector<16xi32>
      %parallel_loop3A_64 = arith.subi %parallel_loop3A_62, %parallel_loop3A_63 : vector<16xi32>
      %parallel_loop3A_65 = tpu.dynamic_gather %parallel_loop3A_43[%parallel_loop3A_64] in [0] : vector<16xf32>, vector<16xi32> -> vector<16xf32>
      %parallel_loop3A_66 = arith.select %lt3A_4, %parallel_loop3A_36, %parallel_loop3A_65 : vector<16xi1>, vector<16xf32>
      %parallel_loop3A_67 = arith.constant 15 : i32
      %parallel_loop3A_68 = vector.broadcast %parallel_loop3A_67 : i32 to vector<16xi32>
      %parallel_loop3A_69 = tpu.iota {dimensions = array<i32: 0>} : vector<16xi32>
      %parallel_loop3A_70 = arith.subi %parallel_loop3A_68, %parallel_loop3A_69 : vector<16xi32>
      %parallel_loop3A_71 = tpu.dynamic_gather %parallel_loop3A_44[%parallel_loop3A_70] in [0] : vector<16xi32>, vector<16xi32> -> vector<16xi32>
      %parallel_loop3A_72 = arith.select %lt3A_4, %parallel_loop3A_37, %parallel_loop3A_71 : vector<16xi1>, vector<16xi32>
      %parallel_loop3A_73 = arith.constant dense<true> : vector<16xi1>
      %parallel_loop3A_74, %parallel_loop3A_75, %parallel_loop3A_76 = tpu.sort %parallel_loop3A_66, %parallel_loop3A_72 masked %parallel_loop3A_73 {descending = true} : (vector<16xf32>, vector<16xi32>, vector<16xi1>) -> (vector<16xi1>, vector<16xf32>, vector<16xi32>)
      %parallel_loop3A_77 = arith.constant 15 : i32
      %parallel_loop3A_78 = vector.broadcast %parallel_loop3A_77 : i32 to vector<16xi32>
      %parallel_loop3A_79 = tpu.iota {dimensions = array<i32: 0>} : vector<16xi32>
      %parallel_loop3A_80 = arith.subi %parallel_loop3A_78, %parallel_loop3A_79 : vector<16xi32>
      %parallel_loop3A_81 = tpu.dynamic_gather %parallel_loop3A_75[%parallel_loop3A_80] in [0] : vector<16xf32>, vector<16xi32> -> vector<16xf32>
      %parallel_loop3A_82 = arith.select %lt3A_4, %parallel_loop3A_59, %parallel_loop3A_81 : vector<16xi1>, vector<16xf32>
      %parallel_loop3A_83 = arith.constant 15 : i32
      %parallel_loop3A_84 = vector.broadcast %parallel_loop3A_83 : i32 to vector<16xi32>
      %parallel_loop3A_85 = tpu.iota {dimensions = array<i32: 0>} : vector<16xi32>
      %parallel_loop3A_86 = arith.subi %parallel_loop3A_84, %parallel_loop3A_85 : vector<16xi32>
      %parallel_loop3A_87 = tpu.dynamic_gather %parallel_loop3A_76[%parallel_loop3A_86] in [0] : vector<16xi32>, vector<16xi32> -> vector<16xi32>
      %parallel_loop3A_88 = arith.select %lt3A_4, %parallel_loop3A_60, %parallel_loop3A_87 : vector<16xi1>, vector<16xi32>
      %parallel_loop3A_89 = arith.constant dense<true> : vector<16xi1>
      %parallel_loop3A_90, %parallel_loop3A_91, %parallel_loop3A_92 = tpu.sort %parallel_loop3A_82, %parallel_loop3A_88 masked %parallel_loop3A_89 {descending = true} : (vector<16xf32>, vector<16xi32>, vector<16xi1>) -> (vector<16xi1>, vector<16xf32>, vector<16xi32>)
      %parallel_loop3A_93 = math.exp %parallel_loop3A_91 : vector<16xf32>
      %parallel_loop3A_94 = arith.constant 0.000000e+00 : f32
      %parallel_loop3A_95 = vector.broadcast %parallel_loop3A_94 : f32 to vector<16xf32>
      %parallel_loop3A_96 = arith.select %lt3A_4, %parallel_loop3A_93, %parallel_loop3A_95 : vector<16xi1>, vector<16xf32>
      %parallel_loop3A_97 = arith.constant true
      %parallel_loop3A_98 = vector.broadcast %parallel_loop3A_97 : i1 to vector<16xi1>
      %parallel_loop3A_99 = tpu.scan <sum>, %parallel_loop3A_96 masked %parallel_loop3A_98 : vector<16xf32>, vector<16xi1> -> vector<16xf32>
      %parallel_loop3A_100 = vector.extract %parallel_loop3A_99[15] : f32 from vector<16xf32>
      %parallel_loop3A_101 = vector.broadcast %parallel_loop3A_100 : f32 to vector<16xf32>
      %parallel_loop3A_102 = arith.divf %parallel_loop3A_96, %parallel_loop3A_101 : vector<16xf32>
      %parallel_loop3A_103 = arith.constant 15 : i32
      %parallel_loop3A_104 = vector.broadcast %parallel_loop3A_103 : i32 to vector<16xi32>
      %parallel_loop3A_105 = tpu.iota {dimensions = array<i32: 0>} : vector<16xi32>
      %parallel_loop3A_106 = arith.subi %parallel_loop3A_104, %parallel_loop3A_105 : vector<16xi32>
      %parallel_loop3A_107 = tpu.dynamic_gather %parallel_loop3A_92[%parallel_loop3A_106] in [0] : vector<16xi32>, vector<16xi32> -> vector<16xi32>
      %parallel_loop3A_108 = vector.bitcast %parallel_loop3A_107 : vector<16xi32> to vector<16xf32>
      %parallel_loop3A_109 = arith.select %lt3A_4, %parallel_loop3A_102, %parallel_loop3A_108 : vector<16xi1>, vector<16xf32>
      %parallel_loop3A_110 = arith.index_cast %parallel_loop3A_7 : i32 to index
      %parallel_loop3A_111 = arith.constant 0 : index
      %parallel_loop3A_112 = tpu.vector_load %arg5[%parallel_loop3A_110, %parallel_loop3A_111] {strides = array<i32>} : memref<304x16xf32, #tpu.memory_space<vmem>>, vector<16xf32>,
      tpu.vector_store %arg5[%parallel_loop3A_110, %parallel_loop3A_111], %parallel_loop3A_109 {strides = array<i32>} : memref<304x16xf32, #tpu.memory_space<vmem>>, vector<16xf32>,
    } {sc.loop_unroll_factor = 16 : i64, sc.parallel_access}
    "tpu.region"() ({
      %run_scoped3A = tpu.sem_alloc : memref<!tpu.dma_semaphore, #tpu.memory_space<semaphore_mem>>
      %dma_start3A = arith.constant 0 : i32
      %dma_start3A_7 = tpu.memref_slice %arg3[%mul3A_2, %dma_start3A] : memref<9728x16xf32, #tpu.memory_space<hbm>> -> memref<304x16xf32, #tpu.memory_space<hbm>>
      %dma_start3A_8 = arith.constant 0 : i32
      %dma_start3A_9 = tpu.memref_slice %arg3[%mul3A_2, %dma_start3A_8] : memref<9728x16xf32, #tpu.memory_space<hbm>> -> memref<304x16xf32, #tpu.memory_space<hbm>>
      tpu.enqueue_dma source(%arg5 : memref<304x16xf32, #tpu.memory_space<vmem>>) target(%dma_start3A_9 : memref<304x16xf32, #tpu.memory_space<hbm>>) target_semaphore(%run_scoped3A : memref<!tpu.dma_semaphore, #tpu.memory_space<semaphore_mem>>)
      %dma_wait3A = arith.constant 0 : i32
      %dma_wait3A_10 = tpu.memref_slice %arg3[%mul3A_2, %dma_wait3A] : memref<9728x16xf32, #tpu.memory_space<hbm>> -> memref<304x16xf32, #tpu.memory_space<hbm>>
      %dma_wait3A_11 = arith.constant 0 : i32
      %dma_wait3A_12 = tpu.memref_slice %arg3[%mul3A_2, %dma_wait3A_11] : memref<9728x16xf32, #tpu.memory_space<hbm>> -> memref<304x16xf32, #tpu.memory_space<hbm>>
      tpu.wait_dma2 semaphore(%run_scoped3A : memref<!tpu.dma_semaphore, #tpu.memory_space<semaphore_mem>>) src(%arg5 : memref<304x16xf32, #tpu.memory_space<vmem>>) dst(%dma_wait3A_12 : memref<304x16xf32, #tpu.memory_space<hbm>>)
      tpu.yield
    }) : () -> ()
    return
  }
}

#map = affine_map<(d0, d1) -> (0, 0)>
module attributes {stable_mosaic.version = 14 : i64} {
  func.func @sc_kernel(%arg0: i32, %arg1: i32, %arg2: memref<3584x64xf32, #tpu.memory_space<hbm>>, %arg3: memref<3584x16xf32, #tpu.memory_space<hbm>>, %arg4: memref<112x64xf32, #tpu.memory_space<vmem>>, %arg5: memref<112x16xf32, #tpu.memory_space<vmem>>) attributes {dimension_semantics = [#tpu.dimension_semantics<core_parallel>, #tpu.dimension_semantics<subcore_parallel>], iteration_bounds = array<i64: 2, 16>, scalar_prefetch = 0 : i64, scratch_operands = 2 : i64, tpu.core_type = #tpu.core_type<sc_vector_subcore>, window_params = [{transform_indices = #map}, {transform_indices = #map}]} {
    %mul3A = arith.constant 2 : i32
    %mul3A_0 = arith.muli %arg1, %mul3A : i32
    %add3A = arith.addi %mul3A_0, %arg0 : i32
    %mul3A_1 = arith.constant 112 : i32
    %mul3A_2 = arith.muli %add3A, %mul3A_1 : i32
    "tpu.region"() ({
      %run_scoped3A = tpu.sem_alloc : memref<!tpu.dma_semaphore, #tpu.memory_space<semaphore_mem>>
      %dma_start3A = arith.constant 0 : i32
      %dma_start3A_7 = tpu.memref_slice %arg2[%mul3A_2, %dma_start3A] : memref<3584x64xf32, #tpu.memory_space<hbm>> -> memref<112x64xf32, #tpu.memory_space<hbm>>
      %dma_start3A_8 = arith.constant 0 : i32
      %dma_start3A_9 = tpu.memref_slice %arg2[%mul3A_2, %dma_start3A_8] : memref<3584x64xf32, #tpu.memory_space<hbm>> -> memref<112x64xf32, #tpu.memory_space<hbm>>
      tpu.enqueue_dma source(%dma_start3A_9 : memref<112x64xf32, #tpu.memory_space<hbm>>) target(%arg4 : memref<112x64xf32, #tpu.memory_space<vmem>>) target_semaphore(%run_scoped3A : memref<!tpu.dma_semaphore, #tpu.memory_space<semaphore_mem>>)
      %dma_wait3A = arith.constant 0 : i32
      %dma_wait3A_10 = tpu.memref_slice %arg2[%mul3A_2, %dma_wait3A] : memref<3584x64xf32, #tpu.memory_space<hbm>> -> memref<112x64xf32, #tpu.memory_space<hbm>>
      %dma_wait3A_11 = arith.constant 0 : i32
      %dma_wait3A_12 = tpu.memref_slice %arg2[%mul3A_2, %dma_wait3A_11] : memref<3584x64xf32, #tpu.memory_space<hbm>> -> memref<112x64xf32, #tpu.memory_space<hbm>>
      tpu.wait_dma2 semaphore(%run_scoped3A : memref<!tpu.dma_semaphore, #tpu.memory_space<semaphore_mem>>) src(%dma_wait3A_12 : memref<112x64xf32, #tpu.memory_space<hbm>>) dst(%arg4 : memref<112x64xf32, #tpu.memory_space<vmem>>)
      tpu.yield
    }) : () -> ()
    %iota3A = tpu.iota {dimensions = array<i32: 0>} : vector<16xi32>
    %lt3A = arith.constant 8 : i32
    %lt3A_3 = vector.broadcast %lt3A : i32 to vector<16xi32>
    %lt3A_4 = arith.cmpi slt, %iota3A, %lt3A_3 : vector<16xi32>
    %parallel_loop3A = arith.constant 0 : i32
    %parallel_loop3A_5 = arith.constant 112 : i32
    %parallel_loop3A_6 = arith.constant 1 : i32
    scf.for %parallel_loop3A_7 = %parallel_loop3A to %parallel_loop3A_5 step %parallel_loop3A_6  : i32 {
      %parallel_loop3A_8 = arith.index_cast %parallel_loop3A_7 : i32 to index
      %parallel_loop3A_9 = arith.constant 0 : index
      %parallel_loop3A_10 = tpu.vector_load %arg4[%parallel_loop3A_8, %parallel_loop3A_9] {strides = array<i32>} : memref<112x64xf32, #tpu.memory_space<vmem>>, vector<16xf32>,
      %parallel_loop3A_11 = arith.index_cast %parallel_loop3A_7 : i32 to index
      %parallel_loop3A_12 = arith.constant 16 : index
      %parallel_loop3A_13 = tpu.vector_load %arg4[%parallel_loop3A_11, %parallel_loop3A_12] {strides = array<i32>} : memref<112x64xf32, #tpu.memory_space<vmem>>, vector<16xf32>,
      %parallel_loop3A_14 = arith.index_cast %parallel_loop3A_7 : i32 to index
      %parallel_loop3A_15 = arith.constant 32 : index
      %parallel_loop3A_16 = tpu.vector_load %arg4[%parallel_loop3A_14, %parallel_loop3A_15] {strides = array<i32>} : memref<112x64xf32, #tpu.memory_space<vmem>>, vector<16xf32>,
      %parallel_loop3A_17 = arith.index_cast %parallel_loop3A_7 : i32 to index
      %parallel_loop3A_18 = arith.constant 48 : index
      %parallel_loop3A_19 = tpu.vector_load %arg4[%parallel_loop3A_17, %parallel_loop3A_18] {strides = array<i32>} : memref<112x64xf32, #tpu.memory_space<vmem>>, vector<16xf32>,
      %parallel_loop3A_20 = arith.constant dense<true> : vector<16xi1>
      %parallel_loop3A_21, %parallel_loop3A_22, %parallel_loop3A_23 = tpu.sort %parallel_loop3A_10, %iota3A masked %parallel_loop3A_20 {descending = true} : (vector<16xf32>, vector<16xi32>, vector<16xi1>) -> (vector<16xi1>, vector<16xf32>, vector<16xi32>)
      %parallel_loop3A_24 = arith.constant 16 : i32
      %parallel_loop3A_25 = vector.broadcast %parallel_loop3A_24 : i32 to vector<16xi32>
      %parallel_loop3A_26 = arith.addi %iota3A, %parallel_loop3A_25 : vector<16xi32>
      %parallel_loop3A_27 = arith.constant dense<true> : vector<16xi1>
      %parallel_loop3A_28, %parallel_loop3A_29, %parallel_loop3A_30 = tpu.sort %parallel_loop3A_13, %parallel_loop3A_26 masked %parallel_loop3A_27 {descending = true} : (vector<16xf32>, vector<16xi32>, vector<16xi1>) -> (vector<16xi1>, vector<16xf32>, vector<16xi32>)
      %parallel_loop3A_31 = arith.constant 32 : i32
      %parallel_loop3A_32 = vector.broadcast %parallel_loop3A_31 : i32 to vector<16xi32>
      %parallel_loop3A_33 = arith.addi %iota3A, %parallel_loop3A_32 : vector<16xi32>
      %parallel_loop3A_34 = arith.constant dense<true> : vector<16xi1>
      %parallel_loop3A_35, %parallel_loop3A_36, %parallel_loop3A_37 = tpu.sort %parallel_loop3A_16, %parallel_loop3A_33 masked %parallel_loop3A_34 {descending = true} : (vector<16xf32>, vector<16xi32>, vector<16xi1>) -> (vector<16xi1>, vector<16xf32>, vector<16xi32>)
      %parallel_loop3A_38 = arith.constant 48 : i32
      %parallel_loop3A_39 = vector.broadcast %parallel_loop3A_38 : i32 to vector<16xi32>
      %parallel_loop3A_40 = arith.addi %iota3A, %parallel_loop3A_39 : vector<16xi32>
      %parallel_loop3A_41 = arith.constant dense<true> : vector<16xi1>
      %parallel_loop3A_42, %parallel_loop3A_43, %parallel_loop3A_44 = tpu.sort %parallel_loop3A_19, %parallel_loop3A_40 masked %parallel_loop3A_41 {descending = true} : (vector<16xf32>, vector<16xi32>, vector<16xi1>) -> (vector<16xi1>, vector<16xf32>, vector<16xi32>)
      %parallel_loop3A_45 = arith.constant 15 : i32
      %parallel_loop3A_46 = vector.broadcast %parallel_loop3A_45 : i32 to vector<16xi32>
      %parallel_loop3A_47 = tpu.iota {dimensions = array<i32: 0>} : vector<16xi32>
      %parallel_loop3A_48 = arith.subi %parallel_loop3A_46, %parallel_loop3A_47 : vector<16xi32>
      %parallel_loop3A_49 = tpu.dynamic_gather %parallel_loop3A_29[%parallel_loop3A_48] in [0] : vector<16xf32>, vector<16xi32> -> vector<16xf32>
      %parallel_loop3A_50 = arith.select %lt3A_4, %parallel_loop3A_22, %parallel_loop3A_49 : vector<16xi1>, vector<16xf32>
      %parallel_loop3A_51 = arith.constant 15 : i32
      %parallel_loop3A_52 = vector.broadcast %parallel_loop3A_51 : i32 to vector<16xi32>
      %parallel_loop3A_53 = tpu.iota {dimensions = array<i32: 0>} : vector<16xi32>
      %parallel_loop3A_54 = arith.subi %parallel_loop3A_52, %parallel_loop3A_53 : vector<16xi32>
      %parallel_loop3A_55 = tpu.dynamic_gather %parallel_loop3A_30[%parallel_loop3A_54] in [0] : vector<16xi32>, vector<16xi32> -> vector<16xi32>
      %parallel_loop3A_56 = arith.select %lt3A_4, %parallel_loop3A_23, %parallel_loop3A_55 : vector<16xi1>, vector<16xi32>
      %parallel_loop3A_57 = arith.constant dense<true> : vector<16xi1>
      %parallel_loop3A_58, %parallel_loop3A_59, %parallel_loop3A_60 = tpu.sort %parallel_loop3A_50, %parallel_loop3A_56 masked %parallel_loop3A_57 {descending = true} : (vector<16xf32>, vector<16xi32>, vector<16xi1>) -> (vector<16xi1>, vector<16xf32>, vector<16xi32>)
      %parallel_loop3A_61 = arith.constant 15 : i32
      %parallel_loop3A_62 = vector.broadcast %parallel_loop3A_61 : i32 to vector<16xi32>
      %parallel_loop3A_63 = tpu.iota {dimensions = array<i32: 0>} : vector<16xi32>
      %parallel_loop3A_64 = arith.subi %parallel_loop3A_62, %parallel_loop3A_63 : vector<16xi32>
      %parallel_loop3A_65 = tpu.dynamic_gather %parallel_loop3A_43[%parallel_loop3A_64] in [0] : vector<16xf32>, vector<16xi32> -> vector<16xf32>
      %parallel_loop3A_66 = arith.select %lt3A_4, %parallel_loop3A_36, %parallel_loop3A_65 : vector<16xi1>, vector<16xf32>
      %parallel_loop3A_67 = arith.constant 15 : i32
      %parallel_loop3A_68 = vector.broadcast %parallel_loop3A_67 : i32 to vector<16xi32>
      %parallel_loop3A_69 = tpu.iota {dimensions = array<i32: 0>} : vector<16xi32>
      %parallel_loop3A_70 = arith.subi %parallel_loop3A_68, %parallel_loop3A_69 : vector<16xi32>
      %parallel_loop3A_71 = tpu.dynamic_gather %parallel_loop3A_44[%parallel_loop3A_70] in [0] : vector<16xi32>, vector<16xi32> -> vector<16xi32>
      %parallel_loop3A_72 = arith.select %lt3A_4, %parallel_loop3A_37, %parallel_loop3A_71 : vector<16xi1>, vector<16xi32>
      %parallel_loop3A_73 = arith.constant dense<true> : vector<16xi1>
      %parallel_loop3A_74, %parallel_loop3A_75, %parallel_loop3A_76 = tpu.sort %parallel_loop3A_66, %parallel_loop3A_72 masked %parallel_loop3A_73 {descending = true} : (vector<16xf32>, vector<16xi32>, vector<16xi1>) -> (vector<16xi1>, vector<16xf32>, vector<16xi32>)
      %parallel_loop3A_77 = arith.constant 15 : i32
      %parallel_loop3A_78 = vector.broadcast %parallel_loop3A_77 : i32 to vector<16xi32>
      %parallel_loop3A_79 = tpu.iota {dimensions = array<i32: 0>} : vector<16xi32>
      %parallel_loop3A_80 = arith.subi %parallel_loop3A_78, %parallel_loop3A_79 : vector<16xi32>
      %parallel_loop3A_81 = tpu.dynamic_gather %parallel_loop3A_75[%parallel_loop3A_80] in [0] : vector<16xf32>, vector<16xi32> -> vector<16xf32>
      %parallel_loop3A_82 = arith.select %lt3A_4, %parallel_loop3A_59, %parallel_loop3A_81 : vector<16xi1>, vector<16xf32>
      %parallel_loop3A_83 = arith.constant 15 : i32
      %parallel_loop3A_84 = vector.broadcast %parallel_loop3A_83 : i32 to vector<16xi32>
      %parallel_loop3A_85 = tpu.iota {dimensions = array<i32: 0>} : vector<16xi32>
      %parallel_loop3A_86 = arith.subi %parallel_loop3A_84, %parallel_loop3A_85 : vector<16xi32>
      %parallel_loop3A_87 = tpu.dynamic_gather %parallel_loop3A_76[%parallel_loop3A_86] in [0] : vector<16xi32>, vector<16xi32> -> vector<16xi32>
      %parallel_loop3A_88 = arith.select %lt3A_4, %parallel_loop3A_60, %parallel_loop3A_87 : vector<16xi1>, vector<16xi32>
      %parallel_loop3A_89 = arith.constant dense<true> : vector<16xi1>
      %parallel_loop3A_90, %parallel_loop3A_91, %parallel_loop3A_92 = tpu.sort %parallel_loop3A_82, %parallel_loop3A_88 masked %parallel_loop3A_89 {descending = true} : (vector<16xf32>, vector<16xi32>, vector<16xi1>) -> (vector<16xi1>, vector<16xf32>, vector<16xi32>)
      %parallel_loop3A_93 = math.exp %parallel_loop3A_91 : vector<16xf32>
      %parallel_loop3A_94 = arith.constant 0.000000e+00 : f32
      %parallel_loop3A_95 = vector.broadcast %parallel_loop3A_94 : f32 to vector<16xf32>
      %parallel_loop3A_96 = arith.select %lt3A_4, %parallel_loop3A_93, %parallel_loop3A_95 : vector<16xi1>, vector<16xf32>
      %parallel_loop3A_97 = arith.constant true
      %parallel_loop3A_98 = vector.broadcast %parallel_loop3A_97 : i1 to vector<16xi1>
      %parallel_loop3A_99 = tpu.scan <sum>, %parallel_loop3A_96 masked %parallel_loop3A_98 : vector<16xf32>, vector<16xi1> -> vector<16xf32>
      %parallel_loop3A_100 = vector.extract %parallel_loop3A_99[15] : f32 from vector<16xf32>
      %parallel_loop3A_101 = vector.broadcast %parallel_loop3A_100 : f32 to vector<16xf32>
      %parallel_loop3A_102 = arith.divf %parallel_loop3A_96, %parallel_loop3A_101 : vector<16xf32>
      %parallel_loop3A_103 = arith.constant 15 : i32
      %parallel_loop3A_104 = vector.broadcast %parallel_loop3A_103 : i32 to vector<16xi32>
      %parallel_loop3A_105 = tpu.iota {dimensions = array<i32: 0>} : vector<16xi32>
      %parallel_loop3A_106 = arith.subi %parallel_loop3A_104, %parallel_loop3A_105 : vector<16xi32>
      %parallel_loop3A_107 = tpu.dynamic_gather %parallel_loop3A_92[%parallel_loop3A_106] in [0] : vector<16xi32>, vector<16xi32> -> vector<16xi32>
      %parallel_loop3A_108 = vector.bitcast %parallel_loop3A_107 : vector<16xi32> to vector<16xf32>
      %parallel_loop3A_109 = arith.select %lt3A_4, %parallel_loop3A_102, %parallel_loop3A_108 : vector<16xi1>, vector<16xf32>
      %parallel_loop3A_110 = arith.index_cast %parallel_loop3A_7 : i32 to index
      %parallel_loop3A_111 = arith.constant 0 : index
      %parallel_loop3A_112 = tpu.vector_load %arg5[%parallel_loop3A_110, %parallel_loop3A_111] {strides = array<i32>} : memref<112x16xf32, #tpu.memory_space<vmem>>, vector<16xf32>,
      tpu.vector_store %arg5[%parallel_loop3A_110, %parallel_loop3A_111], %parallel_loop3A_109 {strides = array<i32>} : memref<112x16xf32, #tpu.memory_space<vmem>>, vector<16xf32>,
    } {sc.loop_unroll_factor = 16 : i64, sc.parallel_access}
    "tpu.region"() ({
      %run_scoped3A = tpu.sem_alloc : memref<!tpu.dma_semaphore, #tpu.memory_space<semaphore_mem>>
      %dma_start3A = arith.constant 0 : i32
      %dma_start3A_7 = tpu.memref_slice %arg3[%mul3A_2, %dma_start3A] : memref<3584x16xf32, #tpu.memory_space<hbm>> -> memref<112x16xf32, #tpu.memory_space<hbm>>
      %dma_start3A_8 = arith.constant 0 : i32
      %dma_start3A_9 = tpu.memref_slice %arg3[%mul3A_2, %dma_start3A_8] : memref<3584x16xf32, #tpu.memory_space<hbm>> -> memref<112x16xf32, #tpu.memory_space<hbm>>
      tpu.enqueue_dma source(%arg5 : memref<112x16xf32, #tpu.memory_space<vmem>>) target(%dma_start3A_9 : memref<112x16xf32, #tpu.memory_space<hbm>>) target_semaphore(%run_scoped3A : memref<!tpu.dma_semaphore, #tpu.memory_space<semaphore_mem>>)
      %dma_wait3A = arith.constant 0 : i32
      %dma_wait3A_10 = tpu.memref_slice %arg3[%mul3A_2, %dma_wait3A] : memref<3584x16xf32, #tpu.memory_space<hbm>> -> memref<112x16xf32, #tpu.memory_space<hbm>>
      %dma_wait3A_11 = arith.constant 0 : i32
      %dma_wait3A_12 = tpu.memref_slice %arg3[%mul3A_2, %dma_wait3A_11] : memref<3584x16xf32, #tpu.memory_space<hbm>> -> memref<112x16xf32, #tpu.memory_space<hbm>>
      tpu.wait_dma2 semaphore(%run_scoped3A : memref<!tpu.dma_semaphore, #tpu.memory_space<semaphore_mem>>) src(%arg5 : memref<112x16xf32, #tpu.memory_space<vmem>>) dst(%dma_wait3A_12 : memref<112x16xf32, #tpu.memory_space<hbm>>)
      tpu.yield
    }) : () -> ()
    return
  }
}

#map = affine_map<(d0, d1) -> (0, 0)>
module attributes {stable_mosaic.version = 14 : i64} {
  func.func @sc_kernel(%arg0: i32, %arg1: i32, %arg2: memref<9728x64xf32, #tpu.memory_space<hbm>>, %arg3: memref<9728x16xf32, #tpu.memory_space<hbm>>, %arg4: memref<304x64xf32, #tpu.memory_space<vmem>>, %arg5: memref<304x16xf32, #tpu.memory_space<vmem>>) attributes {dimension_semantics = [#tpu.dimension_semantics<core_parallel>, #tpu.dimension_semantics<subcore_parallel>], iteration_bounds = array<i64: 2, 16>, scalar_prefetch = 0 : i64, scratch_operands = 2 : i64, tpu.core_type = #tpu.core_type<sc_vector_subcore>, window_params = [{transform_indices = #map}, {transform_indices = #map}]} {
    %mul3A = arith.constant 2 : i32
    %mul3A_0 = arith.muli %arg1, %mul3A : i32
    %add3A = arith.addi %mul3A_0, %arg0 : i32
    %mul3A_1 = arith.constant 304 : i32
    %mul3A_2 = arith.muli %add3A, %mul3A_1 : i32
    "tpu.region"() ({
      %run_scoped3A = tpu.sem_alloc : memref<!tpu.dma_semaphore, #tpu.memory_space<semaphore_mem>>
      %dma_start3A = arith.constant 0 : i32
      %dma_start3A_7 = tpu.memref_slice %arg2[%mul3A_2, %dma_start3A] : memref<9728x64xf32, #tpu.memory_space<hbm>> -> memref<304x64xf32, #tpu.memory_space<hbm>>
      %dma_start3A_8 = arith.constant 0 : i32
      %dma_start3A_9 = tpu.memref_slice %arg2[%mul3A_2, %dma_start3A_8] : memref<9728x64xf32, #tpu.memory_space<hbm>> -> memref<304x64xf32, #tpu.memory_space<hbm>>
      tpu.enqueue_dma source(%dma_start3A_9 : memref<304x64xf32, #tpu.memory_space<hbm>>) target(%arg4 : memref<304x64xf32, #tpu.memory_space<vmem>>) target_semaphore(%run_scoped3A : memref<!tpu.dma_semaphore, #tpu.memory_space<semaphore_mem>>)
      %dma_wait3A = arith.constant 0 : i32
      %dma_wait3A_10 = tpu.memref_slice %arg2[%mul3A_2, %dma_wait3A] : memref<9728x64xf32, #tpu.memory_space<hbm>> -> memref<304x64xf32, #tpu.memory_space<hbm>>
      %dma_wait3A_11 = arith.constant 0 : i32
      %dma_wait3A_12 = tpu.memref_slice %arg2[%mul3A_2, %dma_wait3A_11] : memref<9728x64xf32, #tpu.memory_space<hbm>> -> memref<304x64xf32, #tpu.memory_space<hbm>>
      tpu.wait_dma2 semaphore(%run_scoped3A : memref<!tpu.dma_semaphore, #tpu.memory_space<semaphore_mem>>) src(%dma_wait3A_12 : memref<304x64xf32, #tpu.memory_space<hbm>>) dst(%arg4 : memref<304x64xf32, #tpu.memory_space<vmem>>)
      tpu.yield
    }) : () -> ()
    %iota3A = tpu.iota {dimensions = array<i32: 0>} : vector<16xi32>
    %lt3A = arith.constant 8 : i32
    %lt3A_3 = vector.broadcast %lt3A : i32 to vector<16xi32>
    %lt3A_4 = arith.cmpi slt, %iota3A, %lt3A_3 : vector<16xi32>
    %parallel_loop3A = arith.constant 0 : i32
    %parallel_loop3A_5 = arith.constant 304 : i32
    %parallel_loop3A_6 = arith.constant 1 : i32
    scf.for %parallel_loop3A_7 = %parallel_loop3A to %parallel_loop3A_5 step %parallel_loop3A_6  : i32 {
      %parallel_loop3A_8 = arith.index_cast %parallel_loop3A_7 : i32 to index
      %parallel_loop3A_9 = arith.constant 0 : index
      %parallel_loop3A_10 = tpu.vector_load %arg4[%parallel_loop3A_8, %parallel_loop3A_9] {strides = array<i32>} : memref<304x64xf32, #tpu.memory_space<vmem>>, vector<16xf32>,
      %parallel_loop3A_11 = arith.index_cast %parallel_loop3A_7 : i32 to index
      %parallel_loop3A_12 = arith.constant 16 : index
      %parallel_loop3A_13 = tpu.vector_load %arg4[%parallel_loop3A_11, %parallel_loop3A_12] {strides = array<i32>} : memref<304x64xf32, #tpu.memory_space<vmem>>, vector<16xf32>,
      %parallel_loop3A_14 = arith.index_cast %parallel_loop3A_7 : i32 to index
      %parallel_loop3A_15 = arith.constant 32 : index
      %parallel_loop3A_16 = tpu.vector_load %arg4[%parallel_loop3A_14, %parallel_loop3A_15] {strides = array<i32>} : memref<304x64xf32, #tpu.memory_space<vmem>>, vector<16xf32>,
      %parallel_loop3A_17 = arith.index_cast %parallel_loop3A_7 : i32 to index
      %parallel_loop3A_18 = arith.constant 48 : index
      %parallel_loop3A_19 = tpu.vector_load %arg4[%parallel_loop3A_17, %parallel_loop3A_18] {strides = array<i32>} : memref<304x64xf32, #tpu.memory_space<vmem>>, vector<16xf32>,
      %parallel_loop3A_20 = arith.constant dense<true> : vector<16xi1>
      %parallel_loop3A_21, %parallel_loop3A_22, %parallel_loop3A_23 = tpu.sort %parallel_loop3A_10, %iota3A masked %parallel_loop3A_20 {descending = true} : (vector<16xf32>, vector<16xi32>, vector<16xi1>) -> (vector<16xi1>, vector<16xf32>, vector<16xi32>)
      %parallel_loop3A_24 = arith.constant 16 : i32
      %parallel_loop3A_25 = vector.broadcast %parallel_loop3A_24 : i32 to vector<16xi32>
      %parallel_loop3A_26 = arith.addi %iota3A, %parallel_loop3A_25 : vector<16xi32>
      %parallel_loop3A_27 = arith.constant dense<true> : vector<16xi1>
      %parallel_loop3A_28, %parallel_loop3A_29, %parallel_loop3A_30 = tpu.sort %parallel_loop3A_13, %parallel_loop3A_26 masked %parallel_loop3A_27 {descending = true} : (vector<16xf32>, vector<16xi32>, vector<16xi1>) -> (vector<16xi1>, vector<16xf32>, vector<16xi32>)
      %parallel_loop3A_31 = arith.constant 32 : i32
      %parallel_loop3A_32 = vector.broadcast %parallel_loop3A_31 : i32 to vector<16xi32>
      %parallel_loop3A_33 = arith.addi %iota3A, %parallel_loop3A_32 : vector<16xi32>
      %parallel_loop3A_34 = arith.constant dense<true> : vector<16xi1>
      %parallel_loop3A_35, %parallel_loop3A_36, %parallel_loop3A_37 = tpu.sort %parallel_loop3A_16, %parallel_loop3A_33 masked %parallel_loop3A_34 {descending = true} : (vector<16xf32>, vector<16xi32>, vector<16xi1>) -> (vector<16xi1>, vector<16xf32>, vector<16xi32>)
      %parallel_loop3A_38 = arith.constant 48 : i32
      %parallel_loop3A_39 = vector.broadcast %parallel_loop3A_38 : i32 to vector<16xi32>
      %parallel_loop3A_40 = arith.addi %iota3A, %parallel_loop3A_39 : vector<16xi32>
      %parallel_loop3A_41 = arith.constant dense<true> : vector<16xi1>
      %parallel_loop3A_42, %parallel_loop3A_43, %parallel_loop3A_44 = tpu.sort %parallel_loop3A_19, %parallel_loop3A_40 masked %parallel_loop3A_41 {descending = true} : (vector<16xf32>, vector<16xi32>, vector<16xi1>) -> (vector<16xi1>, vector<16xf32>, vector<16xi32>)
      %parallel_loop3A_45 = arith.constant 15 : i32
      %parallel_loop3A_46 = vector.broadcast %parallel_loop3A_45 : i32 to vector<16xi32>
      %parallel_loop3A_47 = tpu.iota {dimensions = array<i32: 0>} : vector<16xi32>
      %parallel_loop3A_48 = arith.subi %parallel_loop3A_46, %parallel_loop3A_47 : vector<16xi32>
      %parallel_loop3A_49 = tpu.dynamic_gather %parallel_loop3A_29[%parallel_loop3A_48] in [0] : vector<16xf32>, vector<16xi32> -> vector<16xf32>
      %parallel_loop3A_50 = arith.select %lt3A_4, %parallel_loop3A_22, %parallel_loop3A_49 : vector<16xi1>, vector<16xf32>
      %parallel_loop3A_51 = arith.constant 15 : i32
      %parallel_loop3A_52 = vector.broadcast %parallel_loop3A_51 : i32 to vector<16xi32>
      %parallel_loop3A_53 = tpu.iota {dimensions = array<i32: 0>} : vector<16xi32>
      %parallel_loop3A_54 = arith.subi %parallel_loop3A_52, %parallel_loop3A_53 : vector<16xi32>
      %parallel_loop3A_55 = tpu.dynamic_gather %parallel_loop3A_30[%parallel_loop3A_54] in [0] : vector<16xi32>, vector<16xi32> -> vector<16xi32>
      %parallel_loop3A_56 = arith.select %lt3A_4, %parallel_loop3A_23, %parallel_loop3A_55 : vector<16xi1>, vector<16xi32>
      %parallel_loop3A_57 = arith.constant dense<true> : vector<16xi1>
      %parallel_loop3A_58, %parallel_loop3A_59, %parallel_loop3A_60 = tpu.sort %parallel_loop3A_50, %parallel_loop3A_56 masked %parallel_loop3A_57 {descending = true} : (vector<16xf32>, vector<16xi32>, vector<16xi1>) -> (vector<16xi1>, vector<16xf32>, vector<16xi32>)
      %parallel_loop3A_61 = arith.constant 15 : i32
      %parallel_loop3A_62 = vector.broadcast %parallel_loop3A_61 : i32 to vector<16xi32>
      %parallel_loop3A_63 = tpu.iota {dimensions = array<i32: 0>} : vector<16xi32>
      %parallel_loop3A_64 = arith.subi %parallel_loop3A_62, %parallel_loop3A_63 : vector<16xi32>
      %parallel_loop3A_65 = tpu.dynamic_gather %parallel_loop3A_43[%parallel_loop3A_64] in [0] : vector<16xf32>, vector<16xi32> -> vector<16xf32>
      %parallel_loop3A_66 = arith.select %lt3A_4, %parallel_loop3A_36, %parallel_loop3A_65 : vector<16xi1>, vector<16xf32>
      %parallel_loop3A_67 = arith.constant 15 : i32
      %parallel_loop3A_68 = vector.broadcast %parallel_loop3A_67 : i32 to vector<16xi32>
      %parallel_loop3A_69 = tpu.iota {dimensions = array<i32: 0>} : vector<16xi32>
      %parallel_loop3A_70 = arith.subi %parallel_loop3A_68, %parallel_loop3A_69 : vector<16xi32>
      %parallel_loop3A_71 = tpu.dynamic_gather %parallel_loop3A_44[%parallel_loop3A_70] in [0] : vector<16xi32>, vector<16xi32> -> vector<16xi32>
      %parallel_loop3A_72 = arith.select %lt3A_4, %parallel_loop3A_37, %parallel_loop3A_71 : vector<16xi1>, vector<16xi32>
      %parallel_loop3A_73 = arith.constant dense<true> : vector<16xi1>
      %parallel_loop3A_74, %parallel_loop3A_75, %parallel_loop3A_76 = tpu.sort %parallel_loop3A_66, %parallel_loop3A_72 masked %parallel_loop3A_73 {descending = true} : (vector<16xf32>, vector<16xi32>, vector<16xi1>) -> (vector<16xi1>, vector<16xf32>, vector<16xi32>)
      %parallel_loop3A_77 = arith.constant 15 : i32
      %parallel_loop3A_78 = vector.broadcast %parallel_loop3A_77 : i32 to vector<16xi32>
      %parallel_loop3A_79 = tpu.iota {dimensions = array<i32: 0>} : vector<16xi32>
      %parallel_loop3A_80 = arith.subi %parallel_loop3A_78, %parallel_loop3A_79 : vector<16xi32>
      %parallel_loop3A_81 = tpu.dynamic_gather %parallel_loop3A_75[%parallel_loop3A_80] in [0] : vector<16xf32>, vector<16xi32> -> vector<16xf32>
      %parallel_loop3A_82 = arith.select %lt3A_4, %parallel_loop3A_59, %parallel_loop3A_81 : vector<16xi1>, vector<16xf32>
      %parallel_loop3A_83 = arith.constant 15 : i32
      %parallel_loop3A_84 = vector.broadcast %parallel_loop3A_83 : i32 to vector<16xi32>
      %parallel_loop3A_85 = tpu.iota {dimensions = array<i32: 0>} : vector<16xi32>
      %parallel_loop3A_86 = arith.subi %parallel_loop3A_84, %parallel_loop3A_85 : vector<16xi32>
      %parallel_loop3A_87 = tpu.dynamic_gather %parallel_loop3A_76[%parallel_loop3A_86] in [0] : vector<16xi32>, vector<16xi32> -> vector<16xi32>
      %parallel_loop3A_88 = arith.select %lt3A_4, %parallel_loop3A_60, %parallel_loop3A_87 : vector<16xi1>, vector<16xi32>
      %parallel_loop3A_89 = arith.constant dense<true> : vector<16xi1>
      %parallel_loop3A_90, %parallel_loop3A_91, %parallel_loop3A_92 = tpu.sort %parallel_loop3A_82, %parallel_loop3A_88 masked %parallel_loop3A_89 {descending = true} : (vector<16xf32>, vector<16xi32>, vector<16xi1>) -> (vector<16xi1>, vector<16xf32>, vector<16xi32>)
      %parallel_loop3A_93 = math.exp %parallel_loop3A_91 : vector<16xf32>
      %parallel_loop3A_94 = arith.constant 0.000000e+00 : f32
      %parallel_loop3A_95 = vector.broadcast %parallel_loop3A_94 : f32 to vector<16xf32>
      %parallel_loop3A_96 = arith.select %lt3A_4, %parallel_loop3A_93, %parallel_loop3A_95 : vector<16xi1>, vector<16xf32>
      %parallel_loop3A_97 = arith.constant true
      %parallel_loop3A_98 = vector.broadcast %parallel_loop3A_97 : i1 to vector<16xi1>
      %parallel_loop3A_99 = tpu.scan <sum>, %parallel_loop3A_96 masked %parallel_loop3A_98 : vector<16xf32>, vector<16xi1> -> vector<16xf32>
      %parallel_loop3A_100 = vector.extract %parallel_loop3A_99[15] : f32 from vector<16xf32>
      %parallel_loop3A_101 = vector.broadcast %parallel_loop3A_100 : f32 to vector<16xf32>
      %parallel_loop3A_102 = arith.divf %parallel_loop3A_96, %parallel_loop3A_101 : vector<16xf32>
      %parallel_loop3A_103 = arith.constant 15 : i32
      %parallel_loop3A_104 = vector.broadcast %parallel_loop3A_103 : i32 to vector<16xi32>
      %parallel_loop3A_105 = tpu.iota {dimensions = array<i32: 0>} : vector<16xi32>
      %parallel_loop3A_106 = arith.subi %parallel_loop3A_104, %parallel_loop3A_105 : vector<16xi32>
      %parallel_loop3A_107 = tpu.dynamic_gather %parallel_loop3A_92[%parallel_loop3A_106] in [0] : vector<16xi32>, vector<16xi32> -> vector<16xi32>
      %parallel_loop3A_108 = vector.bitcast %parallel_loop3A_107 : vector<16xi32> to vector<16xf32>
      %parallel_loop3A_109 = arith.select %lt3A_4, %parallel_loop3A_102, %parallel_loop3A_108 : vector<16xi1>, vector<16xf32>
      %parallel_loop3A_110 = arith.index_cast %parallel_loop3A_7 : i32 to index
      %parallel_loop3A_111 = arith.constant 0 : index
      %parallel_loop3A_112 = tpu.vector_load %arg5[%parallel_loop3A_110, %parallel_loop3A_111] {strides = array<i32>} : memref<304x16xf32, #tpu.memory_space<vmem>>, vector<16xf32>,
      tpu.vector_store %arg5[%parallel_loop3A_110, %parallel_loop3A_111], %parallel_loop3A_109 {strides = array<i32>} : memref<304x16xf32, #tpu.memory_space<vmem>>, vector<16xf32>,
    } {sc.loop_unroll_factor = 16 : i64, sc.parallel_access}
    "tpu.region"() ({
      %run_scoped3A = tpu.sem_alloc : memref<!tpu.dma_semaphore, #tpu.memory_space<semaphore_mem>>
      %dma_start3A = arith.constant 0 : i32
      %dma_start3A_7 = tpu.memref_slice %arg3[%mul3A_2, %dma_start3A] : memref<9728x16xf32, #tpu.memory_space<hbm>> -> memref<304x16xf32, #tpu.memory_space<hbm>>
      %dma_start3A_8 = arith.constant 0 : i32
      %dma_start3A_9 = tpu.memref_slice %arg3[%mul3A_2, %dma_start3A_8] : memref<9728x16xf32, #tpu.memory_space<hbm>> -> memref<304x16xf32, #tpu.memory_space<hbm>>
      tpu.enqueue_dma source(%arg5 : memref<304x16xf32, #tpu.memory_space<vmem>>) target(%dma_start3A_9 : memref<304x16xf32, #tpu.memory_space<hbm>>) target_semaphore(%run_scoped3A : memref<!tpu.dma_semaphore, #tpu.memory_space<semaphore_mem>>)
      %dma_wait3A = arith.constant 0 : i32
      %dma_wait3A_10 = tpu.memref_slice %arg3[%mul3A_2, %dma_wait3A] : memref<9728x16xf32, #tpu.memory_space<hbm>> -> memref<304x16xf32, #tpu.memory_space<hbm>>
      %dma_wait3A_11 = arith.constant 0 : i32
      %dma_wait3A_12 = tpu.memref_slice %arg3[%mul3A_2, %dma_wait3A_11] : memref<9728x16xf32, #tpu.memory_space<hbm>> -> memref<304x16xf32, #tpu.memory_space<hbm>>
      tpu.wait_dma2 semaphore(%run_scoped3A : memref<!tpu.dma_semaphore, #tpu.memory_space<semaphore_mem>>) src(%arg5 : memref<304x16xf32, #tpu.memory_space<vmem>>) dst(%dma_wait3A_12 : memref<304x16xf32, #tpu.memory_space<hbm>>)
      tpu.yield
    }) : () -> ()
    return
  }
}

module attributes {stable_mosaic.version = 14 : i64} {
  func.func @_mm_body(%arg0: i32, %arg1: memref<512x4096xf32, #tpu.memory_space<vmem>>, %arg2: memref<64x4096xf32, #tpu.memory_space<vmem>>, %arg3: memref<512x64xf32, #tpu.memory_space<vmem>>) attributes {dimension_semantics = [#tpu.dimension_semantics<arbitrary>], iteration_bounds = array<i64: 19>, scalar_prefetch = 0 : i64, scratch_operands = 0 : i64, tpu.core_type = #tpu.core_type<tc>, window_params = [{transform_indices = @transform_0, window_bounds = array<i64: 512, 4096>}, {pipeline_mode = #tpu.pipeline_mode<synchronous>, transform_indices = @transform_1, window_bounds = array<i64: 64, 4096>}, {transform_indices = @transform_2, window_bounds = array<i64: 512, 64>}]} {
    %get3A = arith.constant 0 : index
    %get3A_0 = arith.constant 0 : index
    %get3A_1 = vector.load %arg1[%get3A, %get3A_0] : memref<512x4096xf32, #tpu.memory_space<vmem>>, vector<512x4096xf32>
    %get3A_2 = arith.constant 0 : index
    %get3A_3 = arith.constant 0 : index
    %get3A_4 = vector.load %arg2[%get3A_2, %get3A_3] : memref<64x4096xf32, #tpu.memory_space<vmem>>, vector<64x4096xf32>
    %dot_general3A = arith.constant dense<0.000000e+00> : vector<512x64xf32>
    %dot_general3A_5 = tpu.matmul %get3A_1, %get3A_4, %dot_general3A {dimension_numbers = #tpu.dot_dimension_numbers<[1], [1], [0], [0], [0, 0, 1, 0], [], []>, transpose_lhs_hint = false} : vector<512x4096xf32>, vector<64x4096xf32>, vector<512x64xf32> -> vector<512x64xf32>
    %swap3A = arith.constant 0 : index
    %swap3A_6 = arith.constant 0 : index
    %swap3A_7 = vector.load %arg3[%swap3A, %swap3A_6] : memref<512x64xf32, #tpu.memory_space<vmem>>, vector<512x64xf32>
    tpu.vector_store %arg3[%swap3A, %swap3A_6], %dot_general3A_5 {strides = array<i32>} : memref<512x64xf32, #tpu.memory_space<vmem>>, vector<512x64xf32>,
    return
  }
  func.func @transform_0(%arg0: i32) -> (i32, i32) {
    %add3A = arith.constant 0 : i32
    %add3A_0 = arith.addi %add3A, %arg0 : i32
    %c0_i32 = arith.constant 0 : i32
    %c0_i32_1 = arith.constant 0 : i32
    return %add3A_0, %c0_i32 : i32, i32
  }
  func.func @transform_1(%arg0: i32) -> (i32, i32) {
    %c0_i32 = arith.constant 0 : i32
    %c0_i32_0 = arith.constant 0 : i32
    %c0_i32_1 = arith.constant 0 : i32
    return %c0_i32, %c0_i32_0 : i32, i32
  }
  func.func @transform_2(%arg0: i32) -> (i32, i32) {
    %c0_i32 = arith.constant 0 : i32
    %c0_i32_0 = arith.constant 0 : i32
    return %arg0, %c0_i32 : i32, i32
  }
}

module attributes {stable_mosaic.version = 14 : i64} {
  func.func @_mm_body(%arg0: i32, %arg1: memref<512x4096xf32, #tpu.memory_space<vmem>>, %arg2: memref<64x4096xf32, #tpu.memory_space<vmem>>, %arg3: memref<512x64xf32, #tpu.memory_space<vmem>>) attributes {dimension_semantics = [#tpu.dimension_semantics<arbitrary>], iteration_bounds = array<i64: 19>, scalar_prefetch = 0 : i64, scratch_operands = 0 : i64, tpu.core_type = #tpu.core_type<tc>, window_params = [{transform_indices = @transform_0, window_bounds = array<i64: 512, 4096>}, {pipeline_mode = #tpu.pipeline_mode<synchronous>, transform_indices = @transform_1, window_bounds = array<i64: 64, 4096>}, {transform_indices = @transform_2, window_bounds = array<i64: 512, 64>}]} {
    %get3A = arith.constant 0 : index
    %get3A_0 = arith.constant 0 : index
    %get3A_1 = vector.load %arg1[%get3A, %get3A_0] : memref<512x4096xf32, #tpu.memory_space<vmem>>, vector<512x4096xf32>
    %get3A_2 = arith.constant 0 : index
    %get3A_3 = arith.constant 0 : index
    %get3A_4 = vector.load %arg2[%get3A_2, %get3A_3] : memref<64x4096xf32, #tpu.memory_space<vmem>>, vector<64x4096xf32>
    %dot_general3A = arith.constant dense<0.000000e+00> : vector<512x64xf32>
    %dot_general3A_5 = tpu.matmul %get3A_1, %get3A_4, %dot_general3A {dimension_numbers = #tpu.dot_dimension_numbers<[1], [1], [0], [0], [0, 0, 1, 0], [], []>, transpose_lhs_hint = false} : vector<512x4096xf32>, vector<64x4096xf32>, vector<512x64xf32> -> vector<512x64xf32>
    %swap3A = arith.constant 0 : index
    %swap3A_6 = arith.constant 0 : index
    %swap3A_7 = vector.load %arg3[%swap3A, %swap3A_6] : memref<512x64xf32, #tpu.memory_space<vmem>>, vector<512x64xf32>
    tpu.vector_store %arg3[%swap3A, %swap3A_6], %dot_general3A_5 {strides = array<i32>} : memref<512x64xf32, #tpu.memory_space<vmem>>, vector<512x64xf32>,
    return
  }
  func.func @transform_0(%arg0: i32) -> (i32, i32) {
    %add3A = arith.constant 19 : i32
    %add3A_0 = arith.addi %add3A, %arg0 : i32
    %c0_i32 = arith.constant 0 : i32
    %c0_i32_1 = arith.constant 0 : i32
    return %add3A_0, %c0_i32 : i32, i32
  }
  func.func @transform_1(%arg0: i32) -> (i32, i32) {
    %c0_i32 = arith.constant 0 : i32
    %c0_i32_0 = arith.constant 0 : i32
    %c0_i32_1 = arith.constant 0 : i32
    return %c0_i32, %c0_i32_0 : i32, i32
  }
  func.func @transform_2(%arg0: i32) -> (i32, i32) {
    %c0_i32 = arith.constant 0 : i32
    %c0_i32_0 = arith.constant 0 : i32
    return %arg0, %c0_i32 : i32, i32
  }
}

module attributes {stable_mosaic.version = 14 : i64} {
  func.func @_mm_body(%arg0: i32, %arg1: memref<512x4096xf32, #tpu.memory_space<vmem>>, %arg2: memref<64x4096xf32, #tpu.memory_space<vmem>>, %arg3: memref<512x64xf32, #tpu.memory_space<vmem>>) attributes {dimension_semantics = [#tpu.dimension_semantics<arbitrary>], iteration_bounds = array<i64: 19>, scalar_prefetch = 0 : i64, scratch_operands = 0 : i64, tpu.core_type = #tpu.core_type<tc>, window_params = [{transform_indices = @transform_0, window_bounds = array<i64: 512, 4096>}, {pipeline_mode = #tpu.pipeline_mode<synchronous>, transform_indices = @transform_1, window_bounds = array<i64: 64, 4096>}, {transform_indices = @transform_2, window_bounds = array<i64: 512, 64>}]} {
    %get3A = arith.constant 0 : index
    %get3A_0 = arith.constant 0 : index
    %get3A_1 = vector.load %arg1[%get3A, %get3A_0] : memref<512x4096xf32, #tpu.memory_space<vmem>>, vector<512x4096xf32>
    %get3A_2 = arith.constant 0 : index
    %get3A_3 = arith.constant 0 : index
    %get3A_4 = vector.load %arg2[%get3A_2, %get3A_3] : memref<64x4096xf32, #tpu.memory_space<vmem>>, vector<64x4096xf32>
    %dot_general3A = arith.constant dense<0.000000e+00> : vector<512x64xf32>
    %dot_general3A_5 = tpu.matmul %get3A_1, %get3A_4, %dot_general3A {dimension_numbers = #tpu.dot_dimension_numbers<[1], [1], [0], [0], [0, 0, 1, 0], [], []>, transpose_lhs_hint = false} : vector<512x4096xf32>, vector<64x4096xf32>, vector<512x64xf32> -> vector<512x64xf32>
    %swap3A = arith.constant 0 : index
    %swap3A_6 = arith.constant 0 : index
    %swap3A_7 = vector.load %arg3[%swap3A, %swap3A_6] : memref<512x64xf32, #tpu.memory_space<vmem>>, vector<512x64xf32>
    tpu.vector_store %arg3[%swap3A, %swap3A_6], %dot_general3A_5 {strides = array<i32>} : memref<512x64xf32, #tpu.memory_space<vmem>>, vector<512x64xf32>,
    return
  }
  func.func @transform_0(%arg0: i32) -> (i32, i32) {
    %add3A = arith.constant 38 : i32
    %add3A_0 = arith.addi %add3A, %arg0 : i32
    %c0_i32 = arith.constant 0 : i32
    %c0_i32_1 = arith.constant 0 : i32
    return %add3A_0, %c0_i32 : i32, i32
  }
  func.func @transform_1(%arg0: i32) -> (i32, i32) {
    %c0_i32 = arith.constant 0 : i32
    %c0_i32_0 = arith.constant 0 : i32
    %c0_i32_1 = arith.constant 0 : i32
    return %c0_i32, %c0_i32_0 : i32, i32
  }
  func.func @transform_2(%arg0: i32) -> (i32, i32) {
    %c0_i32 = arith.constant 0 : i32
    %c0_i32_0 = arith.constant 0 : i32
    return %arg0, %c0_i32 : i32, i32
  }
}

module attributes {stable_mosaic.version = 14 : i64} {
  func.func @_mm_body(%arg0: i32, %arg1: memref<512x4096xf32, #tpu.memory_space<vmem>>, %arg2: memref<64x4096xf32, #tpu.memory_space<vmem>>, %arg3: memref<512x64xf32, #tpu.memory_space<vmem>>) attributes {dimension_semantics = [#tpu.dimension_semantics<arbitrary>], iteration_bounds = array<i64: 7>, scalar_prefetch = 0 : i64, scratch_operands = 0 : i64, tpu.core_type = #tpu.core_type<tc>, window_params = [{transform_indices = @transform_0, window_bounds = array<i64: 512, 4096>}, {pipeline_mode = #tpu.pipeline_mode<synchronous>, transform_indices = @transform_1, window_bounds = array<i64: 64, 4096>}, {transform_indices = @transform_2, window_bounds = array<i64: 512, 64>}]} {
    %get3A = arith.constant 0 : index
    %get3A_0 = arith.constant 0 : index
    %get3A_1 = vector.load %arg1[%get3A, %get3A_0] : memref<512x4096xf32, #tpu.memory_space<vmem>>, vector<512x4096xf32>
    %get3A_2 = arith.constant 0 : index
    %get3A_3 = arith.constant 0 : index
    %get3A_4 = vector.load %arg2[%get3A_2, %get3A_3] : memref<64x4096xf32, #tpu.memory_space<vmem>>, vector<64x4096xf32>
    %dot_general3A = arith.constant dense<0.000000e+00> : vector<512x64xf32>
    %dot_general3A_5 = tpu.matmul %get3A_1, %get3A_4, %dot_general3A {dimension_numbers = #tpu.dot_dimension_numbers<[1], [1], [0], [0], [0, 0, 1, 0], [], []>, transpose_lhs_hint = false} : vector<512x4096xf32>, vector<64x4096xf32>, vector<512x64xf32> -> vector<512x64xf32>
    %swap3A = arith.constant 0 : index
    %swap3A_6 = arith.constant 0 : index
    %swap3A_7 = vector.load %arg3[%swap3A, %swap3A_6] : memref<512x64xf32, #tpu.memory_space<vmem>>, vector<512x64xf32>
    tpu.vector_store %arg3[%swap3A, %swap3A_6], %dot_general3A_5 {strides = array<i32>} : memref<512x64xf32, #tpu.memory_space<vmem>>, vector<512x64xf32>,
    return
  }
  func.func @transform_0(%arg0: i32) -> (i32, i32) {
    %add3A = arith.constant 57 : i32
    %add3A_0 = arith.addi %add3A, %arg0 : i32
    %c0_i32 = arith.constant 0 : i32
    %c0_i32_1 = arith.constant 0 : i32
    return %add3A_0, %c0_i32 : i32, i32
  }
  func.func @transform_1(%arg0: i32) -> (i32, i32) {
    %c0_i32 = arith.constant 0 : i32
    %c0_i32_0 = arith.constant 0 : i32
    %c0_i32_1 = arith.constant 0 : i32
    return %c0_i32, %c0_i32_0 : i32, i32
  }
  func.func @transform_2(%arg0: i32) -> (i32, i32) {
    %c0_i32 = arith.constant 0 : i32
    %c0_i32_0 = arith.constant 0 : i32
    return %arg0, %c0_i32 : i32, i32
  }
}

</mosaic_0001>

<sc_bundles>
// kernel: kernel.10.cloned.1.call-start
scs
__scs_entry_jumppad:
0x0: {  	(pc) =	sbr.rel $0x88, $3  }
0x1: {  	(tag) =	ssettag $0x0;
	lr =	simm.s32 $0x1  }
0x2: {  	[smem:$0x3F9F] =	sst lr;
	_ =	strace $0xD0000000  }
0x3: {  	_ = 	snop  }
0x4: {  	_ = 	snop  }
0x5: {  	_ = 	snop  }
0x6: {  	_ = 	snop  }
0x7: {  	_ = 	snop  }
__scs_overlays_trampoline_lowered:
0x8: {  	[smem:$0x3FAE] =	sst s0  }
0x9: {  	[smem:$0x3FAF] =	sst s1  }
0xa: {  	[smem:$0x3FB0] =	sst s2  }
0xb: {  	[smem:$0x3FB1] =	sst s3  }
0xc: {  	[smem:$0x3FB2] =	sst s4  }
0xd: {  	[smem:$0x3FB3] =	sst s5  }
0xe: {  	[smem:$0x3FB4] =	sst s6  }
0xf: {  	[smem:$0x3FB5] =	sst s7  }
0x10: {  	[smem:$0x3FB6] =	sst s8  }
0x11: {  	[smem:$0x3FB7] =	sst s9;
	s0 =	simm.s32 @!p0 $0x0  }
0x12: {  	s1 =	sld [smem:$0x3F9D];
	s0 =	simm.s32 @p0 $0x1  }
0x13: {  	[smem:$0x3FB8] =	sst s0;
	s0 =	simm.s32 @!p1 $0x0  }
0x14: {  	s2 =	sld [smem:$0x3F9C];
	s0 =	simm.s32 @p1 $0x1  }
0x15: {  	[smem:$0x3FB9] =	sst s0;
	s0 =	simm.s32 @!p2 $0x0  }
0x16: {  	s3 =	sld [smem:$0x3FDB];
	s0 =	simm.s32 @p2 $0x1  }
0x17: {  	s4 =	simm.s32 $0x1BF5;
	[smem:$0x3FBB] =	sst s0  }
0x18: {  	s0 =	sld [smem:$0x3F9E];
	_ =	swait.ge [sflag:s4], $0x0  }
0x19: {  	s7 =	sld [smem:$0x3F9F]  }
0x1a: {  	s8 =	sadd.s32 $0xFFFFE003, lr  }
0x1b: {  	s9 =	sadd.s32 $0xFFFFFEF7, lr;
	s5 =	simm.s32 $0xFFFFFFFF;
	p2 =	slt.u32 s8, $0xFFFFF086  }
0x1c: {  	p1 =	slt.u32 s9, $0xF7A;
	s5 =	simm.s32 @!p2 $0x0  }
0x1d: {  	s5 =	simm.s32 @p1 $0x1;
	p0 =	seq.s32 s7, s2  }
0x1e: {  	s7 =	smul.u32 @!p0 $0xF7A, s2;
	p2 =	seq.s32 @!p0 s5, $0x0  }
0x1f: {  	s9 =	smul.u32 $0xF7A, s1;
	s8 =	simm.s32 @!p0 $0x1BF5;
	p2 =	por !p2, p0  }
0x20: {  	[sflag:s8] =	ssyncset.s32 @!p0 $0xFFFFF086;
	s6 =	sadd.s32 @!p0 s3, s7;
	s7 =	simm.s32 @!p0 $0x108  }
0x21: {  	s3 =	sadd.s32 s3, s9;
	s6 =	sadd.s32 @!p0 $0x88, s6;
	s7 =	simm.s32 @p2 $0x1082  }
0x22: {  	[simem:s7], [sflag:s8] =	dma.local @!p0 [hbm:s6], $0xF7A  }
0x23: {  	s9 =	sor.u32 $0xD0000000, s2;
	s6 =	simm.s32 $0x108;
	_ =	swait.ge @!p0 [sflag:s8], $0x0  }
0x24: {  	s3 =	sadd.s32 $0x88, s3;
	s6 =	simm.s32 @!p1 $0x1082;
	[sflag:s4] =	ssyncset.s32 $0xFFFFF086  }
0x25: {  	[simem:s6], [sflag:s4] =	dma.local [hbm:s3], $0xF7A  }
0x26: {  	[smem:$0x3F9F] =	sst s1;
	(tag) =	ssettag s2;
	_ =	strace s9  }
0x27: {  	s1 =	sld [smem:$0x3FAF]  }
0x28: {  	s2 =	sld [smem:$0x3FB0]  }
0x29: {  	s4 =	sld [smem:$0x3FB2]  }
0x2a: {  	p0 =	seq.s32 s5, $0x0;
	s5 =	sld [smem:$0x3FB3]  }
0x2b: {  	s6 =	sld [smem:$0x3FB4]  }
0x2c: {  	s7 =	sld [smem:$0x3FB5]  }
0x2d: {  	s3 =	simm.s32 $0x108;
	s8 =	sld [smem:$0x3FB6]  }
0x2e: {  	s3 =	simm.s32 @!p0 $0x1082;
	s9 =	sld [smem:$0x3FB7]  }
0x2f: {  	lr =	sadd.s32 s0, s3;
	s0 =	sld [smem:$0x3FAE]  }
0x30: {  	s3 =	sld [smem:$0x3FB1]  }
0x31: {  	[smem:$0x3FBA] =	sst s10  }
0x32: {  	s10 =	sld [smem:$0x3FB8];
	_ =	sdelay $0x3  }
0x33: {  	p0 =	seq.s32 s10, $0x1;
	s10 =	sld [smem:$0x3FBA];
	_ =	sdelay $0x3  }
0x34: {  	[smem:$0x3FBA] =	sst s10  }
0x35: {  	s10 =	sld [smem:$0x3FB9];
	_ =	sdelay $0x3  }
0x36: {  	p1 =	seq.s32 s10, $0x1;
	s10 =	sld [smem:$0x3FBA];
	_ =	sdelay $0x3  }
0x37: {  	[smem:$0x3FBA] =	sst s10  }
0x38: {  	s10 =	sld [smem:$0x3FBB]  }
0x39: {  	_ = 	snop;
	(pc) =	sbr.ind lr, $3  }
0x3a: {  	_ = 	snop  }
0x3b: {  	_ = 	snop  }
0x3c: {  	p2 =	seq.s32 s10, $0x1;
	s10 =	sld [smem:$0x3FBA]  }
0x3d: {  	_ =	shalt  }
0x3e: {  	_ =	shalt  }
0x3f: {  	_ =	shalt  }
0x40: {  	_ =	shalt  }
0x41: {  	_ =	shalt  }
0x42: {  	_ =	shalt  }
0x43: {  	_ =	shalt  }
0x44: {  	_ =	shalt  }
0x45: {  	_ =	shalt  }
0x46: {  	_ =	shalt  }
0x47: {  	_ =	shalt  }
0x48: {  	_ =	shalt  }
0x49: {  	_ =	shalt  }
0x4a: {  	_ =	shalt  }
0x4b: {  	_ =	shalt  }
0x4c: {  	_ =	shalt  }
0x4d: {  	_ =	shalt  }
0x4e: {  	_ =	shalt  }
0x4f: {  	_ =	shalt  }
0x50: {  	_ =	shalt  }
0x51: {  	_ =	shalt  }
0x52: {  	_ =	shalt  }
0x53: {  	_ =	shalt  }
0x54: {  	_ =	shalt  }
0x55: {  	_ =	shalt  }
0x56: {  	_ =	shalt  }
0x57: {  	_ =	shalt  }
0x58: {  	_ =	shalt  }
0x59: {  	_ =	shalt  }
0x5a: {  	_ =	shalt  }
0x5b: {  	_ =	shalt  }
0x5c: {  	_ =	shalt  }
0x5d: {  	_ =	shalt  }
0x5e: {  	_ =	shalt  }
0x5f: {  	_ =	shalt  }
0x60: {  	_ =	shalt  }
0x61: {  	_ =	shalt  }
0x62: {  	_ =	shalt  }
0x63: {  	_ =	shalt  }
0x64: {  	_ =	shalt  }
0x65: {  	_ =	shalt  }
0x66: {  	_ =	shalt  }
0x67: {  	_ =	shalt  }
0x68: {  	_ =	shalt  }
0x69: {  	_ =	shalt  }
0x6a: {  	_ =	shalt  }
0x6b: {  	_ =	shalt  }
0x6c: {  	_ =	shalt  }
0x6d: {  	_ =	shalt  }
0x6e: {  	_ =	shalt  }
0x6f: {  	_ =	shalt  }
0x70: {  	_ =	shalt  }
0x71: {  	_ =	shalt  }
0x72: {  	_ =	shalt  }
0x73: {  	_ =	shalt  }
0x74: {  	_ =	shalt  }
0x75: {  	_ =	shalt  }
0x76: {  	_ =	shalt  }
0x77: {  	_ =	shalt  }
0x78: {  	_ =	shalt  }
0x79: {  	_ =	shalt  }
0x7a: {  	_ =	shalt  }
0x7b: {  	_ =	shalt  }
0x7c: {  	_ =	shalt  }
0x7d: {  	_ =	shalt  }
0x7e: {  	_ =	shalt  }
0x7f: {  	_ =	shalt  }
0x80: {  	_ =	shalt  }
0x81: {  	_ =	shalt  }
0x82: {  	_ =	shalt  }
0x83: {  	_ =	shalt  }
0x84: {  	_ =	shalt  }
0x85: {  	_ =	shalt  }
0x86: {  	_ =	shalt  }
0x87: {  	_ =	shalt  }
.Lfunc_end0:
.L_simem_size_0:
called_computation_lowered:
.L_overlay_start_0:
0x88: {  	s2 =	sld [smem:$0x3FD9]  }
0x89: {  	s3 =	sld [smem:$0x3FFE];
	_ =	sdelay $0x1  }
0x8a: {  	s1 =	srdreg.scid  }
0x8b: {  	s0 =	sand.u32 $0x1, s1  }
0x8c: {  	s16 =	sshll.u32 s0, $0xA;
	s2 =	sadd.s32 s3, s2  }
0x8d: {  	s2 =	sadd.s32 s2, s16  }
0x8e: {  	[smem:$0x3FC6] =	sst s2  }
0x8f: {  	_ = 	snop  }
0x90: {  	(tm) =	ssettm $0x1  }
0x91: {  	s17 =	sld [smem:$0x3FFB];
	_ =	sdelay $0x3  }
0x92: {  	_ =	strace s17  }
0x93: {  	s2 =	sld [smem:$0x3FFC];
	_ =	sdelay $0x3  }
0x94: {  	_ =	strace s2  }
0x95: {  	s2 =	sld [smem:$0x3FFD];
	_ =	sdelay $0x3  }
0x96: {  	_ =	strace s2  }
0x97: {  	_ =	strace $0x8FFFFFFF  }
0x98: {  	s18 =	sld [smem:$0x3FDB];
	_ =	sdelay $0x1  }
0x99: {  	s19 =	simm.s32 $_scs_section_size  }
0x9a: {  	s4 =	simm.s32 $_size__tile_overlayer_lowered;
	s5 =	simm.s32 $_tile_overlayer_lowered  }
0x9b: {  	s22 =	simm.s32 $0x1BFF;
	s21 =	sshll.u32 s5, $0x1;
	s2 =	sadd.s32 s19, s18  }
0x9c: {  	s6 =	simm.s32 $0x0;
	s20 =	sshll.u32 s4, $0x1;
	s4 =	sadd.s32 s21, s2  }
0x9d: {  	[timem:s6], [sflag:s22] =	dma.local [hbm:s4], s20  }
0x9e: {  	_ =	swait.ge [sflag:s22], s20  }
0x9f: {  	s3 =	ssub.s32 $0x0, s20;
	[sflag:s22] =	ssyncset.done $0x0  }
0xa0: {  	[sflag:s22] =	ssyncadd.s32 s3;
	_ =	sdelay $0x1  }
0xa1: {  	s23 =	simm.s32 $0x1B8B  }
0xa2: {  	_ =	swait.ge [sflag:s23], $0x1  }
0xa3: {  	[sflag:s23] =	ssyncset.done $0x0  }
0xa4: {  	s25 =	simm.s32 $0x1B8E;
	s24 =	sld [smem:$0x3FFE];
	[sflag:s23] =	ssyncadd.s32 $0xFFFFFFFF  }
0xa5: {  	s26 =	simm.s32 $execute0_lowered;
	[smem:$0x3FD2] =	sst s25  }
0xa6: {  	s4 =	sshll.u32 s26, $0x1;
	_ =	strace $0x80000046;
	[dreg:$0x1] =	wrdreg $0xFFFFFFFF  }
0xa7: {  	s28 =	simm.s32 $_size_execute0_lowered;
	s2 =	sadd.s32 s2, s4;
	[dreg:$0x0] =	wrdreg $0x0  }
0xa8: {  	s4 =	sshll.u32 s28, $0x1;
	[dreg:$0x2] =	wrdreg s2  }
0xa9: {  	[dreg:$0x3] =	wrdreg s4  }
0xaa: {  	[dreg:$0x4] =	wrdreg $0xC0  }
0xab: {  	_ =	task [dreg:s6], $0x5FFFF  }
0xac: {  	[dreg:$0x1] =	wrdreg $0xFFFFFFFF  }
0xad: {  	[dreg:$0x0] =	wrdreg $0x60  }
0xae: {  	[dreg:$0x2] =	wrdreg s24  }
0xaf: {  	[dreg:$0x3] =	wrdreg $0x9  }
0xb0: {  	_ =	task.clear_ibuf [dreg:s6], $0x4FFFF;
	_ =	strace $0x90000046  }
0xb1: {  	s29 =	simm.s32 $0x9;
	_ =	strace $0x80000048  }
0xb2: {  	_ =	swait.ge [sflag:s29], $0x1  }
0xb3: {  	[sflag:s29] =	ssyncadd.s32 $0xFFFFFFFF  }
0xb4: {  	_ =	strace $0x90000048  }
0xb5: {  	_ =	sfence  }
0xb6: {  	s30 =	sld [smem:$0x0];
	_ =	sdelay $0x2  }
0xb7: {  	s31 =	sshll.u32 s1, $0xD;
	s1 =	sshrl.u32 s1, $0x2  }
0xb8: {  	s3 =	sand.u32 $0x4000, s31;
	s1 =	sadd.s32 s1, s30  }
0xb9: {  	s0 =	sor.u32 s3, s0;
	s1 =	sshll.u32 s1, $0x11  }
0xba: {  	s0 =	sor.u32 s1, s0  }
0xbb: {  	s0 =	sadd.s32 $0x8F2B, s0  }
0xbc: {  	[sflag:s0] =	ssyncadd.remote.s32 $0x1  }
0xbd: {  	_ =	sfence.sel $0xFFFF  }
0xbe: {  	[dreg:$0x0] =	wrdreg $0xFFFFFFFF;
	(pc) =	sbr.abs _section_cstart, $3  }
0xbf: {  	[dreg:$0x1] =	wrdreg $0xFFFFFFFF  }
0xc0: {  	_ =	task.clear_ibuf [dreg:s6], $0x2FFFF;
	_ =	strace $0x9FFFFFFF  }
0xc1: {  	(tm) =	ssettm $0x7FFFFFFF  }
tec
execute0_lowered:
.L_overlay_start_1:
0x0: {  	(tag) =	ssettag $0x1  }
0x1: {  	s1 =	srdreg.scid;
	s0 =	stileid.u32  }
0x2: {  	s4 =	rddreg [dreg:$0x0];
	s3 =	sand.u32 $0x1, s1;
	s30 =	sshll.u32 s0, $0x1  }
0x3: {  	s2 =	simm.s32 $0x0;
	s8 =	simm.s32 $0x0;
	s5 =	sor.u32 s3, s30  }
0x4: {  	s1 =	rddreg [dreg:$0x1];
	s3 =	ssub.s32 $0x2, s3;
	s6 =	smul.u32 $0x980, s5  }
0x5: {  	v0 =	vlaneseq.u32;
	[smem:$0x7FF] =	sst s2;
	s5 =	smul.u32 $0x260, s5;
	s7 =	sshrl.u32 s3, $0x1  }
0x6: {  	v4 =	vmul.u32 $0xFFFFFFFF, v0;
	v1 =	vor.u32 $0x10, v0;
	_ =	strace $0x80000047;
	s31 =	ssub.s32 s3, s7;
	s7 =	simm.s32 $0x4C00  }
0x7: {  	v2 =	vor.u32 $0x20, v0;
	[tilespmem:$0x1FFE0] =	vst v1;
	s6 =	sadd.s32 s6, s4;
	s4 =	sadd.s32 s5, s4;
	s5 =	smax.u32 s31, $0x1  }
0x8: {  	vm0 =	vmmov $0xff;
	v3 =	vor.u32 $0x30, v0;
	[tilespmem:$0x1FFF0] =	vst v2;
	v4 =	vadd.s32 $0xF, v4;
	s3 =	sadd.s32 $0x1400, s6;
	s4 =	sadd.s32 $0x14400, s4;
	s6 =	simm.s32 $0x1  }
.LBB2_1:
0x9: {  	[tilespmem:s2], [sflag:$0x1] =	stream.linear.gather [hbm4b:s3+s2], $0x4C00, $0x38;
	[tilespmem:$0x5F00] =	vst v63  }
0xa: {  	_ =	swait.ge [sflag:s6], $0x4C00  }
0xb: {  	[sflag:s6] =	ssyncset.done $0x0  }
0xc: {  	s9 =	simm.s32 $0x200;
	[sflag:s6] =	ssyncadd.s32 $0xFFFFB400  }
0xd: {  	v5 =	vld [tilespmem:s9+$0x1F0]  }
0xe: {  	v6 =	vld [tilespmem:s9+$0x1D0]  }
0xf: {  	v7 =	vld [tilespmem:s9+$0x1E0]  }
0x10: {  	v8 =	vld [tilespmem:s9+$0xFFFFFE30]  }
0x11: {  	v9 =	vld [tilespmem:s9+$0x1C0]  }
0x12: {  	v10 =	vld [tilespmem:s9+$0xFFFFFE70];
	(xrf1) =	vsort.dscd.msk.f32 $0xffff, v5, v3  }
0x13: {  	v5 =	vld [tilespmem:s9+$0xFFFFFEB0];
	(xrf1) =	vsort.dscd.msk.f32 $0xffff, v6, v1  }
0x14: {  	v6 =	vld [tilespmem:s9+$0xFFFFFEF0];
	(xrf1) =	vsort.dscd.msk.f32 $0xffff, v7, v2  }
0x15: {  	v7 =	vld [tilespmem:s9+$0xFFFFFF30];
	(xrf1) =	vsort.dscd.msk.f32 $0xffff, v8, v3  }
0x16: {  	v8 =	vld [tilespmem:s9+$0xFFFFFF70];
	(xrf1) =	vsort.dscd.msk.f32 $0xffff, v9, v0  }
0x17: {  	v9 =	vld [tilespmem:s9+$0xFFFFFFB0];
	(xrf1) =	vsort.dscd.msk.f32 $0xffff, v10, v3  }
0x18: {  	v10 =	vld [tilespmem:s9+$0xFFFFFFF0];
	(xrf1) =	vsort.dscd.msk.f32 $0xffff, v5, v3  }
0x19: {  	v5 =	vld [tilespmem:s9+$0x30];
	(xrf1) =	vsort.dscd.msk.f32 $0xffff, v6, v3  }
0x1a: {  	v6 =	vld [tilespmem:s9+$0x70];
	(xrf1) =	vsort.dscd.msk.f32 $0xffff, v7, v3  }
0x1b: {  	v7 =	vld [tilespmem:s9+$0xB0];
	(xrf1) =	vsort.dscd.msk.f32 $0xffff, v8, v3  }
0x1c: {  	v8 =	vld [tilespmem:s9+$0xF0];
	(xrf1) =	vsort.dscd.msk.f32 $0xffff, v9, v3  }
0x1d: {  	v9 =	vld [tilespmem:s9+$0x130];
	(xrf1) =	vsort.dscd.msk.f32 $0xffff, v10, v3  }
0x1e: {  	(xrf1) =	vsort.dscd.msk.f32 $0xffff, v5, v3  }
0x1f: {  	(xrf1) =	vsort.dscd.msk.f32 $0xffff, v6, v3  }
0x20: {  	v5 =	vld [tilespmem:s9+$0x170];
	(xrf1) =	vsort.dscd.msk.f32 $0xffff, v7, v3;
	v6, v7, _ =	vpop (xrf1)  }
0x21: {  	v6 =	vperm.xlane v6, v4;
	v7 =	vperm.xlane v7, v4;
	(xrf1) =	vsort.dscd.msk.f32 $0xffff, v8, v3;
	v8, v10, _ =	vpop (xrf1)  }
0x22: {  	v11 =	vld [tilespmem:s9+$0x1B0];
	v8 =	vperm.xlane v8, v4;
	(xrf1) =	vsort.dscd.msk.f32 $0xffff, v9, v3;
	v9, v12, _ =	vpop (xrf1)  }
0x23: {  	v13 =	vld [tilespmem:s9+$0xFFFFFE10];
	v10 =	vperm.xlane v10, v4;
	v6 =	vsel vm0, v9, v6;
	v7 =	vsel vm0, v12, v7;
	v15, v16, _ =	vpop (xrf1)  }
0x24: {  	v9 =	vld [tilespmem:s9+$0xFFFFFE20];
	v12, v14, _ =	vpop (xrf1);
	(xrf1) =	vsort.dscd.msk.f32 $0xffff, v6, v7  }
0x25: {  	v6 =	vld [tilespmem:s9+$0xFFFFFE50];
	v7 =	vsel vm0, v12, v8;
	v8 =	vsel vm0, v14, v10;
	(xrf1) =	vsort.dscd.msk.f32 $0xffff, v5, v3  }
0x26: {  	v5 =	vld [tilespmem:s9+$0xFFFFFE60];
	v17, v18, _ =	vpop (xrf1);
	(xrf1) =	vsort.dscd.msk.f32 $0xffff, v7, v8  }
0x27: {  	v7 =	vld [tilespmem:s9+$0xFFFFFE90];
	v19, v20, _ =	vpop (xrf1);
	(xrf1) =	vsort.dscd.msk.f32 $0xffff, v11, v3  }
0x28: {  	v8 =	vld [tilespmem:s9+$0xFFFFFEA0];
	v21, v22, _ =	vpop (xrf1);
	(xrf1) =	vsort.dscd.msk.f32 $0xffff, v13, v1  }
0x29: {  	v10 =	vld [tilespmem:s9+$0xFFFFFED0];
	v23, v24, _ =	vpop (xrf1);
	(xrf1) =	vsort.dscd.msk.f32 $0xffff, v9, v2  }
0x2a: {  	v9 =	vld [tilespmem:s9+$0xFFFFFEE0];
	v25, v26, _ =	vpop (xrf1);
	(xrf1) =	vsort.dscd.msk.f32 $0xffff, v6, v1  }
0x2b: {  	v6 =	vld [tilespmem:s9+$0xFFFFFF10];
	v27, v28, _ =	vpop (xrf1);
	(xrf1) =	vsort.dscd.msk.f32 $0xffff, v5, v2  }
0x2c: {  	v5 =	vld [tilespmem:s9+$0xFFFFFF20];
	v29, v30, _ =	vpop (xrf1);
	(xrf1) =	vsort.dscd.msk.f32 $0xffff, v7, v1  }
0x2d: {  	v7 =	vld [tilespmem:s9+$0xFFFFFF50];
	v31, v32, _ =	vpop (xrf1);
	(xrf1) =	vsort.dscd.msk.f32 $0xffff, v8, v2  }
0x2e: {  	v33, v34, _ =	vpop (xrf1);
	(xrf1) =	vsort.dscd.msk.f32 $0xffff, v10, v1  }
0x2f: {  	v35, v36, _ =	vpop (xrf1);
	(xrf1) =	vsort.dscd.msk.f32 $0xffff, v9, v2  }
0x30: {  	v37, v38, _ =	vpop (xrf1);
	(xrf1) =	vsort.dscd.msk.f32 $0xffff, v6, v1  }
0x31: {  	v8 =	vld [tilespmem:s9+$0xFFFFFF60];
	v10, v6, _ =	vpop (xrf1);
	(xrf1) =	vsort.dscd.msk.f32 $0xffff, v5, v2  }
0x32: {  	v11 =	vld [tilespmem:s9+$0xFFFFFF90];
	(xrf1) =	vsort.dscd.msk.f32 $0xffff, v7, v1;
	v5, v7, _ =	vpop (xrf1)  }
0x33: {  	v9 =	vld [tilespmem:s9+$0xFFFFFFA0];
	v5 =	vperm.xlane v5, v4;
	_ =	sdelay $0x1  }
0x34: {  	[tilespmem:$0x1FF30] =	vst v6  }
0x35: {  	v13 =	vld [tilespmem:s9+$0xFFFFFFD0];
	(xrf1) =	vsort.dscd.msk.f32 $0xffff, v8, v2;
	v14, v6, _ =	vpop (xrf1)  }
0x36: {  	v39 =	vld [tilespmem:s9+$0xFFFFFFE0];
	[tilespmem:$0x1FF40] =	vst v6;
	(xrf1) =	vsort.dscd.msk.f32 $0xffff, v11, v1;
	v11, v12, _ =	vpop (xrf1)  }
0x37: {  	v40 =	vld [tilespmem:s9+$0x10];
	v11 =	vsel vm0, v11, v5;
	(xrf1) =	vsort.dscd.msk.f32 $0xffff, v9, v2;
	v9, v5, _ =	vpop (xrf1)  }
0x38: {  	v7 =	vperm.xlane v7, v4;
	v41 =	vld [tilespmem:s9+$0x20];
	[tilespmem:$0x1FF50] =	vst v5;
	v6, v5, _ =	vpop (xrf1)  }
0x39: {  	v43 =	vld [tilespmem:s9+$0x50];
	[tilespmem:$0x1FFC0] =	vst v6  }
0x3a: {  	v42 =	vsel vm0, v12, v7;
	[tilespmem:$0x1FFD0] =	vst v5;
	v44, v45, _ =	vpop (xrf1)  }
0x3b: {  	(xrf1) =	vsort.dscd.msk.f32 $0xffff, v11, v42;
	v63 =	vld [tilespmem:s9+$0x60];
	v6, v5, _ =	vpop (xrf1)  }
0x3c: {  	(xrf1) =	vsort.dscd.msk.f32 $0xffff, v13, v1;
	v47 =	vld [tilespmem:s9+$0x90];
	[tilespmem:$0x1FF60] =	vst v6  }
0x3d: {  	(xrf1) =	vsort.dscd.msk.f32 $0xffff, v39, v2;
	[tilespmem:$0x1FF70] =	vst v5;
	v50, v51, _ =	vpop (xrf1)  }
0x3e: {  	(xrf1) =	vsort.dscd.msk.f32 $0xffff, v40, v1;
	v40 =	vperm.xlane v18, v4;
	v49 =	vld [tilespmem:s9+$0xA0];
	v18, v5, _ =	vpop (xrf1)  }
0x3f: {  	v52 =	vld [tilespmem:s9+$0xD0];
	[tilespmem:$0x1FF80] =	vst v5;
	v53, v54, _ =	vpop (xrf1)  }
0x40: {  	(xrf1) =	vsort.dscd.msk.f32 $0xffff, v41, v2;
	v41 =	vld [tilespmem:s9+$0xE0];
	v6, v5, _ =	vpop (xrf1)  }
0x41: {  	(xrf1) =	vsort.dscd.msk.f32 $0xffff, v43, v1;
	v43 =	vld [tilespmem:s9+$0x110];
	[tilespmem:$0x1FF90] =	vst v6  }
0x42: {  	v46 =	vperm.xlane v15, v4;
	[tilespmem:$0x1FFA0] =	vst v5;
	(xrf1) =	vsort.dscd.msk.f32 $0xffff, v63, v2;
	v55, v56, _ =	vpop (xrf1)  }
0x43: {  	v48 =	vperm.xlane v17, v4;
	v20 =	vperm.xlane v20, v4;
	v42 =	vld [tilespmem:s9+$0x120];
	(xrf1) =	vsort.dscd.msk.f32 $0xffff, v47, v1;
	v58, v5, _ =	vpop (xrf1)  }
0x44: {  	v21 =	vperm.xlane v21, v4;
	v22 =	vperm.xlane v22, v4;
	v47 =	vld [tilespmem:s9+$0x150];
	[tilespmem:$0x1FFB0] =	vst v5;
	(xrf1) =	vsort.dscd.msk.f32 $0xffff, v49, v2  }
0x45: {  	v23 =	vperm.xlane v23, v4;
	v24 =	vperm.xlane v24, v4;
	v59, v60, _ =	vpop (xrf1);
	v49 =	vld [tilespmem:s9+$0x160];
	(xrf1) =	vsort.dscd.msk.f32 $0xffff, v52, v1  }
0x46: {  	v25 =	vperm.xlane v25, v4;
	v26 =	vperm.xlane v26, v4;
	v52 =	vld [tilespmem:s9+$0x190];
	v61, v62, _ =	vpop (xrf1);
	(xrf1) =	vsort.dscd.msk.f32 $0xffff, v41, v2  }
0x47: {  	v27 =	vperm.xlane v27, v4;
	v28 =	vperm.xlane v28, v4;
	v41 =	vld [tilespmem:s9+$0x1A0];
	v63, v7, _ =	vpop (xrf1);
	(xrf1) =	vsort.dscd.msk.f32 $0xffff, v43, v1  }
0x48: {  	v29 =	vperm.xlane v29, v4;
	v30 =	vperm.xlane v30, v4;
	v43, v57, _ =	vpop (xrf1);
	(xrf1) =	vsort.dscd.msk.f32 $0xffff, v42, v2  }
0x49: {  	v31 =	vperm.xlane v31, v4;
	v39 =	vperm.xlane v16, v4;
	v42 =	vld [tilespmem:s9+$0xFFFFFE40];
	v5, v6, _ =	vpop (xrf1);
	(xrf1) =	vsort.dscd.msk.f32 $0xffff, v47, v1  }
0x4a: {  	v33 =	vperm.xlane v33, v4;
	v47 =	vperm.xlane v38, v4;
	v38 =	vld [tilespmem:s9+$0xFFFFFE80];
	(xrf1) =	vsort.dscd.msk.f32 $0xffff, v49, v2;
	v8, v49, _ =	vpop (xrf1)  }
0x4b: {  	v44 =	vsel vm0, v44, v46;
	v39 =	vsel vm0, v45, v39;
	v45 =	vld [tilespmem:s9+$0xFFFFFEC0];
	(xrf1) =	vsort.dscd.msk.f32 $0xffff, v52, v1;
	v46, v52, _ =	vpop (xrf1)  }
0x4c: {  	v0 =	vlaneseq.u32;
	v48 =	vsel vm0, v50, v48;
	v40 =	vsel vm0, v51, v40;
	v50 =	vld [tilespmem:s9+$0xFFFFFF00];
	(xrf1) =	vsort.dscd.msk.f32 $0xffff, v41, v2;
	v41, v51, _ =	vpop (xrf1)  }
0x4d: {  	v35 =	vperm.xlane v35, v4;
	v20 =	vsel vm0, v54, v20;
	v21 =	vsel vm0, v55, v21;
	v1 =	vld [tilespmem:s9+$0xFFFFFF40];
	v54, v55, _ =	vpop (xrf1)  }
0x4e: {  	v22 =	vsel vm0, v56, v22;
	v23 =	vsel vm0, v59, v23;
	v56 =	vld [tilespmem:s9+$0xFFFFFF80];
	(xrf1) =	vsort.dscd.msk.f32 $0xffff, v42, v0;
	v2, v59, _ =	vpop (xrf1)  }
0x4f: {  	v24 =	vsel vm0, v60, v24;
	v60 =	vld [tilespmem:s9+$0xFFFFFFC0];
	v25 =	vsel vm0, v63, v25;
	(xrf1) =	vsort.dscd.msk.f32 $0xffff, v38, v0;
	v38, v63, _ =	vpop (xrf1)  }
0x50: {  	v11 =	vsel vm0, v7, v26;
	v26 =	vsel vm0, v5, v27;
	(xrf1) =	vsort.dscd.msk.f32 $0xffff, v45, v0;
	v27, v45, _ =	vpop (xrf1)  }
0x51: {  	v13 =	vsel vm0, v6, v28;
	v28 =	vsel vm0, v41, v29;
	(xrf1) =	vsort.dscd.msk.f32 $0xffff, v50, v0;
	v29, v41, _ =	vpop (xrf1)  }
0x52: {  	v37 =	vperm.xlane v37, v4;
	v5 =	vld [tilespmem:s9+$0x0];
	v31 =	vsel vm0, v2, v31;
	(xrf1) =	vsort.dscd.msk.f32 $0xffff, v1, v0;
	v1, v2, _ =	vpop (xrf1)  }
0x53: {  	v30 =	vsel vm0, v51, v30;
	v51 =	vld [tilespmem:s9+$0x40];
	v27 =	vsel vm0, v27, v33;
	(xrf1) =	vsort.dscd.msk.f32 $0xffff, v56, v0;
	v33, v56, _ =	vpop (xrf1)  }
0x54: {  	v32 =	vperm.xlane v32, v4;
	v50 =	vld [tilespmem:s9+$0xFFFFFE00];
	v35 =	vsel vm0, v1, v35;
	(xrf1) =	vsort.dscd.msk.f32 $0xffff, v60, v0;
	v1, v60, _ =	vpop (xrf1)  }
0x55: {  	v34 =	vperm.xlane v34, v4;
	v37 =	vsel vm0, v1, v37;
	v1 =	vld [tilespmem:$0x1FF30]  }
0x56: {  	v19 =	vperm.xlane v19, v4;
	v32 =	vsel vm0, v59, v32;
	v59 =	vld [tilespmem:s9+$0x80]  }
0x57: {  	v34 =	vsel vm0, v45, v34;
	v45 =	vld [tilespmem:s9+$0xC0]  }
0x58: {  	v36 =	vperm.xlane v36, v4;
	v19 =	vsel vm0, v53, v19;
	v53 =	vld [tilespmem:s9+$0x100];
	(xrf1) =	vsort.dscd.msk.f32 $0xffff, v5, v0  }
0x59: {  	v10 =	vperm.xlane v10, v4;
	v42, v16, _ =	vpop (xrf1);
	(xrf1) =	vsort.dscd.msk.f32 $0xffff, v50, v0  }
0x5a: {  	v36 =	vsel vm0, v2, v36;
	v2, v5, _ =	vpop (xrf1);
	(xrf1) =	vsort.dscd.msk.f32 $0xffff, v51, v0;
	v6 =	vperm.xlane v1, v4  }
0x5b: {  	v51, v17, _ =	vpop (xrf1);
	(xrf1) =	vsort.dscd.msk.f32 $0xffff, v59, v0  }
0x5c: {  	v12 =	vsel vm0, v2, v10;
	v59 =	vld [tilespmem:$0x1FF40];
	v10 =	vsel vm0, v5, v6;
	v2, v5, _ =	vpop (xrf1);
	(xrf1) =	vsort.dscd.msk.f32 $0xffff, v45, v0  }
0x5d: {  	(xrf1) =	vsort.dscd.msk.f32 $0xffff, v53, v0;
	v53 =	vld [tilespmem:$0x1FF50];
	_ =	sdelay $0x3  }
0x5e: {  	v47 =	vsel vm0, v60, v47;
	v60 =	vld [tilespmem:s9+$0x140]  }
0x5f: {  	v6 =	vperm.xlane v59, v4;
	v7 =	vperm.xlane v53, v4;
	v53 =	vld [tilespmem:$0x1FF60]  }
0x60: {  	v50 =	vld [tilespmem:s9+$0x180]  }
0x61: {  	v14 =	vperm.xlane v14, v4;
	_ =	sdelay $0x1  }
0x62: {  	v45 =	vperm.xlane v9, v4;
	v14 =	vsel vm0, v2, v14;
	v59, v15, _ =	vpop (xrf1)  }
0x63: {  	v9 =	vsel vm0, v5, v6;
	(xrf1) =	vsort.dscd.msk.f32 $0xffff, v60, v0;
	v2, v6, _ =	vpop (xrf1);
	v53 =	vperm.xlane v53, v4  }
0x64: {  	(xrf1) =	vsort.dscd.msk.f32 $0xffff, v50, v0;
	v50, v5, _ =	vpop (xrf1)  }
0x65: {  	v8 =	vmul.f32 $1.442695020e+00, v8;
	(xrf1) =	vsort.dscd.msk.f32 $0xffff, v44, v39;
	v44 =	vsel vm0, v50, v53;
	v50 =	vld [tilespmem:$0x1FF90]  }
0x66: {  	v60 =	vld [tilespmem:$0x1FF70];
	_ =	sdelay $0x1  }
0x67: {  	v18 =	vperm.xlane v18, v4  }
0x68: {  	(erf) = vpow2.f32 v8;
	v45 =	vsel vm0, v2, v45;
	v8, v2, _ =	vpop (xrf1)  }
0x69: {  	v18 =	vsel vm0, v8, v18;
	v8 =	vperm.xlane v50, v4  }
0x6a: {  	v0 =	vld [tilespmem:$0x1FF80];
	v60 =	vperm.xlane v60, v4;
	_ =	sdelay $0x1  }
0x6b: {  	v58 =	vperm.xlane v58, v4;
	(xrf1) =	vsort.dscd.msk.f32 $0xffff, v48, v40;
	v40, v48, _ =	vpop (xrf1);
	v5 =	vsel vm0, v5, v60;
	v60 =	vld [tilespmem:$0x1FFB0]  }
0x6c: {  	(xrf1) =	vsort.dscd.msk.f32 $0xffff, v19, v20;
	v53 =	vld [tilespmem:$0x1FFA0];
	v40 =	vsel vm0, v40, v8;
	v8, v19, _ =	vpop (xrf1)  }
0x6d: {  	v20 =	vsel vm0, v8, v58;
	v8 =	vperm.xlane v61, v4  }
0x6e: {  	v6 =	vsel vm0, v6, v7;
	v7 =	vperm.xlane v0, v4;
	(xrf1) =	vsort.dscd.msk.f32 $0xffff, v21, v22;
	v21, v22, _ =	vpop (xrf1)  }
0x6f: {  	v58 =	vld [tilespmem:$0x1FFC0];
	v21 =	vsel vm0, v21, v8;
	v8 =	vperm.xlane v57, v4  }
0x70: {  	v43 =	vperm.xlane v43, v4;
	v7 =	vsel vm0, v2, v7  }
0x71: {  	v2 =	vperm.xlane v60, v4;
	v39 =	vperm.xlane v53, v4;
	(xrf1) =	vsort.dscd.msk.f32 $0xffff, v23, v24  }
0x72: {  	v53 =	vperm.xlane v62, v4;
	v23, v24, _ =	vpop (xrf1);
	(xrf1) =	vsort.dscd.msk.f32 $0xffff, v25, v11;
	v57 =	vperm.xlane v46, v4  }
0x73: {  	v62 =	vld [tilespmem:$0x1FFD0];
	v25 =	vperm.xlane v52, v4;
	v23 =	vsel vm0, v23, v43;
	v24 =	vsel vm0, v24, v8;
	v8, v11, _ =	vpop (xrf1)  }
0x74: {  	v60 =	vperm.xlane v58, v4;
	(xrf1) =	vsort.dscd.msk.f32 $0xffff, v26, v13;
	v43 =	vsel vm0, v8, v57;
	v8 =	vpop (erf)  }
0x75: {  	v61 =	vperm.xlane v54, v4;
	v13, v26, _ =	vpop (xrf1);
	(xrf1) =	vsort.dscd.msk.f32 $0xffff, v28, v30  }
0x76: {  	v11 =	vsel vm0, v11, v25;
	v25 =	vnsel vm0, $0x0, v8;
	v28, v30, _ =	vpop (xrf1);
	(xrf1) =	vsort.dscd.msk.f32 $0xffff, v31, v32  }
0x77: {  	v19 =	vsel vm0, v19, v2;
	v2 =	vperm.xlane v55, v4;
	(xrf2) =	vadd.scan.msk.f32 $0xffff, v25;
	v31, v32, _ =	vpop (xrf1)  }
0x78: {  	v1 =	vperm.xlane v62, v4;
	(xrf1) =	vsort.dscd.msk.f32 $0xffff, v27, v34;
	v27, v34, _ =	vpop (xrf1)  }
0x79: {  	v25 =	vsel vm0, v26, v2;
	v26 =	vsel vm0, v28, v60;
	(xrf1) =	vsort.dscd.msk.f32 $0xffff, v35, v36;
	v58, v60, _ =	vpop (xrf1)  }
0x7a: {  	v13 =	vsel vm0, v13, v61;
	v28 =	vsel vm0, v30, v1;
	(xrf1) =	vsort.dscd.msk.f32 $0xffff, v37, v47;
	v62, v61, _ =	vpop (xrf1)  }
0x7b: {  	(xrf1) =	vsort.dscd.msk.f32 $0xffff, v12, v10;
	v10, v12, _ =	vpop (xrf1)  }
0x7c: {  	v29 =	vperm.xlane v29, v4;
	(xrf1) =	vsort.dscd.msk.f32 $0xffff, v14, v9;
	v9, v14, _ =	vpop (xrf1)  }
0x7d: {  	v41 =	vperm.xlane v41, v4;
	v17 =	vperm.xlane v17, v4;
	(xrf1) =	vsort.dscd.msk.f32 $0xffff, v45, v6;
	v6, v2, _ =	vpop (xrf1)  }
0x7e: {  	v33 =	vperm.xlane v33, v4;
	v15 =	vperm.xlane v15, v4;
	(xrf1) =	vsort.dscd.msk.f32 $0xffff, v26, v28;
	v26, v28, _ =	vpop (xrf1)  }
0x7f: {  	v0 =	vperm.xlane v42, v4;
	v22 =	vsel vm0, v22, v53;
	(xrf1) =	vsort.dscd.msk.f32 $0xffff, v44, v5;
	v5, v42, _ =	vpop (xrf1)  }
0x80: {  	v39 =	vsel vm0, v48, v39;
	v57 =	vperm.xlane v63, v4;
	(xrf1) =	vsort.dscd.msk.f32 $0xffff, v18, v7;
	v7, v18, _ =	vpop (xrf1)  }
0x81: {  	v30 =	vperm.xlane v38, v4;
	v12 =	vsel vm0, v12, v17;
	(xrf1) =	vsort.dscd.msk.f32 $0xffff, v40, v39;
	v17, v45, _ =	vpop (xrf1)  }
0x82: {  	v16 =	vperm.xlane v16, v4;
	v14 =	vsel vm0, v14, v15;
	(xrf1) =	vsort.dscd.msk.f32 $0xffff, v20, v19;
	v15, v19, _ =	vpop (xrf1)  }
0x83: {  	v30 =	vsel vm0, v31, v30;
	v31 =	vsel vm0, v32, v57;
	(xrf1) =	vsort.dscd.msk.f32 $0xffff, v21, v22;
	v21, v22, _ =	vpop (xrf1)  }
0x84: {  	v27 =	vsel vm0, v27, v29;
	v29 =	vsel vm0, v34, v41;
	(xrf1) =	vsort.dscd.msk.f32 $0xffff, v23, v24;
	v23, v24, _ =	vpop (xrf1)  }
0x85: {  	v63 =	vperm.xlane v56, v4;
	v41 =	vperm.xlane v51, v4;
	(xrf1) =	vsort.dscd.msk.f32 $0xffff, v43, v11;
	v11, v47, _ =	vpop (xrf1)  }
0x86: {  	v32 =	vsel vm0, v58, v33;
	v34 =	vsel vm0, v62, v0;
	(xrf1) =	vsort.dscd.msk.f32 $0xffff, v13, v25;
	v13, v25, _ =	vpop (xrf1)  }
0x87: {  	v16 =	vsel vm0, v61, v16;
	v44 =	vperm.xlane v59, v4;
	(xrf1) =	vsort.dscd.msk.f32 $0xffff, v30, v31;
	v30, v31, _ =	vpop (xrf1)  }
0x88: {  	v1 =	vsel vm0, v60, v63;
	v10 =	vsel vm0, v10, v41;
	(xrf1) =	vsort.dscd.msk.f32 $0xffff, v27, v29;
	v27, v29, _ =	vpop (xrf1)  }
0x89: {  	v9 =	vsel vm0, v9, v44;
	(xrf1) =	vsort.dscd.msk.f32 $0xffff, v32, v1;
	v32, v33, _ =	vpop (xrf1)  }
0x8a: {  	(xrf1) =	vsort.dscd.msk.f32 $0xffff, v34, v16;
	v16, v34, _ =	vpop (xrf1)  }
0x8b: {  	v6 =	vperm.xlane v6, v4;
	(xrf1) =	vsort.dscd.msk.f32 $0xffff, v10, v12;
	v10, v12, _ =	vpop (xrf1)  }
0x8c: {  	v20 =	vperm.xlane v2, v4;
	(xrf1) =	vsort.dscd.msk.f32 $0xffff, v9, v14;
	v9, v14, _ =	vpop (xrf1)  }
0x8d: {  	v26 =	vperm.xlane v26, v4;
	v28 =	vperm.xlane v28, v4;
	v6 =	vsel vm0, v9, v6  }
0x8e: {  	v9 =	vsel vm0, v14, v20;
	v14 =	vperm.xlane v31, v4;
	v20 =	vperm.xlane v27, v4;
	v27, v31, _ =	vpop (xrf1)  }
0x8f: {  	(xrf1) =	vsort.dscd.msk.f32 $0xffff, v6, v9;
	v9 =	vsel vm0, v27, v26;
	v26 =	vsel vm0, v31, v28;
	_ =	sdelay $0x1  }
0x90: {  	v5 =	vperm.xlane v5, v4  }
0x91: {  	v7 =	vperm.xlane v7, v4;
	v18 =	vperm.xlane v18, v4;
	v27, v28, _ =	vpop (xrf1)  }
0x92: {  	v46 =	vperm.xlane v42, v4;
	(xrf1) =	vsort.dscd.msk.f32 $0xffff, v9, v26;
	v9, v26, _ =	vpop (xrf1)  }
0x93: {  	v5 =	vsel vm0, v27, v5;
	v7 =	vsel vm0, v9, v7;
	v9 =	vsel vm0, v26, v18;
	_ =	sdelay $0x1  }
0x94: {  	v17 =	vperm.xlane v17, v4;
	v15 =	vperm.xlane v15, v4;
	v27 =	vsel vm0, v28, v46  }
0x95: {  	v19 =	vperm.xlane v19, v4;
	(xrf1) =	vsort.dscd.msk.f32 $0xffff, v5, v27;
	v5, v18, _ =	vpop (xrf1)  }
0x96: {  	v36 =	vperm.xlane v45, v4;
	v5 =	vsel vm0, v5, v17;
	(xrf1) =	vsort.dscd.msk.f32 $0xffff, v7, v9;
	v7, v9, _ =	vpop (xrf1)  }
0x97: {  	v9 =	vsel vm0, v9, v19  }
0x98: {  	v22 =	vperm.xlane v22, v4;
	v17 =	vsel vm0, v18, v36;
	v7 =	vsel vm0, v7, v15  }
0x99: {  	v21 =	vperm.xlane v21, v4;
	(xrf1) =	vsort.dscd.msk.f32 $0xffff, v5, v17;
	v5, v15, _ =	vpop (xrf1)  }
0x9a: {  	v24 =	vperm.xlane v24, v4;
	v15 =	vsel vm0, v15, v22  }
0x9b: {  	v23 =	vperm.xlane v23, v4;
	v5 =	vsel vm0, v5, v21;
	(xrf1) =	vsort.dscd.msk.f32 $0xffff, v7, v9;
	v7, v9, _ =	vpop (xrf1)  }
0x9c: {  	v9 =	vsel vm0, v9, v24  }
0x9d: {  	v11 =	vperm.xlane v11, v4;
	v37 =	vperm.xlane v47, v4;
	v7 =	vsel vm0, v7, v23  }
0x9e: {  	(xrf1) =	vsort.dscd.msk.f32 $0xffff, v5, v15;
	v5, v15, _ =	vpop (xrf1)  }
0x9f: {  	v25 =	vperm.xlane v25, v4;
	v5 =	vsel vm0, v5, v11;
	v11 =	vsel vm0, v15, v37  }
0xa0: {  	v13 =	vperm.xlane v13, v4;
	(xrf1) =	vsort.dscd.msk.f32 $0xffff, v7, v9;
	v7, v9, _ =	vpop (xrf1)  }
0xa1: {  	v9 =	vsel vm0, v9, v25  }
0xa2: {  	v48, _, _ =	vpop (xrf2);
	v7 =	vsel vm0, v7, v13  }
0xa3: {  	v30 =	vperm.xlane v30, v4;
	v26 =	vbroadcast v48, $0xF;
	(xrf1) =	vsort.dscd.msk.f32 $0xffff, v5, v11;
	v5, v11, _ =	vpop (xrf1)  }
0xa4: {  	v11 =	vsel vm0, v11, v14  }
0xa5: {  	v6 =	vperm.xlane v29, v4;
	(erf) = vrcp.f32 v26;
	v5 =	vsel vm0, v5, v30;
	(xrf1) =	vsort.dscd.msk.f32 $0xffff, v7, v9;
	v7, v9, _ =	vpop (xrf1)  }
0xa6: {  	v7 =	vsel vm0, v7, v20  }
0xa7: {  	v13 =	vperm.xlane v32, v4;
	v6 =	vsel vm0, v9, v6  }
0xa8: {  	v15 =	vperm.xlane v16, v4;
	(xrf1) =	vsort.dscd.msk.f32 $0xffff, v5, v11;
	v5, v11, _ =	vpop (xrf1)  }
0xa9: {  	v10 =	vperm.xlane v10, v4;
	v14 =	vperm.xlane v33, v4;
	v9, v16, _ =	vpop (xrf1)  }
0xaa: {  	v17 =	vperm.xlane v34, v4;
	(xrf1) =	vsort.dscd.msk.f32 $0xffff, v7, v6;
	v9 =	vsel vm0, v9, v15;
	v6, v7, _ =	vpop (xrf1)  }
0xab: {  	v12 =	vperm.xlane v12, v4;
	v5 =	vsel vm0, v5, v13;
	v11 =	vsel vm0, v11, v14;
	v13, v18, _ =	vpop (xrf1)  }
0xac: {  	v14 =	vsel vm0, v16, v17;
	(xrf1) =	vsort.dscd.msk.f32 $0xffff, v5, v11;
	v6 =	vsel vm0, v6, v10;
	v5 =	vmul.f32 $1.442695020e+00, v13  }
0xad: {  	(xrf1) =	vsort.dscd.msk.f32 $0xffff, v9, v14;
	v9, v16, _ =	vpop (xrf1)  }
0xae: {  	v19 =	vpop (erf);
	v7 =	vsel vm0, v7, v12;
	v9 =	vmul.f32 $1.442695020e+00, v9  }
0xaf: {  	v10, v17, _ =	vpop (xrf1);
	(erf) = vpow2.f32 v5  }
0xb0: {  	(xrf1) =	vsort.dscd.msk.f32 $0xffff, v6, v7;
	(erf) = vpow2.f32 v9;
	v9 =	vmul.f32 $1.442695020e+00, v10;
	v5, v6, _ =	vpop (xrf1)  }
0xb1: {  	v7, v21, _ =	vpop (xrf1)  }
0xb2: {  	v5 =	vmul.f32 $1.442695020e+00, v5;
	(erf) = vpow2.f32 v9;
	v10, v23, _ =	vpop (xrf1)  }
0xb3: {  	v7 =	vmul.f32 $1.442695020e+00, v7;
	v11, v24, _ =	vpop (xrf1)  }
0xb4: {  	v12, v26, _ =	vpop (xrf1)  }
0xb5: {  	v10 =	vmul.f32 $1.442695020e+00, v10;
	(erf) = vpow2.f32 v5;
	v9, v27, _ =	vpop (xrf1)  }
0xb6: {  	v11 =	vmul.f32 $1.442695020e+00, v11;
	v5, v28, _ =	vpop (xrf1)  }
0xb7: {  	(erf) = vpow2.f32 v7;
	v9 =	vmul.f32 $1.442695020e+00, v9;
	v7, v29, _ =	vpop (xrf1)  }
0xb8: {  	v12 =	vmul.f32 $1.442695020e+00, v12;
	(erf) = vpow2.f32 v10;
	v25 =	vpop (erf)  }
0xb9: {  	(erf) = vpow2.f32 v11;
	v10, v30, _ =	vpop (xrf1);
	v11 =	vnsel vm0, $0x0, v25  }
0xba: {  	(erf) = vpow2.f32 v12;
	v5 =	vmul.f32 $1.442695020e+00, v5;
	v31 =	vpop (erf);
	(xrf2) =	vadd.scan.msk.f32 $0xffff, v11  }
0xbb: {  	(erf) = vpow2.f32 v9;
	v12 =	vnsel vm0, $0x0, v31;
	v9 =	vpop (erf)  }
0xbc: {  	(xrf2) =	vadd.scan.msk.f32 $0xffff, v12;
	(erf) = vpow2.f32 v5;
	v11, v50, _ =	vpop (xrf1);
	v5 =	vnsel vm0, $0x0, v9  }
0xbd: {  	v7 =	vmul.f32 $1.442695020e+00, v7;
	v13, v51, _ =	vpop (xrf1);
	(xrf2) =	vadd.scan.msk.f32 $0xffff, v5  }
0xbe: {  	v53 =	vpop (erf)  }
0xbf: {  	v10 =	vmul.f32 $1.442695020e+00, v10;
	(erf) = vpow2.f32 v7;
	v12, v52, _ =	vpop (xrf1)  }
0xc0: {  	v5 =	vmul.f32 $1.442695020e+00, v11;
	v54 =	vpop (erf);
	v7 =	vmul.f32 $1.442695020e+00, v13  }
0xc1: {  	(erf) = vpow2.f32 v10;
	v22 =	vpop (erf)  }
0xc2: {  	(erf) = vpow2.f32 v5;
	v5 =	vnsel vm0, $0x0, v53;
	v10 =	vmul.f32 $1.442695020e+00, v12;
	v20 =	vpop (erf)  }
0xc3: {  	(erf) = vpow2.f32 v7;
	(xrf2) =	vadd.scan.msk.f32 $0xffff, v5;
	v5 =	vnsel vm0, $0x0, v54;
	v13 =	vpop (erf)  }
0xc4: {  	(xrf2) =	vadd.scan.msk.f32 $0xffff, v5;
	v5 =	vnsel vm0, $0x0, v22;
	v7, _, _ =	vpop (xrf2)  }
0xc5: {  	(erf) = vpow2.f32 v10;
	v12 =	vpop (erf);
	v7 =	vbroadcast v7, $0xF  }
0xc6: {  	v10, _, _ =	vpop (xrf2)  }
0xc7: {  	(xrf2) =	vadd.scan.msk.f32 $0xffff, v5;
	v10 =	vbroadcast v10, $0xF;
	(erf) = vrcp.f32 v7;
	v5, _, _ =	vpop (xrf2)  }
0xc8: {  	v11 =	vpop (erf);
	v5 =	vbroadcast v5, $0xF  }
0xc9: {  	v55 =	vnsel vm0, $0x0, v20;
	v15 =	vpop (erf);
	(erf) = vrcp.f32 v10  }
0xca: {  	v14 =	vpop (erf);
	(xrf2) =	vadd.scan.msk.f32 $0xffff, v55;
	(erf) = vrcp.f32 v5  }
0xcb: {  	v44 =	vpop (erf)  }
0xcc: {  	v42 =	vpop (erf)  }
0xcd: {  	v56, _, _ =	vpop (xrf2)  }
0xce: {  	v8 =	vmul.f32 v19, v8;
	v41 =	vpop (erf);
	v19 =	vbroadcast v56, $0xF  }
0xcf: {  	v59, _, _ =	vpop (xrf2)  }
0xd0: {  	v58 =	vnsel vm0, $0x0, v13;
	(erf) = vrcp.f32 v19;
	v61 =	vpop (erf)  }
0xd1: {  	v57 =	vperm.xlane v49, v4;
	(xrf2) =	vadd.scan.msk.f32 $0xffff, v58;
	v39 =	vmul.f32 v61, v25;
	v25, _, _ =	vpop (xrf2)  }
0xd2: {  	v18 =	vperm.xlane v18, v4;
	v62 =	vperm.xlane v17, v4;
	v17 =	vpop (erf)  }
0xd3: {  	v16 =	vperm.xlane v16, v4;
	v63 =	vperm.xlane v6, v4;
	v19 =	vnsel vm0, $0x0, v12;
	v6 =	vpop (erf)  }
0xd4: {  	s9 =	simm.s32 $0x4C80;
	v8 =	vsel vm0, v8, v57;
	v60 =	vbroadcast v59, $0xF;
	(xrf2) =	vadd.scan.msk.f32 $0xffff, v19;
	v6 =	vmul.f32 v6, v9;
	v9, _, _ =	vpop (xrf2)  }
0xd5: {  	[tilespmem:s9+$0x70] =	vst v8;
	v19 =	vnsel vm0, $0x0, v11;
	v17 =	vmul.f32 v17, v31;
	v9 =	vbroadcast v9, $0xF  }
0xd6: {  	(erf) = vrcp.f32 v60;
	(xrf2) =	vadd.scan.msk.f32 $0xffff, v19;
	v31 =	vbroadcast v25, $0xF;
	v8 =	vsel vm0, v39, v18  }
0xd7: {  	v21 =	vperm.xlane v21, v4;
	[tilespmem:s9+$0xFFFFFF80] =	vst v8;
	v8 =	vsel vm0, v17, v16  }
0xd8: {  	v24 =	vperm.xlane v24, v4;
	(erf) = vrcp.f32 v31;
	[tilespmem:s9+$0xFFFFFF90] =	vst v8;
	v8 =	vnsel vm0, $0x0, v15  }
0xd9: {  	v25 =	vperm.xlane v23, v4;
	(erf) = vrcp.f32 v9;
	v9 =	vpop (erf)  }
0xda: {  	v23 =	vperm.xlane v26, v4;
	v26 =	vmul.f32 v9, v53  }
0xdb: {  	v43 =	vperm.xlane v50, v4;
	v19 =	vperm.xlane v27, v4;
	v27 =	vnsel vm0, $0x0, v14;
	(xrf2) =	vadd.scan.msk.f32 $0xffff, v8;
	v8, _, _ =	vpop (xrf2)  }
0xdc: {  	v18 =	vperm.xlane v28, v4;
	v28 =	vbroadcast v8, $0xF;
	v26 =	vsel vm0, v26, v63  }
0xdd: {  	v49 =	vmovc v3;
	v40 =	vperm.xlane v51, v4;
	v32 =	vnsel vm0, $0x0, v42;
	v39 =	vperm.xlane v52, v4  }
0xde: {  	v17 =	vperm.xlane v29, v4;
	v16 =	vperm.xlane v30, v4;
	v29 =	vnsel vm0, $0x0, v44;
	(xrf2) =	vadd.scan.msk.f32 $0xffff, v27;
	v27, _, _ =	vpop (xrf2)  }
0xdf: {  	v31 =	vnsel vm0, $0x0, v41;
	v6 =	vsel vm0, v6, v62;
	v27 =	vbroadcast v27, $0xF;
	[tilespmem:s9+$0xFFFFFFB0] =	vst v26;
	v26 =	vpop (erf)  }
0xe0: {  	s11 =	simm.s32 $0x0;
	s12 =	simm.s32 $0x600;
	s10 =	simm.s32 $0x4C80;
	[tilespmem:s9+$0xFFFFFFA0] =	vst v6;
	(xrf2) =	vadd.scan.msk.f32 $0xffff, v29;
	(erf) = vrcp.f32 v28;
	v28, _, _ =	vpop (xrf2);
	v26 =	vmul.f32 v26, v54  }
.LBB2_2:
0xe1: {  	_ =	sdelay $0x3  }
0xe2: {  	v29 =	vld [tilespmem:s12+$0x1F0]  }
0xe3: {  	v45 =	vld [tilespmem:$0x1FFE0]  }
0xe4: {  	v52 =	vld [tilespmem:$0x1FFF0];
	v21 =	vsel vm0, v26, v21;
	v26 =	vbroadcast v28, $0xF;
	v28 =	vpop (erf)  }
0xe5: {  	[tilespmem:s9+$0xFFFFFFC0] =	vst v21;
	(erf) = vrcp.f32 v27;
	v27 =	vld [tilespmem:s12+$0x1D0];
	v21 =	vmul.f32 v28, v22  }
0xe6: {  	v22 =	vld [tilespmem:s12+$0x1E0];
	v28, _, _ =	vpop (xrf2)  }
0xe7: {  	(xrf2) =	vadd.scan.msk.f32 $0xffff, v32;
	v30 =	vld [tilespmem:s12+$0xFFFFFE30];
	v21 =	vsel vm0, v21, v25;
	v25 =	vbroadcast v28, $0xF;
	v28 =	vpop (erf)  }
0xe8: {  	(xrf1) =	vsort.dscd.msk.f32 $0xffff, v29, v49;
	(erf) = vrcp.f32 v26;
	v26 =	vld [tilespmem:s12+$0x1C0];
	v20 =	vmul.f32 v28, v20  }
0xe9: {  	(xrf2) =	vadd.scan.msk.f32 $0xffff, v31;
	[tilespmem:s9+$0xFFFFFFD0] =	vst v21;
	v21 =	vld [tilespmem:s12+$0xFFFFFE70];
	v28, _, _ =	vpop (xrf2)  }
0xea: {  	v29 =	vld [tilespmem:s12+$0xFFFFFEB0];
	(xrf1) =	vsort.dscd.msk.f32 $0xffff, v27, v45;
	v27 =	vpop (erf);
	v20 =	vsel vm0, v20, v24;
	v24 =	vbroadcast v28, $0xF  }
0xeb: {  	(erf) = vrcp.f32 v25;
	v25 =	vld [tilespmem:s12+$0xFFFFFEF0];
	(xrf1) =	vsort.dscd.msk.f32 $0xffff, v22, v52;
	v13 =	vmul.f32 v27, v13  }
0xec: {  	v31 =	vlaneseq.u32;
	[tilespmem:s9+$0xFFFFFFE0] =	vst v20;
	v20 =	vld [tilespmem:s12+$0xFFFFFF30];
	(xrf1) =	vsort.dscd.msk.f32 $0xffff, v30, v49;
	(erf) = vrcp.f32 v24  }
0xed: {  	v22, _, _ =	vpop (xrf2);
	v24 =	vld [tilespmem:s12+$0xFFFFFF70];
	(xrf1) =	vsort.dscd.msk.f32 $0xffff, v26, v31;
	v23 =	vsel vm0, v13, v23  }
0xee: {  	v0 =	vbroadcast v22, $0xF;
	v26 =	vld [tilespmem:s12+$0xFFFFFFB0];
	v22 =	vpop (erf);
	(xrf1) =	vsort.dscd.msk.f32 $0xffff, v21, v49;
	[tilespmem:s9+$0xFFFFFFF0] =	vst v23  }
0xef: {  	v12 =	vmul.f32 v22, v12;
	v21 =	vld [tilespmem:s12+$0xFFFFFFF0];
	(xrf1) =	vsort.dscd.msk.f32 $0xffff, v29, v49  }
0xf0: {  	v23 =	vld [tilespmem:s12+$0x30];
	(xrf1) =	vsort.dscd.msk.f32 $0xffff, v25, v49  }
0xf1: {  	v22, _, _ =	vpop (xrf2);
	v25 =	vld [tilespmem:s12+$0x70];
	v19 =	vsel vm0, v12, v19;
	(xrf1) =	vsort.dscd.msk.f32 $0xffff, v20, v49  }
0xf2: {  	v56 =	vbroadcast v22, $0xF;
	v22 =	vpop (erf);
	[tilespmem:s9+$0x0] =	vst v19;
	v19 =	vld [tilespmem:s12+$0xB0];
	(xrf1) =	vsort.dscd.msk.f32 $0xffff, v24, v49  }
0xf3: {  	v20, _, _ =	vpop (xrf2);
	v11 =	vmul.f32 v22, v11;
	v22 =	vld [tilespmem:s12+$0xF0];
	(xrf1) =	vsort.dscd.msk.f32 $0xffff, v26, v49  }
0xf4: {  	v57 =	vbroadcast v20, $0xF;
	v20 =	vpop (erf);
	(xrf1) =	vsort.dscd.msk.f32 $0xffff, v21, v49  }
0xf5: {  	v24 =	vld [tilespmem:s12+$0x130];
	v15 =	vmul.f32 v20, v15;
	(xrf1) =	vsort.dscd.msk.f32 $0xffff, v23, v49;
	v20 =	vpop (erf)  }
0xf6: {  	(xrf1) =	vsort.dscd.msk.f32 $0xffff, v25, v49  }
0xf7: {  	v18 =	vsel vm0, v11, v18;
	v14 =	vmul.f32 v20, v14;
	(xrf1) =	vsort.dscd.msk.f32 $0xffff, v19, v49;
	v19, v20, _ =	vpop (xrf1)  }
0xf8: {  	[tilespmem:s9+$0x10] =	vst v18;
	v18 =	vld [tilespmem:s12+$0x170];
	(xrf1) =	vsort.dscd.msk.f32 $0xffff, v22, v49;
	v19 =	vperm.xlane v19, v4;
	v22, v23, _ =	vpop (xrf1)  }
0xf9: {  	v15 =	vsel vm0, v15, v17;
	v20 =	vperm.xlane v20, v4;
	v22 =	vperm.xlane v22, v4;
	v58, v26, _ =	vpop (xrf1)  }
0xfa: {  	v21 =	vld [tilespmem:s12+$0x1B0];
	(xrf1) =	vsort.dscd.msk.f32 $0xffff, v24, v49;
	v14 =	vsel vm0, v14, v16;
	v16 =	vperm.xlane v23, v4;
	v23, v24, _ =	vpop (xrf1)  }
0xfb: {  	v17 =	vld [tilespmem:s12+$0xFFFFFE10];
	v19 =	vsel vm0, v58, v19;
	v20 =	vsel vm0, v26, v20;
	v30 =	vperm.xlane v24, v4;
	v59, v24, _ =	vpop (xrf1)  }
0xfc: {  	(xrf1) =	vsort.dscd.msk.f32 $0xffff, v19, v20;
	v16 =	vsel vm0, v24, v16  }
0xfd: {  	[tilespmem:s9+$0x20] =	vst v15;
	v15 =	vld [tilespmem:s12+$0xFFFFFE20];
	v29 =	vperm.xlane v23, v4;
	v20 =	vsel vm0, v59, v22;
	v22, v23, _ =	vpop (xrf1);
	(xrf1) =	vsort.dscd.msk.f32 $0xffff, v18, v49  }
0xfe: {  	v25 =	vld [tilespmem:s12+$0xFFFFFE50];
	v60, v24, _ =	vpop (xrf1);
	(xrf1) =	vsort.dscd.msk.f32 $0xffff, v20, v16  }
0xff: {  	[tilespmem:$0x1FF10] =	vst v41;
	v27 =	vld [tilespmem:s12+$0xFFFFFE60];
	v41 =	vperm.xlane v23, v4;
	v16, v23, _ =	vpop (xrf1);
	(xrf1) =	vsort.dscd.msk.f32 $0xffff, v21, v49  }
0x100: {  	[tilespmem:s9+$0x30] =	vst v14;
	v14 =	vld [tilespmem:s12+$0xFFFFFE90];
	(xrf1) =	vsort.dscd.msk.f32 $0xffff, v17, v45  }
0x101: {  	v19 =	vld [tilespmem:s12+$0xFFFFFEA0];
	v48 =	vperm.xlane v24, v4;
	v61, v17, _ =	vpop (xrf1)  }
0x102: {  	v18 =	vld [tilespmem:s12+$0xFFFFFED0];
	v37 =	vperm.xlane v16, v4;
	v38 =	vperm.xlane v23, v4;
	(xrf1) =	vsort.dscd.msk.f32 $0xffff, v15, v52;
	v15, v16, _ =	vpop (xrf1)  }
0x103: {  	[tilespmem:$0x1FEA0] =	vst v44;
	v20 =	vld [tilespmem:s12+$0xFFFFFEE0];
	v44 =	vperm.xlane v17, v4;
	v1 =	vperm.xlane v15, v4;
	(xrf1) =	vsort.dscd.msk.f32 $0xffff, v25, v45;
	v15, v24, _ =	vpop (xrf1)  }
0x104: {  	[tilespmem:$0x1FE40] =	vst v0;
	v21 =	vld [tilespmem:s12+$0xFFFFFF10];
	v50 =	vperm.xlane v16, v4;
	v0 =	vperm.xlane v24, v4;
	(xrf1) =	vsort.dscd.msk.f32 $0xffff, v27, v52;
	v2, v24, _ =	vpop (xrf1)  }
0x105: {  	[tilespmem:$0x1FEF0] =	vst v40;
	v23 =	vld [tilespmem:s12+$0xFFFFFF20];
	v16 =	vperm.xlane v15, v4;
	v46 =	vperm.xlane v24, v4;
	(xrf1) =	vsort.dscd.msk.f32 $0xffff, v14, v45;
	v14, v15, _ =	vpop (xrf1)  }
0x106: {  	[tilespmem:$0x1FF20] =	vst v39;
	v17 =	vld [tilespmem:s12+$0xFFFFFF50];
	v39 =	vperm.xlane v14, v4;
	v40 =	vperm.xlane v15, v4;
	(xrf1) =	vsort.dscd.msk.f32 $0xffff, v19, v52;
	v14, v15, _ =	vpop (xrf1)  }
0x107: {  	v33 =	vperm.xlane v14, v4;
	v34 =	vperm.xlane v15, v4;
	(xrf1) =	vsort.dscd.msk.f32 $0xffff, v18, v45;
	v14, v15, _ =	vpop (xrf1)  }
0x108: {  	v25 =	vld [tilespmem:s12+$0xFFFFFF60];
	v18 =	vperm.xlane v14, v4;
	v32 =	vperm.xlane v15, v4;
	(xrf1) =	vsort.dscd.msk.f32 $0xffff, v20, v52;
	v14, v15, _ =	vpop (xrf1)  }
0x109: {  	v26 =	vld [tilespmem:s12+$0xFFFFFF90];
	v27 =	vperm.xlane v14, v4;
	v28 =	vperm.xlane v15, v4;
	(xrf1) =	vsort.dscd.msk.f32 $0xffff, v21, v45;
	v14, v15, _ =	vpop (xrf1)  }
0x10a: {  	v35 =	vld [tilespmem:s12+$0xFFFFFFA0];
	v62 =	vperm.xlane v14, v4;
	v19 =	vperm.xlane v15, v4;
	(xrf1) =	vsort.dscd.msk.f32 $0xffff, v23, v52;
	v14, v15, _ =	vpop (xrf1)  }
0x10b: {  	(xrf1) =	vsort.dscd.msk.f32 $0xffff, v17, v45;
	v14 =	vperm.xlane v14, v4;
	v15 =	vperm.xlane v15, v4;
	v17, v20, _ =	vpop (xrf1)  }
0x10c: {  	v36 =	vld [tilespmem:s12+$0xFFFFFFD0];
	v23 =	vperm.xlane v17, v4;
	v24 =	vperm.xlane v20, v4;
	v17, v20, _ =	vpop (xrf1)  }
0x10d: {  	(xrf1) =	vsort.dscd.msk.f32 $0xffff, v25, v52;
	v14 =	vsel vm0, v17, v14;
	v15 =	vsel vm0, v20, v15;
	v17, v20, _ =	vpop (xrf1)  }
0x10e: {  	(xrf1) =	vsort.dscd.msk.f32 $0xffff, v26, v45;
	v25 =	vperm.xlane v17, v4;
	v26 =	vperm.xlane v20, v4;
	v17, v20, _ =	vpop (xrf1)  }
0x10f: {  	[tilespmem:$0x1FEE0] =	vst v42;
	v42 =	vld [tilespmem:s12+$0xFFFFFFE0];
	(xrf1) =	vsort.dscd.msk.f32 $0xffff, v35, v52;
	v35 =	vperm.xlane v20, v4  }
0x110: {  	v51 =	vld [tilespmem:s12+$0x10];
	(xrf1) =	vsort.dscd.msk.f32 $0xffff, v14, v15;
	v63 =	vperm.xlane v17, v4;
	v17, v20, _ =	vpop (xrf1)  }
0x111: {  	v53 =	vld [tilespmem:s12+$0x20];
	v22 =	vperm.xlane v22, v4;
	(xrf1) =	vsort.dscd.msk.f32 $0xffff, v36, v45;
	v36 =	vsel vm0, v17, v29;
	v21, v29, _ =	vpop (xrf1);
	[tilespmem:$0x1FE90] =	vst v35  }
0x112: {  	v54 =	vld [tilespmem:s12+$0x50];
	[tilespmem:$0x1FE50] =	vst v36;
	v35 =	vperm.xlane v21, v4;
	v36 =	vperm.xlane v29, v4;
	v21, v29, _ =	vpop (xrf1)  }
0x113: {  	v55 =	vld [tilespmem:s12+$0x60];
	v20 =	vsel vm0, v20, v30;
	v21 =	vsel vm0, v21, v22;
	v22 =	vsel vm0, v29, v41;
	v29, v30, _ =	vpop (xrf1)  }
0x114: {  	[tilespmem:$0x1FEC0] =	vst v56;
	v56 =	vld [tilespmem:s12+$0x90];
	(xrf1) =	vsort.dscd.msk.f32 $0xffff, v42, v52;
	v41 =	vperm.xlane v29, v4;
	v42 =	vperm.xlane v30, v4;
	v29, v30, _ =	vpop (xrf1)  }
0x115: {  	[tilespmem:$0x1FF00] =	vst v57;
	v57 =	vld [tilespmem:s12+$0xA0];
	(xrf1) =	vsort.dscd.msk.f32 $0xffff, v51, v45;
	v51 =	vsel vm0, v30, v48  }
0x116: {  	v58 =	vld [tilespmem:s12+$0xD0];
	v47 =	vperm.xlane v60, v4;
	(xrf1) =	vsort.dscd.msk.f32 $0xffff, v53, v52  }
0x117: {  	[tilespmem:$0x1FED0] =	vst v43;
	v59 =	vld [tilespmem:s12+$0xE0];
	v43 =	vperm.xlane v61, v4;
	(xrf1) =	vsort.dscd.msk.f32 $0xffff, v54, v45;
	v53, v54, _ =	vpop (xrf1)  }
0x118: {  	v60 =	vld [tilespmem:s12+$0x110];
	v12 =	vperm.xlane v2, v4;
	v47 =	vsel vm0, v29, v47;
	(xrf1) =	vsort.dscd.msk.f32 $0xffff, v55, v52;
	[tilespmem:$0x1FE70] =	vst v51;
	v51, v2, _ =	vpop (xrf1)  }
0x119: {  	(xrf1) =	vsort.dscd.msk.f32 $0xffff, v56, v45;
	v30 =	vsel vm0, v51, v37;
	v29 =	vsel vm0, v2, v38;
	v38, v37, _ =	vpop (xrf1)  }
0x11a: {  	v61 =	vld [tilespmem:s12+$0x120];
	[tilespmem:$0x1FE60] =	vst v47;
	v47 =	vperm.xlane v53, v4;
	v48 =	vperm.xlane v54, v4;
	(xrf1) =	vsort.dscd.msk.f32 $0xffff, v57, v52;
	v2, v57, _ =	vpop (xrf1)  }
0x11b: {  	[tilespmem:$0x1FE30] =	vst v62;
	v62 =	vld [tilespmem:s12+$0x150];
	v53 =	vperm.xlane v38, v4;
	v54 =	vperm.xlane v37, v4;
	(xrf1) =	vsort.dscd.msk.f32 $0xffff, v58, v45;
	v38, v37, _ =	vpop (xrf1)  }
0x11c: {  	[tilespmem:$0x1FE80] =	vst v63;
	v63 =	vld [tilespmem:s12+$0x160];
	v43 =	vsel vm0, v2, v43;
	(xrf1) =	vsort.dscd.msk.f32 $0xffff, v59, v52;
	v55 =	vperm.xlane v38, v4;
	v38, v2, _ =	vpop (xrf1)  }
0x11d: {  	v5 =	vld [tilespmem:s12+$0x190];
	(xrf1) =	vsort.dscd.msk.f32 $0xffff, v60, v45;
	v38 =	vsel vm0, v38, v1;
	v50 =	vsel vm0, v2, v50;
	v2, v1, _ =	vpop (xrf1)  }
0x11e: {  	v6 =	vld [tilespmem:s12+$0x1A0];
	v56 =	vperm.xlane v37, v4;
	v37, v10, _ =	vpop (xrf1)  }
0x11f: {  	v8 =	vld [tilespmem:s12+$0xFFFFFE40];
	(xrf1) =	vsort.dscd.msk.f32 $0xffff, v61, v52;
	v51 =	vsel vm0, v37, v16;
	v37 =	vsel vm0, v10, v0;
	v61, v0, _ =	vpop (xrf1)  }
0x120: {  	v9 =	vld [tilespmem:s12+$0xFFFFFE80];
	v44 =	vsel vm0, v57, v44;
	v57 =	vperm.xlane v2, v4;
	(xrf1) =	vsort.dscd.msk.f32 $0xffff, v62, v45;
	v17 =	vmul.f32 $1.442695020e+00, v61;
	v61, v2, _ =	vpop (xrf1)  }
0x121: {  	v11 =	vld [tilespmem:s12+$0xFFFFFEC0];
	(xrf1) =	vsort.dscd.msk.f32 $0xffff, v63, v52  }
0x122: {  	v59 =	vld [tilespmem:s12+$0xFFFFFF00];
	v16 =	vperm.xlane v61, v4;
	v3, v61, _ =	vpop (xrf1);
	(xrf1) =	vsort.dscd.msk.f32 $0xffff, v5, v45  }
0x123: {  	v60 =	vld [tilespmem:s12+$0xFFFFFF40];
	(erf) = vpow2.f32 v17;
	v45 =	vsel vm0, v3, v12;
	v3, v5, _ =	vpop (xrf1);
	(xrf1) =	vsort.dscd.msk.f32 $0xffff, v6, v52  }
0x124: {  	v7 =	vld [tilespmem:s12+$0xFFFFFF80];
	v58 =	vperm.xlane v1, v4;
	(xrf1) =	vsort.dscd.msk.f32 $0xffff, v8, v31;
	v8, v1, _ =	vpop (xrf1)  }
0x125: {  	v15 =	vperm.xlane v2, v4;
	(xrf1) =	vsort.dscd.msk.f32 $0xffff, v9, v31;
	v9, v2, _ =	vpop (xrf1)  }
0x126: {  	v10 =	vld [tilespmem:s12+$0xFFFFFFC0];
	(xrf1) =	vsort.dscd.msk.f32 $0xffff, v11, v31;
	v11, v52, _ =	vpop (xrf1)  }
0x127: {  	v62 =	vld [tilespmem:s12+$0x0];
	v17 =	vsel vm0, v8, v39;
	v8 =	vsel vm0, v52, v34;
	(xrf1) =	vsort.dscd.msk.f32 $0xffff, v59, v31;
	v34, v52, _ =	vpop (xrf1)  }
0x128: {  	[tilespmem:$0x1FEB0] =	vst v0;
	v14 =	vperm.xlane v5, v4;
	v59 =	vperm.xlane v52, v4;
	(xrf1) =	vsort.dscd.msk.f32 $0xffff, v60, v31;
	v52, v0, _ =	vpop (xrf1)  }
0x129: {  	v39 =	vsel vm0, v1, v40;
	v1 =	vld [tilespmem:s12+$0xFFFFFE00];
	v5 =	vsel vm0, v0, v32;
	(xrf1) =	vsort.dscd.msk.f32 $0xffff, v7, v31;
	v7, v0, _ =	vpop (xrf1)  }
0x12a: {  	v52 =	vsel vm0, v52, v18;
	v18 =	vld [tilespmem:$0x1FE30];
	v32 =	vperm.xlane v0, v4;
	v60, v0, _ =	vpop (xrf1)  }
0x12b: {  	v63 =	vld [tilespmem:s12+$0x40];
	v13 =	vperm.xlane v3, v4;
	(xrf1) =	vsort.dscd.msk.f32 $0xffff, v10, v31;
	v3 =	vsel vm0, v0, v28;
	v10, v28, _ =	vpop (xrf1)  }
0x12c: {  	v12 =	vld [tilespmem:s12+$0x80];
	(xrf1) =	vsort.dscd.msk.f32 $0xffff, v62, v31;
	v62 =	vpop (erf)  }
0x12d: {  	v27 =	vsel vm0, v60, v27;
	v60 =	vperm.xlane v10, v4;
	v10 =	vnsel vm0, $0x0, v62  }
0x12e: {  	v6 =	vld [tilespmem:s12+$0xC0];
	(xrf1) =	vsort.dscd.msk.f32 $0xffff, v1, v31;
	v1, v0, _ =	vpop (xrf1)  }
0x12f: {  	v40 =	vld [tilespmem:s12+$0x100];
	v0 =	vsel vm0, v0, v19;
	(xrf2) =	vadd.scan.msk.f32 $0xffff, v10;
	v1 =	vsel vm0, v1, v18;
	v18, v19, _ =	vpop (xrf1)  }
0x130: {  	(xrf1) =	vsort.dscd.msk.f32 $0xffff, v63, v31;
	v10, v63, _ =	vpop (xrf1)  }
0x131: {  	(xrf1) =	vsort.dscd.msk.f32 $0xffff, v12, v31;
	v23 =	vsel vm0, v10, v23;
	v10, v12, _ =	vpop (xrf1)  }
0x132: {  	v46 =	vsel vm0, v61, v46;
	v61 =	vperm.xlane v2, v4  }
0x133: {  	v2 =	vld [tilespmem:s12+$0x140];
	v24 =	vsel vm0, v63, v24;
	(xrf1) =	vsort.dscd.msk.f32 $0xffff, v6, v31;
	v63 =	vperm.xlane v10, v4;
	v6, v10, _ =	vpop (xrf1)  }
0x134: {  	v6 =	vsel vm0, v6, v25;
	v25 =	vsel vm0, v10, v26;
	v10, v26, _ =	vpop (xrf1);
	(xrf1) =	vsort.dscd.msk.f32 $0xffff, v40, v31;
	v40 =	vld [tilespmem:$0x1FE40]  }
0x135: {  	v11 =	vsel vm0, v11, v33;
	v33 =	vld [tilespmem:s12+$0x180];
	_ =	sdelay $0x2  }
0x136: {  	v35 =	vsel vm0, v10, v35;
	v26 =	vsel vm0, v26, v36;
	v10, v36, _ =	vpop (xrf1)  }
0x137: {  	(xrf1) =	vsort.dscd.msk.f32 $0xffff, v2, v31;
	v2 =	vsel vm0, v10, v41;
	(erf) = vrcp.f32 v40;
	v10, v40, _ =	vpop (xrf1)  }
0x138: {  	(xrf1) =	vsort.dscd.msk.f32 $0xffff, v33, v31;
	v33 =	vsel vm0, v10, v47;
	v10 =	vld [tilespmem:$0x1FE50];
	_ =	sdelay $0x4  }
0x139: {  	(xrf1) =	vsort.dscd.msk.f32 $0xffff, v10, v20;
	v10, v20, _ =	vpop (xrf1)  }
0x13a: {  	v53 =	vsel vm0, v10, v53;
	v20 =	vsel vm0, v20, v54;
	v10, v54, _ =	vpop (xrf1)  }
0x13b: {  	v31 =	vld [tilespmem:$0x1FE70];
	(xrf1) =	vsort.dscd.msk.f32 $0xffff, v21, v22;
	v55 =	vsel vm0, v10, v55;
	v10, v21, _ =	vpop (xrf1)  }
0x13c: {  	v22 =	vsel vm0, v10, v57;
	v10 =	vld [tilespmem:$0x1FE60];
	_ =	sdelay $0x4  }
0x13d: {  	(xrf1) =	vsort.dscd.msk.f32 $0xffff, v10, v31;
	v10, _, _ =	vpop (xrf2)  }
0x13e: {  	(xrf1) =	vsort.dscd.msk.f32 $0xffff, v30, v29;
	v29, v30, _ =	vpop (xrf1)  }
0x13f: {  	v10 =	vbroadcast v10, $0xF;
	v16 =	vsel vm0, v29, v16;
	v15 =	vsel vm0, v30, v15;
	(xrf1) =	vsort.dscd.msk.f32 $0xffff, v43, v44;
	v29, v30, _ =	vpop (xrf1)  }
0x140: {  	v13 =	vsel vm0, v29, v13;
	v14 =	vsel vm0, v30, v14;
	v29, v30, _ =	vpop (xrf1);
	(xrf1) =	vsort.dscd.msk.f32 $0xffff, v38, v50  }
0x141: {  	(erf) = vrcp.f32 v10;
	v10 =	vld [tilespmem:$0x1FE80];
	(xrf1) =	vsort.dscd.msk.f32 $0xffff, v51, v37  }
0x142: {  	v21 =	vsel vm0, v21, v58;
	v58, v57, _ =	vpop (xrf1);
	(xrf1) =	vsort.dscd.msk.f32 $0xffff, v45, v46  }
0x143: {  	v7 =	vperm.xlane v7, v4;
	v19 =	vperm.xlane v19, v4;
	(xrf1) =	vsort.dscd.msk.f32 $0xffff, v17, v39;
	v17, v43, _ =	vpop (xrf1)  }
0x144: {  	v18 =	vperm.xlane v18, v4;
	v12 =	vperm.xlane v12, v4;
	(xrf1) =	vsort.dscd.msk.f32 $0xffff, v11, v8;
	v8, v11, _ =	vpop (xrf1)  }
0x145: {  	v7 =	vsel vm0, v8, v7;
	v8 =	vsel vm0, v11, v32;
	(xrf1) =	vsort.dscd.msk.f32 $0xffff, v52, v5;
	v5, v11, _ =	vpop (xrf1)  }
0x146: {  	v29 =	vsel vm0, v29, v10;
	v10 =	vld [tilespmem:$0x1FE90];
	(xrf1) =	vsort.dscd.msk.f32 $0xffff, v27, v3;
	v3, v27, _ =	vpop (xrf1)  }
0x147: {  	v31 =	vld [tilespmem:$0x1FEA0];
	v3 =	vsel vm0, v3, v18;
	(xrf1) =	vsort.dscd.msk.f32 $0xffff, v1, v0;
	v0, v1, _ =	vpop (xrf1)  }
0x148: {  	v18 =	vsel vm0, v27, v19;
	v1 =	vsel vm0, v1, v12;
	v12, v19, _ =	vpop (xrf1);
	(xrf1) =	vsort.dscd.msk.f32 $0xffff, v23, v24;
	v23 =	vld [tilespmem:$0x1FEB0]  }
0x149: {  	v9 =	vperm.xlane v9, v4;
	v34 =	vperm.xlane v34, v4  }
0x14a: {  	v28 =	vperm.xlane v28, v4;
	v36 =	vsel vm0, v36, v42;
	v40 =	vsel vm0, v40, v48  }
0x14b: {  	v42 =	vsel vm0, v54, v56;
	v9 =	vsel vm0, v58, v9;
	v30 =	vsel vm0, v30, v10;
	v10 =	vpop (erf)  }
0x14c: {  	v61 =	vsel vm0, v57, v61;
	(xrf1) =	vsort.dscd.msk.f32 $0xffff, v6, v25;
	v10 =	vmul.f32 v10, v31;
	v6 =	vpop (erf)  }
0x14d: {  	v24, v25, _ =	vpop (xrf1);
	(xrf1) =	vsort.dscd.msk.f32 $0xffff, v29, v30;
	v45 =	vmul.f32 v6, v62;
	v31 =	vperm.xlane v23, v4  }
0x14e: {  	v17 =	vsel vm0, v17, v34;
	v44 =	vsel vm0, v43, v59;
	(xrf1) =	vsort.dscd.msk.f32 $0xffff, v35, v26;
	v26, v27, _ =	vpop (xrf1)  }
0x14f: {  	v5 =	vsel vm0, v5, v60;
	(xrf1) =	vsort.dscd.msk.f32 $0xffff, v2, v36;
	v46, v23, _ =	vpop (xrf1);
	v30 =	vsel vm0, v45, v31  }
0x150: {  	v11 =	vsel vm0, v11, v28;
	v0 =	vsel vm0, v0, v63;
	(xrf1) =	vsort.dscd.msk.f32 $0xffff, v33, v40;
	v6, v28, _ =	vpop (xrf1)  }
0x151: {  	s9 =	sadd.s32 $0x100, s9;
	v12 =	vperm.xlane v12, v4;
	v19 =	vperm.xlane v19, v4;
	(xrf1) =	vsort.dscd.msk.f32 $0xffff, v53, v20;
	v20, v29, _ =	vpop (xrf1)  }
0x152: {  	v24 =	vperm.xlane v24, v4;
	v25 =	vperm.xlane v25, v4;
	[tilespmem:s9+$0x70] =	vst v30;
	(xrf1) =	vsort.dscd.msk.f32 $0xffff, v55, v42;
	v30, v31, _ =	vpop (xrf1)  }
0x153: {  	v26 =	vperm.xlane v26, v4;
	v27 =	vperm.xlane v27, v4;
	(xrf1) =	vsort.dscd.msk.f32 $0xffff, v22, v21;
	v21, v22, _ =	vpop (xrf1)  }
0x154: {  	v2 =	vperm.xlane v46, v4;
	v23 =	vperm.xlane v23, v4;
	(xrf1) =	vsort.dscd.msk.f32 $0xffff, v16, v15;
	v15, v16, _ =	vpop (xrf1)  }
0x155: {  	v6 =	vperm.xlane v6, v4;
	v28 =	vperm.xlane v28, v4;
	(xrf1) =	vsort.dscd.msk.f32 $0xffff, v13, v14;
	v13, v14, _ =	vpop (xrf1)  }
0x156: {  	v20 =	vperm.xlane v20, v4;
	v29 =	vperm.xlane v29, v4;
	(xrf1) =	vsort.dscd.msk.f32 $0xffff, v9, v61;
	v9, v48, _ =	vpop (xrf1)  }
0x157: {  	v30 =	vperm.xlane v30, v4;
	v31 =	vperm.xlane v31, v4;
	(xrf1) =	vsort.dscd.msk.f32 $0xffff, v17, v44;
	v17, v50, _ =	vpop (xrf1)  }
0x158: {  	v21 =	vperm.xlane v21, v4;
	v22 =	vperm.xlane v22, v4;
	(xrf1) =	vsort.dscd.msk.f32 $0xffff, v7, v8;
	v7, v8, _ =	vpop (xrf1)  }
0x159: {  	v15 =	vperm.xlane v15, v4;
	v16 =	vperm.xlane v16, v4;
	(xrf1) =	vsort.dscd.msk.f32 $0xffff, v5, v11;
	v5, v11, _ =	vpop (xrf1)  }
0x15a: {  	v13 =	vperm.xlane v13, v4;
	v14 =	vperm.xlane v14, v4;
	(xrf1) =	vsort.dscd.msk.f32 $0xffff, v3, v18;
	v3, v18, _ =	vpop (xrf1)  }
0x15b: {  	v9 =	vperm.xlane v9, v4;
	v32 =	vperm.xlane v48, v4;
	v52, v51, _ =	vpop (xrf1);
	(xrf1) =	vsort.dscd.msk.f32 $0xffff, v0, v1  }
0x15c: {  	v53 =	vsel vm0, v52, v12;
	v54 =	vsel vm0, v51, v19;
	v12 =	vperm.xlane v18, v4;
	v18, v19, _ =	vpop (xrf1)  }
0x15d: {  	v55 =	vsel vm0, v18, v24;
	v24 =	vsel vm0, v19, v25;
	(xrf1) =	vsort.dscd.msk.f32 $0xffff, v53, v54;
	v0, v1, _ =	vpop (xrf1)  }
0x15e: {  	v26 =	vsel vm0, v0, v26;
	v25 =	vsel vm0, v1, v27;
	(xrf1) =	vsort.dscd.msk.f32 $0xffff, v55, v24;
	v18, v19, _ =	vpop (xrf1)  }
0x15f: {  	v24 =	vsel vm0, v18, v2;
	v18 =	vsel vm0, v19, v23;
	(xrf1) =	vsort.dscd.msk.f32 $0xffff, v26, v25  }
0x160: {  	v17 =	vperm.xlane v17, v4;
	v33 =	vperm.xlane v50, v4;
	v56, v57, _ =	vpop (xrf1);
	(xrf1) =	vsort.dscd.msk.f32 $0xffff, v24, v18;
	v18 =	vld [tilespmem:$0x1FEC0]  }
0x161: {  	v7 =	vperm.xlane v7, v4;
	v8 =	vperm.xlane v8, v4  }
0x162: {  	v5 =	vperm.xlane v5, v4;
	v11 =	vperm.xlane v11, v4;
	v23 =	vsel vm0, v56, v6;
	v58, v6, _ =	vpop (xrf1)  }
0x163: {  	v3 =	vperm.xlane v3, v4;
	v19 =	vsel vm0, v57, v28;
	v24 =	vsel vm0, v58, v20;
	v59, v60, _ =	vpop (xrf1)  }
0x164: {  	v20 =	vsel vm0, v6, v29;
	(xrf1) =	vsort.dscd.msk.f32 $0xffff, v23, v19;
	v23 =	vsel vm0, v59, v30;
	v61, v6, _ =	vpop (xrf1)  }
0x165: {  	(xrf1) =	vsort.dscd.msk.f32 $0xffff, v24, v20;
	v20 =	vsel vm0, v61, v21;
	v62, v63, _ =	vpop (xrf1);
	(erf) = vrcp.f32 v18;
	v18 =	vsel vm0, v60, v31  }
0x166: {  	v19 =	vsel vm0, v6, v22;
	v34, v6, _ =	vpop (xrf1);
	(xrf1) =	vsort.dscd.msk.f32 $0xffff, v23, v18;
	v18 =	vsel vm0, v62, v15  }
0x167: {  	v35, v36, _ =	vpop (xrf1);
	v15 =	vsel vm0, v63, v16;
	v16 =	vsel vm0, v34, v13;
	(xrf1) =	vsort.dscd.msk.f32 $0xffff, v20, v19  }
0x168: {  	v13 =	vsel vm0, v6, v14;
	v14 =	vsel vm0, v35, v9;
	v37, v6, _ =	vpop (xrf1);
	(xrf1) =	vsort.dscd.msk.f32 $0xffff, v18, v15  }
0x169: {  	v9 =	vsel vm0, v36, v32;
	v38, v39, _ =	vpop (xrf1);
	v15 =	vsel vm0, v37, v17;
	(xrf1) =	vsort.dscd.msk.f32 $0xffff, v16, v13  }
0x16a: {  	v13 =	vsel vm0, v6, v33;
	v40, v6, _ =	vpop (xrf1);
	(xrf1) =	vsort.dscd.msk.f32 $0xffff, v14, v9;
	v9 =	vsel vm0, v38, v7  }
0x16b: {  	v45 =	vld [tilespmem:$0x1FEE0];
	v7 =	vsel vm0, v39, v8;
	v8 =	vsel vm0, v40, v5;
	v41, v42, _ =	vpop (xrf1);
	(xrf1) =	vsort.dscd.msk.f32 $0xffff, v15, v13  }
0x16c: {  	v6 =	vsel vm0, v6, v11;
	v0 =	vsel vm0, v41, v3;
	v3, v5, _ =	vpop (xrf1);
	(xrf1) =	vsort.dscd.msk.f32 $0xffff, v9, v7  }
0x16d: {  	v46 =	vmul.f32 $1.442695020e+00, v3;
	v29 =	vperm.xlane v5, v4;
	v3, v5, _ =	vpop (xrf1);
	(xrf1) =	vsort.dscd.msk.f32 $0xffff, v8, v6;
	v6 =	vld [tilespmem:$0x1FEF0]  }
0x16e: {  	v47 =	vmul.f32 $1.442695020e+00, v3;
	v28 =	vperm.xlane v5, v4;
	v3, v5, _ =	vpop (xrf1)  }
0x16f: {  	v1 =	vsel vm0, v42, v12;
	v43 =	vpop (erf);
	(erf) = vpow2.f32 v46  }
0x170: {  	(xrf1) =	vsort.dscd.msk.f32 $0xffff, v0, v1;
	v3 =	vmul.f32 $1.442695020e+00, v3;
	v1 =	vmul.f32 v43, v45  }
0x171: {  	(erf) = vpow2.f32 v47  }
0x172: {  	v44 =	vld [tilespmem:$0x1FED0];
	v27 =	vperm.xlane v5, v4;
	(erf) = vpow2.f32 v3;
	v1 =	vsel vm0, v1, v6;
	v5, v6, _ =	vpop (xrf1)  }
0x173: {  	v48 =	vmul.f32 $1.442695020e+00, v5;
	v26 =	vperm.xlane v6, v4;
	v5, v6, _ =	vpop (xrf1)  }
0x174: {  	v21 =	vperm.xlane v6, v4;
	v6, v7, _ =	vpop (xrf1)  }
0x175: {  	v50, v8, _ =	vpop (xrf1)  }
0x176: {  	v51, v9, _ =	vpop (xrf1)  }
0x177: {  	v0 =	vsel vm0, v10, v44;
	v5 =	vmul.f32 $1.442695020e+00, v5;
	v6 =	vmul.f32 $1.442695020e+00, v6;
	v3, v10, _ =	vpop (xrf1)  }
0x178: {  	(erf) = vpow2.f32 v48;
	v25 =	vperm.xlane v7, v4;
	v55 =	vpop (erf)  }
0x179: {  	v2 =	vmul.f32 $1.442695020e+00, v50;
	(erf) = vpow2.f32 v5;
	v52, v11, _ =	vpop (xrf1)  }
0x17a: {  	[tilespmem:s10+$0x40] =	vst v0;
	v0 =	vmul.f32 $1.442695020e+00, v51;
	(erf) = vpow2.f32 v6;
	v7 =	vpop (erf)  }
0x17b: {  	v3 =	vmul.f32 $1.442695020e+00, v3;
	(erf) = vpow2.f32 v2;
	v5, v12, _ =	vpop (xrf1)  }
0x17c: {  	v24 =	vperm.xlane v8, v4;
	v56 =	vnsel vm0, $0x0, v55;
	(erf) = vpow2.f32 v0;
	v8 =	vpop (erf)  }
0x17d: {  	[tilespmem:s10+$0x50] =	vst v1;
	v1 =	vmul.f32 $1.442695020e+00, v52;
	(xrf2) =	vadd.scan.msk.f32 $0xffff, v56;
	v6, v13, _ =	vpop (xrf1);
	(erf) = vpow2.f32 v3  }
0x17e: {  	v23 =	vperm.xlane v9, v4;
	v5 =	vmul.f32 $1.442695020e+00, v5;
	v53, v14, _ =	vpop (xrf1)  }
0x17f: {  	v6 =	vmul.f32 $1.442695020e+00, v6;
	(erf) = vpow2.f32 v1;
	v54, v15, _ =	vpop (xrf1)  }
0x180: {  	v2 =	vmul.f32 $1.442695020e+00, v53;
	(erf) = vpow2.f32 v5;
	v3, v31, _ =	vpop (xrf1)  }
0x181: {  	v19 =	vperm.xlane v10, v4;
	v10 =	vld [tilespmem:$0x1FF00];
	v5 =	vnsel vm0, $0x0, v7;
	(erf) = vpow2.f32 v6;
	v9 =	vpop (erf)  }
0x182: {  	v0 =	vmul.f32 $1.442695020e+00, v54;
	(xrf2) =	vadd.scan.msk.f32 $0xffff, v5;
	(erf) = vpow2.f32 v2;
	v30 =	vpop (erf)  }
0x183: {  	v3 =	vmul.f32 $1.442695020e+00, v3;
	v22 =	vpop (erf)  }
0x184: {  	(erf) = vpow2.f32 v0;
	v20 =	vpop (erf)  }
0x185: {  	v16 =	vperm.xlane v13, v4;
	(erf) = vpow2.f32 v3;
	v13 =	vpop (erf)  }
0x186: {  	v17 =	vperm.xlane v12, v4;
	(erf) = vrcp.f32 v10;
	v12 =	vpop (erf)  }
0x187: {  	v45, _, _ =	vpop (xrf2)  }
0x188: {  	v18 =	vperm.xlane v11, v4;
	v11 =	vpop (erf)  }
0x189: {  	v6 =	vnsel vm0, $0x0, v8;
	v40 =	vperm.xlane v15, v4;
	v15 =	vpop (erf)  }
0x18a: {  	v43 =	vperm.xlane v14, v4;
	(xrf2) =	vadd.scan.msk.f32 $0xffff, v6;
	v57 =	vnsel vm0, $0x0, v9;
	v14 =	vpop (erf)  }
0x18b: {  	(xrf2) =	vadd.scan.msk.f32 $0xffff, v57;
	v44 =	vpop (erf)  }
0x18c: {  	v58 =	vnsel vm0, $0x0, v30;
	v48, _, _ =	vpop (xrf2)  }
0x18d: {  	(xrf2) =	vadd.scan.msk.f32 $0xffff, v58;
	v38 =	vbroadcast v45, $0xF;
	v42 =	vpop (erf)  }
0x18e: {  	v47 =	vld [tilespmem:$0x1FF10];
	v63 =	vpop (erf)  }
0x18f: {  	v59 =	vnsel vm0, $0x0, v22;
	v46 =	vpop (erf);
	(erf) = vrcp.f32 v38  }
0x190: {  	v50 =	vld [tilespmem:$0x1FF20];
	(xrf2) =	vadd.scan.msk.f32 $0xffff, v59;
	v2 =	vbroadcast v48, $0xF;
	_ =	sdelay $0x1  }
0x191: {  	(erf) = vrcp.f32 v2  }
0x192: {  	v0 =	vmul.f32 v46, v47  }
0x193: {  	v3 =	vnsel vm0, $0x0, v20;
	v51, _, _ =	vpop (xrf2)  }
0x194: {  	(xrf2) =	vadd.scan.msk.f32 $0xffff, v3;
	v52, _, _ =	vpop (xrf2);
	v38 =	vsel vm0, v0, v50;
	v0 =	vbroadcast v51, $0xF  }
0x195: {  	v1 =	vbroadcast v52, $0xF  }
0x196: {  	v10 =	vnsel vm0, $0x0, v13;
	v53, _, _ =	vpop (xrf2);
	(erf) = vrcp.f32 v0  }
0x197: {  	v5 =	vnsel vm0, $0x0, v12;
	(xrf2) =	vadd.scan.msk.f32 $0xffff, v10;
	v54 =	vpop (erf);
	(erf) = vrcp.f32 v1  }
0x198: {  	(xrf2) =	vadd.scan.msk.f32 $0xffff, v5;
	v0 =	vbroadcast v53, $0xF  }
0x199: {  	v61 =	vnsel vm0, $0x0, v11;
	v56, _, _ =	vpop (xrf2)  }
0x19a: {  	(xrf2) =	vadd.scan.msk.f32 $0xffff, v61;
	v3 =	vpop (erf);
	(erf) = vrcp.f32 v0  }
0x19b: {  	v60 =	vperm.xlane v31, v4;
	_ =	sdelay $0x1  }
0x19c: {  	v39 =	vmovc v60;
	v62 =	vnsel vm0, $0x0, v15;
	v6 =	vnsel vm0, $0x0, v14;
	v37 =	vnsel vm0, $0x0, v44  }
0x19d: {  	s11 =	sadd.s32 $0x10, s11;
	v32 =	vnsel vm0, $0x0, v42;
	v31 =	vnsel vm0, $0x0, v63;
	v58, _, _ =	vpop (xrf2);
	v55 =	vmul.f32 v54, v55  }
0x19e: {  	p0 =	slt.u32 s11, $0x120;
	v41 =	vmov v63;
	[tilespmem:s10+$0x60] =	vst v38;
	v2 =	vbroadcast v56, $0xF;
	v57 =	vmul.f32 v3, v7;
	v3 =	vpop (erf)  }
.Ltmp0:
0x19f: {  	(xrf2) =	vadd.scan.msk.f32 $0xffff, v62;
	v1 =	vbroadcast v58, $0xF;
	v5 =	vsel vm0, v55, v29;
	v59 =	vmul.f32 v3, v8;
	v3 =	vpop (erf);
	(pc) =	sbr.rel @p0 .LBB2_2-.Ltmp0, $4  }
0x1a0: {  	v60, _, _ =	vpop (xrf2);
	(xrf2) =	vadd.scan.msk.f32 $0xffff, v6;
	[tilespmem:s9+$0xFFFFFF80] =	vst v5;
	v0 =	vsel vm0, v57, v28;
	v61 =	vmul.f32 v3, v9  }
0x1a1: {  	v62, _, _ =	vpop (xrf2);
	(erf) = vrcp.f32 v2;
	[tilespmem:s9+$0xFFFFFF90] =	vst v0;
	v2 =	vbroadcast v60, $0xF;
	v0 =	vsel vm0, v59, v27  }
0x1a2: {  	v27 =	vbroadcast v62, $0xF;
	(erf) = vrcp.f32 v1;
	[tilespmem:s9+$0xFFFFFFA0] =	vst v0;
	v63 =	vpop (erf);
	v0 =	vsel vm0, v61, v26  }
0x1a3: {  	s12 =	sadd.s32 $0x400, s12;
	s10 =	smov.u32 s9;
	(xrf2) =	vadd.scan.msk.f32 $0xffff, v37;
	v28, _, _ =	vpop (xrf2);
	(erf) = vrcp.f32 v2;
	v26 =	vmul.f32 v63, v30;
	[tilespmem:s9+$0xFFFFFFB0] =	vst v0  }
0x1a4: {  	(xrf2) =	vadd.scan.msk.f32 $0xffff, v32  }
0x1a5: {  	(xrf2) =	vadd.scan.msk.f32 $0xffff, v31;
	_ =	sdelay $0x5  }
0x1a6: {  	v1 =	vbroadcast v28, $0xF;
	v0, _, _ =	vpop (xrf2)  }
0x1a7: {  	(erf) = vrcp.f32 v27;
	v0 =	vbroadcast v0, $0xF;
	v2, _, _ =	vpop (xrf2)  }
0x1a8: {  	(erf) = vrcp.f32 v1;
	v1 =	vbroadcast v2, $0xF;
	v2, _, _ =	vpop (xrf2)  }
0x1a9: {  	(erf) = vrcp.f32 v0;
	v0 =	vbroadcast v2, $0xF;
	v2, _, _ =	vpop (xrf2)  }
0x1aa: {  	(erf) = vrcp.f32 v1;
	v1 =	vbroadcast v2, $0xF;
	v2, _, _ =	vpop (xrf2)  }
0x1ab: {  	v2 =	vbroadcast v2, $0xF;
	(erf) = vrcp.f32 v0  }
0x1ac: {  	(erf) = vrcp.f32 v1  }
0x1ad: {  	v0 =	vpop (erf);
	(erf) = vrcp.f32 v2  }
0x1ae: {  	v3 =	vsel vm0, v26, v21;
	v1 =	vpop (erf);
	v0 =	vmul.f32 v0, v22  }
0x1af: {  	v2 =	vpop (erf);
	v1 =	vmul.f32 v1, v20  }
0x1b0: {  	[tilespmem:s9+$0xFFFFFFC0] =	vst v3;
	v5 =	vpop (erf);
	v0 =	vsel vm0, v0, v25;
	v2 =	vmul.f32 v2, v13  }
0x1b1: {  	v3 =	vpop (erf);
	[tilespmem:s9+$0xFFFFFFD0] =	vst v0;
	v0 =	vsel vm0, v1, v24;
	v1 =	vmul.f32 v5, v12  }
0x1b2: {  	v5 =	vpop (erf);
	[tilespmem:s9+$0xFFFFFFE0] =	vst v0;
	v0 =	vsel vm0, v2, v23;
	v2 =	vmul.f32 v3, v11  }
0x1b3: {  	[tilespmem:s9+$0xFFFFFFF0] =	vst v0;
	v0 =	vsel vm0, v1, v19;
	v1 =	vmul.f32 v5, v15;
	v3 =	vpop (erf)  }
0x1b4: {  	[tilespmem:s9+$0x0] =	vst v0;
	v0 =	vsel vm0, v2, v18;
	v2 =	vmul.f32 v3, v14;
	v3 =	vpop (erf)  }
0x1b5: {  	[tilespmem:s9+$0x10] =	vst v0;
	v0 =	vsel vm0, v1, v17;
	v1 =	vmul.f32 v3, v44;
	v3 =	vpop (erf)  }
0x1b6: {  	[tilespmem:s9+$0x20] =	vst v0;
	v0 =	vsel vm0, v2, v16;
	v2 =	vmul.f32 v3, v42;
	v3 =	vpop (erf)  }
0x1b7: {  	[tilespmem:s9+$0x30] =	vst v0;
	v0 =	vsel vm0, v1, v43;
	v1 =	vmul.f32 v3, v41  }
0x1b8: {  	s8 =	sadd.s32 $0x1, s8;
	[tilespmem:s10+$0x40] =	vst v0;
	v0 =	vsel vm0, v2, v40  }
0x1b9: {  	p0 =	sne.s32 s8, s5;
	[tilespmem:s10+$0x50] =	vst v0;
	v0 =	vsel vm0, v1, v39  }
.Ltmp1:
0x1ba: {  	[tilespmem:s10+$0x60] =	vst v0;
	(pc) =	sbr.rel @p0 .LBB2_1-.Ltmp1, $4  }
0x1bb: {  	[hbm4b:s4+s2] =	stream.linear.scatter [tilespmem:s7], [sflag:$0x1], $0x1300, $0x38;
	[tilespmem:$0x5F00] =	vst v63  }
0x1bc: {  	_ =	swait.ge [sflag:s6], $0x1300  }
0x1bd: {  	[sflag:s6] =	ssyncset.done $0x0;
	v1 =	vld [tilespmem:$0x1FFE0]  }
0x1be: {  	v3 =	vmov v49;
	v0 =	vlaneseq.u32;
	v2 =	vld [tilespmem:$0x1FFF0];
	[sflag:s6] =	ssyncadd.s32 $0xFFFFED00  }
0x1bf: {  	_ =	sfence.sel $0x180000  }
0x1c0: {  	[bflag:$0x0] =	sbarrier.arrive $0xFFFF  }
0x1c1: {  	p0 =	sne.s32 s0, $0x0;
	_ =	strace $0x90000047  }
0x1c2: {  	s0 =	sadd.s32 @!p0 $0x100000, s1;
	[bflag:$0x2] =	sbarrier.arrive $0xFFFF  }
0x1c3: {  	[sflag:s0] =	ssyncadd.tile.s32 @!p0 $0x1;
	_ =	shalt  }
.Lfunc_end2:
_tile_overlayer_lowered:
.L_overlay_start_2:
0x1c4: {  	(tag) =	ssettag $0x2  }
0x1c5: {  	s0 =	rddreg [dreg:$0x0];
	s2 =	stileid.u32  }
0x1c6: {  	s1 =	rddreg [dreg:$0x1];
	p0 =	sne.s32 s2, $0x0  }
0x1c7: {  	s3 =	rddreg [dreg:$0x2];
	[bflag:$0x3] =	sbarrier.arrive $0xFFFF;
	s2 =	simm.s32 @!p0 $0x1C01  }
0x1c8: {  	[timem:s3], [sflag:s2] =	dma.local @!p0 [hbm:s0], s1  }
0x1c9: {  	s0 =	simm.s32 @!p0 $0x1  }
0x1ca: {  	_ =	swait.ge @!p0 [sflag:s0], s1  }
0x1cb: {  	s1 =	ssub.s32 @!p0 $0x0, s1;
	[sflag:s0] =	ssyncset.done @!p0 $0x0  }
0x1cc: {  	[sflag:s0] =	ssyncadd.s32 @!p0 s1  }
0x1cd: {  	[bflag:$0x3] =	sbarrier.arrive $0xFFFF  }
0x1ce: {  	_ =	shalt  }

// kernel: kernel.13.cloned.1.call-start
scs
__scs_entry_jumppad:
0x0: {  	(pc) =	sbr.rel $0x88, $3  }
0x1: {  	(tag) =	ssettag $0x0;
	lr =	simm.s32 $0x1  }
0x2: {  	[smem:$0x3F9F] =	sst lr;
	_ =	strace $0xD0000000  }
0x3: {  	_ = 	snop  }
0x4: {  	_ = 	snop  }
0x5: {  	_ = 	snop  }
0x6: {  	_ = 	snop  }
0x7: {  	_ = 	snop  }
__scs_overlays_trampoline_lowered:
0x8: {  	[smem:$0x3FAE] =	sst s0  }
0x9: {  	[smem:$0x3FAF] =	sst s1  }
0xa: {  	[smem:$0x3FB0] =	sst s2  }
0xb: {  	[smem:$0x3FB1] =	sst s3  }
0xc: {  	[smem:$0x3FB2] =	sst s4  }
0xd: {  	[smem:$0x3FB3] =	sst s5  }
0xe: {  	[smem:$0x3FB4] =	sst s6  }
0xf: {  	[smem:$0x3FB5] =	sst s7  }
0x10: {  	[smem:$0x3FB6] =	sst s8  }
0x11: {  	[smem:$0x3FB7] =	sst s9;
	s0 =	simm.s32 @!p0 $0x0  }
0x12: {  	s1 =	sld [smem:$0x3F9D];
	s0 =	simm.s32 @p0 $0x1  }
0x13: {  	[smem:$0x3FB8] =	sst s0;
	s0 =	simm.s32 @!p1 $0x0  }
0x14: {  	s2 =	sld [smem:$0x3F9C];
	s0 =	simm.s32 @p1 $0x1  }
0x15: {  	[smem:$0x3FB9] =	sst s0;
	s0 =	simm.s32 @!p2 $0x0  }
0x16: {  	s3 =	sld [smem:$0x3FDB];
	s0 =	simm.s32 @p2 $0x1  }
0x17: {  	s4 =	simm.s32 $0x1BF5;
	[smem:$0x3FBB] =	sst s0  }
0x18: {  	s0 =	sld [smem:$0x3F9E];
	_ =	swait.ge [sflag:s4], $0x0  }
0x19: {  	s7 =	sld [smem:$0x3F9F]  }
0x1a: {  	s8 =	sadd.s32 $0xFFFFE003, lr  }
0x1b: {  	s9 =	sadd.s32 $0xFFFFFEF7, lr;
	s5 =	simm.s32 $0xFFFFFFFF;
	p2 =	slt.u32 s8, $0xFFFFF086  }
0x1c: {  	p1 =	slt.u32 s9, $0xF7A;
	s5 =	simm.s32 @!p2 $0x0  }
0x1d: {  	s5 =	simm.s32 @p1 $0x1;
	p0 =	seq.s32 s7, s2  }
0x1e: {  	s7 =	smul.u32 @!p0 $0xF7A, s2;
	p2 =	seq.s32 @!p0 s5, $0x0  }
0x1f: {  	s9 =	smul.u32 $0xF7A, s1;
	s8 =	simm.s32 @!p0 $0x1BF5;
	p2 =	por !p2, p0  }
0x20: {  	[sflag:s8] =	ssyncset.s32 @!p0 $0xFFFFF086;
	s6 =	sadd.s32 @!p0 s3, s7;
	s7 =	simm.s32 @!p0 $0x108  }
0x21: {  	s3 =	sadd.s32 s3, s9;
	s6 =	sadd.s32 @!p0 $0x88, s6;
	s7 =	simm.s32 @p2 $0x1082  }
0x22: {  	[simem:s7], [sflag:s8] =	dma.local @!p0 [hbm:s6], $0xF7A  }
0x23: {  	s9 =	sor.u32 $0xD0000000, s2;
	s6 =	simm.s32 $0x108;
	_ =	swait.ge @!p0 [sflag:s8], $0x0  }
0x24: {  	s3 =	sadd.s32 $0x88, s3;
	s6 =	simm.s32 @!p1 $0x1082;
	[sflag:s4] =	ssyncset.s32 $0xFFFFF086  }
0x25: {  	[simem:s6], [sflag:s4] =	dma.local [hbm:s3], $0xF7A  }
0x26: {  	[smem:$0x3F9F] =	sst s1;
	(tag) =	ssettag s2;
	_ =	strace s9  }
0x27: {  	s1 =	sld [smem:$0x3FAF]  }
0x28: {  	s2 =	sld [smem:$0x3FB0]  }
0x29: {  	s4 =	sld [smem:$0x3FB2]  }
0x2a: {  	p0 =	seq.s32 s5, $0x0;
	s5 =	sld [smem:$0x3FB3]  }
0x2b: {  	s6 =	sld [smem:$0x3FB4]  }
0x2c: {  	s7 =	sld [smem:$0x3FB5]  }
0x2d: {  	s3 =	simm.s32 $0x108;
	s8 =	sld [smem:$0x3FB6]  }
0x2e: {  	s3 =	simm.s32 @!p0 $0x1082;
	s9 =	sld [smem:$0x3FB7]  }
0x2f: {  	lr =	sadd.s32 s0, s3;
	s0 =	sld [smem:$0x3FAE]  }
0x30: {  	s3 =	sld [smem:$0x3FB1]  }
0x31: {  	[smem:$0x3FBA] =	sst s10  }
0x32: {  	s10 =	sld [smem:$0x3FB8];
	_ =	sdelay $0x3  }
0x33: {  	p0 =	seq.s32 s10, $0x1;
	s10 =	sld [smem:$0x3FBA];
	_ =	sdelay $0x3  }
0x34: {  	[smem:$0x3FBA] =	sst s10  }
0x35: {  	s10 =	sld [smem:$0x3FB9];
	_ =	sdelay $0x3  }
0x36: {  	p1 =	seq.s32 s10, $0x1;
	s10 =	sld [smem:$0x3FBA];
	_ =	sdelay $0x3  }
0x37: {  	[smem:$0x3FBA] =	sst s10  }
0x38: {  	s10 =	sld [smem:$0x3FBB]  }
0x39: {  	_ = 	snop;
	(pc) =	sbr.ind lr, $3  }
0x3a: {  	_ = 	snop  }
0x3b: {  	_ = 	snop  }
0x3c: {  	p2 =	seq.s32 s10, $0x1;
	s10 =	sld [smem:$0x3FBA]  }
0x3d: {  	_ =	shalt  }
0x3e: {  	_ =	shalt  }
0x3f: {  	_ =	shalt  }
0x40: {  	_ =	shalt  }
0x41: {  	_ =	shalt  }
0x42: {  	_ =	shalt  }
0x43: {  	_ =	shalt  }
0x44: {  	_ =	shalt  }
0x45: {  	_ =	shalt  }
0x46: {  	_ =	shalt  }
0x47: {  	_ =	shalt  }
0x48: {  	_ =	shalt  }
0x49: {  	_ =	shalt  }
0x4a: {  	_ =	shalt  }
0x4b: {  	_ =	shalt  }
0x4c: {  	_ =	shalt  }
0x4d: {  	_ =	shalt  }
0x4e: {  	_ =	shalt  }
0x4f: {  	_ =	shalt  }
0x50: {  	_ =	shalt  }
0x51: {  	_ =	shalt  }
0x52: {  	_ =	shalt  }
0x53: {  	_ =	shalt  }
0x54: {  	_ =	shalt  }
0x55: {  	_ =	shalt  }
0x56: {  	_ =	shalt  }
0x57: {  	_ =	shalt  }
0x58: {  	_ =	shalt  }
0x59: {  	_ =	shalt  }
0x5a: {  	_ =	shalt  }
0x5b: {  	_ =	shalt  }
0x5c: {  	_ =	shalt  }
0x5d: {  	_ =	shalt  }
0x5e: {  	_ =	shalt  }
0x5f: {  	_ =	shalt  }
0x60: {  	_ =	shalt  }
0x61: {  	_ =	shalt  }
0x62: {  	_ =	shalt  }
0x63: {  	_ =	shalt  }
0x64: {  	_ =	shalt  }
0x65: {  	_ =	shalt  }
0x66: {  	_ =	shalt  }
0x67: {  	_ =	shalt  }
0x68: {  	_ =	shalt  }
0x69: {  	_ =	shalt  }
0x6a: {  	_ =	shalt  }
0x6b: {  	_ =	shalt  }
0x6c: {  	_ =	shalt  }
0x6d: {  	_ =	shalt  }
0x6e: {  	_ =	shalt  }
0x6f: {  	_ =	shalt  }
0x70: {  	_ =	shalt  }
0x71: {  	_ =	shalt  }
0x72: {  	_ =	shalt  }
0x73: {  	_ =	shalt  }
0x74: {  	_ =	shalt  }
0x75: {  	_ =	shalt  }
0x76: {  	_ =	shalt  }
0x77: {  	_ =	shalt  }
0x78: {  	_ =	shalt  }
0x79: {  	_ =	shalt  }
0x7a: {  	_ =	shalt  }
0x7b: {  	_ =	shalt  }
0x7c: {  	_ =	shalt  }
0x7d: {  	_ =	shalt  }
0x7e: {  	_ =	shalt  }
0x7f: {  	_ =	shalt  }
0x80: {  	_ =	shalt  }
0x81: {  	_ =	shalt  }
0x82: {  	_ =	shalt  }
0x83: {  	_ =	shalt  }
0x84: {  	_ =	shalt  }
0x85: {  	_ =	shalt  }
0x86: {  	_ =	shalt  }
0x87: {  	_ =	shalt  }
.Lfunc_end0:
.L_simem_size_0:
called_computation.1_lowered:
.L_overlay_start_0:
0x88: {  	s2 =	sld [smem:$0x3FD9]  }
0x89: {  	s3 =	sld [smem:$0x3FFE];
	_ =	sdelay $0x1  }
0x8a: {  	s1 =	srdreg.scid  }
0x8b: {  	s0 =	sand.u32 $0x1, s1  }
0x8c: {  	s17 =	sshll.u32 s0, $0xA;
	s2 =	sadd.s32 s3, s2  }
0x8d: {  	s2 =	sadd.s32 s2, s17  }
0x8e: {  	[smem:$0x3FC6] =	sst s2  }
0x8f: {  	_ = 	snop  }
0x90: {  	(tm) =	ssettm $0x1  }
0x91: {  	s18 =	sld [smem:$0x3FFB];
	_ =	sdelay $0x3  }
0x92: {  	_ =	strace s18  }
0x93: {  	s2 =	sld [smem:$0x3FFC];
	_ =	sdelay $0x3  }
0x94: {  	_ =	strace s2  }
0x95: {  	s2 =	sld [smem:$0x3FFD];
	_ =	sdelay $0x3  }
0x96: {  	_ =	strace s2  }
0x97: {  	_ =	strace $0x8FFFFFFF  }
0x98: {  	s19 =	sld [smem:$0x3FDB];
	_ =	sdelay $0x1  }
0x99: {  	s20 =	simm.s32 $_scs_section_size  }
0x9a: {  	s4 =	simm.s32 $_size__tile_overlayer_lowered;
	s5 =	simm.s32 $_tile_overlayer_lowered  }
0x9b: {  	s6 =	simm.s32 $0x1BFF;
	s21 =	sshll.u32 s5, $0x1;
	s3 =	sadd.s32 s20, s19  }
0x9c: {  	s22 =	simm.s32 $0x0;
	s4 =	sshll.u32 s4, $0x1;
	s5 =	sadd.s32 s21, s3  }
0x9d: {  	[timem:s22], [sflag:s6] =	dma.local [hbm:s5], s4  }
0x9e: {  	_ =	swait.ge [sflag:s6], s4  }
0x9f: {  	s4 =	ssub.s32 $0x0, s4;
	[sflag:s6] =	ssyncset.done $0x0  }
0xa0: {  	[sflag:s6] =	ssyncadd.s32 s4;
	_ =	sdelay $0x1  }
0xa1: {  	s23 =	simm.s32 $0x1B8B  }
0xa2: {  	_ =	swait.ge [sflag:s23], $0x1  }
0xa3: {  	[sflag:s23] =	ssyncset.done $0x0  }
0xa4: {  	[sflag:s23] =	ssyncadd.s32 $0xFFFFFFFF  }
0xa5: {  	s4 =	sld [smem:$0x0]  }
0xa6: {  	s5 =	sand.u32 $0xFFFFFFFE, s1  }
0xa7: {  	p0 =	sne.s32 s1, s5  }
0xa8: {  	s5 =	sshll.u32 @p0 s5, $0xE  }
0xa9: {  	s5 =	sadd.s32 @p0 $0x11B8D, s5;
	s6 =	sshll.u32 @p0 s4, $0x11  }
0xaa: {  	s5 =	sor.u32 @p0 s6, s5  }
0xab: {  	[sflag:s5] =	ssyncadd.remote.s32 @p0 $0x1;
	_ =	sdelay $0x1  }
0xac: {  	s5 =	simm.s32 @p0 $0x1B8D  }
0xad: {  	_ =	swait.eq @p0 [sflag:s5], $0x1  }
0xae: {  	[sflag:s5] =	ssyncadd.s32 @p0 $0xFFFFFFFF  }
0xaf: {  	s6 =	sshll.u32 @!p0 s1, $0xE  }
0xb0: {  	s6 =	sor.u32 @!p0 $0x4000, s6;
	s5 =	simm.s32 @!p0 $0x1B8D  }
0xb1: {  	s4 =	sshll.u32 @!p0 s4, $0x11;
	s6 =	sadd.s32 @!p0 $0x11B8D, s6;
	_ =	swait.eq @!p0 [sflag:s5], $0x1  }
0xb2: {  	s4 =	sor.u32 @!p0 s4, s6;
	[sflag:s5] =	ssyncadd.s32 @!p0 $0xFFFFFFFF  }
0xb3: {  	s25 =	simm.s32 $0x1B8E;
	s24 =	sld [smem:$0x3FFE];
	[sflag:s4] =	ssyncadd.remote.s32 @!p0 $0x1  }
0xb4: {  	s26 =	simm.s32 $execute0_lowered;
	[smem:$0x3FD2] =	sst s25  }
0xb5: {  	s5 =	sshll.u32 s26, $0x1;
	_ =	strace $0x80000049;
	[dreg:$0x1] =	wrdreg $0xFFFFFFFF  }
0xb6: {  	s28 =	simm.s32 $_size_execute0_lowered;
	s3 =	sadd.s32 s3, s5;
	[dreg:$0x0] =	wrdreg $0x0  }
0xb7: {  	s5 =	sshll.u32 s28, $0x1;
	[dreg:$0x2] =	wrdreg s3  }
0xb8: {  	[dreg:$0x3] =	wrdreg s5  }
0xb9: {  	[dreg:$0x4] =	wrdreg $0xC0  }
0xba: {  	_ =	task [dreg:s22], $0x5FFFF  }
0xbb: {  	[dreg:$0x1] =	wrdreg $0xFFFFFFFF  }
0xbc: {  	[dreg:$0x0] =	wrdreg $0x60  }
0xbd: {  	[dreg:$0x2] =	wrdreg s24  }
0xbe: {  	[dreg:$0x3] =	wrdreg $0xA  }
0xbf: {  	_ =	task.clear_ibuf [dreg:s22], $0x4FFFF;
	_ =	strace $0x90000049  }
0xc0: {  	s29 =	simm.s32 $0xA;
	_ =	strace $0x8000004B  }
0xc1: {  	_ =	swait.ge [sflag:s29], $0x1  }
0xc2: {  	[sflag:s29] =	ssyncadd.s32 $0xFFFFFFFF  }
0xc3: {  	_ =	strace $0x9000004B  }
0xc4: {  	_ =	sfence  }
0xc5: {  	s30 =	sld [smem:$0x0];
	_ =	sdelay $0x2  }
0xc6: {  	s31 =	sshll.u32 s1, $0xD;
	s1 =	sshrl.u32 s1, $0x2  }
0xc7: {  	s4 =	sand.u32 $0x4000, s31;
	s1 =	sadd.s32 s1, s30  }
0xc8: {  	s0 =	sor.u32 s4, s0;
	s1 =	sshll.u32 s1, $0x11  }
0xc9: {  	s0 =	sor.u32 s1, s0  }
0xca: {  	s0 =	sadd.s32 $0x8F2B, s0  }
0xcb: {  	[sflag:s0] =	ssyncadd.remote.s32 $0x1  }
0xcc: {  	_ =	sfence.sel $0xFFFF  }
0xcd: {  	[dreg:$0x0] =	wrdreg $0xFFFFFFFF;
	(pc) =	sbr.abs _section_cstart, $3  }
0xce: {  	[dreg:$0x1] =	wrdreg $0xFFFFFFFF  }
0xcf: {  	_ =	task.clear_ibuf [dreg:s22], $0x2FFFF;
	_ =	strace $0x9FFFFFFF  }
0xd0: {  	(tm) =	ssettm $0x7FFFFFFF  }
0xd1: {  	_ =	shalt  }
tec
execute0_lowered:
.L_overlay_start_1:
0x0: {  	(tag) =	ssettag $0x1  }
0x1: {  	s1 =	srdreg.scid;
	s0 =	stileid.u32  }
0x2: {  	s4 =	rddreg [dreg:$0x0];
	s3 =	sand.u32 $0x1, s1;
	s30 =	sshll.u32 s0, $0x1  }
0x3: {  	s2 =	simm.s32 $0x0;
	s8 =	simm.s32 $0x0;
	s5 =	sor.u32 s3, s30  }
0x4: {  	s1 =	rddreg [dreg:$0x1];
	s3 =	ssub.s32 $0x2, s3;
	s6 =	smul.u32 $0x980, s5  }
0x5: {  	v0 =	vlaneseq.u32;
	[smem:$0x7FF] =	sst s2;
	s5 =	smul.u32 $0x260, s5;
	s7 =	sshrl.u32 s3, $0x1  }
0x6: {  	v4 =	vmul.u32 $0xFFFFFFFF, v0;
	v1 =	vor.u32 $0x10, v0;
	_ =	strace $0x8000004A;
	s31 =	ssub.s32 s3, s7;
	s7 =	simm.s32 $0x4C00  }
0x7: {  	v2 =	vor.u32 $0x20, v0;
	[tilespmem:$0x1FFE0] =	vst v1;
	s6 =	sadd.s32 s6, s4;
	s4 =	sadd.s32 s5, s4;
	s5 =	smax.u32 s31, $0x1  }
0x8: {  	vm0 =	vmmov $0xff;
	v3 =	vor.u32 $0x30, v0;
	[tilespmem:$0x1FFF0] =	vst v2;
	v4 =	vadd.s32 $0xF, v4;
	s3 =	sadd.s32 $0x19000, s6;
	s4 =	sadd.s32 $0x2C000, s4;
	s6 =	simm.s32 $0x1  }
.LBB2_1:
0x9: {  	[tilespmem:s2], [sflag:$0x1] =	stream.linear.gather [hbm4b:s3+s2], $0x4C00, $0x38;
	[tilespmem:$0x5F00] =	vst v63  }
0xa: {  	_ =	swait.ge [sflag:s6], $0x4C00  }
0xb: {  	[sflag:s6] =	ssyncset.done $0x0  }
0xc: {  	s9 =	simm.s32 $0x200;
	[sflag:s6] =	ssyncadd.s32 $0xFFFFB400  }
0xd: {  	v5 =	vld [tilespmem:s9+$0x1F0]  }
0xe: {  	v6 =	vld [tilespmem:s9+$0x1D0]  }
0xf: {  	v7 =	vld [tilespmem:s9+$0x1E0]  }
0x10: {  	v8 =	vld [tilespmem:s9+$0xFFFFFE30]  }
0x11: {  	v9 =	vld [tilespmem:s9+$0x1C0]  }
0x12: {  	v10 =	vld [tilespmem:s9+$0xFFFFFE70];
	(xrf1) =	vsort.dscd.msk.f32 $0xffff, v5, v3  }
0x13: {  	v5 =	vld [tilespmem:s9+$0xFFFFFEB0];
	(xrf1) =	vsort.dscd.msk.f32 $0xffff, v6, v1  }
0x14: {  	v6 =	vld [tilespmem:s9+$0xFFFFFEF0];
	(xrf1) =	vsort.dscd.msk.f32 $0xffff, v7, v2  }
0x15: {  	v7 =	vld [tilespmem:s9+$0xFFFFFF30];
	(xrf1) =	vsort.dscd.msk.f32 $0xffff, v8, v3  }
0x16: {  	v8 =	vld [tilespmem:s9+$0xFFFFFF70];
	(xrf1) =	vsort.dscd.msk.f32 $0xffff, v9, v0  }
0x17: {  	v9 =	vld [tilespmem:s9+$0xFFFFFFB0];
	(xrf1) =	vsort.dscd.msk.f32 $0xffff, v10, v3  }
0x18: {  	v10 =	vld [tilespmem:s9+$0xFFFFFFF0];
	(xrf1) =	vsort.dscd.msk.f32 $0xffff, v5, v3  }
0x19: {  	v5 =	vld [tilespmem:s9+$0x30];
	(xrf1) =	vsort.dscd.msk.f32 $0xffff, v6, v3  }
0x1a: {  	v6 =	vld [tilespmem:s9+$0x70];
	(xrf1) =	vsort.dscd.msk.f32 $0xffff, v7, v3  }
0x1b: {  	v7 =	vld [tilespmem:s9+$0xB0];
	(xrf1) =	vsort.dscd.msk.f32 $0xffff, v8, v3  }
0x1c: {  	v8 =	vld [tilespmem:s9+$0xF0];
	(xrf1) =	vsort.dscd.msk.f32 $0xffff, v9, v3  }
0x1d: {  	v9 =	vld [tilespmem:s9+$0x130];
	(xrf1) =	vsort.dscd.msk.f32 $0xffff, v10, v3  }
0x1e: {  	(xrf1) =	vsort.dscd.msk.f32 $0xffff, v5, v3  }
0x1f: {  	(xrf1) =	vsort.dscd.msk.f32 $0xffff, v6, v3  }
0x20: {  	v5 =	vld [tilespmem:s9+$0x170];
	(xrf1) =	vsort.dscd.msk.f32 $0xffff, v7, v3;
	v6, v7, _ =	vpop (xrf1)  }
0x21: {  	v6 =	vperm.xlane v6, v4;
	v7 =	vperm.xlane v7, v4;
	(xrf1) =	vsort.dscd.msk.f32 $0xffff, v8, v3;
	v8, v10, _ =	vpop (xrf1)  }
0x22: {  	v11 =	vld [tilespmem:s9+$0x1B0];
	v8 =	vperm.xlane v8, v4;
	(xrf1) =	vsort.dscd.msk.f32 $0xffff, v9, v3;
	v9, v12, _ =	vpop (xrf1)  }
0x23: {  	v13 =	vld [tilespmem:s9+$0xFFFFFE10];
	v10 =	vperm.xlane v10, v4;
	v6 =	vsel vm0, v9, v6;
	v7 =	vsel vm0, v12, v7;
	v15, v16, _ =	vpop (xrf1)  }
0x24: {  	v9 =	vld [tilespmem:s9+$0xFFFFFE20];
	v12, v14, _ =	vpop (xrf1);
	(xrf1) =	vsort.dscd.msk.f32 $0xffff, v6, v7  }
0x25: {  	v6 =	vld [tilespmem:s9+$0xFFFFFE50];
	v7 =	vsel vm0, v12, v8;
	v8 =	vsel vm0, v14, v10;
	(xrf1) =	vsort.dscd.msk.f32 $0xffff, v5, v3  }
0x26: {  	v5 =	vld [tilespmem:s9+$0xFFFFFE60];
	v17, v18, _ =	vpop (xrf1);
	(xrf1) =	vsort.dscd.msk.f32 $0xffff, v7, v8  }
0x27: {  	v7 =	vld [tilespmem:s9+$0xFFFFFE90];
	v19, v20, _ =	vpop (xrf1);
	(xrf1) =	vsort.dscd.msk.f32 $0xffff, v11, v3  }
0x28: {  	v8 =	vld [tilespmem:s9+$0xFFFFFEA0];
	v21, v22, _ =	vpop (xrf1);
	(xrf1) =	vsort.dscd.msk.f32 $0xffff, v13, v1  }
0x29: {  	v10 =	vld [tilespmem:s9+$0xFFFFFED0];
	v23, v24, _ =	vpop (xrf1);
	(xrf1) =	vsort.dscd.msk.f32 $0xffff, v9, v2  }
0x2a: {  	v9 =	vld [tilespmem:s9+$0xFFFFFEE0];
	v25, v26, _ =	vpop (xrf1);
	(xrf1) =	vsort.dscd.msk.f32 $0xffff, v6, v1  }
0x2b: {  	v6 =	vld [tilespmem:s9+$0xFFFFFF10];
	v27, v28, _ =	vpop (xrf1);
	(xrf1) =	vsort.dscd.msk.f32 $0xffff, v5, v2  }
0x2c: {  	v5 =	vld [tilespmem:s9+$0xFFFFFF20];
	v29, v30, _ =	vpop (xrf1);
	(xrf1) =	vsort.dscd.msk.f32 $0xffff, v7, v1  }
0x2d: {  	v7 =	vld [tilespmem:s9+$0xFFFFFF50];
	v31, v32, _ =	vpop (xrf1);
	(xrf1) =	vsort.dscd.msk.f32 $0xffff, v8, v2  }
0x2e: {  	v33, v34, _ =	vpop (xrf1);
	(xrf1) =	vsort.dscd.msk.f32 $0xffff, v10, v1  }
0x2f: {  	v35, v36, _ =	vpop (xrf1);
	(xrf1) =	vsort.dscd.msk.f32 $0xffff, v9, v2  }
0x30: {  	v37, v38, _ =	vpop (xrf1);
	(xrf1) =	vsort.dscd.msk.f32 $0xffff, v6, v1  }
0x31: {  	v8 =	vld [tilespmem:s9+$0xFFFFFF60];
	v10, v6, _ =	vpop (xrf1);
	(xrf1) =	vsort.dscd.msk.f32 $0xffff, v5, v2  }
0x32: {  	v11 =	vld [tilespmem:s9+$0xFFFFFF90];
	(xrf1) =	vsort.dscd.msk.f32 $0xffff, v7, v1;
	v5, v7, _ =	vpop (xrf1)  }
0x33: {  	v9 =	vld [tilespmem:s9+$0xFFFFFFA0];
	v5 =	vperm.xlane v5, v4;
	_ =	sdelay $0x1  }
0x34: {  	[tilespmem:$0x1FF30] =	vst v6  }
0x35: {  	v13 =	vld [tilespmem:s9+$0xFFFFFFD0];
	(xrf1) =	vsort.dscd.msk.f32 $0xffff, v8, v2;
	v14, v6, _ =	vpop (xrf1)  }
0x36: {  	v39 =	vld [tilespmem:s9+$0xFFFFFFE0];
	[tilespmem:$0x1FF40] =	vst v6;
	(xrf1) =	vsort.dscd.msk.f32 $0xffff, v11, v1;
	v11, v12, _ =	vpop (xrf1)  }
0x37: {  	v40 =	vld [tilespmem:s9+$0x10];
	v11 =	vsel vm0, v11, v5;
	(xrf1) =	vsort.dscd.msk.f32 $0xffff, v9, v2;
	v9, v5, _ =	vpop (xrf1)  }
0x38: {  	v7 =	vperm.xlane v7, v4;
	v41 =	vld [tilespmem:s9+$0x20];
	[tilespmem:$0x1FF50] =	vst v5;
	v6, v5, _ =	vpop (xrf1)  }
0x39: {  	v43 =	vld [tilespmem:s9+$0x50];
	[tilespmem:$0x1FFC0] =	vst v6  }
0x3a: {  	v42 =	vsel vm0, v12, v7;
	[tilespmem:$0x1FFD0] =	vst v5;
	v44, v45, _ =	vpop (xrf1)  }
0x3b: {  	(xrf1) =	vsort.dscd.msk.f32 $0xffff, v11, v42;
	v63 =	vld [tilespmem:s9+$0x60];
	v6, v5, _ =	vpop (xrf1)  }
0x3c: {  	(xrf1) =	vsort.dscd.msk.f32 $0xffff, v13, v1;
	v47 =	vld [tilespmem:s9+$0x90];
	[tilespmem:$0x1FF60] =	vst v6  }
0x3d: {  	(xrf1) =	vsort.dscd.msk.f32 $0xffff, v39, v2;
	[tilespmem:$0x1FF70] =	vst v5;
	v50, v51, _ =	vpop (xrf1)  }
0x3e: {  	(xrf1) =	vsort.dscd.msk.f32 $0xffff, v40, v1;
	v40 =	vperm.xlane v18, v4;
	v49 =	vld [tilespmem:s9+$0xA0];
	v18, v5, _ =	vpop (xrf1)  }
0x3f: {  	v52 =	vld [tilespmem:s9+$0xD0];
	[tilespmem:$0x1FF80] =	vst v5;
	v53, v54, _ =	vpop (xrf1)  }
0x40: {  	(xrf1) =	vsort.dscd.msk.f32 $0xffff, v41, v2;
	v41 =	vld [tilespmem:s9+$0xE0];
	v6, v5, _ =	vpop (xrf1)  }
0x41: {  	(xrf1) =	vsort.dscd.msk.f32 $0xffff, v43, v1;
	v43 =	vld [tilespmem:s9+$0x110];
	[tilespmem:$0x1FF90] =	vst v6  }
0x42: {  	v46 =	vperm.xlane v15, v4;
	[tilespmem:$0x1FFA0] =	vst v5;
	(xrf1) =	vsort.dscd.msk.f32 $0xffff, v63, v2;
	v55, v56, _ =	vpop (xrf1)  }
0x43: {  	v48 =	vperm.xlane v17, v4;
	v20 =	vperm.xlane v20, v4;
	v42 =	vld [tilespmem:s9+$0x120];
	(xrf1) =	vsort.dscd.msk.f32 $0xffff, v47, v1;
	v58, v5, _ =	vpop (xrf1)  }
0x44: {  	v21 =	vperm.xlane v21, v4;
	v22 =	vperm.xlane v22, v4;
	v47 =	vld [tilespmem:s9+$0x150];
	[tilespmem:$0x1FFB0] =	vst v5;
	(xrf1) =	vsort.dscd.msk.f32 $0xffff, v49, v2  }
0x45: {  	v23 =	vperm.xlane v23, v4;
	v24 =	vperm.xlane v24, v4;
	v59, v60, _ =	vpop (xrf1);
	v49 =	vld [tilespmem:s9+$0x160];
	(xrf1) =	vsort.dscd.msk.f32 $0xffff, v52, v1  }
0x46: {  	v25 =	vperm.xlane v25, v4;
	v26 =	vperm.xlane v26, v4;
	v52 =	vld [tilespmem:s9+$0x190];
	v61, v62, _ =	vpop (xrf1);
	(xrf1) =	vsort.dscd.msk.f32 $0xffff, v41, v2  }
0x47: {  	v27 =	vperm.xlane v27, v4;
	v28 =	vperm.xlane v28, v4;
	v41 =	vld [tilespmem:s9+$0x1A0];
	v63, v7, _ =	vpop (xrf1);
	(xrf1) =	vsort.dscd.msk.f32 $0xffff, v43, v1  }
0x48: {  	v29 =	vperm.xlane v29, v4;
	v30 =	vperm.xlane v30, v4;
	v43, v57, _ =	vpop (xrf1);
	(xrf1) =	vsort.dscd.msk.f32 $0xffff, v42, v2  }
0x49: {  	v31 =	vperm.xlane v31, v4;
	v39 =	vperm.xlane v16, v4;
	v42 =	vld [tilespmem:s9+$0xFFFFFE40];
	v5, v6, _ =	vpop (xrf1);
	(xrf1) =	vsort.dscd.msk.f32 $0xffff, v47, v1  }
0x4a: {  	v33 =	vperm.xlane v33, v4;
	v47 =	vperm.xlane v38, v4;
	v38 =	vld [tilespmem:s9+$0xFFFFFE80];
	(xrf1) =	vsort.dscd.msk.f32 $0xffff, v49, v2;
	v8, v49, _ =	vpop (xrf1)  }
0x4b: {  	v44 =	vsel vm0, v44, v46;
	v39 =	vsel vm0, v45, v39;
	v45 =	vld [tilespmem:s9+$0xFFFFFEC0];
	(xrf1) =	vsort.dscd.msk.f32 $0xffff, v52, v1;
	v46, v52, _ =	vpop (xrf1)  }
0x4c: {  	v0 =	vlaneseq.u32;
	v48 =	vsel vm0, v50, v48;
	v40 =	vsel vm0, v51, v40;
	v50 =	vld [tilespmem:s9+$0xFFFFFF00];
	(xrf1) =	vsort.dscd.msk.f32 $0xffff, v41, v2;
	v41, v51, _ =	vpop (xrf1)  }
0x4d: {  	v35 =	vperm.xlane v35, v4;
	v20 =	vsel vm0, v54, v20;
	v21 =	vsel vm0, v55, v21;
	v1 =	vld [tilespmem:s9+$0xFFFFFF40];
	v54, v55, _ =	vpop (xrf1)  }
0x4e: {  	v22 =	vsel vm0, v56, v22;
	v23 =	vsel vm0, v59, v23;
	v56 =	vld [tilespmem:s9+$0xFFFFFF80];
	(xrf1) =	vsort.dscd.msk.f32 $0xffff, v42, v0;
	v2, v59, _ =	vpop (xrf1)  }
0x4f: {  	v24 =	vsel vm0, v60, v24;
	v60 =	vld [tilespmem:s9+$0xFFFFFFC0];
	v25 =	vsel vm0, v63, v25;
	(xrf1) =	vsort.dscd.msk.f32 $0xffff, v38, v0;
	v38, v63, _ =	vpop (xrf1)  }
0x50: {  	v11 =	vsel vm0, v7, v26;
	v26 =	vsel vm0, v5, v27;
	(xrf1) =	vsort.dscd.msk.f32 $0xffff, v45, v0;
	v27, v45, _ =	vpop (xrf1)  }
0x51: {  	v13 =	vsel vm0, v6, v28;
	v28 =	vsel vm0, v41, v29;
	(xrf1) =	vsort.dscd.msk.f32 $0xffff, v50, v0;
	v29, v41, _ =	vpop (xrf1)  }
0x52: {  	v37 =	vperm.xlane v37, v4;
	v5 =	vld [tilespmem:s9+$0x0];
	v31 =	vsel vm0, v2, v31;
	(xrf1) =	vsort.dscd.msk.f32 $0xffff, v1, v0;
	v1, v2, _ =	vpop (xrf1)  }
0x53: {  	v30 =	vsel vm0, v51, v30;
	v51 =	vld [tilespmem:s9+$0x40];
	v27 =	vsel vm0, v27, v33;
	(xrf1) =	vsort.dscd.msk.f32 $0xffff, v56, v0;
	v33, v56, _ =	vpop (xrf1)  }
0x54: {  	v32 =	vperm.xlane v32, v4;
	v50 =	vld [tilespmem:s9+$0xFFFFFE00];
	v35 =	vsel vm0, v1, v35;
	(xrf1) =	vsort.dscd.msk.f32 $0xffff, v60, v0;
	v1, v60, _ =	vpop (xrf1)  }
0x55: {  	v34 =	vperm.xlane v34, v4;
	v37 =	vsel vm0, v1, v37;
	v1 =	vld [tilespmem:$0x1FF30]  }
0x56: {  	v19 =	vperm.xlane v19, v4;
	v32 =	vsel vm0, v59, v32;
	v59 =	vld [tilespmem:s9+$0x80]  }
0x57: {  	v34 =	vsel vm0, v45, v34;
	v45 =	vld [tilespmem:s9+$0xC0]  }
0x58: {  	v36 =	vperm.xlane v36, v4;
	v19 =	vsel vm0, v53, v19;
	v53 =	vld [tilespmem:s9+$0x100];
	(xrf1) =	vsort.dscd.msk.f32 $0xffff, v5, v0  }
0x59: {  	v10 =	vperm.xlane v10, v4;
	v42, v16, _ =	vpop (xrf1);
	(xrf1) =	vsort.dscd.msk.f32 $0xffff, v50, v0  }
0x5a: {  	v36 =	vsel vm0, v2, v36;
	v2, v5, _ =	vpop (xrf1);
	(xrf1) =	vsort.dscd.msk.f32 $0xffff, v51, v0;
	v6 =	vperm.xlane v1, v4  }
0x5b: {  	v51, v17, _ =	vpop (xrf1);
	(xrf1) =	vsort.dscd.msk.f32 $0xffff, v59, v0  }
0x5c: {  	v12 =	vsel vm0, v2, v10;
	v59 =	vld [tilespmem:$0x1FF40];
	v10 =	vsel vm0, v5, v6;
	v2, v5, _ =	vpop (xrf1);
	(xrf1) =	vsort.dscd.msk.f32 $0xffff, v45, v0  }
0x5d: {  	(xrf1) =	vsort.dscd.msk.f32 $0xffff, v53, v0;
	v53 =	vld [tilespmem:$0x1FF50];
	_ =	sdelay $0x3  }
0x5e: {  	v47 =	vsel vm0, v60, v47;
	v60 =	vld [tilespmem:s9+$0x140]  }
0x5f: {  	v6 =	vperm.xlane v59, v4;
	v7 =	vperm.xlane v53, v4;
	v53 =	vld [tilespmem:$0x1FF60]  }
0x60: {  	v50 =	vld [tilespmem:s9+$0x180]  }
0x61: {  	v14 =	vperm.xlane v14, v4;
	_ =	sdelay $0x1  }
0x62: {  	v45 =	vperm.xlane v9, v4;
	v14 =	vsel vm0, v2, v14;
	v59, v15, _ =	vpop (xrf1)  }
0x63: {  	v9 =	vsel vm0, v5, v6;
	(xrf1) =	vsort.dscd.msk.f32 $0xffff, v60, v0;
	v2, v6, _ =	vpop (xrf1);
	v53 =	vperm.xlane v53, v4  }
0x64: {  	(xrf1) =	vsort.dscd.msk.f32 $0xffff, v50, v0;
	v50, v5, _ =	vpop (xrf1)  }
0x65: {  	v8 =	vmul.f32 $1.442695020e+00, v8;
	(xrf1) =	vsort.dscd.msk.f32 $0xffff, v44, v39;
	v44 =	vsel vm0, v50, v53;
	v50 =	vld [tilespmem:$0x1FF90]  }
0x66: {  	v60 =	vld [tilespmem:$0x1FF70];
	_ =	sdelay $0x1  }
0x67: {  	v18 =	vperm.xlane v18, v4  }
0x68: {  	(erf) = vpow2.f32 v8;
	v45 =	vsel vm0, v2, v45;
	v8, v2, _ =	vpop (xrf1)  }
0x69: {  	v18 =	vsel vm0, v8, v18;
	v8 =	vperm.xlane v50, v4  }
0x6a: {  	v0 =	vld [tilespmem:$0x1FF80];
	v60 =	vperm.xlane v60, v4;
	_ =	sdelay $0x1  }
0x6b: {  	v58 =	vperm.xlane v58, v4;
	(xrf1) =	vsort.dscd.msk.f32 $0xffff, v48, v40;
	v40, v48, _ =	vpop (xrf1);
	v5 =	vsel vm0, v5, v60;
	v60 =	vld [tilespmem:$0x1FFB0]  }
0x6c: {  	(xrf1) =	vsort.dscd.msk.f32 $0xffff, v19, v20;
	v53 =	vld [tilespmem:$0x1FFA0];
	v40 =	vsel vm0, v40, v8;
	v8, v19, _ =	vpop (xrf1)  }
0x6d: {  	v20 =	vsel vm0, v8, v58;
	v8 =	vperm.xlane v61, v4  }
0x6e: {  	v6 =	vsel vm0, v6, v7;
	v7 =	vperm.xlane v0, v4;
	(xrf1) =	vsort.dscd.msk.f32 $0xffff, v21, v22;
	v21, v22, _ =	vpop (xrf1)  }
0x6f: {  	v58 =	vld [tilespmem:$0x1FFC0];
	v21 =	vsel vm0, v21, v8;
	v8 =	vperm.xlane v57, v4  }
0x70: {  	v43 =	vperm.xlane v43, v4;
	v7 =	vsel vm0, v2, v7  }
0x71: {  	v2 =	vperm.xlane v60, v4;
	v39 =	vperm.xlane v53, v4;
	(xrf1) =	vsort.dscd.msk.f32 $0xffff, v23, v24  }
0x72: {  	v53 =	vperm.xlane v62, v4;
	v23, v24, _ =	vpop (xrf1);
	(xrf1) =	vsort.dscd.msk.f32 $0xffff, v25, v11;
	v57 =	vperm.xlane v46, v4  }
0x73: {  	v62 =	vld [tilespmem:$0x1FFD0];
	v25 =	vperm.xlane v52, v4;
	v23 =	vsel vm0, v23, v43;
	v24 =	vsel vm0, v24, v8;
	v8, v11, _ =	vpop (xrf1)  }
0x74: {  	v60 =	vperm.xlane v58, v4;
	(xrf1) =	vsort.dscd.msk.f32 $0xffff, v26, v13;
	v43 =	vsel vm0, v8, v57;
	v8 =	vpop (erf)  }
0x75: {  	v61 =	vperm.xlane v54, v4;
	v13, v26, _ =	vpop (xrf1);
	(xrf1) =	vsort.dscd.msk.f32 $0xffff, v28, v30  }
0x76: {  	v11 =	vsel vm0, v11, v25;
	v25 =	vnsel vm0, $0x0, v8;
	v28, v30, _ =	vpop (xrf1);
	(xrf1) =	vsort.dscd.msk.f32 $0xffff, v31, v32  }
0x77: {  	v19 =	vsel vm0, v19, v2;
	v2 =	vperm.xlane v55, v4;
	(xrf2) =	vadd.scan.msk.f32 $0xffff, v25;
	v31, v32, _ =	vpop (xrf1)  }
0x78: {  	v1 =	vperm.xlane v62, v4;
	(xrf1) =	vsort.dscd.msk.f32 $0xffff, v27, v34;
	v27, v34, _ =	vpop (xrf1)  }
0x79: {  	v25 =	vsel vm0, v26, v2;
	v26 =	vsel vm0, v28, v60;
	(xrf1) =	vsort.dscd.msk.f32 $0xffff, v35, v36;
	v58, v60, _ =	vpop (xrf1)  }
0x7a: {  	v13 =	vsel vm0, v13, v61;
	v28 =	vsel vm0, v30, v1;
	(xrf1) =	vsort.dscd.msk.f32 $0xffff, v37, v47;
	v62, v61, _ =	vpop (xrf1)  }
0x7b: {  	(xrf1) =	vsort.dscd.msk.f32 $0xffff, v12, v10;
	v10, v12, _ =	vpop (xrf1)  }
0x7c: {  	v29 =	vperm.xlane v29, v4;
	(xrf1) =	vsort.dscd.msk.f32 $0xffff, v14, v9;
	v9, v14, _ =	vpop (xrf1)  }
0x7d: {  	v41 =	vperm.xlane v41, v4;
	v17 =	vperm.xlane v17, v4;
	(xrf1) =	vsort.dscd.msk.f32 $0xffff, v45, v6;
	v6, v2, _ =	vpop (xrf1)  }
0x7e: {  	v33 =	vperm.xlane v33, v4;
	v15 =	vperm.xlane v15, v4;
	(xrf1) =	vsort.dscd.msk.f32 $0xffff, v26, v28;
	v26, v28, _ =	vpop (xrf1)  }
0x7f: {  	v0 =	vperm.xlane v42, v4;
	v22 =	vsel vm0, v22, v53;
	(xrf1) =	vsort.dscd.msk.f32 $0xffff, v44, v5;
	v5, v42, _ =	vpop (xrf1)  }
0x80: {  	v39 =	vsel vm0, v48, v39;
	v57 =	vperm.xlane v63, v4;
	(xrf1) =	vsort.dscd.msk.f32 $0xffff, v18, v7;
	v7, v18, _ =	vpop (xrf1)  }
0x81: {  	v30 =	vperm.xlane v38, v4;
	v12 =	vsel vm0, v12, v17;
	(xrf1) =	vsort.dscd.msk.f32 $0xffff, v40, v39;
	v17, v45, _ =	vpop (xrf1)  }
0x82: {  	v16 =	vperm.xlane v16, v4;
	v14 =	vsel vm0, v14, v15;
	(xrf1) =	vsort.dscd.msk.f32 $0xffff, v20, v19;
	v15, v19, _ =	vpop (xrf1)  }
0x83: {  	v30 =	vsel vm0, v31, v30;
	v31 =	vsel vm0, v32, v57;
	(xrf1) =	vsort.dscd.msk.f32 $0xffff, v21, v22;
	v21, v22, _ =	vpop (xrf1)  }
0x84: {  	v27 =	vsel vm0, v27, v29;
	v29 =	vsel vm0, v34, v41;
	(xrf1) =	vsort.dscd.msk.f32 $0xffff, v23, v24;
	v23, v24, _ =	vpop (xrf1)  }
0x85: {  	v63 =	vperm.xlane v56, v4;
	v41 =	vperm.xlane v51, v4;
	(xrf1) =	vsort.dscd.msk.f32 $0xffff, v43, v11;
	v11, v47, _ =	vpop (xrf1)  }
0x86: {  	v32 =	vsel vm0, v58, v33;
	v34 =	vsel vm0, v62, v0;
	(xrf1) =	vsort.dscd.msk.f32 $0xffff, v13, v25;
	v13, v25, _ =	vpop (xrf1)  }
0x87: {  	v16 =	vsel vm0, v61, v16;
	v44 =	vperm.xlane v59, v4;
	(xrf1) =	vsort.dscd.msk.f32 $0xffff, v30, v31;
	v30, v31, _ =	vpop (xrf1)  }
0x88: {  	v1 =	vsel vm0, v60, v63;
	v10 =	vsel vm0, v10, v41;
	(xrf1) =	vsort.dscd.msk.f32 $0xffff, v27, v29;
	v27, v29, _ =	vpop (xrf1)  }
0x89: {  	v9 =	vsel vm0, v9, v44;
	(xrf1) =	vsort.dscd.msk.f32 $0xffff, v32, v1;
	v32, v33, _ =	vpop (xrf1)  }
0x8a: {  	(xrf1) =	vsort.dscd.msk.f32 $0xffff, v34, v16;
	v16, v34, _ =	vpop (xrf1)  }
0x8b: {  	v6 =	vperm.xlane v6, v4;
	(xrf1) =	vsort.dscd.msk.f32 $0xffff, v10, v12;
	v10, v12, _ =	vpop (xrf1)  }
0x8c: {  	v20 =	vperm.xlane v2, v4;
	(xrf1) =	vsort.dscd.msk.f32 $0xffff, v9, v14;
	v9, v14, _ =	vpop (xrf1)  }
0x8d: {  	v26 =	vperm.xlane v26, v4;
	v28 =	vperm.xlane v28, v4;
	v6 =	vsel vm0, v9, v6  }
0x8e: {  	v9 =	vsel vm0, v14, v20;
	v14 =	vperm.xlane v31, v4;
	v20 =	vperm.xlane v27, v4;
	v27, v31, _ =	vpop (xrf1)  }
0x8f: {  	(xrf1) =	vsort.dscd.msk.f32 $0xffff, v6, v9;
	v9 =	vsel vm0, v27, v26;
	v26 =	vsel vm0, v31, v28;
	_ =	sdelay $0x1  }
0x90: {  	v5 =	vperm.xlane v5, v4  }
0x91: {  	v7 =	vperm.xlane v7, v4;
	v18 =	vperm.xlane v18, v4;
	v27, v28, _ =	vpop (xrf1)  }
0x92: {  	v46 =	vperm.xlane v42, v4;
	(xrf1) =	vsort.dscd.msk.f32 $0xffff, v9, v26;
	v9, v26, _ =	vpop (xrf1)  }
0x93: {  	v5 =	vsel vm0, v27, v5;
	v7 =	vsel vm0, v9, v7;
	v9 =	vsel vm0, v26, v18;
	_ =	sdelay $0x1  }
0x94: {  	v17 =	vperm.xlane v17, v4;
	v15 =	vperm.xlane v15, v4;
	v27 =	vsel vm0, v28, v46  }
0x95: {  	v19 =	vperm.xlane v19, v4;
	(xrf1) =	vsort.dscd.msk.f32 $0xffff, v5, v27;
	v5, v18, _ =	vpop (xrf1)  }
0x96: {  	v36 =	vperm.xlane v45, v4;
	v5 =	vsel vm0, v5, v17;
	(xrf1) =	vsort.dscd.msk.f32 $0xffff, v7, v9;
	v7, v9, _ =	vpop (xrf1)  }
0x97: {  	v9 =	vsel vm0, v9, v19  }
0x98: {  	v22 =	vperm.xlane v22, v4;
	v17 =	vsel vm0, v18, v36;
	v7 =	vsel vm0, v7, v15  }
0x99: {  	v21 =	vperm.xlane v21, v4;
	(xrf1) =	vsort.dscd.msk.f32 $0xffff, v5, v17;
	v5, v15, _ =	vpop (xrf1)  }
0x9a: {  	v24 =	vperm.xlane v24, v4;
	v15 =	vsel vm0, v15, v22  }
0x9b: {  	v23 =	vperm.xlane v23, v4;
	v5 =	vsel vm0, v5, v21;
	(xrf1) =	vsort.dscd.msk.f32 $0xffff, v7, v9;
	v7, v9, _ =	vpop (xrf1)  }
0x9c: {  	v9 =	vsel vm0, v9, v24  }
0x9d: {  	v11 =	vperm.xlane v11, v4;
	v37 =	vperm.xlane v47, v4;
	v7 =	vsel vm0, v7, v23  }
0x9e: {  	(xrf1) =	vsort.dscd.msk.f32 $0xffff, v5, v15;
	v5, v15, _ =	vpop (xrf1)  }
0x9f: {  	v25 =	vperm.xlane v25, v4;
	v5 =	vsel vm0, v5, v11;
	v11 =	vsel vm0, v15, v37  }
0xa0: {  	v13 =	vperm.xlane v13, v4;
	(xrf1) =	vsort.dscd.msk.f32 $0xffff, v7, v9;
	v7, v9, _ =	vpop (xrf1)  }
0xa1: {  	v9 =	vsel vm0, v9, v25  }
0xa2: {  	v48, _, _ =	vpop (xrf2);
	v7 =	vsel vm0, v7, v13  }
0xa3: {  	v30 =	vperm.xlane v30, v4;
	v26 =	vbroadcast v48, $0xF;
	(xrf1) =	vsort.dscd.msk.f32 $0xffff, v5, v11;
	v5, v11, _ =	vpop (xrf1)  }
0xa4: {  	v11 =	vsel vm0, v11, v14  }
0xa5: {  	v6 =	vperm.xlane v29, v4;
	(erf) = vrcp.f32 v26;
	v5 =	vsel vm0, v5, v30;
	(xrf1) =	vsort.dscd.msk.f32 $0xffff, v7, v9;
	v7, v9, _ =	vpop (xrf1)  }
0xa6: {  	v7 =	vsel vm0, v7, v20  }
0xa7: {  	v13 =	vperm.xlane v32, v4;
	v6 =	vsel vm0, v9, v6  }
0xa8: {  	v15 =	vperm.xlane v16, v4;
	(xrf1) =	vsort.dscd.msk.f32 $0xffff, v5, v11;
	v5, v11, _ =	vpop (xrf1)  }
0xa9: {  	v10 =	vperm.xlane v10, v4;
	v14 =	vperm.xlane v33, v4;
	v9, v16, _ =	vpop (xrf1)  }
0xaa: {  	v17 =	vperm.xlane v34, v4;
	(xrf1) =	vsort.dscd.msk.f32 $0xffff, v7, v6;
	v9 =	vsel vm0, v9, v15;
	v6, v7, _ =	vpop (xrf1)  }
0xab: {  	v12 =	vperm.xlane v12, v4;
	v5 =	vsel vm0, v5, v13;
	v11 =	vsel vm0, v11, v14;
	v13, v18, _ =	vpop (xrf1)  }
0xac: {  	v14 =	vsel vm0, v16, v17;
	(xrf1) =	vsort.dscd.msk.f32 $0xffff, v5, v11;
	v6 =	vsel vm0, v6, v10;
	v5 =	vmul.f32 $1.442695020e+00, v13  }
0xad: {  	(xrf1) =	vsort.dscd.msk.f32 $0xffff, v9, v14;
	v9, v16, _ =	vpop (xrf1)  }
0xae: {  	v19 =	vpop (erf);
	v7 =	vsel vm0, v7, v12;
	v9 =	vmul.f32 $1.442695020e+00, v9  }
0xaf: {  	v10, v17, _ =	vpop (xrf1);
	(erf) = vpow2.f32 v5  }
0xb0: {  	(xrf1) =	vsort.dscd.msk.f32 $0xffff, v6, v7;
	(erf) = vpow2.f32 v9;
	v9 =	vmul.f32 $1.442695020e+00, v10;
	v5, v6, _ =	vpop (xrf1)  }
0xb1: {  	v7, v21, _ =	vpop (xrf1)  }
0xb2: {  	v5 =	vmul.f32 $1.442695020e+00, v5;
	(erf) = vpow2.f32 v9;
	v10, v23, _ =	vpop (xrf1)  }
0xb3: {  	v7 =	vmul.f32 $1.442695020e+00, v7;
	v11, v24, _ =	vpop (xrf1)  }
0xb4: {  	v12, v26, _ =	vpop (xrf1)  }
0xb5: {  	v10 =	vmul.f32 $1.442695020e+00, v10;
	(erf) = vpow2.f32 v5;
	v9, v27, _ =	vpop (xrf1)  }
0xb6: {  	v11 =	vmul.f32 $1.442695020e+00, v11;
	v5, v28, _ =	vpop (xrf1)  }
0xb7: {  	(erf) = vpow2.f32 v7;
	v9 =	vmul.f32 $1.442695020e+00, v9;
	v7, v29, _ =	vpop (xrf1)  }
0xb8: {  	v12 =	vmul.f32 $1.442695020e+00, v12;
	(erf) = vpow2.f32 v10;
	v25 =	vpop (erf)  }
0xb9: {  	(erf) = vpow2.f32 v11;
	v10, v30, _ =	vpop (xrf1);
	v11 =	vnsel vm0, $0x0, v25  }
0xba: {  	(erf) = vpow2.f32 v12;
	v5 =	vmul.f32 $1.442695020e+00, v5;
	v31 =	vpop (erf);
	(xrf2) =	vadd.scan.msk.f32 $0xffff, v11  }
0xbb: {  	(erf) = vpow2.f32 v9;
	v12 =	vnsel vm0, $0x0, v31;
	v9 =	vpop (erf)  }
0xbc: {  	(xrf2) =	vadd.scan.msk.f32 $0xffff, v12;
	(erf) = vpow2.f32 v5;
	v11, v50, _ =	vpop (xrf1);
	v5 =	vnsel vm0, $0x0, v9  }
0xbd: {  	v7 =	vmul.f32 $1.442695020e+00, v7;
	v13, v51, _ =	vpop (xrf1);
	(xrf2) =	vadd.scan.msk.f32 $0xffff, v5  }
0xbe: {  	v53 =	vpop (erf)  }
0xbf: {  	v10 =	vmul.f32 $1.442695020e+00, v10;
	(erf) = vpow2.f32 v7;
	v12, v52, _ =	vpop (xrf1)  }
0xc0: {  	v5 =	vmul.f32 $1.442695020e+00, v11;
	v54 =	vpop (erf);
	v7 =	vmul.f32 $1.442695020e+00, v13  }
0xc1: {  	(erf) = vpow2.f32 v10;
	v22 =	vpop (erf)  }
0xc2: {  	(erf) = vpow2.f32 v5;
	v5 =	vnsel vm0, $0x0, v53;
	v10 =	vmul.f32 $1.442695020e+00, v12;
	v20 =	vpop (erf)  }
0xc3: {  	(erf) = vpow2.f32 v7;
	(xrf2) =	vadd.scan.msk.f32 $0xffff, v5;
	v5 =	vnsel vm0, $0x0, v54;
	v13 =	vpop (erf)  }
0xc4: {  	(xrf2) =	vadd.scan.msk.f32 $0xffff, v5;
	v5 =	vnsel vm0, $0x0, v22;
	v7, _, _ =	vpop (xrf2)  }
0xc5: {  	(erf) = vpow2.f32 v10;
	v12 =	vpop (erf);
	v7 =	vbroadcast v7, $0xF  }
0xc6: {  	v10, _, _ =	vpop (xrf2)  }
0xc7: {  	(xrf2) =	vadd.scan.msk.f32 $0xffff, v5;
	v10 =	vbroadcast v10, $0xF;
	(erf) = vrcp.f32 v7;
	v5, _, _ =	vpop (xrf2)  }
0xc8: {  	v11 =	vpop (erf);
	v5 =	vbroadcast v5, $0xF  }
0xc9: {  	v55 =	vnsel vm0, $0x0, v20;
	v15 =	vpop (erf);
	(erf) = vrcp.f32 v10  }
0xca: {  	v14 =	vpop (erf);
	(xrf2) =	vadd.scan.msk.f32 $0xffff, v55;
	(erf) = vrcp.f32 v5  }
0xcb: {  	v44 =	vpop (erf)  }
0xcc: {  	v42 =	vpop (erf)  }
0xcd: {  	v56, _, _ =	vpop (xrf2)  }
0xce: {  	v8 =	vmul.f32 v19, v8;
	v41 =	vpop (erf);
	v19 =	vbroadcast v56, $0xF  }
0xcf: {  	v59, _, _ =	vpop (xrf2)  }
0xd0: {  	v58 =	vnsel vm0, $0x0, v13;
	(erf) = vrcp.f32 v19;
	v61 =	vpop (erf)  }
0xd1: {  	v57 =	vperm.xlane v49, v4;
	(xrf2) =	vadd.scan.msk.f32 $0xffff, v58;
	v39 =	vmul.f32 v61, v25;
	v25, _, _ =	vpop (xrf2)  }
0xd2: {  	v18 =	vperm.xlane v18, v4;
	v62 =	vperm.xlane v17, v4;
	v17 =	vpop (erf)  }
0xd3: {  	v16 =	vperm.xlane v16, v4;
	v63 =	vperm.xlane v6, v4;
	v19 =	vnsel vm0, $0x0, v12;
	v6 =	vpop (erf)  }
0xd4: {  	s9 =	simm.s32 $0x4C80;
	v8 =	vsel vm0, v8, v57;
	v60 =	vbroadcast v59, $0xF;
	(xrf2) =	vadd.scan.msk.f32 $0xffff, v19;
	v6 =	vmul.f32 v6, v9;
	v9, _, _ =	vpop (xrf2)  }
0xd5: {  	[tilespmem:s9+$0x70] =	vst v8;
	v19 =	vnsel vm0, $0x0, v11;
	v17 =	vmul.f32 v17, v31;
	v9 =	vbroadcast v9, $0xF  }
0xd6: {  	(erf) = vrcp.f32 v60;
	(xrf2) =	vadd.scan.msk.f32 $0xffff, v19;
	v31 =	vbroadcast v25, $0xF;
	v8 =	vsel vm0, v39, v18  }
0xd7: {  	v21 =	vperm.xlane v21, v4;
	[tilespmem:s9+$0xFFFFFF80] =	vst v8;
	v8 =	vsel vm0, v17, v16  }
0xd8: {  	v24 =	vperm.xlane v24, v4;
	(erf) = vrcp.f32 v31;
	[tilespmem:s9+$0xFFFFFF90] =	vst v8;
	v8 =	vnsel vm0, $0x0, v15  }
0xd9: {  	v25 =	vperm.xlane v23, v4;
	(erf) = vrcp.f32 v9;
	v9 =	vpop (erf)  }
0xda: {  	v23 =	vperm.xlane v26, v4;
	v26 =	vmul.f32 v9, v53  }
0xdb: {  	v43 =	vperm.xlane v50, v4;
	v19 =	vperm.xlane v27, v4;
	v27 =	vnsel vm0, $0x0, v14;
	(xrf2) =	vadd.scan.msk.f32 $0xffff, v8;
	v8, _, _ =	vpop (xrf2)  }
0xdc: {  	v18 =	vperm.xlane v28, v4;
	v28 =	vbroadcast v8, $0xF;
	v26 =	vsel vm0, v26, v63  }
0xdd: {  	v49 =	vmovc v3;
	v40 =	vperm.xlane v51, v4;
	v32 =	vnsel vm0, $0x0, v42;
	v39 =	vperm.xlane v52, v4  }
0xde: {  	v17 =	vperm.xlane v29, v4;
	v16 =	vperm.xlane v30, v4;
	v29 =	vnsel vm0, $0x0, v44;
	(xrf2) =	vadd.scan.msk.f32 $0xffff, v27;
	v27, _, _ =	vpop (xrf2)  }
0xdf: {  	v31 =	vnsel vm0, $0x0, v41;
	v6 =	vsel vm0, v6, v62;
	v27 =	vbroadcast v27, $0xF;
	[tilespmem:s9+$0xFFFFFFB0] =	vst v26;
	v26 =	vpop (erf)  }
0xe0: {  	s11 =	simm.s32 $0x0;
	s12 =	simm.s32 $0x600;
	s10 =	simm.s32 $0x4C80;
	[tilespmem:s9+$0xFFFFFFA0] =	vst v6;
	(xrf2) =	vadd.scan.msk.f32 $0xffff, v29;
	(erf) = vrcp.f32 v28;
	v28, _, _ =	vpop (xrf2);
	v26 =	vmul.f32 v26, v54  }
.LBB2_2:
0xe1: {  	_ =	sdelay $0x3  }
0xe2: {  	v29 =	vld [tilespmem:s12+$0x1F0]  }
0xe3: {  	v45 =	vld [tilespmem:$0x1FFE0]  }
0xe4: {  	v52 =	vld [tilespmem:$0x1FFF0];
	v21 =	vsel vm0, v26, v21;
	v26 =	vbroadcast v28, $0xF;
	v28 =	vpop (erf)  }
0xe5: {  	[tilespmem:s9+$0xFFFFFFC0] =	vst v21;
	(erf) = vrcp.f32 v27;
	v27 =	vld [tilespmem:s12+$0x1D0];
	v21 =	vmul.f32 v28, v22  }
0xe6: {  	v22 =	vld [tilespmem:s12+$0x1E0];
	v28, _, _ =	vpop (xrf2)  }
0xe7: {  	(xrf2) =	vadd.scan.msk.f32 $0xffff, v32;
	v30 =	vld [tilespmem:s12+$0xFFFFFE30];
	v21 =	vsel vm0, v21, v25;
	v25 =	vbroadcast v28, $0xF;
	v28 =	vpop (erf)  }
0xe8: {  	(xrf1) =	vsort.dscd.msk.f32 $0xffff, v29, v49;
	(erf) = vrcp.f32 v26;
	v26 =	vld [tilespmem:s12+$0x1C0];
	v20 =	vmul.f32 v28, v20  }
0xe9: {  	(xrf2) =	vadd.scan.msk.f32 $0xffff, v31;
	[tilespmem:s9+$0xFFFFFFD0] =	vst v21;
	v21 =	vld [tilespmem:s12+$0xFFFFFE70];
	v28, _, _ =	vpop (xrf2)  }
0xea: {  	v29 =	vld [tilespmem:s12+$0xFFFFFEB0];
	(xrf1) =	vsort.dscd.msk.f32 $0xffff, v27, v45;
	v27 =	vpop (erf);
	v20 =	vsel vm0, v20, v24;
	v24 =	vbroadcast v28, $0xF  }
0xeb: {  	(erf) = vrcp.f32 v25;
	v25 =	vld [tilespmem:s12+$0xFFFFFEF0];
	(xrf1) =	vsort.dscd.msk.f32 $0xffff, v22, v52;
	v13 =	vmul.f32 v27, v13  }
0xec: {  	v31 =	vlaneseq.u32;
	[tilespmem:s9+$0xFFFFFFE0] =	vst v20;
	v20 =	vld [tilespmem:s12+$0xFFFFFF30];
	(xrf1) =	vsort.dscd.msk.f32 $0xffff, v30, v49;
	(erf) = vrcp.f32 v24  }
0xed: {  	v22, _, _ =	vpop (xrf2);
	v24 =	vld [tilespmem:s12+$0xFFFFFF70];
	(xrf1) =	vsort.dscd.msk.f32 $0xffff, v26, v31;
	v23 =	vsel vm0, v13, v23  }
0xee: {  	v0 =	vbroadcast v22, $0xF;
	v26 =	vld [tilespmem:s12+$0xFFFFFFB0];
	v22 =	vpop (erf);
	(xrf1) =	vsort.dscd.msk.f32 $0xffff, v21, v49;
	[tilespmem:s9+$0xFFFFFFF0] =	vst v23  }
0xef: {  	v12 =	vmul.f32 v22, v12;
	v21 =	vld [tilespmem:s12+$0xFFFFFFF0];
	(xrf1) =	vsort.dscd.msk.f32 $0xffff, v29, v49  }
0xf0: {  	v23 =	vld [tilespmem:s12+$0x30];
	(xrf1) =	vsort.dscd.msk.f32 $0xffff, v25, v49  }
0xf1: {  	v22, _, _ =	vpop (xrf2);
	v25 =	vld [tilespmem:s12+$0x70];
	v19 =	vsel vm0, v12, v19;
	(xrf1) =	vsort.dscd.msk.f32 $0xffff, v20, v49  }
0xf2: {  	v56 =	vbroadcast v22, $0xF;
	v22 =	vpop (erf);
	[tilespmem:s9+$0x0] =	vst v19;
	v19 =	vld [tilespmem:s12+$0xB0];
	(xrf1) =	vsort.dscd.msk.f32 $0xffff, v24, v49  }
0xf3: {  	v20, _, _ =	vpop (xrf2);
	v11 =	vmul.f32 v22, v11;
	v22 =	vld [tilespmem:s12+$0xF0];
	(xrf1) =	vsort.dscd.msk.f32 $0xffff, v26, v49  }
0xf4: {  	v57 =	vbroadcast v20, $0xF;
	v20 =	vpop (erf);
	(xrf1) =	vsort.dscd.msk.f32 $0xffff, v21, v49  }
0xf5: {  	v24 =	vld [tilespmem:s12+$0x130];
	v15 =	vmul.f32 v20, v15;
	(xrf1) =	vsort.dscd.msk.f32 $0xffff, v23, v49;
	v20 =	vpop (erf)  }
0xf6: {  	(xrf1) =	vsort.dscd.msk.f32 $0xffff, v25, v49  }
0xf7: {  	v18 =	vsel vm0, v11, v18;
	v14 =	vmul.f32 v20, v14;
	(xrf1) =	vsort.dscd.msk.f32 $0xffff, v19, v49;
	v19, v20, _ =	vpop (xrf1)  }
0xf8: {  	[tilespmem:s9+$0x10] =	vst v18;
	v18 =	vld [tilespmem:s12+$0x170];
	(xrf1) =	vsort.dscd.msk.f32 $0xffff, v22, v49;
	v19 =	vperm.xlane v19, v4;
	v22, v23, _ =	vpop (xrf1)  }
0xf9: {  	v15 =	vsel vm0, v15, v17;
	v20 =	vperm.xlane v20, v4;
	v22 =	vperm.xlane v22, v4;
	v58, v26, _ =	vpop (xrf1)  }
0xfa: {  	v21 =	vld [tilespmem:s12+$0x1B0];
	(xrf1) =	vsort.dscd.msk.f32 $0xffff, v24, v49;
	v14 =	vsel vm0, v14, v16;
	v16 =	vperm.xlane v23, v4;
	v23, v24, _ =	vpop (xrf1)  }
0xfb: {  	v17 =	vld [tilespmem:s12+$0xFFFFFE10];
	v19 =	vsel vm0, v58, v19;
	v20 =	vsel vm0, v26, v20;
	v30 =	vperm.xlane v24, v4;
	v59, v24, _ =	vpop (xrf1)  }
0xfc: {  	(xrf1) =	vsort.dscd.msk.f32 $0xffff, v19, v20;
	v16 =	vsel vm0, v24, v16  }
0xfd: {  	[tilespmem:s9+$0x20] =	vst v15;
	v15 =	vld [tilespmem:s12+$0xFFFFFE20];
	v29 =	vperm.xlane v23, v4;
	v20 =	vsel vm0, v59, v22;
	v22, v23, _ =	vpop (xrf1);
	(xrf1) =	vsort.dscd.msk.f32 $0xffff, v18, v49  }
0xfe: {  	v25 =	vld [tilespmem:s12+$0xFFFFFE50];
	v60, v24, _ =	vpop (xrf1);
	(xrf1) =	vsort.dscd.msk.f32 $0xffff, v20, v16  }
0xff: {  	[tilespmem:$0x1FF10] =	vst v41;
	v27 =	vld [tilespmem:s12+$0xFFFFFE60];
	v41 =	vperm.xlane v23, v4;
	v16, v23, _ =	vpop (xrf1);
	(xrf1) =	vsort.dscd.msk.f32 $0xffff, v21, v49  }
0x100: {  	[tilespmem:s9+$0x30] =	vst v14;
	v14 =	vld [tilespmem:s12+$0xFFFFFE90];
	(xrf1) =	vsort.dscd.msk.f32 $0xffff, v17, v45  }
0x101: {  	v19 =	vld [tilespmem:s12+$0xFFFFFEA0];
	v48 =	vperm.xlane v24, v4;
	v61, v17, _ =	vpop (xrf1)  }
0x102: {  	v18 =	vld [tilespmem:s12+$0xFFFFFED0];
	v37 =	vperm.xlane v16, v4;
	v38 =	vperm.xlane v23, v4;
	(xrf1) =	vsort.dscd.msk.f32 $0xffff, v15, v52;
	v15, v16, _ =	vpop (xrf1)  }
0x103: {  	[tilespmem:$0x1FEA0] =	vst v44;
	v20 =	vld [tilespmem:s12+$0xFFFFFEE0];
	v44 =	vperm.xlane v17, v4;
	v1 =	vperm.xlane v15, v4;
	(xrf1) =	vsort.dscd.msk.f32 $0xffff, v25, v45;
	v15, v24, _ =	vpop (xrf1)  }
0x104: {  	[tilespmem:$0x1FE40] =	vst v0;
	v21 =	vld [tilespmem:s12+$0xFFFFFF10];
	v50 =	vperm.xlane v16, v4;
	v0 =	vperm.xlane v24, v4;
	(xrf1) =	vsort.dscd.msk.f32 $0xffff, v27, v52;
	v2, v24, _ =	vpop (xrf1)  }
0x105: {  	[tilespmem:$0x1FEF0] =	vst v40;
	v23 =	vld [tilespmem:s12+$0xFFFFFF20];
	v16 =	vperm.xlane v15, v4;
	v46 =	vperm.xlane v24, v4;
	(xrf1) =	vsort.dscd.msk.f32 $0xffff, v14, v45;
	v14, v15, _ =	vpop (xrf1)  }
0x106: {  	[tilespmem:$0x1FF20] =	vst v39;
	v17 =	vld [tilespmem:s12+$0xFFFFFF50];
	v39 =	vperm.xlane v14, v4;
	v40 =	vperm.xlane v15, v4;
	(xrf1) =	vsort.dscd.msk.f32 $0xffff, v19, v52;
	v14, v15, _ =	vpop (xrf1)  }
0x107: {  	v33 =	vperm.xlane v14, v4;
	v34 =	vperm.xlane v15, v4;
	(xrf1) =	vsort.dscd.msk.f32 $0xffff, v18, v45;
	v14, v15, _ =	vpop (xrf1)  }
0x108: {  	v25 =	vld [tilespmem:s12+$0xFFFFFF60];
	v18 =	vperm.xlane v14, v4;
	v32 =	vperm.xlane v15, v4;
	(xrf1) =	vsort.dscd.msk.f32 $0xffff, v20, v52;
	v14, v15, _ =	vpop (xrf1)  }
0x109: {  	v26 =	vld [tilespmem:s12+$0xFFFFFF90];
	v27 =	vperm.xlane v14, v4;
	v28 =	vperm.xlane v15, v4;
	(xrf1) =	vsort.dscd.msk.f32 $0xffff, v21, v45;
	v14, v15, _ =	vpop (xrf1)  }
0x10a: {  	v35 =	vld [tilespmem:s12+$0xFFFFFFA0];
	v62 =	vperm.xlane v14, v4;
	v19 =	vperm.xlane v15, v4;
	(xrf1) =	vsort.dscd.msk.f32 $0xffff, v23, v52;
	v14, v15, _ =	vpop (xrf1)  }
0x10b: {  	(xrf1) =	vsort.dscd.msk.f32 $0xffff, v17, v45;
	v14 =	vperm.xlane v14, v4;
	v15 =	vperm.xlane v15, v4;
	v17, v20, _ =	vpop (xrf1)  }
0x10c: {  	v36 =	vld [tilespmem:s12+$0xFFFFFFD0];
	v23 =	vperm.xlane v17, v4;
	v24 =	vperm.xlane v20, v4;
	v17, v20, _ =	vpop (xrf1)  }
0x10d: {  	(xrf1) =	vsort.dscd.msk.f32 $0xffff, v25, v52;
	v14 =	vsel vm0, v17, v14;
	v15 =	vsel vm0, v20, v15;
	v17, v20, _ =	vpop (xrf1)  }
0x10e: {  	(xrf1) =	vsort.dscd.msk.f32 $0xffff, v26, v45;
	v25 =	vperm.xlane v17, v4;
	v26 =	vperm.xlane v20, v4;
	v17, v20, _ =	vpop (xrf1)  }
0x10f: {  	[tilespmem:$0x1FEE0] =	vst v42;
	v42 =	vld [tilespmem:s12+$0xFFFFFFE0];
	(xrf1) =	vsort.dscd.msk.f32 $0xffff, v35, v52;
	v35 =	vperm.xlane v20, v4  }
0x110: {  	v51 =	vld [tilespmem:s12+$0x10];
	(xrf1) =	vsort.dscd.msk.f32 $0xffff, v14, v15;
	v63 =	vperm.xlane v17, v4;
	v17, v20, _ =	vpop (xrf1)  }
0x111: {  	v53 =	vld [tilespmem:s12+$0x20];
	v22 =	vperm.xlane v22, v4;
	(xrf1) =	vsort.dscd.msk.f32 $0xffff, v36, v45;
	v36 =	vsel vm0, v17, v29;
	v21, v29, _ =	vpop (xrf1);
	[tilespmem:$0x1FE90] =	vst v35  }
0x112: {  	v54 =	vld [tilespmem:s12+$0x50];
	[tilespmem:$0x1FE50] =	vst v36;
	v35 =	vperm.xlane v21, v4;
	v36 =	vperm.xlane v29, v4;
	v21, v29, _ =	vpop (xrf1)  }
0x113: {  	v55 =	vld [tilespmem:s12+$0x60];
	v20 =	vsel vm0, v20, v30;
	v21 =	vsel vm0, v21, v22;
	v22 =	vsel vm0, v29, v41;
	v29, v30, _ =	vpop (xrf1)  }
0x114: {  	[tilespmem:$0x1FEC0] =	vst v56;
	v56 =	vld [tilespmem:s12+$0x90];
	(xrf1) =	vsort.dscd.msk.f32 $0xffff, v42, v52;
	v41 =	vperm.xlane v29, v4;
	v42 =	vperm.xlane v30, v4;
	v29, v30, _ =	vpop (xrf1)  }
0x115: {  	[tilespmem:$0x1FF00] =	vst v57;
	v57 =	vld [tilespmem:s12+$0xA0];
	(xrf1) =	vsort.dscd.msk.f32 $0xffff, v51, v45;
	v51 =	vsel vm0, v30, v48  }
0x116: {  	v58 =	vld [tilespmem:s12+$0xD0];
	v47 =	vperm.xlane v60, v4;
	(xrf1) =	vsort.dscd.msk.f32 $0xffff, v53, v52  }
0x117: {  	[tilespmem:$0x1FED0] =	vst v43;
	v59 =	vld [tilespmem:s12+$0xE0];
	v43 =	vperm.xlane v61, v4;
	(xrf1) =	vsort.dscd.msk.f32 $0xffff, v54, v45;
	v53, v54, _ =	vpop (xrf1)  }
0x118: {  	v60 =	vld [tilespmem:s12+$0x110];
	v12 =	vperm.xlane v2, v4;
	v47 =	vsel vm0, v29, v47;
	(xrf1) =	vsort.dscd.msk.f32 $0xffff, v55, v52;
	[tilespmem:$0x1FE70] =	vst v51;
	v51, v2, _ =	vpop (xrf1)  }
0x119: {  	(xrf1) =	vsort.dscd.msk.f32 $0xffff, v56, v45;
	v30 =	vsel vm0, v51, v37;
	v29 =	vsel vm0, v2, v38;
	v38, v37, _ =	vpop (xrf1)  }
0x11a: {  	v61 =	vld [tilespmem:s12+$0x120];
	[tilespmem:$0x1FE60] =	vst v47;
	v47 =	vperm.xlane v53, v4;
	v48 =	vperm.xlane v54, v4;
	(xrf1) =	vsort.dscd.msk.f32 $0xffff, v57, v52;
	v2, v57, _ =	vpop (xrf1)  }
0x11b: {  	[tilespmem:$0x1FE30] =	vst v62;
	v62 =	vld [tilespmem:s12+$0x150];
	v53 =	vperm.xlane v38, v4;
	v54 =	vperm.xlane v37, v4;
	(xrf1) =	vsort.dscd.msk.f32 $0xffff, v58, v45;
	v38, v37, _ =	vpop (xrf1)  }
0x11c: {  	[tilespmem:$0x1FE80] =	vst v63;
	v63 =	vld [tilespmem:s12+$0x160];
	v43 =	vsel vm0, v2, v43;
	(xrf1) =	vsort.dscd.msk.f32 $0xffff, v59, v52;
	v55 =	vperm.xlane v38, v4;
	v38, v2, _ =	vpop (xrf1)  }
0x11d: {  	v5 =	vld [tilespmem:s12+$0x190];
	(xrf1) =	vsort.dscd.msk.f32 $0xffff, v60, v45;
	v38 =	vsel vm0, v38, v1;
	v50 =	vsel vm0, v2, v50;
	v2, v1, _ =	vpop (xrf1)  }
0x11e: {  	v6 =	vld [tilespmem:s12+$0x1A0];
	v56 =	vperm.xlane v37, v4;
	v37, v10, _ =	vpop (xrf1)  }
0x11f: {  	v8 =	vld [tilespmem:s12+$0xFFFFFE40];
	(xrf1) =	vsort.dscd.msk.f32 $0xffff, v61, v52;
	v51 =	vsel vm0, v37, v16;
	v37 =	vsel vm0, v10, v0;
	v61, v0, _ =	vpop (xrf1)  }
0x120: {  	v9 =	vld [tilespmem:s12+$0xFFFFFE80];
	v44 =	vsel vm0, v57, v44;
	v57 =	vperm.xlane v2, v4;
	(xrf1) =	vsort.dscd.msk.f32 $0xffff, v62, v45;
	v17 =	vmul.f32 $1.442695020e+00, v61;
	v61, v2, _ =	vpop (xrf1)  }
0x121: {  	v11 =	vld [tilespmem:s12+$0xFFFFFEC0];
	(xrf1) =	vsort.dscd.msk.f32 $0xffff, v63, v52  }
0x122: {  	v59 =	vld [tilespmem:s12+$0xFFFFFF00];
	v16 =	vperm.xlane v61, v4;
	v3, v61, _ =	vpop (xrf1);
	(xrf1) =	vsort.dscd.msk.f32 $0xffff, v5, v45  }
0x123: {  	v60 =	vld [tilespmem:s12+$0xFFFFFF40];
	(erf) = vpow2.f32 v17;
	v45 =	vsel vm0, v3, v12;
	v3, v5, _ =	vpop (xrf1);
	(xrf1) =	vsort.dscd.msk.f32 $0xffff, v6, v52  }
0x124: {  	v7 =	vld [tilespmem:s12+$0xFFFFFF80];
	v58 =	vperm.xlane v1, v4;
	(xrf1) =	vsort.dscd.msk.f32 $0xffff, v8, v31;
	v8, v1, _ =	vpop (xrf1)  }
0x125: {  	v15 =	vperm.xlane v2, v4;
	(xrf1) =	vsort.dscd.msk.f32 $0xffff, v9, v31;
	v9, v2, _ =	vpop (xrf1)  }
0x126: {  	v10 =	vld [tilespmem:s12+$0xFFFFFFC0];
	(xrf1) =	vsort.dscd.msk.f32 $0xffff, v11, v31;
	v11, v52, _ =	vpop (xrf1)  }
0x127: {  	v62 =	vld [tilespmem:s12+$0x0];
	v17 =	vsel vm0, v8, v39;
	v8 =	vsel vm0, v52, v34;
	(xrf1) =	vsort.dscd.msk.f32 $0xffff, v59, v31;
	v34, v52, _ =	vpop (xrf1)  }
0x128: {  	[tilespmem:$0x1FEB0] =	vst v0;
	v14 =	vperm.xlane v5, v4;
	v59 =	vperm.xlane v52, v4;
	(xrf1) =	vsort.dscd.msk.f32 $0xffff, v60, v31;
	v52, v0, _ =	vpop (xrf1)  }
0x129: {  	v39 =	vsel vm0, v1, v40;
	v1 =	vld [tilespmem:s12+$0xFFFFFE00];
	v5 =	vsel vm0, v0, v32;
	(xrf1) =	vsort.dscd.msk.f32 $0xffff, v7, v31;
	v7, v0, _ =	vpop (xrf1)  }
0x12a: {  	v52 =	vsel vm0, v52, v18;
	v18 =	vld [tilespmem:$0x1FE30];
	v32 =	vperm.xlane v0, v4;
	v60, v0, _ =	vpop (xrf1)  }
0x12b: {  	v63 =	vld [tilespmem:s12+$0x40];
	v13 =	vperm.xlane v3, v4;
	(xrf1) =	vsort.dscd.msk.f32 $0xffff, v10, v31;
	v3 =	vsel vm0, v0, v28;
	v10, v28, _ =	vpop (xrf1)  }
0x12c: {  	v12 =	vld [tilespmem:s12+$0x80];
	(xrf1) =	vsort.dscd.msk.f32 $0xffff, v62, v31;
	v62 =	vpop (erf)  }
0x12d: {  	v27 =	vsel vm0, v60, v27;
	v60 =	vperm.xlane v10, v4;
	v10 =	vnsel vm0, $0x0, v62  }
0x12e: {  	v6 =	vld [tilespmem:s12+$0xC0];
	(xrf1) =	vsort.dscd.msk.f32 $0xffff, v1, v31;
	v1, v0, _ =	vpop (xrf1)  }
0x12f: {  	v40 =	vld [tilespmem:s12+$0x100];
	v0 =	vsel vm0, v0, v19;
	(xrf2) =	vadd.scan.msk.f32 $0xffff, v10;
	v1 =	vsel vm0, v1, v18;
	v18, v19, _ =	vpop (xrf1)  }
0x130: {  	(xrf1) =	vsort.dscd.msk.f32 $0xffff, v63, v31;
	v10, v63, _ =	vpop (xrf1)  }
0x131: {  	(xrf1) =	vsort.dscd.msk.f32 $0xffff, v12, v31;
	v23 =	vsel vm0, v10, v23;
	v10, v12, _ =	vpop (xrf1)  }
0x132: {  	v46 =	vsel vm0, v61, v46;
	v61 =	vperm.xlane v2, v4  }
0x133: {  	v2 =	vld [tilespmem:s12+$0x140];
	v24 =	vsel vm0, v63, v24;
	(xrf1) =	vsort.dscd.msk.f32 $0xffff, v6, v31;
	v63 =	vperm.xlane v10, v4;
	v6, v10, _ =	vpop (xrf1)  }
0x134: {  	v6 =	vsel vm0, v6, v25;
	v25 =	vsel vm0, v10, v26;
	v10, v26, _ =	vpop (xrf1);
	(xrf1) =	vsort.dscd.msk.f32 $0xffff, v40, v31;
	v40 =	vld [tilespmem:$0x1FE40]  }
0x135: {  	v11 =	vsel vm0, v11, v33;
	v33 =	vld [tilespmem:s12+$0x180];
	_ =	sdelay $0x2  }
0x136: {  	v35 =	vsel vm0, v10, v35;
	v26 =	vsel vm0, v26, v36;
	v10, v36, _ =	vpop (xrf1)  }
0x137: {  	(xrf1) =	vsort.dscd.msk.f32 $0xffff, v2, v31;
	v2 =	vsel vm0, v10, v41;
	(erf) = vrcp.f32 v40;
	v10, v40, _ =	vpop (xrf1)  }
0x138: {  	(xrf1) =	vsort.dscd.msk.f32 $0xffff, v33, v31;
	v33 =	vsel vm0, v10, v47;
	v10 =	vld [tilespmem:$0x1FE50];
	_ =	sdelay $0x4  }
0x139: {  	(xrf1) =	vsort.dscd.msk.f32 $0xffff, v10, v20;
	v10, v20, _ =	vpop (xrf1)  }
0x13a: {  	v53 =	vsel vm0, v10, v53;
	v20 =	vsel vm0, v20, v54;
	v10, v54, _ =	vpop (xrf1)  }
0x13b: {  	v31 =	vld [tilespmem:$0x1FE70];
	(xrf1) =	vsort.dscd.msk.f32 $0xffff, v21, v22;
	v55 =	vsel vm0, v10, v55;
	v10, v21, _ =	vpop (xrf1)  }
0x13c: {  	v22 =	vsel vm0, v10, v57;
	v10 =	vld [tilespmem:$0x1FE60];
	_ =	sdelay $0x4  }
0x13d: {  	(xrf1) =	vsort.dscd.msk.f32 $0xffff, v10, v31;
	v10, _, _ =	vpop (xrf2)  }
0x13e: {  	(xrf1) =	vsort.dscd.msk.f32 $0xffff, v30, v29;
	v29, v30, _ =	vpop (xrf1)  }
0x13f: {  	v10 =	vbroadcast v10, $0xF;
	v16 =	vsel vm0, v29, v16;
	v15 =	vsel vm0, v30, v15;
	(xrf1) =	vsort.dscd.msk.f32 $0xffff, v43, v44;
	v29, v30, _ =	vpop (xrf1)  }
0x140: {  	v13 =	vsel vm0, v29, v13;
	v14 =	vsel vm0, v30, v14;
	v29, v30, _ =	vpop (xrf1);
	(xrf1) =	vsort.dscd.msk.f32 $0xffff, v38, v50  }
0x141: {  	(erf) = vrcp.f32 v10;
	v10 =	vld [tilespmem:$0x1FE80];
	(xrf1) =	vsort.dscd.msk.f32 $0xffff, v51, v37  }
0x142: {  	v21 =	vsel vm0, v21, v58;
	v58, v57, _ =	vpop (xrf1);
	(xrf1) =	vsort.dscd.msk.f32 $0xffff, v45, v46  }
0x143: {  	v7 =	vperm.xlane v7, v4;
	v19 =	vperm.xlane v19, v4;
	(xrf1) =	vsort.dscd.msk.f32 $0xffff, v17, v39;
	v17, v43, _ =	vpop (xrf1)  }
0x144: {  	v18 =	vperm.xlane v18, v4;
	v12 =	vperm.xlane v12, v4;
	(xrf1) =	vsort.dscd.msk.f32 $0xffff, v11, v8;
	v8, v11, _ =	vpop (xrf1)  }
0x145: {  	v7 =	vsel vm0, v8, v7;
	v8 =	vsel vm0, v11, v32;
	(xrf1) =	vsort.dscd.msk.f32 $0xffff, v52, v5;
	v5, v11, _ =	vpop (xrf1)  }
0x146: {  	v29 =	vsel vm0, v29, v10;
	v10 =	vld [tilespmem:$0x1FE90];
	(xrf1) =	vsort.dscd.msk.f32 $0xffff, v27, v3;
	v3, v27, _ =	vpop (xrf1)  }
0x147: {  	v31 =	vld [tilespmem:$0x1FEA0];
	v3 =	vsel vm0, v3, v18;
	(xrf1) =	vsort.dscd.msk.f32 $0xffff, v1, v0;
	v0, v1, _ =	vpop (xrf1)  }
0x148: {  	v18 =	vsel vm0, v27, v19;
	v1 =	vsel vm0, v1, v12;
	v12, v19, _ =	vpop (xrf1);
	(xrf1) =	vsort.dscd.msk.f32 $0xffff, v23, v24;
	v23 =	vld [tilespmem:$0x1FEB0]  }
0x149: {  	v9 =	vperm.xlane v9, v4;
	v34 =	vperm.xlane v34, v4  }
0x14a: {  	v28 =	vperm.xlane v28, v4;
	v36 =	vsel vm0, v36, v42;
	v40 =	vsel vm0, v40, v48  }
0x14b: {  	v42 =	vsel vm0, v54, v56;
	v9 =	vsel vm0, v58, v9;
	v30 =	vsel vm0, v30, v10;
	v10 =	vpop (erf)  }
0x14c: {  	v61 =	vsel vm0, v57, v61;
	(xrf1) =	vsort.dscd.msk.f32 $0xffff, v6, v25;
	v10 =	vmul.f32 v10, v31;
	v6 =	vpop (erf)  }
0x14d: {  	v24, v25, _ =	vpop (xrf1);
	(xrf1) =	vsort.dscd.msk.f32 $0xffff, v29, v30;
	v45 =	vmul.f32 v6, v62;
	v31 =	vperm.xlane v23, v4  }
0x14e: {  	v17 =	vsel vm0, v17, v34;
	v44 =	vsel vm0, v43, v59;
	(xrf1) =	vsort.dscd.msk.f32 $0xffff, v35, v26;
	v26, v27, _ =	vpop (xrf1)  }
0x14f: {  	v5 =	vsel vm0, v5, v60;
	(xrf1) =	vsort.dscd.msk.f32 $0xffff, v2, v36;
	v46, v23, _ =	vpop (xrf1);
	v30 =	vsel vm0, v45, v31  }
0x150: {  	v11 =	vsel vm0, v11, v28;
	v0 =	vsel vm0, v0, v63;
	(xrf1) =	vsort.dscd.msk.f32 $0xffff, v33, v40;
	v6, v28, _ =	vpop (xrf1)  }
0x151: {  	s9 =	sadd.s32 $0x100, s9;
	v12 =	vperm.xlane v12, v4;
	v19 =	vperm.xlane v19, v4;
	(xrf1) =	vsort.dscd.msk.f32 $0xffff, v53, v20;
	v20, v29, _ =	vpop (xrf1)  }
0x152: {  	v24 =	vperm.xlane v24, v4;
	v25 =	vperm.xlane v25, v4;
	[tilespmem:s9+$0x70] =	vst v30;
	(xrf1) =	vsort.dscd.msk.f32 $0xffff, v55, v42;
	v30, v31, _ =	vpop (xrf1)  }
0x153: {  	v26 =	vperm.xlane v26, v4;
	v27 =	vperm.xlane v27, v4;
	(xrf1) =	vsort.dscd.msk.f32 $0xffff, v22, v21;
	v21, v22, _ =	vpop (xrf1)  }
0x154: {  	v2 =	vperm.xlane v46, v4;
	v23 =	vperm.xlane v23, v4;
	(xrf1) =	vsort.dscd.msk.f32 $0xffff, v16, v15;
	v15, v16, _ =	vpop (xrf1)  }
0x155: {  	v6 =	vperm.xlane v6, v4;
	v28 =	vperm.xlane v28, v4;
	(xrf1) =	vsort.dscd.msk.f32 $0xffff, v13, v14;
	v13, v14, _ =	vpop (xrf1)  }
0x156: {  	v20 =	vperm.xlane v20, v4;
	v29 =	vperm.xlane v29, v4;
	(xrf1) =	vsort.dscd.msk.f32 $0xffff, v9, v61;
	v9, v48, _ =	vpop (xrf1)  }
0x157: {  	v30 =	vperm.xlane v30, v4;
	v31 =	vperm.xlane v31, v4;
	(xrf1) =	vsort.dscd.msk.f32 $0xffff, v17, v44;
	v17, v50, _ =	vpop (xrf1)  }
0x158: {  	v21 =	vperm.xlane v21, v4;
	v22 =	vperm.xlane v22, v4;
	(xrf1) =	vsort.dscd.msk.f32 $0xffff, v7, v8;
	v7, v8, _ =	vpop (xrf1)  }
0x159: {  	v15 =	vperm.xlane v15, v4;
	v16 =	vperm.xlane v16, v4;
	(xrf1) =	vsort.dscd.msk.f32 $0xffff, v5, v11;
	v5, v11, _ =	vpop (xrf1)  }
0x15a: {  	v13 =	vperm.xlane v13, v4;
	v14 =	vperm.xlane v14, v4;
	(xrf1) =	vsort.dscd.msk.f32 $0xffff, v3, v18;
	v3, v18, _ =	vpop (xrf1)  }
0x15b: {  	v9 =	vperm.xlane v9, v4;
	v32 =	vperm.xlane v48, v4;
	v52, v51, _ =	vpop (xrf1);
	(xrf1) =	vsort.dscd.msk.f32 $0xffff, v0, v1  }
0x15c: {  	v53 =	vsel vm0, v52, v12;
	v54 =	vsel vm0, v51, v19;
	v12 =	vperm.xlane v18, v4;
	v18, v19, _ =	vpop (xrf1)  }
0x15d: {  	v55 =	vsel vm0, v18, v24;
	v24 =	vsel vm0, v19, v25;
	(xrf1) =	vsort.dscd.msk.f32 $0xffff, v53, v54;
	v0, v1, _ =	vpop (xrf1)  }
0x15e: {  	v26 =	vsel vm0, v0, v26;
	v25 =	vsel vm0, v1, v27;
	(xrf1) =	vsort.dscd.msk.f32 $0xffff, v55, v24;
	v18, v19, _ =	vpop (xrf1)  }
0x15f: {  	v24 =	vsel vm0, v18, v2;
	v18 =	vsel vm0, v19, v23;
	(xrf1) =	vsort.dscd.msk.f32 $0xffff, v26, v25  }
0x160: {  	v17 =	vperm.xlane v17, v4;
	v33 =	vperm.xlane v50, v4;
	v56, v57, _ =	vpop (xrf1);
	(xrf1) =	vsort.dscd.msk.f32 $0xffff, v24, v18;
	v18 =	vld [tilespmem:$0x1FEC0]  }
0x161: {  	v7 =	vperm.xlane v7, v4;
	v8 =	vperm.xlane v8, v4  }
0x162: {  	v5 =	vperm.xlane v5, v4;
	v11 =	vperm.xlane v11, v4;
	v23 =	vsel vm0, v56, v6;
	v58, v6, _ =	vpop (xrf1)  }
0x163: {  	v3 =	vperm.xlane v3, v4;
	v19 =	vsel vm0, v57, v28;
	v24 =	vsel vm0, v58, v20;
	v59, v60, _ =	vpop (xrf1)  }
0x164: {  	v20 =	vsel vm0, v6, v29;
	(xrf1) =	vsort.dscd.msk.f32 $0xffff, v23, v19;
	v23 =	vsel vm0, v59, v30;
	v61, v6, _ =	vpop (xrf1)  }
0x165: {  	(xrf1) =	vsort.dscd.msk.f32 $0xffff, v24, v20;
	v20 =	vsel vm0, v61, v21;
	v62, v63, _ =	vpop (xrf1);
	(erf) = vrcp.f32 v18;
	v18 =	vsel vm0, v60, v31  }
0x166: {  	v19 =	vsel vm0, v6, v22;
	v34, v6, _ =	vpop (xrf1);
	(xrf1) =	vsort.dscd.msk.f32 $0xffff, v23, v18;
	v18 =	vsel vm0, v62, v15  }
0x167: {  	v35, v36, _ =	vpop (xrf1);
	v15 =	vsel vm0, v63, v16;
	v16 =	vsel vm0, v34, v13;
	(xrf1) =	vsort.dscd.msk.f32 $0xffff, v20, v19  }
0x168: {  	v13 =	vsel vm0, v6, v14;
	v14 =	vsel vm0, v35, v9;
	v37, v6, _ =	vpop (xrf1);
	(xrf1) =	vsort.dscd.msk.f32 $0xffff, v18, v15  }
0x169: {  	v9 =	vsel vm0, v36, v32;
	v38, v39, _ =	vpop (xrf1);
	v15 =	vsel vm0, v37, v17;
	(xrf1) =	vsort.dscd.msk.f32 $0xffff, v16, v13  }
0x16a: {  	v13 =	vsel vm0, v6, v33;
	v40, v6, _ =	vpop (xrf1);
	(xrf1) =	vsort.dscd.msk.f32 $0xffff, v14, v9;
	v9 =	vsel vm0, v38, v7  }
0x16b: {  	v45 =	vld [tilespmem:$0x1FEE0];
	v7 =	vsel vm0, v39, v8;
	v8 =	vsel vm0, v40, v5;
	v41, v42, _ =	vpop (xrf1);
	(xrf1) =	vsort.dscd.msk.f32 $0xffff, v15, v13  }
0x16c: {  	v6 =	vsel vm0, v6, v11;
	v0 =	vsel vm0, v41, v3;
	v3, v5, _ =	vpop (xrf1);
	(xrf1) =	vsort.dscd.msk.f32 $0xffff, v9, v7  }
0x16d: {  	v46 =	vmul.f32 $1.442695020e+00, v3;
	v29 =	vperm.xlane v5, v4;
	v3, v5, _ =	vpop (xrf1);
	(xrf1) =	vsort.dscd.msk.f32 $0xffff, v8, v6;
	v6 =	vld [tilespmem:$0x1FEF0]  }
0x16e: {  	v47 =	vmul.f32 $1.442695020e+00, v3;
	v28 =	vperm.xlane v5, v4;
	v3, v5, _ =	vpop (xrf1)  }
0x16f: {  	v1 =	vsel vm0, v42, v12;
	v43 =	vpop (erf);
	(erf) = vpow2.f32 v46  }
0x170: {  	(xrf1) =	vsort.dscd.msk.f32 $0xffff, v0, v1;
	v3 =	vmul.f32 $1.442695020e+00, v3;
	v1 =	vmul.f32 v43, v45  }
0x171: {  	(erf) = vpow2.f32 v47  }
0x172: {  	v44 =	vld [tilespmem:$0x1FED0];
	v27 =	vperm.xlane v5, v4;
	(erf) = vpow2.f32 v3;
	v1 =	vsel vm0, v1, v6;
	v5, v6, _ =	vpop (xrf1)  }
0x173: {  	v48 =	vmul.f32 $1.442695020e+00, v5;
	v26 =	vperm.xlane v6, v4;
	v5, v6, _ =	vpop (xrf1)  }
0x174: {  	v21 =	vperm.xlane v6, v4;
	v6, v7, _ =	vpop (xrf1)  }
0x175: {  	v50, v8, _ =	vpop (xrf1)  }
0x176: {  	v51, v9, _ =	vpop (xrf1)  }
0x177: {  	v0 =	vsel vm0, v10, v44;
	v5 =	vmul.f32 $1.442695020e+00, v5;
	v6 =	vmul.f32 $1.442695020e+00, v6;
	v3, v10, _ =	vpop (xrf1)  }
0x178: {  	(erf) = vpow2.f32 v48;
	v25 =	vperm.xlane v7, v4;
	v55 =	vpop (erf)  }
0x179: {  	v2 =	vmul.f32 $1.442695020e+00, v50;
	(erf) = vpow2.f32 v5;
	v52, v11, _ =	vpop (xrf1)  }
0x17a: {  	[tilespmem:s10+$0x40] =	vst v0;
	v0 =	vmul.f32 $1.442695020e+00, v51;
	(erf) = vpow2.f32 v6;
	v7 =	vpop (erf)  }
0x17b: {  	v3 =	vmul.f32 $1.442695020e+00, v3;
	(erf) = vpow2.f32 v2;
	v5, v12, _ =	vpop (xrf1)  }
0x17c: {  	v24 =	vperm.xlane v8, v4;
	v56 =	vnsel vm0, $0x0, v55;
	(erf) = vpow2.f32 v0;
	v8 =	vpop (erf)  }
0x17d: {  	[tilespmem:s10+$0x50] =	vst v1;
	v1 =	vmul.f32 $1.442695020e+00, v52;
	(xrf2) =	vadd.scan.msk.f32 $0xffff, v56;
	v6, v13, _ =	vpop (xrf1);
	(erf) = vpow2.f32 v3  }
0x17e: {  	v23 =	vperm.xlane v9, v4;
	v5 =	vmul.f32 $1.442695020e+00, v5;
	v53, v14, _ =	vpop (xrf1)  }
0x17f: {  	v6 =	vmul.f32 $1.442695020e+00, v6;
	(erf) = vpow2.f32 v1;
	v54, v15, _ =	vpop (xrf1)  }
0x180: {  	v2 =	vmul.f32 $1.442695020e+00, v53;
	(erf) = vpow2.f32 v5;
	v3, v31, _ =	vpop (xrf1)  }
0x181: {  	v19 =	vperm.xlane v10, v4;
	v10 =	vld [tilespmem:$0x1FF00];
	v5 =	vnsel vm0, $0x0, v7;
	(erf) = vpow2.f32 v6;
	v9 =	vpop (erf)  }
0x182: {  	v0 =	vmul.f32 $1.442695020e+00, v54;
	(xrf2) =	vadd.scan.msk.f32 $0xffff, v5;
	(erf) = vpow2.f32 v2;
	v30 =	vpop (erf)  }
0x183: {  	v3 =	vmul.f32 $1.442695020e+00, v3;
	v22 =	vpop (erf)  }
0x184: {  	(erf) = vpow2.f32 v0;
	v20 =	vpop (erf)  }
0x185: {  	v16 =	vperm.xlane v13, v4;
	(erf) = vpow2.f32 v3;
	v13 =	vpop (erf)  }
0x186: {  	v17 =	vperm.xlane v12, v4;
	(erf) = vrcp.f32 v10;
	v12 =	vpop (erf)  }
0x187: {  	v45, _, _ =	vpop (xrf2)  }
0x188: {  	v18 =	vperm.xlane v11, v4;
	v11 =	vpop (erf)  }
0x189: {  	v6 =	vnsel vm0, $0x0, v8;
	v40 =	vperm.xlane v15, v4;
	v15 =	vpop (erf)  }
0x18a: {  	v43 =	vperm.xlane v14, v4;
	(xrf2) =	vadd.scan.msk.f32 $0xffff, v6;
	v57 =	vnsel vm0, $0x0, v9;
	v14 =	vpop (erf)  }
0x18b: {  	(xrf2) =	vadd.scan.msk.f32 $0xffff, v57;
	v44 =	vpop (erf)  }
0x18c: {  	v58 =	vnsel vm0, $0x0, v30;
	v48, _, _ =	vpop (xrf2)  }
0x18d: {  	(xrf2) =	vadd.scan.msk.f32 $0xffff, v58;
	v38 =	vbroadcast v45, $0xF;
	v42 =	vpop (erf)  }
0x18e: {  	v47 =	vld [tilespmem:$0x1FF10];
	v63 =	vpop (erf)  }
0x18f: {  	v59 =	vnsel vm0, $0x0, v22;
	v46 =	vpop (erf);
	(erf) = vrcp.f32 v38  }
0x190: {  	v50 =	vld [tilespmem:$0x1FF20];
	(xrf2) =	vadd.scan.msk.f32 $0xffff, v59;
	v2 =	vbroadcast v48, $0xF;
	_ =	sdelay $0x1  }
0x191: {  	(erf) = vrcp.f32 v2  }
0x192: {  	v0 =	vmul.f32 v46, v47  }
0x193: {  	v3 =	vnsel vm0, $0x0, v20;
	v51, _, _ =	vpop (xrf2)  }
0x194: {  	(xrf2) =	vadd.scan.msk.f32 $0xffff, v3;
	v52, _, _ =	vpop (xrf2);
	v38 =	vsel vm0, v0, v50;
	v0 =	vbroadcast v51, $0xF  }
0x195: {  	v1 =	vbroadcast v52, $0xF  }
0x196: {  	v10 =	vnsel vm0, $0x0, v13;
	v53, _, _ =	vpop (xrf2);
	(erf) = vrcp.f32 v0  }
0x197: {  	v5 =	vnsel vm0, $0x0, v12;
	(xrf2) =	vadd.scan.msk.f32 $0xffff, v10;
	v54 =	vpop (erf);
	(erf) = vrcp.f32 v1  }
0x198: {  	(xrf2) =	vadd.scan.msk.f32 $0xffff, v5;
	v0 =	vbroadcast v53, $0xF  }
0x199: {  	v61 =	vnsel vm0, $0x0, v11;
	v56, _, _ =	vpop (xrf2)  }
0x19a: {  	(xrf2) =	vadd.scan.msk.f32 $0xffff, v61;
	v3 =	vpop (erf);
	(erf) = vrcp.f32 v0  }
0x19b: {  	v60 =	vperm.xlane v31, v4;
	_ =	sdelay $0x1  }
0x19c: {  	v39 =	vmovc v60;
	v62 =	vnsel vm0, $0x0, v15;
	v6 =	vnsel vm0, $0x0, v14;
	v37 =	vnsel vm0, $0x0, v44  }
0x19d: {  	s11 =	sadd.s32 $0x10, s11;
	v32 =	vnsel vm0, $0x0, v42;
	v31 =	vnsel vm0, $0x0, v63;
	v58, _, _ =	vpop (xrf2);
	v55 =	vmul.f32 v54, v55  }
0x19e: {  	p0 =	slt.u32 s11, $0x120;
	v41 =	vmov v63;
	[tilespmem:s10+$0x60] =	vst v38;
	v2 =	vbroadcast v56, $0xF;
	v57 =	vmul.f32 v3, v7;
	v3 =	vpop (erf)  }
.Ltmp0:
0x19f: {  	(xrf2) =	vadd.scan.msk.f32 $0xffff, v62;
	v1 =	vbroadcast v58, $0xF;
	v5 =	vsel vm0, v55, v29;
	v59 =	vmul.f32 v3, v8;
	v3 =	vpop (erf);
	(pc) =	sbr.rel @p0 .LBB2_2-.Ltmp0, $4  }
0x1a0: {  	v60, _, _ =	vpop (xrf2);
	(xrf2) =	vadd.scan.msk.f32 $0xffff, v6;
	[tilespmem:s9+$0xFFFFFF80] =	vst v5;
	v0 =	vsel vm0, v57, v28;
	v61 =	vmul.f32 v3, v9  }
0x1a1: {  	v62, _, _ =	vpop (xrf2);
	(erf) = vrcp.f32 v2;
	[tilespmem:s9+$0xFFFFFF90] =	vst v0;
	v2 =	vbroadcast v60, $0xF;
	v0 =	vsel vm0, v59, v27  }
0x1a2: {  	v27 =	vbroadcast v62, $0xF;
	(erf) = vrcp.f32 v1;
	[tilespmem:s9+$0xFFFFFFA0] =	vst v0;
	v63 =	vpop (erf);
	v0 =	vsel vm0, v61, v26  }
0x1a3: {  	s12 =	sadd.s32 $0x400, s12;
	s10 =	smov.u32 s9;
	(xrf2) =	vadd.scan.msk.f32 $0xffff, v37;
	v28, _, _ =	vpop (xrf2);
	(erf) = vrcp.f32 v2;
	v26 =	vmul.f32 v63, v30;
	[tilespmem:s9+$0xFFFFFFB0] =	vst v0  }
0x1a4: {  	(xrf2) =	vadd.scan.msk.f32 $0xffff, v32  }
0x1a5: {  	(xrf2) =	vadd.scan.msk.f32 $0xffff, v31;
	_ =	sdelay $0x5  }
0x1a6: {  	v1 =	vbroadcast v28, $0xF;
	v0, _, _ =	vpop (xrf2)  }
0x1a7: {  	(erf) = vrcp.f32 v27;
	v0 =	vbroadcast v0, $0xF;
	v2, _, _ =	vpop (xrf2)  }
0x1a8: {  	(erf) = vrcp.f32 v1;
	v1 =	vbroadcast v2, $0xF;
	v2, _, _ =	vpop (xrf2)  }
0x1a9: {  	(erf) = vrcp.f32 v0;
	v0 =	vbroadcast v2, $0xF;
	v2, _, _ =	vpop (xrf2)  }
0x1aa: {  	(erf) = vrcp.f32 v1;
	v1 =	vbroadcast v2, $0xF;
	v2, _, _ =	vpop (xrf2)  }
0x1ab: {  	v2 =	vbroadcast v2, $0xF;
	(erf) = vrcp.f32 v0  }
0x1ac: {  	(erf) = vrcp.f32 v1  }
0x1ad: {  	v0 =	vpop (erf);
	(erf) = vrcp.f32 v2  }
0x1ae: {  	v3 =	vsel vm0, v26, v21;
	v1 =	vpop (erf);
	v0 =	vmul.f32 v0, v22  }
0x1af: {  	v2 =	vpop (erf);
	v1 =	vmul.f32 v1, v20  }
0x1b0: {  	[tilespmem:s9+$0xFFFFFFC0] =	vst v3;
	v5 =	vpop (erf);
	v0 =	vsel vm0, v0, v25;
	v2 =	vmul.f32 v2, v13  }
0x1b1: {  	v3 =	vpop (erf);
	[tilespmem:s9+$0xFFFFFFD0] =	vst v0;
	v0 =	vsel vm0, v1, v24;
	v1 =	vmul.f32 v5, v12  }
0x1b2: {  	v5 =	vpop (erf);
	[tilespmem:s9+$0xFFFFFFE0] =	vst v0;
	v0 =	vsel vm0, v2, v23;
	v2 =	vmul.f32 v3, v11  }
0x1b3: {  	[tilespmem:s9+$0xFFFFFFF0] =	vst v0;
	v0 =	vsel vm0, v1, v19;
	v1 =	vmul.f32 v5, v15;
	v3 =	vpop (erf)  }
0x1b4: {  	[tilespmem:s9+$0x0] =	vst v0;
	v0 =	vsel vm0, v2, v18;
	v2 =	vmul.f32 v3, v14;
	v3 =	vpop (erf)  }
0x1b5: {  	[tilespmem:s9+$0x10] =	vst v0;
	v0 =	vsel vm0, v1, v17;
	v1 =	vmul.f32 v3, v44;
	v3 =	vpop (erf)  }
0x1b6: {  	[tilespmem:s9+$0x20] =	vst v0;
	v0 =	vsel vm0, v2, v16;
	v2 =	vmul.f32 v3, v42;
	v3 =	vpop (erf)  }
0x1b7: {  	[tilespmem:s9+$0x30] =	vst v0;
	v0 =	vsel vm0, v1, v43;
	v1 =	vmul.f32 v3, v41  }
0x1b8: {  	s8 =	sadd.s32 $0x1, s8;
	[tilespmem:s10+$0x40] =	vst v0;
	v0 =	vsel vm0, v2, v40  }
0x1b9: {  	p0 =	sne.s32 s8, s5;
	[tilespmem:s10+$0x50] =	vst v0;
	v0 =	vsel vm0, v1, v39  }
.Ltmp1:
0x1ba: {  	[tilespmem:s10+$0x60] =	vst v0;
	(pc) =	sbr.rel @p0 .LBB2_1-.Ltmp1, $4  }
0x1bb: {  	[hbm4b:s4+s2] =	stream.linear.scatter [tilespmem:s7], [sflag:$0x1], $0x1300, $0x38;
	[tilespmem:$0x5F00] =	vst v63  }
0x1bc: {  	_ =	swait.ge [sflag:s6], $0x1300  }
0x1bd: {  	[sflag:s6] =	ssyncset.done $0x0;
	v1 =	vld [tilespmem:$0x1FFE0]  }
0x1be: {  	v3 =	vmov v49;
	v0 =	vlaneseq.u32;
	v2 =	vld [tilespmem:$0x1FFF0];
	[sflag:s6] =	ssyncadd.s32 $0xFFFFED00  }
0x1bf: {  	_ =	sfence.sel $0x180000  }
0x1c0: {  	[bflag:$0x0] =	sbarrier.arrive $0xFFFF  }
0x1c1: {  	p0 =	sne.s32 s0, $0x0;
	_ =	strace $0x9000004A  }
0x1c2: {  	s0 =	sadd.s32 @!p0 $0x100000, s1;
	[bflag:$0x2] =	sbarrier.arrive $0xFFFF  }
0x1c3: {  	[sflag:s0] =	ssyncadd.tile.s32 @!p0 $0x1;
	_ =	shalt  }
.Lfunc_end2:
_tile_overlayer_lowered:
.L_overlay_start_2:
0x1c4: {  	(tag) =	ssettag $0x2  }
0x1c5: {  	s0 =	rddreg [dreg:$0x0];
	s2 =	stileid.u32  }
0x1c6: {  	s1 =	rddreg [dreg:$0x1];
	p0 =	sne.s32 s2, $0x0  }
0x1c7: {  	s3 =	rddreg [dreg:$0x2];
	[bflag:$0x3] =	sbarrier.arrive $0xFFFF;
	s2 =	simm.s32 @!p0 $0x1C01  }
0x1c8: {  	[timem:s3], [sflag:s2] =	dma.local @!p0 [hbm:s0], s1  }
0x1c9: {  	s0 =	simm.s32 @!p0 $0x1  }
0x1ca: {  	_ =	swait.ge @!p0 [sflag:s0], s1  }
0x1cb: {  	s1 =	ssub.s32 @!p0 $0x0, s1;
	[sflag:s0] =	ssyncset.done @!p0 $0x0  }
0x1cc: {  	[sflag:s0] =	ssyncadd.s32 @!p0 s1  }
0x1cd: {  	[bflag:$0x3] =	sbarrier.arrive $0xFFFF  }
0x1ce: {  	_ =	shalt  }

// kernel: kernel.16.cloned.1.call-start
scs
__scs_entry_jumppad:
0x0: {  	(pc) =	sbr.rel $0x88, $3  }
0x1: {  	(tag) =	ssettag $0x0;
	lr =	simm.s32 $0x1  }
0x2: {  	[smem:$0x3F9F] =	sst lr;
	_ =	strace $0xD0000000  }
0x3: {  	_ = 	snop  }
0x4: {  	_ = 	snop  }
0x5: {  	_ = 	snop  }
0x6: {  	_ = 	snop  }
0x7: {  	_ = 	snop  }
__scs_overlays_trampoline_lowered:
0x8: {  	[smem:$0x3FAE] =	sst s0  }
0x9: {  	[smem:$0x3FAF] =	sst s1  }
0xa: {  	[smem:$0x3FB0] =	sst s2  }
0xb: {  	[smem:$0x3FB1] =	sst s3  }
0xc: {  	[smem:$0x3FB2] =	sst s4  }
0xd: {  	[smem:$0x3FB3] =	sst s5  }
0xe: {  	[smem:$0x3FB4] =	sst s6  }
0xf: {  	[smem:$0x3FB5] =	sst s7  }
0x10: {  	[smem:$0x3FB6] =	sst s8  }
0x11: {  	[smem:$0x3FB7] =	sst s9;
	s0 =	simm.s32 @!p0 $0x0  }
0x12: {  	s1 =	sld [smem:$0x3F9D];
	s0 =	simm.s32 @p0 $0x1  }
0x13: {  	[smem:$0x3FB8] =	sst s0;
	s0 =	simm.s32 @!p1 $0x0  }
0x14: {  	s2 =	sld [smem:$0x3F9C];
	s0 =	simm.s32 @p1 $0x1  }
0x15: {  	[smem:$0x3FB9] =	sst s0;
	s0 =	simm.s32 @!p2 $0x0  }
0x16: {  	s3 =	sld [smem:$0x3FDB];
	s0 =	simm.s32 @p2 $0x1  }
0x17: {  	s4 =	simm.s32 $0x1BF5;
	[smem:$0x3FBB] =	sst s0  }
0x18: {  	s0 =	sld [smem:$0x3F9E];
	_ =	swait.ge [sflag:s4], $0x0  }
0x19: {  	s7 =	sld [smem:$0x3F9F]  }
0x1a: {  	s8 =	sadd.s32 $0xFFFFE003, lr  }
0x1b: {  	s9 =	sadd.s32 $0xFFFFFEF7, lr;
	s5 =	simm.s32 $0xFFFFFFFF;
	p2 =	slt.u32 s8, $0xFFFFF086  }
0x1c: {  	p1 =	slt.u32 s9, $0xF7A;
	s5 =	simm.s32 @!p2 $0x0  }
0x1d: {  	s5 =	simm.s32 @p1 $0x1;
	p0 =	seq.s32 s7, s2  }
0x1e: {  	s7 =	smul.u32 @!p0 $0xF7A, s2;
	p2 =	seq.s32 @!p0 s5, $0x0  }
0x1f: {  	s9 =	smul.u32 $0xF7A, s1;
	s8 =	simm.s32 @!p0 $0x1BF5;
	p2 =	por !p2, p0  }
0x20: {  	[sflag:s8] =	ssyncset.s32 @!p0 $0xFFFFF086;
	s6 =	sadd.s32 @!p0 s3, s7;
	s7 =	simm.s32 @!p0 $0x108  }
0x21: {  	s3 =	sadd.s32 s3, s9;
	s6 =	sadd.s32 @!p0 $0x88, s6;
	s7 =	simm.s32 @p2 $0x1082  }
0x22: {  	[simem:s7], [sflag:s8] =	dma.local @!p0 [hbm:s6], $0xF7A  }
0x23: {  	s9 =	sor.u32 $0xD0000000, s2;
	s6 =	simm.s32 $0x108;
	_ =	swait.ge @!p0 [sflag:s8], $0x0  }
0x24: {  	s3 =	sadd.s32 $0x88, s3;
	s6 =	simm.s32 @!p1 $0x1082;
	[sflag:s4] =	ssyncset.s32 $0xFFFFF086  }
0x25: {  	[simem:s6], [sflag:s4] =	dma.local [hbm:s3], $0xF7A  }
0x26: {  	[smem:$0x3F9F] =	sst s1;
	(tag) =	ssettag s2;
	_ =	strace s9  }
0x27: {  	s1 =	sld [smem:$0x3FAF]  }
0x28: {  	s2 =	sld [smem:$0x3FB0]  }
0x29: {  	s4 =	sld [smem:$0x3FB2]  }
0x2a: {  	p0 =	seq.s32 s5, $0x0;
	s5 =	sld [smem:$0x3FB3]  }
0x2b: {  	s6 =	sld [smem:$0x3FB4]  }
0x2c: {  	s7 =	sld [smem:$0x3FB5]  }
0x2d: {  	s3 =	simm.s32 $0x108;
	s8 =	sld [smem:$0x3FB6]  }
0x2e: {  	s3 =	simm.s32 @!p0 $0x1082;
	s9 =	sld [smem:$0x3FB7]  }
0x2f: {  	lr =	sadd.s32 s0, s3;
	s0 =	sld [smem:$0x3FAE]  }
0x30: {  	s3 =	sld [smem:$0x3FB1]  }
0x31: {  	[smem:$0x3FBA] =	sst s10  }
0x32: {  	s10 =	sld [smem:$0x3FB8];
	_ =	sdelay $0x3  }
0x33: {  	p0 =	seq.s32 s10, $0x1;
	s10 =	sld [smem:$0x3FBA];
	_ =	sdelay $0x3  }
0x34: {  	[smem:$0x3FBA] =	sst s10  }
0x35: {  	s10 =	sld [smem:$0x3FB9];
	_ =	sdelay $0x3  }
0x36: {  	p1 =	seq.s32 s10, $0x1;
	s10 =	sld [smem:$0x3FBA];
	_ =	sdelay $0x3  }
0x37: {  	[smem:$0x3FBA] =	sst s10  }
0x38: {  	s10 =	sld [smem:$0x3FBB]  }
0x39: {  	_ = 	snop;
	(pc) =	sbr.ind lr, $3  }
0x3a: {  	_ = 	snop  }
0x3b: {  	_ = 	snop  }
0x3c: {  	p2 =	seq.s32 s10, $0x1;
	s10 =	sld [smem:$0x3FBA]  }
0x3d: {  	_ =	shalt  }
0x3e: {  	_ =	shalt  }
0x3f: {  	_ =	shalt  }
0x40: {  	_ =	shalt  }
0x41: {  	_ =	shalt  }
0x42: {  	_ =	shalt  }
0x43: {  	_ =	shalt  }
0x44: {  	_ =	shalt  }
0x45: {  	_ =	shalt  }
0x46: {  	_ =	shalt  }
0x47: {  	_ =	shalt  }
0x48: {  	_ =	shalt  }
0x49: {  	_ =	shalt  }
0x4a: {  	_ =	shalt  }
0x4b: {  	_ =	shalt  }
0x4c: {  	_ =	shalt  }
0x4d: {  	_ =	shalt  }
0x4e: {  	_ =	shalt  }
0x4f: {  	_ =	shalt  }
0x50: {  	_ =	shalt  }
0x51: {  	_ =	shalt  }
0x52: {  	_ =	shalt  }
0x53: {  	_ =	shalt  }
0x54: {  	_ =	shalt  }
0x55: {  	_ =	shalt  }
0x56: {  	_ =	shalt  }
0x57: {  	_ =	shalt  }
0x58: {  	_ =	shalt  }
0x59: {  	_ =	shalt  }
0x5a: {  	_ =	shalt  }
0x5b: {  	_ =	shalt  }
0x5c: {  	_ =	shalt  }
0x5d: {  	_ =	shalt  }
0x5e: {  	_ =	shalt  }
0x5f: {  	_ =	shalt  }
0x60: {  	_ =	shalt  }
0x61: {  	_ =	shalt  }
0x62: {  	_ =	shalt  }
0x63: {  	_ =	shalt  }
0x64: {  	_ =	shalt  }
0x65: {  	_ =	shalt  }
0x66: {  	_ =	shalt  }
0x67: {  	_ =	shalt  }
0x68: {  	_ =	shalt  }
0x69: {  	_ =	shalt  }
0x6a: {  	_ =	shalt  }
0x6b: {  	_ =	shalt  }
0x6c: {  	_ =	shalt  }
0x6d: {  	_ =	shalt  }
0x6e: {  	_ =	shalt  }
0x6f: {  	_ =	shalt  }
0x70: {  	_ =	shalt  }
0x71: {  	_ =	shalt  }
0x72: {  	_ =	shalt  }
0x73: {  	_ =	shalt  }
0x74: {  	_ =	shalt  }
0x75: {  	_ =	shalt  }
0x76: {  	_ =	shalt  }
0x77: {  	_ =	shalt  }
0x78: {  	_ =	shalt  }
0x79: {  	_ =	shalt  }
0x7a: {  	_ =	shalt  }
0x7b: {  	_ =	shalt  }
0x7c: {  	_ =	shalt  }
0x7d: {  	_ =	shalt  }
0x7e: {  	_ =	shalt  }
0x7f: {  	_ =	shalt  }
0x80: {  	_ =	shalt  }
0x81: {  	_ =	shalt  }
0x82: {  	_ =	shalt  }
0x83: {  	_ =	shalt  }
0x84: {  	_ =	shalt  }
0x85: {  	_ =	shalt  }
0x86: {  	_ =	shalt  }
0x87: {  	_ =	shalt  }
.Lfunc_end0:
.L_simem_size_0:
called_computation.2_lowered:
.L_overlay_start_0:
0x88: {  	s2 =	sld [smem:$0x3FD9]  }
0x89: {  	s3 =	sld [smem:$0x3FFE];
	_ =	sdelay $0x1  }
0x8a: {  	s1 =	srdreg.scid  }
0x8b: {  	s0 =	sand.u32 $0x1, s1  }
0x8c: {  	s15 =	sshll.u32 s0, $0xA;
	s2 =	sadd.s32 s3, s2  }
0x8d: {  	s2 =	sadd.s32 s2, s15  }
0x8e: {  	[smem:$0x3FC6] =	sst s2  }
0x8f: {  	_ = 	snop  }
0x90: {  	s2 =	sld [smem:$0x3FD0];
	_ =	sdelay $0x2  }
0x91: {  	s16 =	simm.s32 $0xD;
	s4 =	simm.s32 $0x10  }
0x92: {  	[smem:s4], [sflag:s16] =	dma.local [hbm:s2], $0x1  }
0x93: {  	_ =	swait.eq [sflag:s16], $0x1  }
0x94: {  	[sflag:s16] =	ssyncset.done $0x0  }
0x95: {  	[sflag:s16] =	ssyncadd.s32 $0xFFFFFFFF  }
0x96: {  	s17 =	sld [smem:$0x10];
	(tm) =	ssettm $0x1  }
0x97: {  	s18 =	sld [smem:$0x3FFB];
	_ =	sdelay $0x3  }
0x98: {  	_ =	strace s18  }
0x99: {  	s2 =	sld [smem:$0x3FFC];
	_ =	sdelay $0x3  }
0x9a: {  	_ =	strace s2  }
0x9b: {  	s2 =	sld [smem:$0x3FFD];
	_ =	sdelay $0x3  }
0x9c: {  	_ =	strace s2  }
0x9d: {  	_ =	strace $0x8FFFFFFF  }
0x9e: {  	s19 =	sld [smem:$0x3FDB];
	_ =	sdelay $0x1  }
0x9f: {  	s20 =	simm.s32 $_scs_section_size  }
0xa0: {  	s5 =	simm.s32 $_size__tile_overlayer_lowered;
	s6 =	simm.s32 $_tile_overlayer_lowered  }
0xa1: {  	s7 =	simm.s32 $0x1BFF;
	s21 =	sshll.u32 s6, $0x1;
	s4 =	sadd.s32 s20, s19  }
0xa2: {  	s22 =	simm.s32 $0x0;
	s5 =	sshll.u32 s5, $0x1;
	s6 =	sadd.s32 s21, s4  }
0xa3: {  	[timem:s22], [sflag:s7] =	dma.local [hbm:s6], s5  }
0xa4: {  	_ =	swait.ge [sflag:s7], s5  }
0xa5: {  	s5 =	ssub.s32 $0x0, s5;
	[sflag:s7] =	ssyncset.done $0x0  }
0xa6: {  	[sflag:s7] =	ssyncadd.s32 s5;
	_ =	sdelay $0x1  }
0xa7: {  	s23 =	simm.s32 $0x1B8B  }
0xa8: {  	_ =	swait.ge [sflag:s23], $0x1  }
0xa9: {  	[sflag:s23] =	ssyncset.done $0x0  }
0xaa: {  	[sflag:s23] =	ssyncadd.s32 $0xFFFFFFFF  }
0xab: {  	s5 =	sld [smem:$0x0]  }
0xac: {  	s6 =	sand.u32 $0xFFFFFFFE, s1  }
0xad: {  	p0 =	sne.s32 s1, s6  }
0xae: {  	s6 =	sshll.u32 @p0 s6, $0xE  }
0xaf: {  	s6 =	sadd.s32 @p0 $0x11B8D, s6;
	s7 =	sshll.u32 @p0 s5, $0x11  }
0xb0: {  	s6 =	sor.u32 @p0 s7, s6  }
0xb1: {  	[sflag:s6] =	ssyncadd.remote.s32 @p0 $0x1;
	_ =	sdelay $0x1  }
0xb2: {  	s6 =	simm.s32 @p0 $0x1B8D  }
0xb3: {  	_ =	swait.eq @p0 [sflag:s6], $0x1  }
0xb4: {  	[sflag:s6] =	ssyncadd.s32 @p0 $0xFFFFFFFF  }
0xb5: {  	s7 =	sshll.u32 @!p0 s1, $0xE  }
0xb6: {  	s7 =	sor.u32 @!p0 $0x4000, s7;
	s6 =	simm.s32 @!p0 $0x1B8D  }
0xb7: {  	s5 =	sshll.u32 @!p0 s5, $0x11;
	s7 =	sadd.s32 @!p0 $0x11B8D, s7;
	_ =	swait.eq @!p0 [sflag:s6], $0x1  }
0xb8: {  	s5 =	sor.u32 @!p0 s5, s7;
	[sflag:s6] =	ssyncadd.s32 @!p0 $0xFFFFFFFF  }
0xb9: {  	s25 =	simm.s32 $0x1B8E;
	s24 =	sld [smem:$0x3FFE];
	[sflag:s5] =	ssyncadd.remote.s32 @!p0 $0x1  }
0xba: {  	s26 =	simm.s32 $execute0_lowered;
	[smem:$0x3FD2] =	sst s25  }
0xbb: {  	s6 =	sshll.u32 s26, $0x1;
	_ =	strace $0x8000004C;
	[dreg:$0x1] =	wrdreg $0xFFFFFFFF  }
0xbc: {  	s28 =	simm.s32 $_size_execute0_lowered;
	s4 =	sadd.s32 s4, s6;
	[dreg:$0x0] =	wrdreg $0x0  }
0xbd: {  	s6 =	sshll.u32 s28, $0x1;
	[dreg:$0x2] =	wrdreg s4  }
0xbe: {  	[dreg:$0x3] =	wrdreg s6  }
0xbf: {  	[dreg:$0x4] =	wrdreg $0xC0  }
0xc0: {  	_ =	task [dreg:s22], $0x5FFFF  }
0xc1: {  	[dreg:$0x1] =	wrdreg $0xFFFFFFFF  }
0xc2: {  	[dreg:$0x0] =	wrdreg $0x60  }
0xc3: {  	[dreg:$0x2] =	wrdreg s24  }
0xc4: {  	[dreg:$0x3] =	wrdreg s17  }
0xc5: {  	[dreg:$0x4] =	wrdreg $0xB  }
0xc6: {  	_ =	task.clear_ibuf [dreg:s22], $0x5FFFF;
	_ =	strace $0x9000004C  }
0xc7: {  	s29 =	simm.s32 $0xB;
	_ =	strace $0x8000004E  }
0xc8: {  	_ =	swait.ge [sflag:s29], $0x1  }
0xc9: {  	[sflag:s29] =	ssyncadd.s32 $0xFFFFFFFF  }
0xca: {  	_ =	strace $0x9000004E  }
0xcb: {  	_ =	sfence  }
0xcc: {  	s30 =	sld [smem:$0x0];
	_ =	sdelay $0x2  }
0xcd: {  	s31 =	sshll.u32 s1, $0xD;
	s1 =	sshrl.u32 s1, $0x2  }
0xce: {  	s4 =	sand.u32 $0x4000, s31;
	s1 =	sadd.s32 s1, s30  }
0xcf: {  	s0 =	sor.u32 s4, s0;
	s1 =	sshll.u32 s1, $0x11  }
0xd0: {  	s0 =	sor.u32 s1, s0  }
0xd1: {  	s0 =	sadd.s32 $0x8F2B, s0  }
0xd2: {  	[sflag:s0] =	ssyncadd.remote.s32 $0x1  }
0xd3: {  	_ =	sfence.sel $0xFFFF  }
0xd4: {  	[dreg:$0x0] =	wrdreg $0xFFFFFFFF;
	(pc) =	sbr.abs _section_cstart, $3  }
0xd5: {  	[dreg:$0x1] =	wrdreg $0xFFFFFFFF  }
0xd6: {  	_ =	task.clear_ibuf [dreg:s22], $0x2FFFF;
	_ =	strace $0x9FFFFFFF  }
0xd7: {  	(tm) =	ssettm $0x7FFFFFFF  }
tec
execute0_lowered:
.L_overlay_start_1:
0x0: {  	(tag) =	ssettag $0x1  }
0x1: {  	s3 =	rddreg [dreg:$0x0]  }
0x2: {  	s1 =	srdreg.scid;
	s0 =	stileid.u32  }
0x3: {  	s4 =	rddreg [dreg:$0x1];
	s5 =	sand.u32 $0x1, s1;
	s2 =	sshll.u32 s0, $0x1  }
0x4: {  	s1 =	rddreg [dreg:$0x2];
	s6 =	sor.u32 s5, s2  }
0x5: {  	s2 =	simm.s32 $0x0;
	s5 =	ssub.s32 $0x2, s5;
	s7 =	smul.u32 $0x980, s6  }
0x6: {  	v0 =	vlaneseq.u32;
	[smem:$0x7FF] =	sst s2;
	s8 =	sshrl.u32 s5, $0x1;
	s6 =	smul.u32 $0x260, s6  }
0x7: {  	v4 =	vmul.u32 $0xFFFFFFFF, v0;
	v1 =	vor.u32 $0x10, v0;
	_ =	strace $0x8000004D;
	s5 =	ssub.s32 s5, s8;
	s8 =	simm.s32 $0x0  }
0x8: {  	v2 =	vor.u32 $0x20, v0;
	[tilespmem:$0x1FFE0] =	vst v1;
	s3 =	sadd.s32 s7, s3;
	s4 =	sadd.s32 s4, s6;
	s5 =	smax.u32 s5, $0x1  }
0x9: {  	vm0 =	vmmov $0xff;
	v3 =	vor.u32 $0x30, v0;
	v4 =	vadd.s32 $0xF, v4;
	[tilespmem:$0x1FFF0] =	vst v2;
	s6 =	simm.s32 $0x1;
	s7 =	simm.s32 $0x4C00;
	s3 =	sadd.s32 $0x30C00, s3  }
.LBB2_1:
0xa: {  	[tilespmem:s2], [sflag:$0x1] =	stream.linear.gather [hbm4b:s3+s2], $0x4C00, $0x38;
	[tilespmem:$0x5F00] =	vst v63  }
0xb: {  	_ =	swait.ge [sflag:s6], $0x4C00  }
0xc: {  	[sflag:s6] =	ssyncset.done $0x0  }
0xd: {  	s9 =	simm.s32 $0x200;
	[sflag:s6] =	ssyncadd.s32 $0xFFFFB400  }
0xe: {  	v5 =	vld [tilespmem:s9+$0x1F0]  }
0xf: {  	v6 =	vld [tilespmem:s9+$0x1D0]  }
0x10: {  	v7 =	vld [tilespmem:s9+$0x1E0]  }
0x11: {  	v8 =	vld [tilespmem:s9+$0xFFFFFE30]  }
0x12: {  	v9 =	vld [tilespmem:s9+$0x1C0]  }
0x13: {  	v10 =	vld [tilespmem:s9+$0xFFFFFE70];
	(xrf1) =	vsort.dscd.msk.f32 $0xffff, v5, v3  }
0x14: {  	v5 =	vld [tilespmem:s9+$0xFFFFFEB0];
	(xrf1) =	vsort.dscd.msk.f32 $0xffff, v6, v1  }
0x15: {  	v6 =	vld [tilespmem:s9+$0xFFFFFEF0];
	(xrf1) =	vsort.dscd.msk.f32 $0xffff, v7, v2  }
0x16: {  	v7 =	vld [tilespmem:s9+$0xFFFFFF30];
	(xrf1) =	vsort.dscd.msk.f32 $0xffff, v8, v3  }
0x17: {  	v8 =	vld [tilespmem:s9+$0xFFFFFF70];
	(xrf1) =	vsort.dscd.msk.f32 $0xffff, v9, v0  }
0x18: {  	v9 =	vld [tilespmem:s9+$0xFFFFFFB0];
	(xrf1) =	vsort.dscd.msk.f32 $0xffff, v10, v3  }
0x19: {  	v10 =	vld [tilespmem:s9+$0xFFFFFFF0];
	(xrf1) =	vsort.dscd.msk.f32 $0xffff, v5, v3  }
0x1a: {  	v5 =	vld [tilespmem:s9+$0x30];
	(xrf1) =	vsort.dscd.msk.f32 $0xffff, v6, v3  }
0x1b: {  	v6 =	vld [tilespmem:s9+$0x70];
	(xrf1) =	vsort.dscd.msk.f32 $0xffff, v7, v3  }
0x1c: {  	v7 =	vld [tilespmem:s9+$0xB0];
	(xrf1) =	vsort.dscd.msk.f32 $0xffff, v8, v3  }
0x1d: {  	v8 =	vld [tilespmem:s9+$0xF0];
	(xrf1) =	vsort.dscd.msk.f32 $0xffff, v9, v3  }
0x1e: {  	v9 =	vld [tilespmem:s9+$0x130];
	(xrf1) =	vsort.dscd.msk.f32 $0xffff, v10, v3  }
0x1f: {  	(xrf1) =	vsort.dscd.msk.f32 $0xffff, v5, v3  }
0x20: {  	(xrf1) =	vsort.dscd.msk.f32 $0xffff, v6, v3  }
0x21: {  	v5 =	vld [tilespmem:s9+$0x170];
	(xrf1) =	vsort.dscd.msk.f32 $0xffff, v7, v3;
	v6, v7, _ =	vpop (xrf1)  }
0x22: {  	v6 =	vperm.xlane v6, v4;
	v7 =	vperm.xlane v7, v4;
	(xrf1) =	vsort.dscd.msk.f32 $0xffff, v8, v3;
	v8, v10, _ =	vpop (xrf1)  }
0x23: {  	v11 =	vld [tilespmem:s9+$0x1B0];
	v8 =	vperm.xlane v8, v4;
	(xrf1) =	vsort.dscd.msk.f32 $0xffff, v9, v3;
	v9, v12, _ =	vpop (xrf1)  }
0x24: {  	v13 =	vld [tilespmem:s9+$0xFFFFFE10];
	v10 =	vperm.xlane v10, v4;
	v6 =	vsel vm0, v9, v6;
	v7 =	vsel vm0, v12, v7;
	v15, v16, _ =	vpop (xrf1)  }
0x25: {  	v9 =	vld [tilespmem:s9+$0xFFFFFE20];
	v12, v14, _ =	vpop (xrf1);
	(xrf1) =	vsort.dscd.msk.f32 $0xffff, v6, v7  }
0x26: {  	v6 =	vld [tilespmem:s9+$0xFFFFFE50];
	v7 =	vsel vm0, v12, v8;
	v8 =	vsel vm0, v14, v10;
	(xrf1) =	vsort.dscd.msk.f32 $0xffff, v5, v3  }
0x27: {  	v5 =	vld [tilespmem:s9+$0xFFFFFE60];
	v17, v18, _ =	vpop (xrf1);
	(xrf1) =	vsort.dscd.msk.f32 $0xffff, v7, v8  }
0x28: {  	v7 =	vld [tilespmem:s9+$0xFFFFFE90];
	v19, v20, _ =	vpop (xrf1);
	(xrf1) =	vsort.dscd.msk.f32 $0xffff, v11, v3  }
0x29: {  	v8 =	vld [tilespmem:s9+$0xFFFFFEA0];
	v21, v22, _ =	vpop (xrf1);
	(xrf1) =	vsort.dscd.msk.f32 $0xffff, v13, v1  }
0x2a: {  	v10 =	vld [tilespmem:s9+$0xFFFFFED0];
	v23, v24, _ =	vpop (xrf1);
	(xrf1) =	vsort.dscd.msk.f32 $0xffff, v9, v2  }
0x2b: {  	v9 =	vld [tilespmem:s9+$0xFFFFFEE0];
	v25, v26, _ =	vpop (xrf1);
	(xrf1) =	vsort.dscd.msk.f32 $0xffff, v6, v1  }
0x2c: {  	v6 =	vld [tilespmem:s9+$0xFFFFFF10];
	v27, v28, _ =	vpop (xrf1);
	(xrf1) =	vsort.dscd.msk.f32 $0xffff, v5, v2  }
0x2d: {  	v5 =	vld [tilespmem:s9+$0xFFFFFF20];
	v29, v30, _ =	vpop (xrf1);
	(xrf1) =	vsort.dscd.msk.f32 $0xffff, v7, v1  }
0x2e: {  	v7 =	vld [tilespmem:s9+$0xFFFFFF50];
	v31, v32, _ =	vpop (xrf1);
	(xrf1) =	vsort.dscd.msk.f32 $0xffff, v8, v2  }
0x2f: {  	v33, v34, _ =	vpop (xrf1);
	(xrf1) =	vsort.dscd.msk.f32 $0xffff, v10, v1  }
0x30: {  	v35, v36, _ =	vpop (xrf1);
	(xrf1) =	vsort.dscd.msk.f32 $0xffff, v9, v2  }
0x31: {  	v37, v38, _ =	vpop (xrf1);
	(xrf1) =	vsort.dscd.msk.f32 $0xffff, v6, v1  }
0x32: {  	v8 =	vld [tilespmem:s9+$0xFFFFFF60];
	v10, v6, _ =	vpop (xrf1);
	(xrf1) =	vsort.dscd.msk.f32 $0xffff, v5, v2  }
0x33: {  	v11 =	vld [tilespmem:s9+$0xFFFFFF90];
	(xrf1) =	vsort.dscd.msk.f32 $0xffff, v7, v1;
	v5, v7, _ =	vpop (xrf1)  }
0x34: {  	v9 =	vld [tilespmem:s9+$0xFFFFFFA0];
	v5 =	vperm.xlane v5, v4;
	_ =	sdelay $0x1  }
0x35: {  	[tilespmem:$0x1FF30] =	vst v6  }
0x36: {  	v13 =	vld [tilespmem:s9+$0xFFFFFFD0];
	(xrf1) =	vsort.dscd.msk.f32 $0xffff, v8, v2;
	v14, v6, _ =	vpop (xrf1)  }
0x37: {  	v39 =	vld [tilespmem:s9+$0xFFFFFFE0];
	[tilespmem:$0x1FF40] =	vst v6;
	(xrf1) =	vsort.dscd.msk.f32 $0xffff, v11, v1;
	v11, v12, _ =	vpop (xrf1)  }
0x38: {  	v40 =	vld [tilespmem:s9+$0x10];
	v11 =	vsel vm0, v11, v5;
	(xrf1) =	vsort.dscd.msk.f32 $0xffff, v9, v2;
	v9, v5, _ =	vpop (xrf1)  }
0x39: {  	v7 =	vperm.xlane v7, v4;
	v41 =	vld [tilespmem:s9+$0x20];
	[tilespmem:$0x1FF50] =	vst v5;
	v6, v5, _ =	vpop (xrf1)  }
0x3a: {  	v43 =	vld [tilespmem:s9+$0x50];
	[tilespmem:$0x1FFC0] =	vst v6  }
0x3b: {  	v42 =	vsel vm0, v12, v7;
	[tilespmem:$0x1FFD0] =	vst v5;
	v44, v45, _ =	vpop (xrf1)  }
0x3c: {  	(xrf1) =	vsort.dscd.msk.f32 $0xffff, v11, v42;
	v63 =	vld [tilespmem:s9+$0x60];
	v6, v5, _ =	vpop (xrf1)  }
0x3d: {  	(xrf1) =	vsort.dscd.msk.f32 $0xffff, v13, v1;
	v47 =	vld [tilespmem:s9+$0x90];
	[tilespmem:$0x1FF60] =	vst v6  }
0x3e: {  	(xrf1) =	vsort.dscd.msk.f32 $0xffff, v39, v2;
	[tilespmem:$0x1FF70] =	vst v5;
	v50, v51, _ =	vpop (xrf1)  }
0x3f: {  	(xrf1) =	vsort.dscd.msk.f32 $0xffff, v40, v1;
	v40 =	vperm.xlane v18, v4;
	v49 =	vld [tilespmem:s9+$0xA0];
	v18, v5, _ =	vpop (xrf1)  }
0x40: {  	v52 =	vld [tilespmem:s9+$0xD0];
	[tilespmem:$0x1FF80] =	vst v5;
	v53, v54, _ =	vpop (xrf1)  }
0x41: {  	(xrf1) =	vsort.dscd.msk.f32 $0xffff, v41, v2;
	v41 =	vld [tilespmem:s9+$0xE0];
	v6, v5, _ =	vpop (xrf1)  }
0x42: {  	(xrf1) =	vsort.dscd.msk.f32 $0xffff, v43, v1;
	v43 =	vld [tilespmem:s9+$0x110];
	[tilespmem:$0x1FF90] =	vst v6  }
0x43: {  	v46 =	vperm.xlane v15, v4;
	[tilespmem:$0x1FFA0] =	vst v5;
	(xrf1) =	vsort.dscd.msk.f32 $0xffff, v63, v2;
	v55, v56, _ =	vpop (xrf1)  }
0x44: {  	v48 =	vperm.xlane v17, v4;
	v20 =	vperm.xlane v20, v4;
	v42 =	vld [tilespmem:s9+$0x120];
	(xrf1) =	vsort.dscd.msk.f32 $0xffff, v47, v1;
	v58, v5, _ =	vpop (xrf1)  }
0x45: {  	v21 =	vperm.xlane v21, v4;
	v22 =	vperm.xlane v22, v4;
	v47 =	vld [tilespmem:s9+$0x150];
	[tilespmem:$0x1FFB0] =	vst v5;
	(xrf1) =	vsort.dscd.msk.f32 $0xffff, v49, v2  }
0x46: {  	v23 =	vperm.xlane v23, v4;
	v24 =	vperm.xlane v24, v4;
	v59, v60, _ =	vpop (xrf1);
	v49 =	vld [tilespmem:s9+$0x160];
	(xrf1) =	vsort.dscd.msk.f32 $0xffff, v52, v1  }
0x47: {  	v25 =	vperm.xlane v25, v4;
	v26 =	vperm.xlane v26, v4;
	v52 =	vld [tilespmem:s9+$0x190];
	v61, v62, _ =	vpop (xrf1);
	(xrf1) =	vsort.dscd.msk.f32 $0xffff, v41, v2  }
0x48: {  	v27 =	vperm.xlane v27, v4;
	v28 =	vperm.xlane v28, v4;
	v41 =	vld [tilespmem:s9+$0x1A0];
	v63, v7, _ =	vpop (xrf1);
	(xrf1) =	vsort.dscd.msk.f32 $0xffff, v43, v1  }
0x49: {  	v29 =	vperm.xlane v29, v4;
	v30 =	vperm.xlane v30, v4;
	v43, v57, _ =	vpop (xrf1);
	(xrf1) =	vsort.dscd.msk.f32 $0xffff, v42, v2  }
0x4a: {  	v31 =	vperm.xlane v31, v4;
	v39 =	vperm.xlane v16, v4;
	v42 =	vld [tilespmem:s9+$0xFFFFFE40];
	v5, v6, _ =	vpop (xrf1);
	(xrf1) =	vsort.dscd.msk.f32 $0xffff, v47, v1  }
0x4b: {  	v33 =	vperm.xlane v33, v4;
	v47 =	vperm.xlane v38, v4;
	v38 =	vld [tilespmem:s9+$0xFFFFFE80];
	(xrf1) =	vsort.dscd.msk.f32 $0xffff, v49, v2;
	v8, v49, _ =	vpop (xrf1)  }
0x4c: {  	v44 =	vsel vm0, v44, v46;
	v39 =	vsel vm0, v45, v39;
	v45 =	vld [tilespmem:s9+$0xFFFFFEC0];
	(xrf1) =	vsort.dscd.msk.f32 $0xffff, v52, v1;
	v46, v52, _ =	vpop (xrf1)  }
0x4d: {  	v0 =	vlaneseq.u32;
	v48 =	vsel vm0, v50, v48;
	v40 =	vsel vm0, v51, v40;
	v50 =	vld [tilespmem:s9+$0xFFFFFF00];
	(xrf1) =	vsort.dscd.msk.f32 $0xffff, v41, v2;
	v41, v51, _ =	vpop (xrf1)  }
0x4e: {  	v35 =	vperm.xlane v35, v4;
	v20 =	vsel vm0, v54, v20;
	v21 =	vsel vm0, v55, v21;
	v1 =	vld [tilespmem:s9+$0xFFFFFF40];
	v54, v55, _ =	vpop (xrf1)  }
0x4f: {  	v22 =	vsel vm0, v56, v22;
	v23 =	vsel vm0, v59, v23;
	v56 =	vld [tilespmem:s9+$0xFFFFFF80];
	(xrf1) =	vsort.dscd.msk.f32 $0xffff, v42, v0;
	v2, v59, _ =	vpop (xrf1)  }
0x50: {  	v24 =	vsel vm0, v60, v24;
	v60 =	vld [tilespmem:s9+$0xFFFFFFC0];
	v25 =	vsel vm0, v63, v25;
	(xrf1) =	vsort.dscd.msk.f32 $0xffff, v38, v0;
	v38, v63, _ =	vpop (xrf1)  }
0x51: {  	v11 =	vsel vm0, v7, v26;
	v26 =	vsel vm0, v5, v27;
	(xrf1) =	vsort.dscd.msk.f32 $0xffff, v45, v0;
	v27, v45, _ =	vpop (xrf1)  }
0x52: {  	v13 =	vsel vm0, v6, v28;
	v28 =	vsel vm0, v41, v29;
	(xrf1) =	vsort.dscd.msk.f32 $0xffff, v50, v0;
	v29, v41, _ =	vpop (xrf1)  }
0x53: {  	v37 =	vperm.xlane v37, v4;
	v5 =	vld [tilespmem:s9+$0x0];
	v31 =	vsel vm0, v2, v31;
	(xrf1) =	vsort.dscd.msk.f32 $0xffff, v1, v0;
	v1, v2, _ =	vpop (xrf1)  }
0x54: {  	v30 =	vsel vm0, v51, v30;
	v51 =	vld [tilespmem:s9+$0x40];
	v27 =	vsel vm0, v27, v33;
	(xrf1) =	vsort.dscd.msk.f32 $0xffff, v56, v0;
	v33, v56, _ =	vpop (xrf1)  }
0x55: {  	v32 =	vperm.xlane v32, v4;
	v50 =	vld [tilespmem:s9+$0xFFFFFE00];
	v35 =	vsel vm0, v1, v35;
	(xrf1) =	vsort.dscd.msk.f32 $0xffff, v60, v0;
	v1, v60, _ =	vpop (xrf1)  }
0x56: {  	v34 =	vperm.xlane v34, v4;
	v37 =	vsel vm0, v1, v37;
	v1 =	vld [tilespmem:$0x1FF30]  }
0x57: {  	v19 =	vperm.xlane v19, v4;
	v32 =	vsel vm0, v59, v32;
	v59 =	vld [tilespmem:s9+$0x80]  }
0x58: {  	v34 =	vsel vm0, v45, v34;
	v45 =	vld [tilespmem:s9+$0xC0]  }
0x59: {  	v36 =	vperm.xlane v36, v4;
	v19 =	vsel vm0, v53, v19;
	v53 =	vld [tilespmem:s9+$0x100];
	(xrf1) =	vsort.dscd.msk.f32 $0xffff, v5, v0  }
0x5a: {  	v10 =	vperm.xlane v10, v4;
	v42, v16, _ =	vpop (xrf1);
	(xrf1) =	vsort.dscd.msk.f32 $0xffff, v50, v0  }
0x5b: {  	v36 =	vsel vm0, v2, v36;
	v2, v5, _ =	vpop (xrf1);
	(xrf1) =	vsort.dscd.msk.f32 $0xffff, v51, v0;
	v6 =	vperm.xlane v1, v4  }
0x5c: {  	v51, v17, _ =	vpop (xrf1);
	(xrf1) =	vsort.dscd.msk.f32 $0xffff, v59, v0  }
0x5d: {  	v12 =	vsel vm0, v2, v10;
	v59 =	vld [tilespmem:$0x1FF40];
	v10 =	vsel vm0, v5, v6;
	v2, v5, _ =	vpop (xrf1);
	(xrf1) =	vsort.dscd.msk.f32 $0xffff, v45, v0  }
0x5e: {  	(xrf1) =	vsort.dscd.msk.f32 $0xffff, v53, v0;
	v53 =	vld [tilespmem:$0x1FF50];
	_ =	sdelay $0x3  }
0x5f: {  	v47 =	vsel vm0, v60, v47;
	v60 =	vld [tilespmem:s9+$0x140]  }
0x60: {  	v6 =	vperm.xlane v59, v4;
	v7 =	vperm.xlane v53, v4;
	v53 =	vld [tilespmem:$0x1FF60]  }
0x61: {  	v50 =	vld [tilespmem:s9+$0x180]  }
0x62: {  	v14 =	vperm.xlane v14, v4;
	_ =	sdelay $0x1  }
0x63: {  	v45 =	vperm.xlane v9, v4;
	v14 =	vsel vm0, v2, v14;
	v59, v15, _ =	vpop (xrf1)  }
0x64: {  	v9 =	vsel vm0, v5, v6;
	(xrf1) =	vsort.dscd.msk.f32 $0xffff, v60, v0;
	v2, v6, _ =	vpop (xrf1);
	v53 =	vperm.xlane v53, v4  }
0x65: {  	(xrf1) =	vsort.dscd.msk.f32 $0xffff, v50, v0;
	v50, v5, _ =	vpop (xrf1)  }
0x66: {  	v8 =	vmul.f32 $1.442695020e+00, v8;
	(xrf1) =	vsort.dscd.msk.f32 $0xffff, v44, v39;
	v44 =	vsel vm0, v50, v53;
	v50 =	vld [tilespmem:$0x1FF90]  }
0x67: {  	v60 =	vld [tilespmem:$0x1FF70];
	_ =	sdelay $0x1  }
0x68: {  	v18 =	vperm.xlane v18, v4  }
0x69: {  	(erf) = vpow2.f32 v8;
	v45 =	vsel vm0, v2, v45;
	v8, v2, _ =	vpop (xrf1)  }
0x6a: {  	v18 =	vsel vm0, v8, v18;
	v8 =	vperm.xlane v50, v4  }
0x6b: {  	v0 =	vld [tilespmem:$0x1FF80];
	v60 =	vperm.xlane v60, v4;
	_ =	sdelay $0x1  }
0x6c: {  	v58 =	vperm.xlane v58, v4;
	(xrf1) =	vsort.dscd.msk.f32 $0xffff, v48, v40;
	v40, v48, _ =	vpop (xrf1);
	v5 =	vsel vm0, v5, v60;
	v60 =	vld [tilespmem:$0x1FFB0]  }
0x6d: {  	(xrf1) =	vsort.dscd.msk.f32 $0xffff, v19, v20;
	v53 =	vld [tilespmem:$0x1FFA0];
	v40 =	vsel vm0, v40, v8;
	v8, v19, _ =	vpop (xrf1)  }
0x6e: {  	v20 =	vsel vm0, v8, v58;
	v8 =	vperm.xlane v61, v4  }
0x6f: {  	v6 =	vsel vm0, v6, v7;
	v7 =	vperm.xlane v0, v4;
	(xrf1) =	vsort.dscd.msk.f32 $0xffff, v21, v22;
	v21, v22, _ =	vpop (xrf1)  }
0x70: {  	v58 =	vld [tilespmem:$0x1FFC0];
	v21 =	vsel vm0, v21, v8;
	v8 =	vperm.xlane v57, v4  }
0x71: {  	v43 =	vperm.xlane v43, v4;
	v7 =	vsel vm0, v2, v7  }
0x72: {  	v2 =	vperm.xlane v60, v4;
	v39 =	vperm.xlane v53, v4;
	(xrf1) =	vsort.dscd.msk.f32 $0xffff, v23, v24  }
0x73: {  	v53 =	vperm.xlane v62, v4;
	v23, v24, _ =	vpop (xrf1);
	(xrf1) =	vsort.dscd.msk.f32 $0xffff, v25, v11;
	v57 =	vperm.xlane v46, v4  }
0x74: {  	v62 =	vld [tilespmem:$0x1FFD0];
	v25 =	vperm.xlane v52, v4;
	v23 =	vsel vm0, v23, v43;
	v24 =	vsel vm0, v24, v8;
	v8, v11, _ =	vpop (xrf1)  }
0x75: {  	v60 =	vperm.xlane v58, v4;
	(xrf1) =	vsort.dscd.msk.f32 $0xffff, v26, v13;
	v43 =	vsel vm0, v8, v57;
	v8 =	vpop (erf)  }
0x76: {  	v61 =	vperm.xlane v54, v4;
	v13, v26, _ =	vpop (xrf1);
	(xrf1) =	vsort.dscd.msk.f32 $0xffff, v28, v30  }
0x77: {  	v11 =	vsel vm0, v11, v25;
	v25 =	vnsel vm0, $0x0, v8;
	v28, v30, _ =	vpop (xrf1);
	(xrf1) =	vsort.dscd.msk.f32 $0xffff, v31, v32  }
0x78: {  	v19 =	vsel vm0, v19, v2;
	v2 =	vperm.xlane v55, v4;
	(xrf2) =	vadd.scan.msk.f32 $0xffff, v25;
	v31, v32, _ =	vpop (xrf1)  }
0x79: {  	v1 =	vperm.xlane v62, v4;
	(xrf1) =	vsort.dscd.msk.f32 $0xffff, v27, v34;
	v27, v34, _ =	vpop (xrf1)  }
0x7a: {  	v25 =	vsel vm0, v26, v2;
	v26 =	vsel vm0, v28, v60;
	(xrf1) =	vsort.dscd.msk.f32 $0xffff, v35, v36;
	v58, v60, _ =	vpop (xrf1)  }
0x7b: {  	v13 =	vsel vm0, v13, v61;
	v28 =	vsel vm0, v30, v1;
	(xrf1) =	vsort.dscd.msk.f32 $0xffff, v37, v47;
	v62, v61, _ =	vpop (xrf1)  }
0x7c: {  	(xrf1) =	vsort.dscd.msk.f32 $0xffff, v12, v10;
	v10, v12, _ =	vpop (xrf1)  }
0x7d: {  	v29 =	vperm.xlane v29, v4;
	(xrf1) =	vsort.dscd.msk.f32 $0xffff, v14, v9;
	v9, v14, _ =	vpop (xrf1)  }
0x7e: {  	v41 =	vperm.xlane v41, v4;
	v17 =	vperm.xlane v17, v4;
	(xrf1) =	vsort.dscd.msk.f32 $0xffff, v45, v6;
	v6, v2, _ =	vpop (xrf1)  }
0x7f: {  	v33 =	vperm.xlane v33, v4;
	v15 =	vperm.xlane v15, v4;
	(xrf1) =	vsort.dscd.msk.f32 $0xffff, v26, v28;
	v26, v28, _ =	vpop (xrf1)  }
0x80: {  	v0 =	vperm.xlane v42, v4;
	v22 =	vsel vm0, v22, v53;
	(xrf1) =	vsort.dscd.msk.f32 $0xffff, v44, v5;
	v5, v42, _ =	vpop (xrf1)  }
0x81: {  	v39 =	vsel vm0, v48, v39;
	v57 =	vperm.xlane v63, v4;
	(xrf1) =	vsort.dscd.msk.f32 $0xffff, v18, v7;
	v7, v18, _ =	vpop (xrf1)  }
0x82: {  	v30 =	vperm.xlane v38, v4;
	v12 =	vsel vm0, v12, v17;
	(xrf1) =	vsort.dscd.msk.f32 $0xffff, v40, v39;
	v17, v45, _ =	vpop (xrf1)  }
0x83: {  	v16 =	vperm.xlane v16, v4;
	v14 =	vsel vm0, v14, v15;
	(xrf1) =	vsort.dscd.msk.f32 $0xffff, v20, v19;
	v15, v19, _ =	vpop (xrf1)  }
0x84: {  	v30 =	vsel vm0, v31, v30;
	v31 =	vsel vm0, v32, v57;
	(xrf1) =	vsort.dscd.msk.f32 $0xffff, v21, v22;
	v21, v22, _ =	vpop (xrf1)  }
0x85: {  	v27 =	vsel vm0, v27, v29;
	v29 =	vsel vm0, v34, v41;
	(xrf1) =	vsort.dscd.msk.f32 $0xffff, v23, v24;
	v23, v24, _ =	vpop (xrf1)  }
0x86: {  	v63 =	vperm.xlane v56, v4;
	v41 =	vperm.xlane v51, v4;
	(xrf1) =	vsort.dscd.msk.f32 $0xffff, v43, v11;
	v11, v47, _ =	vpop (xrf1)  }
0x87: {  	v32 =	vsel vm0, v58, v33;
	v34 =	vsel vm0, v62, v0;
	(xrf1) =	vsort.dscd.msk.f32 $0xffff, v13, v25;
	v13, v25, _ =	vpop (xrf1)  }
0x88: {  	v16 =	vsel vm0, v61, v16;
	v44 =	vperm.xlane v59, v4;
	(xrf1) =	vsort.dscd.msk.f32 $0xffff, v30, v31;
	v30, v31, _ =	vpop (xrf1)  }
0x89: {  	v1 =	vsel vm0, v60, v63;
	v10 =	vsel vm0, v10, v41;
	(xrf1) =	vsort.dscd.msk.f32 $0xffff, v27, v29;
	v27, v29, _ =	vpop (xrf1)  }
0x8a: {  	v9 =	vsel vm0, v9, v44;
	(xrf1) =	vsort.dscd.msk.f32 $0xffff, v32, v1;
	v32, v33, _ =	vpop (xrf1)  }
0x8b: {  	(xrf1) =	vsort.dscd.msk.f32 $0xffff, v34, v16;
	v16, v34, _ =	vpop (xrf1)  }
0x8c: {  	v6 =	vperm.xlane v6, v4;
	(xrf1) =	vsort.dscd.msk.f32 $0xffff, v10, v12;
	v10, v12, _ =	vpop (xrf1)  }
0x8d: {  	v20 =	vperm.xlane v2, v4;
	(xrf1) =	vsort.dscd.msk.f32 $0xffff, v9, v14;
	v9, v14, _ =	vpop (xrf1)  }
0x8e: {  	v26 =	vperm.xlane v26, v4;
	v28 =	vperm.xlane v28, v4;
	v6 =	vsel vm0, v9, v6  }
0x8f: {  	v9 =	vsel vm0, v14, v20;
	v14 =	vperm.xlane v31, v4;
	v20 =	vperm.xlane v27, v4;
	v27, v31, _ =	vpop (xrf1)  }
0x90: {  	(xrf1) =	vsort.dscd.msk.f32 $0xffff, v6, v9;
	v9 =	vsel vm0, v27, v26;
	v26 =	vsel vm0, v31, v28;
	_ =	sdelay $0x1  }
0x91: {  	v5 =	vperm.xlane v5, v4  }
0x92: {  	v7 =	vperm.xlane v7, v4;
	v18 =	vperm.xlane v18, v4;
	v27, v28, _ =	vpop (xrf1)  }
0x93: {  	v46 =	vperm.xlane v42, v4;
	(xrf1) =	vsort.dscd.msk.f32 $0xffff, v9, v26;
	v9, v26, _ =	vpop (xrf1)  }
0x94: {  	v5 =	vsel vm0, v27, v5;
	v7 =	vsel vm0, v9, v7;
	v9 =	vsel vm0, v26, v18;
	_ =	sdelay $0x1  }
0x95: {  	v17 =	vperm.xlane v17, v4;
	v15 =	vperm.xlane v15, v4;
	v27 =	vsel vm0, v28, v46  }
0x96: {  	v19 =	vperm.xlane v19, v4;
	(xrf1) =	vsort.dscd.msk.f32 $0xffff, v5, v27;
	v5, v18, _ =	vpop (xrf1)  }
0x97: {  	v36 =	vperm.xlane v45, v4;
	v5 =	vsel vm0, v5, v17;
	(xrf1) =	vsort.dscd.msk.f32 $0xffff, v7, v9;
	v7, v9, _ =	vpop (xrf1)  }
0x98: {  	v9 =	vsel vm0, v9, v19  }
0x99: {  	v22 =	vperm.xlane v22, v4;
	v17 =	vsel vm0, v18, v36;
	v7 =	vsel vm0, v7, v15  }
0x9a: {  	v21 =	vperm.xlane v21, v4;
	(xrf1) =	vsort.dscd.msk.f32 $0xffff, v5, v17;
	v5, v15, _ =	vpop (xrf1)  }
0x9b: {  	v24 =	vperm.xlane v24, v4;
	v15 =	vsel vm0, v15, v22  }
0x9c: {  	v23 =	vperm.xlane v23, v4;
	v5 =	vsel vm0, v5, v21;
	(xrf1) =	vsort.dscd.msk.f32 $0xffff, v7, v9;
	v7, v9, _ =	vpop (xrf1)  }
0x9d: {  	v9 =	vsel vm0, v9, v24  }
0x9e: {  	v11 =	vperm.xlane v11, v4;
	v37 =	vperm.xlane v47, v4;
	v7 =	vsel vm0, v7, v23  }
0x9f: {  	(xrf1) =	vsort.dscd.msk.f32 $0xffff, v5, v15;
	v5, v15, _ =	vpop (xrf1)  }
0xa0: {  	v25 =	vperm.xlane v25, v4;
	v5 =	vsel vm0, v5, v11;
	v11 =	vsel vm0, v15, v37  }
0xa1: {  	v13 =	vperm.xlane v13, v4;
	(xrf1) =	vsort.dscd.msk.f32 $0xffff, v7, v9;
	v7, v9, _ =	vpop (xrf1)  }
0xa2: {  	v9 =	vsel vm0, v9, v25  }
0xa3: {  	v48, _, _ =	vpop (xrf2);
	v7 =	vsel vm0, v7, v13  }
0xa4: {  	v30 =	vperm.xlane v30, v4;
	v26 =	vbroadcast v48, $0xF;
	(xrf1) =	vsort.dscd.msk.f32 $0xffff, v5, v11;
	v5, v11, _ =	vpop (xrf1)  }
0xa5: {  	v11 =	vsel vm0, v11, v14  }
0xa6: {  	v6 =	vperm.xlane v29, v4;
	(erf) = vrcp.f32 v26;
	v5 =	vsel vm0, v5, v30;
	(xrf1) =	vsort.dscd.msk.f32 $0xffff, v7, v9;
	v7, v9, _ =	vpop (xrf1)  }
0xa7: {  	v7 =	vsel vm0, v7, v20  }
0xa8: {  	v13 =	vperm.xlane v32, v4;
	v6 =	vsel vm0, v9, v6  }
0xa9: {  	v15 =	vperm.xlane v16, v4;
	(xrf1) =	vsort.dscd.msk.f32 $0xffff, v5, v11;
	v5, v11, _ =	vpop (xrf1)  }
0xaa: {  	v10 =	vperm.xlane v10, v4;
	v14 =	vperm.xlane v33, v4;
	v9, v16, _ =	vpop (xrf1)  }
0xab: {  	v17 =	vperm.xlane v34, v4;
	(xrf1) =	vsort.dscd.msk.f32 $0xffff, v7, v6;
	v9 =	vsel vm0, v9, v15;
	v6, v7, _ =	vpop (xrf1)  }
0xac: {  	v12 =	vperm.xlane v12, v4;
	v5 =	vsel vm0, v5, v13;
	v11 =	vsel vm0, v11, v14;
	v13, v18, _ =	vpop (xrf1)  }
0xad: {  	v14 =	vsel vm0, v16, v17;
	(xrf1) =	vsort.dscd.msk.f32 $0xffff, v5, v11;
	v6 =	vsel vm0, v6, v10;
	v5 =	vmul.f32 $1.442695020e+00, v13  }
0xae: {  	(xrf1) =	vsort.dscd.msk.f32 $0xffff, v9, v14;
	v9, v16, _ =	vpop (xrf1)  }
0xaf: {  	v19 =	vpop (erf);
	v7 =	vsel vm0, v7, v12;
	v9 =	vmul.f32 $1.442695020e+00, v9  }
0xb0: {  	v10, v17, _ =	vpop (xrf1);
	(erf) = vpow2.f32 v5  }
0xb1: {  	(xrf1) =	vsort.dscd.msk.f32 $0xffff, v6, v7;
	(erf) = vpow2.f32 v9;
	v9 =	vmul.f32 $1.442695020e+00, v10;
	v5, v6, _ =	vpop (xrf1)  }
0xb2: {  	v7, v21, _ =	vpop (xrf1)  }
0xb3: {  	v5 =	vmul.f32 $1.442695020e+00, v5;
	(erf) = vpow2.f32 v9;
	v10, v23, _ =	vpop (xrf1)  }
0xb4: {  	v7 =	vmul.f32 $1.442695020e+00, v7;
	v11, v24, _ =	vpop (xrf1)  }
0xb5: {  	v12, v26, _ =	vpop (xrf1)  }
0xb6: {  	v10 =	vmul.f32 $1.442695020e+00, v10;
	(erf) = vpow2.f32 v5;
	v9, v27, _ =	vpop (xrf1)  }
0xb7: {  	v11 =	vmul.f32 $1.442695020e+00, v11;
	v5, v28, _ =	vpop (xrf1)  }
0xb8: {  	(erf) = vpow2.f32 v7;
	v9 =	vmul.f32 $1.442695020e+00, v9;
	v7, v29, _ =	vpop (xrf1)  }
0xb9: {  	v12 =	vmul.f32 $1.442695020e+00, v12;
	(erf) = vpow2.f32 v10;
	v25 =	vpop (erf)  }
0xba: {  	(erf) = vpow2.f32 v11;
	v10, v30, _ =	vpop (xrf1);
	v11 =	vnsel vm0, $0x0, v25  }
0xbb: {  	(erf) = vpow2.f32 v12;
	v5 =	vmul.f32 $1.442695020e+00, v5;
	v31 =	vpop (erf);
	(xrf2) =	vadd.scan.msk.f32 $0xffff, v11  }
0xbc: {  	(erf) = vpow2.f32 v9;
	v12 =	vnsel vm0, $0x0, v31;
	v9 =	vpop (erf)  }
0xbd: {  	(xrf2) =	vadd.scan.msk.f32 $0xffff, v12;
	(erf) = vpow2.f32 v5;
	v11, v50, _ =	vpop (xrf1);
	v5 =	vnsel vm0, $0x0, v9  }
0xbe: {  	v7 =	vmul.f32 $1.442695020e+00, v7;
	v13, v51, _ =	vpop (xrf1);
	(xrf2) =	vadd.scan.msk.f32 $0xffff, v5  }
0xbf: {  	v53 =	vpop (erf)  }
0xc0: {  	v10 =	vmul.f32 $1.442695020e+00, v10;
	(erf) = vpow2.f32 v7;
	v12, v52, _ =	vpop (xrf1)  }
0xc1: {  	v5 =	vmul.f32 $1.442695020e+00, v11;
	v54 =	vpop (erf);
	v7 =	vmul.f32 $1.442695020e+00, v13  }
0xc2: {  	(erf) = vpow2.f32 v10;
	v22 =	vpop (erf)  }
0xc3: {  	(erf) = vpow2.f32 v5;
	v5 =	vnsel vm0, $0x0, v53;
	v10 =	vmul.f32 $1.442695020e+00, v12;
	v20 =	vpop (erf)  }
0xc4: {  	(erf) = vpow2.f32 v7;
	(xrf2) =	vadd.scan.msk.f32 $0xffff, v5;
	v5 =	vnsel vm0, $0x0, v54;
	v13 =	vpop (erf)  }
0xc5: {  	(xrf2) =	vadd.scan.msk.f32 $0xffff, v5;
	v5 =	vnsel vm0, $0x0, v22;
	v7, _, _ =	vpop (xrf2)  }
0xc6: {  	(erf) = vpow2.f32 v10;
	v12 =	vpop (erf);
	v7 =	vbroadcast v7, $0xF  }
0xc7: {  	v10, _, _ =	vpop (xrf2)  }
0xc8: {  	(xrf2) =	vadd.scan.msk.f32 $0xffff, v5;
	v10 =	vbroadcast v10, $0xF;
	(erf) = vrcp.f32 v7;
	v5, _, _ =	vpop (xrf2)  }
0xc9: {  	v11 =	vpop (erf);
	v5 =	vbroadcast v5, $0xF  }
0xca: {  	v55 =	vnsel vm0, $0x0, v20;
	v15 =	vpop (erf);
	(erf) = vrcp.f32 v10  }
0xcb: {  	v14 =	vpop (erf);
	(xrf2) =	vadd.scan.msk.f32 $0xffff, v55;
	(erf) = vrcp.f32 v5  }
0xcc: {  	v44 =	vpop (erf)  }
0xcd: {  	v42 =	vpop (erf)  }
0xce: {  	v56, _, _ =	vpop (xrf2)  }
0xcf: {  	v8 =	vmul.f32 v19, v8;
	v41 =	vpop (erf);
	v19 =	vbroadcast v56, $0xF  }
0xd0: {  	v59, _, _ =	vpop (xrf2)  }
0xd1: {  	v58 =	vnsel vm0, $0x0, v13;
	(erf) = vrcp.f32 v19;
	v61 =	vpop (erf)  }
0xd2: {  	v57 =	vperm.xlane v49, v4;
	(xrf2) =	vadd.scan.msk.f32 $0xffff, v58;
	v39 =	vmul.f32 v61, v25;
	v25, _, _ =	vpop (xrf2)  }
0xd3: {  	v18 =	vperm.xlane v18, v4;
	v62 =	vperm.xlane v17, v4;
	v17 =	vpop (erf)  }
0xd4: {  	v16 =	vperm.xlane v16, v4;
	v63 =	vperm.xlane v6, v4;
	v19 =	vnsel vm0, $0x0, v12;
	v6 =	vpop (erf)  }
0xd5: {  	s9 =	simm.s32 $0x4C80;
	v8 =	vsel vm0, v8, v57;
	v60 =	vbroadcast v59, $0xF;
	(xrf2) =	vadd.scan.msk.f32 $0xffff, v19;
	v6 =	vmul.f32 v6, v9;
	v9, _, _ =	vpop (xrf2)  }
0xd6: {  	[tilespmem:s9+$0x70] =	vst v8;
	v19 =	vnsel vm0, $0x0, v11;
	v17 =	vmul.f32 v17, v31;
	v9 =	vbroadcast v9, $0xF  }
0xd7: {  	(erf) = vrcp.f32 v60;
	(xrf2) =	vadd.scan.msk.f32 $0xffff, v19;
	v31 =	vbroadcast v25, $0xF;
	v8 =	vsel vm0, v39, v18  }
0xd8: {  	v21 =	vperm.xlane v21, v4;
	[tilespmem:s9+$0xFFFFFF80] =	vst v8;
	v8 =	vsel vm0, v17, v16  }
0xd9: {  	v24 =	vperm.xlane v24, v4;
	(erf) = vrcp.f32 v31;
	[tilespmem:s9+$0xFFFFFF90] =	vst v8;
	v8 =	vnsel vm0, $0x0, v15  }
0xda: {  	v25 =	vperm.xlane v23, v4;
	(erf) = vrcp.f32 v9;
	v9 =	vpop (erf)  }
0xdb: {  	v23 =	vperm.xlane v26, v4;
	v26 =	vmul.f32 v9, v53  }
0xdc: {  	v43 =	vperm.xlane v50, v4;
	v19 =	vperm.xlane v27, v4;
	v27 =	vnsel vm0, $0x0, v14;
	(xrf2) =	vadd.scan.msk.f32 $0xffff, v8;
	v8, _, _ =	vpop (xrf2)  }
0xdd: {  	v18 =	vperm.xlane v28, v4;
	v28 =	vbroadcast v8, $0xF;
	v26 =	vsel vm0, v26, v63  }
0xde: {  	v49 =	vmovc v3;
	v40 =	vperm.xlane v51, v4;
	v32 =	vnsel vm0, $0x0, v42;
	v39 =	vperm.xlane v52, v4  }
0xdf: {  	v17 =	vperm.xlane v29, v4;
	v16 =	vperm.xlane v30, v4;
	v29 =	vnsel vm0, $0x0, v44;
	(xrf2) =	vadd.scan.msk.f32 $0xffff, v27;
	v27, _, _ =	vpop (xrf2)  }
0xe0: {  	v31 =	vnsel vm0, $0x0, v41;
	v6 =	vsel vm0, v6, v62;
	v27 =	vbroadcast v27, $0xF;
	[tilespmem:s9+$0xFFFFFFB0] =	vst v26;
	v26 =	vpop (erf)  }
0xe1: {  	s11 =	simm.s32 $0x0;
	s12 =	simm.s32 $0x600;
	s10 =	simm.s32 $0x4C80;
	[tilespmem:s9+$0xFFFFFFA0] =	vst v6;
	(xrf2) =	vadd.scan.msk.f32 $0xffff, v29;
	(erf) = vrcp.f32 v28;
	v28, _, _ =	vpop (xrf2);
	v26 =	vmul.f32 v26, v54  }
.LBB2_2:
0xe2: {  	_ =	sdelay $0x3  }
0xe3: {  	v29 =	vld [tilespmem:s12+$0x1F0]  }
0xe4: {  	v45 =	vld [tilespmem:$0x1FFE0]  }
0xe5: {  	v52 =	vld [tilespmem:$0x1FFF0];
	v21 =	vsel vm0, v26, v21;
	v26 =	vbroadcast v28, $0xF;
	v28 =	vpop (erf)  }
0xe6: {  	[tilespmem:s9+$0xFFFFFFC0] =	vst v21;
	(erf) = vrcp.f32 v27;
	v27 =	vld [tilespmem:s12+$0x1D0];
	v21 =	vmul.f32 v28, v22  }
0xe7: {  	v22 =	vld [tilespmem:s12+$0x1E0];
	v28, _, _ =	vpop (xrf2)  }
0xe8: {  	(xrf2) =	vadd.scan.msk.f32 $0xffff, v32;
	v30 =	vld [tilespmem:s12+$0xFFFFFE30];
	v21 =	vsel vm0, v21, v25;
	v25 =	vbroadcast v28, $0xF;
	v28 =	vpop (erf)  }
0xe9: {  	(xrf1) =	vsort.dscd.msk.f32 $0xffff, v29, v49;
	(erf) = vrcp.f32 v26;
	v26 =	vld [tilespmem:s12+$0x1C0];
	v20 =	vmul.f32 v28, v20  }
0xea: {  	(xrf2) =	vadd.scan.msk.f32 $0xffff, v31;
	[tilespmem:s9+$0xFFFFFFD0] =	vst v21;
	v21 =	vld [tilespmem:s12+$0xFFFFFE70];
	v28, _, _ =	vpop (xrf2)  }
0xeb: {  	v29 =	vld [tilespmem:s12+$0xFFFFFEB0];
	(xrf1) =	vsort.dscd.msk.f32 $0xffff, v27, v45;
	v27 =	vpop (erf);
	v20 =	vsel vm0, v20, v24;
	v24 =	vbroadcast v28, $0xF  }
0xec: {  	(erf) = vrcp.f32 v25;
	v25 =	vld [tilespmem:s12+$0xFFFFFEF0];
	(xrf1) =	vsort.dscd.msk.f32 $0xffff, v22, v52;
	v13 =	vmul.f32 v27, v13  }
0xed: {  	v31 =	vlaneseq.u32;
	[tilespmem:s9+$0xFFFFFFE0] =	vst v20;
	v20 =	vld [tilespmem:s12+$0xFFFFFF30];
	(xrf1) =	vsort.dscd.msk.f32 $0xffff, v30, v49;
	(erf) = vrcp.f32 v24  }
0xee: {  	v22, _, _ =	vpop (xrf2);
	v24 =	vld [tilespmem:s12+$0xFFFFFF70];
	(xrf1) =	vsort.dscd.msk.f32 $0xffff, v26, v31;
	v23 =	vsel vm0, v13, v23  }
0xef: {  	v0 =	vbroadcast v22, $0xF;
	v26 =	vld [tilespmem:s12+$0xFFFFFFB0];
	v22 =	vpop (erf);
	(xrf1) =	vsort.dscd.msk.f32 $0xffff, v21, v49;
	[tilespmem:s9+$0xFFFFFFF0] =	vst v23  }
0xf0: {  	v12 =	vmul.f32 v22, v12;
	v21 =	vld [tilespmem:s12+$0xFFFFFFF0];
	(xrf1) =	vsort.dscd.msk.f32 $0xffff, v29, v49  }
0xf1: {  	v23 =	vld [tilespmem:s12+$0x30];
	(xrf1) =	vsort.dscd.msk.f32 $0xffff, v25, v49  }
0xf2: {  	v22, _, _ =	vpop (xrf2);
	v25 =	vld [tilespmem:s12+$0x70];
	v19 =	vsel vm0, v12, v19;
	(xrf1) =	vsort.dscd.msk.f32 $0xffff, v20, v49  }
0xf3: {  	v56 =	vbroadcast v22, $0xF;
	v22 =	vpop (erf);
	[tilespmem:s9+$0x0] =	vst v19;
	v19 =	vld [tilespmem:s12+$0xB0];
	(xrf1) =	vsort.dscd.msk.f32 $0xffff, v24, v49  }
0xf4: {  	v20, _, _ =	vpop (xrf2);
	v11 =	vmul.f32 v22, v11;
	v22 =	vld [tilespmem:s12+$0xF0];
	(xrf1) =	vsort.dscd.msk.f32 $0xffff, v26, v49  }
0xf5: {  	v57 =	vbroadcast v20, $0xF;
	v20 =	vpop (erf);
	(xrf1) =	vsort.dscd.msk.f32 $0xffff, v21, v49  }
0xf6: {  	v24 =	vld [tilespmem:s12+$0x130];
	v15 =	vmul.f32 v20, v15;
	(xrf1) =	vsort.dscd.msk.f32 $0xffff, v23, v49;
	v20 =	vpop (erf)  }
0xf7: {  	(xrf1) =	vsort.dscd.msk.f32 $0xffff, v25, v49  }
0xf8: {  	v18 =	vsel vm0, v11, v18;
	v14 =	vmul.f32 v20, v14;
	(xrf1) =	vsort.dscd.msk.f32 $0xffff, v19, v49;
	v19, v20, _ =	vpop (xrf1)  }
0xf9: {  	[tilespmem:s9+$0x10] =	vst v18;
	v18 =	vld [tilespmem:s12+$0x170];
	(xrf1) =	vsort.dscd.msk.f32 $0xffff, v22, v49;
	v19 =	vperm.xlane v19, v4;
	v22, v23, _ =	vpop (xrf1)  }
0xfa: {  	v15 =	vsel vm0, v15, v17;
	v20 =	vperm.xlane v20, v4;
	v22 =	vperm.xlane v22, v4;
	v58, v26, _ =	vpop (xrf1)  }
0xfb: {  	v21 =	vld [tilespmem:s12+$0x1B0];
	(xrf1) =	vsort.dscd.msk.f32 $0xffff, v24, v49;
	v14 =	vsel vm0, v14, v16;
	v16 =	vperm.xlane v23, v4;
	v23, v24, _ =	vpop (xrf1)  }
0xfc: {  	v17 =	vld [tilespmem:s12+$0xFFFFFE10];
	v19 =	vsel vm0, v58, v19;
	v20 =	vsel vm0, v26, v20;
	v30 =	vperm.xlane v24, v4;
	v59, v24, _ =	vpop (xrf1)  }
0xfd: {  	(xrf1) =	vsort.dscd.msk.f32 $0xffff, v19, v20;
	v16 =	vsel vm0, v24, v16  }
0xfe: {  	[tilespmem:s9+$0x20] =	vst v15;
	v15 =	vld [tilespmem:s12+$0xFFFFFE20];
	v29 =	vperm.xlane v23, v4;
	v20 =	vsel vm0, v59, v22;
	v22, v23, _ =	vpop (xrf1);
	(xrf1) =	vsort.dscd.msk.f32 $0xffff, v18, v49  }
0xff: {  	v25 =	vld [tilespmem:s12+$0xFFFFFE50];
	v60, v24, _ =	vpop (xrf1);
	(xrf1) =	vsort.dscd.msk.f32 $0xffff, v20, v16  }
0x100: {  	[tilespmem:$0x1FF10] =	vst v41;
	v27 =	vld [tilespmem:s12+$0xFFFFFE60];
	v41 =	vperm.xlane v23, v4;
	v16, v23, _ =	vpop (xrf1);
	(xrf1) =	vsort.dscd.msk.f32 $0xffff, v21, v49  }
0x101: {  	[tilespmem:s9+$0x30] =	vst v14;
	v14 =	vld [tilespmem:s12+$0xFFFFFE90];
	(xrf1) =	vsort.dscd.msk.f32 $0xffff, v17, v45  }
0x102: {  	v19 =	vld [tilespmem:s12+$0xFFFFFEA0];
	v48 =	vperm.xlane v24, v4;
	v61, v17, _ =	vpop (xrf1)  }
0x103: {  	v18 =	vld [tilespmem:s12+$0xFFFFFED0];
	v37 =	vperm.xlane v16, v4;
	v38 =	vperm.xlane v23, v4;
	(xrf1) =	vsort.dscd.msk.f32 $0xffff, v15, v52;
	v15, v16, _ =	vpop (xrf1)  }
0x104: {  	[tilespmem:$0x1FEA0] =	vst v44;
	v20 =	vld [tilespmem:s12+$0xFFFFFEE0];
	v44 =	vperm.xlane v17, v4;
	v1 =	vperm.xlane v15, v4;
	(xrf1) =	vsort.dscd.msk.f32 $0xffff, v25, v45;
	v15, v24, _ =	vpop (xrf1)  }
0x105: {  	[tilespmem:$0x1FE40] =	vst v0;
	v21 =	vld [tilespmem:s12+$0xFFFFFF10];
	v50 =	vperm.xlane v16, v4;
	v0 =	vperm.xlane v24, v4;
	(xrf1) =	vsort.dscd.msk.f32 $0xffff, v27, v52;
	v2, v24, _ =	vpop (xrf1)  }
0x106: {  	[tilespmem:$0x1FEF0] =	vst v40;
	v23 =	vld [tilespmem:s12+$0xFFFFFF20];
	v16 =	vperm.xlane v15, v4;
	v46 =	vperm.xlane v24, v4;
	(xrf1) =	vsort.dscd.msk.f32 $0xffff, v14, v45;
	v14, v15, _ =	vpop (xrf1)  }
0x107: {  	[tilespmem:$0x1FF20] =	vst v39;
	v17 =	vld [tilespmem:s12+$0xFFFFFF50];
	v39 =	vperm.xlane v14, v4;
	v40 =	vperm.xlane v15, v4;
	(xrf1) =	vsort.dscd.msk.f32 $0xffff, v19, v52;
	v14, v15, _ =	vpop (xrf1)  }
0x108: {  	v33 =	vperm.xlane v14, v4;
	v34 =	vperm.xlane v15, v4;
	(xrf1) =	vsort.dscd.msk.f32 $0xffff, v18, v45;
	v14, v15, _ =	vpop (xrf1)  }
0x109: {  	v25 =	vld [tilespmem:s12+$0xFFFFFF60];
	v18 =	vperm.xlane v14, v4;
	v32 =	vperm.xlane v15, v4;
	(xrf1) =	vsort.dscd.msk.f32 $0xffff, v20, v52;
	v14, v15, _ =	vpop (xrf1)  }
0x10a: {  	v26 =	vld [tilespmem:s12+$0xFFFFFF90];
	v27 =	vperm.xlane v14, v4;
	v28 =	vperm.xlane v15, v4;
	(xrf1) =	vsort.dscd.msk.f32 $0xffff, v21, v45;
	v14, v15, _ =	vpop (xrf1)  }
0x10b: {  	v35 =	vld [tilespmem:s12+$0xFFFFFFA0];
	v62 =	vperm.xlane v14, v4;
	v19 =	vperm.xlane v15, v4;
	(xrf1) =	vsort.dscd.msk.f32 $0xffff, v23, v52;
	v14, v15, _ =	vpop (xrf1)  }
0x10c: {  	(xrf1) =	vsort.dscd.msk.f32 $0xffff, v17, v45;
	v14 =	vperm.xlane v14, v4;
	v15 =	vperm.xlane v15, v4;
	v17, v20, _ =	vpop (xrf1)  }
0x10d: {  	v36 =	vld [tilespmem:s12+$0xFFFFFFD0];
	v23 =	vperm.xlane v17, v4;
	v24 =	vperm.xlane v20, v4;
	v17, v20, _ =	vpop (xrf1)  }
0x10e: {  	(xrf1) =	vsort.dscd.msk.f32 $0xffff, v25, v52;
	v14 =	vsel vm0, v17, v14;
	v15 =	vsel vm0, v20, v15;
	v17, v20, _ =	vpop (xrf1)  }
0x10f: {  	(xrf1) =	vsort.dscd.msk.f32 $0xffff, v26, v45;
	v25 =	vperm.xlane v17, v4;
	v26 =	vperm.xlane v20, v4;
	v17, v20, _ =	vpop (xrf1)  }
0x110: {  	[tilespmem:$0x1FEE0] =	vst v42;
	v42 =	vld [tilespmem:s12+$0xFFFFFFE0];
	(xrf1) =	vsort.dscd.msk.f32 $0xffff, v35, v52;
	v35 =	vperm.xlane v20, v4  }
0x111: {  	v51 =	vld [tilespmem:s12+$0x10];
	(xrf1) =	vsort.dscd.msk.f32 $0xffff, v14, v15;
	v63 =	vperm.xlane v17, v4;
	v17, v20, _ =	vpop (xrf1)  }
0x112: {  	v53 =	vld [tilespmem:s12+$0x20];
	v22 =	vperm.xlane v22, v4;
	(xrf1) =	vsort.dscd.msk.f32 $0xffff, v36, v45;
	v36 =	vsel vm0, v17, v29;
	v21, v29, _ =	vpop (xrf1);
	[tilespmem:$0x1FE90] =	vst v35  }
0x113: {  	v54 =	vld [tilespmem:s12+$0x50];
	[tilespmem:$0x1FE50] =	vst v36;
	v35 =	vperm.xlane v21, v4;
	v36 =	vperm.xlane v29, v4;
	v21, v29, _ =	vpop (xrf1)  }
0x114: {  	v55 =	vld [tilespmem:s12+$0x60];
	v20 =	vsel vm0, v20, v30;
	v21 =	vsel vm0, v21, v22;
	v22 =	vsel vm0, v29, v41;
	v29, v30, _ =	vpop (xrf1)  }
0x115: {  	[tilespmem:$0x1FEC0] =	vst v56;
	v56 =	vld [tilespmem:s12+$0x90];
	(xrf1) =	vsort.dscd.msk.f32 $0xffff, v42, v52;
	v41 =	vperm.xlane v29, v4;
	v42 =	vperm.xlane v30, v4;
	v29, v30, _ =	vpop (xrf1)  }
0x116: {  	[tilespmem:$0x1FF00] =	vst v57;
	v57 =	vld [tilespmem:s12+$0xA0];
	(xrf1) =	vsort.dscd.msk.f32 $0xffff, v51, v45;
	v51 =	vsel vm0, v30, v48  }
0x117: {  	v58 =	vld [tilespmem:s12+$0xD0];
	v47 =	vperm.xlane v60, v4;
	(xrf1) =	vsort.dscd.msk.f32 $0xffff, v53, v52  }
0x118: {  	[tilespmem:$0x1FED0] =	vst v43;
	v59 =	vld [tilespmem:s12+$0xE0];
	v43 =	vperm.xlane v61, v4;
	(xrf1) =	vsort.dscd.msk.f32 $0xffff, v54, v45;
	v53, v54, _ =	vpop (xrf1)  }
0x119: {  	v60 =	vld [tilespmem:s12+$0x110];
	v12 =	vperm.xlane v2, v4;
	v47 =	vsel vm0, v29, v47;
	(xrf1) =	vsort.dscd.msk.f32 $0xffff, v55, v52;
	[tilespmem:$0x1FE70] =	vst v51;
	v51, v2, _ =	vpop (xrf1)  }
0x11a: {  	(xrf1) =	vsort.dscd.msk.f32 $0xffff, v56, v45;
	v30 =	vsel vm0, v51, v37;
	v29 =	vsel vm0, v2, v38;
	v38, v37, _ =	vpop (xrf1)  }
0x11b: {  	v61 =	vld [tilespmem:s12+$0x120];
	[tilespmem:$0x1FE60] =	vst v47;
	v47 =	vperm.xlane v53, v4;
	v48 =	vperm.xlane v54, v4;
	(xrf1) =	vsort.dscd.msk.f32 $0xffff, v57, v52;
	v2, v57, _ =	vpop (xrf1)  }
0x11c: {  	[tilespmem:$0x1FE30] =	vst v62;
	v62 =	vld [tilespmem:s12+$0x150];
	v53 =	vperm.xlane v38, v4;
	v54 =	vperm.xlane v37, v4;
	(xrf1) =	vsort.dscd.msk.f32 $0xffff, v58, v45;
	v38, v37, _ =	vpop (xrf1)  }
0x11d: {  	[tilespmem:$0x1FE80] =	vst v63;
	v63 =	vld [tilespmem:s12+$0x160];
	v43 =	vsel vm0, v2, v43;
	(xrf1) =	vsort.dscd.msk.f32 $0xffff, v59, v52;
	v55 =	vperm.xlane v38, v4;
	v38, v2, _ =	vpop (xrf1)  }
0x11e: {  	v5 =	vld [tilespmem:s12+$0x190];
	(xrf1) =	vsort.dscd.msk.f32 $0xffff, v60, v45;
	v38 =	vsel vm0, v38, v1;
	v50 =	vsel vm0, v2, v50;
	v2, v1, _ =	vpop (xrf1)  }
0x11f: {  	v6 =	vld [tilespmem:s12+$0x1A0];
	v56 =	vperm.xlane v37, v4;
	v37, v10, _ =	vpop (xrf1)  }
0x120: {  	v8 =	vld [tilespmem:s12+$0xFFFFFE40];
	(xrf1) =	vsort.dscd.msk.f32 $0xffff, v61, v52;
	v51 =	vsel vm0, v37, v16;
	v37 =	vsel vm0, v10, v0;
	v61, v0, _ =	vpop (xrf1)  }
0x121: {  	v9 =	vld [tilespmem:s12+$0xFFFFFE80];
	v44 =	vsel vm0, v57, v44;
	v57 =	vperm.xlane v2, v4;
	(xrf1) =	vsort.dscd.msk.f32 $0xffff, v62, v45;
	v17 =	vmul.f32 $1.442695020e+00, v61;
	v61, v2, _ =	vpop (xrf1)  }
0x122: {  	v11 =	vld [tilespmem:s12+$0xFFFFFEC0];
	(xrf1) =	vsort.dscd.msk.f32 $0xffff, v63, v52  }
0x123: {  	v59 =	vld [tilespmem:s12+$0xFFFFFF00];
	v16 =	vperm.xlane v61, v4;
	v3, v61, _ =	vpop (xrf1);
	(xrf1) =	vsort.dscd.msk.f32 $0xffff, v5, v45  }
0x124: {  	v60 =	vld [tilespmem:s12+$0xFFFFFF40];
	(erf) = vpow2.f32 v17;
	v45 =	vsel vm0, v3, v12;
	v3, v5, _ =	vpop (xrf1);
	(xrf1) =	vsort.dscd.msk.f32 $0xffff, v6, v52  }
0x125: {  	v7 =	vld [tilespmem:s12+$0xFFFFFF80];
	v58 =	vperm.xlane v1, v4;
	(xrf1) =	vsort.dscd.msk.f32 $0xffff, v8, v31;
	v8, v1, _ =	vpop (xrf1)  }
0x126: {  	v15 =	vperm.xlane v2, v4;
	(xrf1) =	vsort.dscd.msk.f32 $0xffff, v9, v31;
	v9, v2, _ =	vpop (xrf1)  }
0x127: {  	v10 =	vld [tilespmem:s12+$0xFFFFFFC0];
	(xrf1) =	vsort.dscd.msk.f32 $0xffff, v11, v31;
	v11, v52, _ =	vpop (xrf1)  }
0x128: {  	v62 =	vld [tilespmem:s12+$0x0];
	v17 =	vsel vm0, v8, v39;
	v8 =	vsel vm0, v52, v34;
	(xrf1) =	vsort.dscd.msk.f32 $0xffff, v59, v31;
	v34, v52, _ =	vpop (xrf1)  }
0x129: {  	[tilespmem:$0x1FEB0] =	vst v0;
	v14 =	vperm.xlane v5, v4;
	v59 =	vperm.xlane v52, v4;
	(xrf1) =	vsort.dscd.msk.f32 $0xffff, v60, v31;
	v52, v0, _ =	vpop (xrf1)  }
0x12a: {  	v39 =	vsel vm0, v1, v40;
	v1 =	vld [tilespmem:s12+$0xFFFFFE00];
	v5 =	vsel vm0, v0, v32;
	(xrf1) =	vsort.dscd.msk.f32 $0xffff, v7, v31;
	v7, v0, _ =	vpop (xrf1)  }
0x12b: {  	v52 =	vsel vm0, v52, v18;
	v18 =	vld [tilespmem:$0x1FE30];
	v32 =	vperm.xlane v0, v4;
	v60, v0, _ =	vpop (xrf1)  }
0x12c: {  	v63 =	vld [tilespmem:s12+$0x40];
	v13 =	vperm.xlane v3, v4;
	(xrf1) =	vsort.dscd.msk.f32 $0xffff, v10, v31;
	v3 =	vsel vm0, v0, v28;
	v10, v28, _ =	vpop (xrf1)  }
0x12d: {  	v12 =	vld [tilespmem:s12+$0x80];
	(xrf1) =	vsort.dscd.msk.f32 $0xffff, v62, v31;
	v62 =	vpop (erf)  }
0x12e: {  	v27 =	vsel vm0, v60, v27;
	v60 =	vperm.xlane v10, v4;
	v10 =	vnsel vm0, $0x0, v62  }
0x12f: {  	v6 =	vld [tilespmem:s12+$0xC0];
	(xrf1) =	vsort.dscd.msk.f32 $0xffff, v1, v31;
	v1, v0, _ =	vpop (xrf1)  }
0x130: {  	v40 =	vld [tilespmem:s12+$0x100];
	v0 =	vsel vm0, v0, v19;
	(xrf2) =	vadd.scan.msk.f32 $0xffff, v10;
	v1 =	vsel vm0, v1, v18;
	v18, v19, _ =	vpop (xrf1)  }
0x131: {  	(xrf1) =	vsort.dscd.msk.f32 $0xffff, v63, v31;
	v10, v63, _ =	vpop (xrf1)  }
0x132: {  	(xrf1) =	vsort.dscd.msk.f32 $0xffff, v12, v31;
	v23 =	vsel vm0, v10, v23;
	v10, v12, _ =	vpop (xrf1)  }
0x133: {  	v46 =	vsel vm0, v61, v46;
	v61 =	vperm.xlane v2, v4  }
0x134: {  	v2 =	vld [tilespmem:s12+$0x140];
	v24 =	vsel vm0, v63, v24;
	(xrf1) =	vsort.dscd.msk.f32 $0xffff, v6, v31;
	v63 =	vperm.xlane v10, v4;
	v6, v10, _ =	vpop (xrf1)  }
0x135: {  	v6 =	vsel vm0, v6, v25;
	v25 =	vsel vm0, v10, v26;
	v10, v26, _ =	vpop (xrf1);
	(xrf1) =	vsort.dscd.msk.f32 $0xffff, v40, v31;
	v40 =	vld [tilespmem:$0x1FE40]  }
0x136: {  	v11 =	vsel vm0, v11, v33;
	v33 =	vld [tilespmem:s12+$0x180];
	_ =	sdelay $0x2  }
0x137: {  	v35 =	vsel vm0, v10, v35;
	v26 =	vsel vm0, v26, v36;
	v10, v36, _ =	vpop (xrf1)  }
0x138: {  	(xrf1) =	vsort.dscd.msk.f32 $0xffff, v2, v31;
	v2 =	vsel vm0, v10, v41;
	(erf) = vrcp.f32 v40;
	v10, v40, _ =	vpop (xrf1)  }
0x139: {  	(xrf1) =	vsort.dscd.msk.f32 $0xffff, v33, v31;
	v33 =	vsel vm0, v10, v47;
	v10 =	vld [tilespmem:$0x1FE50];
	_ =	sdelay $0x4  }
0x13a: {  	(xrf1) =	vsort.dscd.msk.f32 $0xffff, v10, v20;
	v10, v20, _ =	vpop (xrf1)  }
0x13b: {  	v53 =	vsel vm0, v10, v53;
	v20 =	vsel vm0, v20, v54;
	v10, v54, _ =	vpop (xrf1)  }
0x13c: {  	v31 =	vld [tilespmem:$0x1FE70];
	(xrf1) =	vsort.dscd.msk.f32 $0xffff, v21, v22;
	v55 =	vsel vm0, v10, v55;
	v10, v21, _ =	vpop (xrf1)  }
0x13d: {  	v22 =	vsel vm0, v10, v57;
	v10 =	vld [tilespmem:$0x1FE60];
	_ =	sdelay $0x4  }
0x13e: {  	(xrf1) =	vsort.dscd.msk.f32 $0xffff, v10, v31;
	v10, _, _ =	vpop (xrf2)  }
0x13f: {  	(xrf1) =	vsort.dscd.msk.f32 $0xffff, v30, v29;
	v29, v30, _ =	vpop (xrf1)  }
0x140: {  	v10 =	vbroadcast v10, $0xF;
	v16 =	vsel vm0, v29, v16;
	v15 =	vsel vm0, v30, v15;
	(xrf1) =	vsort.dscd.msk.f32 $0xffff, v43, v44;
	v29, v30, _ =	vpop (xrf1)  }
0x141: {  	v13 =	vsel vm0, v29, v13;
	v14 =	vsel vm0, v30, v14;
	v29, v30, _ =	vpop (xrf1);
	(xrf1) =	vsort.dscd.msk.f32 $0xffff, v38, v50  }
0x142: {  	(erf) = vrcp.f32 v10;
	v10 =	vld [tilespmem:$0x1FE80];
	(xrf1) =	vsort.dscd.msk.f32 $0xffff, v51, v37  }
0x143: {  	v21 =	vsel vm0, v21, v58;
	v58, v57, _ =	vpop (xrf1);
	(xrf1) =	vsort.dscd.msk.f32 $0xffff, v45, v46  }
0x144: {  	v7 =	vperm.xlane v7, v4;
	v19 =	vperm.xlane v19, v4;
	(xrf1) =	vsort.dscd.msk.f32 $0xffff, v17, v39;
	v17, v43, _ =	vpop (xrf1)  }
0x145: {  	v18 =	vperm.xlane v18, v4;
	v12 =	vperm.xlane v12, v4;
	(xrf1) =	vsort.dscd.msk.f32 $0xffff, v11, v8;
	v8, v11, _ =	vpop (xrf1)  }
0x146: {  	v7 =	vsel vm0, v8, v7;
	v8 =	vsel vm0, v11, v32;
	(xrf1) =	vsort.dscd.msk.f32 $0xffff, v52, v5;
	v5, v11, _ =	vpop (xrf1)  }
0x147: {  	v29 =	vsel vm0, v29, v10;
	v10 =	vld [tilespmem:$0x1FE90];
	(xrf1) =	vsort.dscd.msk.f32 $0xffff, v27, v3;
	v3, v27, _ =	vpop (xrf1)  }
0x148: {  	v31 =	vld [tilespmem:$0x1FEA0];
	v3 =	vsel vm0, v3, v18;
	(xrf1) =	vsort.dscd.msk.f32 $0xffff, v1, v0;
	v0, v1, _ =	vpop (xrf1)  }
0x149: {  	v18 =	vsel vm0, v27, v19;
	v1 =	vsel vm0, v1, v12;
	v12, v19, _ =	vpop (xrf1);
	(xrf1) =	vsort.dscd.msk.f32 $0xffff, v23, v24;
	v23 =	vld [tilespmem:$0x1FEB0]  }
0x14a: {  	v9 =	vperm.xlane v9, v4;
	v34 =	vperm.xlane v34, v4  }
0x14b: {  	v28 =	vperm.xlane v28, v4;
	v36 =	vsel vm0, v36, v42;
	v40 =	vsel vm0, v40, v48  }
0x14c: {  	v42 =	vsel vm0, v54, v56;
	v9 =	vsel vm0, v58, v9;
	v30 =	vsel vm0, v30, v10;
	v10 =	vpop (erf)  }
0x14d: {  	v61 =	vsel vm0, v57, v61;
	(xrf1) =	vsort.dscd.msk.f32 $0xffff, v6, v25;
	v10 =	vmul.f32 v10, v31;
	v6 =	vpop (erf)  }
0x14e: {  	v24, v25, _ =	vpop (xrf1);
	(xrf1) =	vsort.dscd.msk.f32 $0xffff, v29, v30;
	v45 =	vmul.f32 v6, v62;
	v31 =	vperm.xlane v23, v4  }
0x14f: {  	v17 =	vsel vm0, v17, v34;
	v44 =	vsel vm0, v43, v59;
	(xrf1) =	vsort.dscd.msk.f32 $0xffff, v35, v26;
	v26, v27, _ =	vpop (xrf1)  }
0x150: {  	v5 =	vsel vm0, v5, v60;
	(xrf1) =	vsort.dscd.msk.f32 $0xffff, v2, v36;
	v46, v23, _ =	vpop (xrf1);
	v30 =	vsel vm0, v45, v31  }
0x151: {  	v11 =	vsel vm0, v11, v28;
	v0 =	vsel vm0, v0, v63;
	(xrf1) =	vsort.dscd.msk.f32 $0xffff, v33, v40;
	v6, v28, _ =	vpop (xrf1)  }
0x152: {  	s9 =	sadd.s32 $0x100, s9;
	v12 =	vperm.xlane v12, v4;
	v19 =	vperm.xlane v19, v4;
	(xrf1) =	vsort.dscd.msk.f32 $0xffff, v53, v20;
	v20, v29, _ =	vpop (xrf1)  }
0x153: {  	v24 =	vperm.xlane v24, v4;
	v25 =	vperm.xlane v25, v4;
	[tilespmem:s9+$0x70] =	vst v30;
	(xrf1) =	vsort.dscd.msk.f32 $0xffff, v55, v42;
	v30, v31, _ =	vpop (xrf1)  }
0x154: {  	v26 =	vperm.xlane v26, v4;
	v27 =	vperm.xlane v27, v4;
	(xrf1) =	vsort.dscd.msk.f32 $0xffff, v22, v21;
	v21, v22, _ =	vpop (xrf1)  }
0x155: {  	v2 =	vperm.xlane v46, v4;
	v23 =	vperm.xlane v23, v4;
	(xrf1) =	vsort.dscd.msk.f32 $0xffff, v16, v15;
	v15, v16, _ =	vpop (xrf1)  }
0x156: {  	v6 =	vperm.xlane v6, v4;
	v28 =	vperm.xlane v28, v4;
	(xrf1) =	vsort.dscd.msk.f32 $0xffff, v13, v14;
	v13, v14, _ =	vpop (xrf1)  }
0x157: {  	v20 =	vperm.xlane v20, v4;
	v29 =	vperm.xlane v29, v4;
	(xrf1) =	vsort.dscd.msk.f32 $0xffff, v9, v61;
	v9, v48, _ =	vpop (xrf1)  }
0x158: {  	v30 =	vperm.xlane v30, v4;
	v31 =	vperm.xlane v31, v4;
	(xrf1) =	vsort.dscd.msk.f32 $0xffff, v17, v44;
	v17, v50, _ =	vpop (xrf1)  }
0x159: {  	v21 =	vperm.xlane v21, v4;
	v22 =	vperm.xlane v22, v4;
	(xrf1) =	vsort.dscd.msk.f32 $0xffff, v7, v8;
	v7, v8, _ =	vpop (xrf1)  }
0x15a: {  	v15 =	vperm.xlane v15, v4;
	v16 =	vperm.xlane v16, v4;
	(xrf1) =	vsort.dscd.msk.f32 $0xffff, v5, v11;
	v5, v11, _ =	vpop (xrf1)  }
0x15b: {  	v13 =	vperm.xlane v13, v4;
	v14 =	vperm.xlane v14, v4;
	(xrf1) =	vsort.dscd.msk.f32 $0xffff, v3, v18;
	v3, v18, _ =	vpop (xrf1)  }
0x15c: {  	v9 =	vperm.xlane v9, v4;
	v32 =	vperm.xlane v48, v4;
	v52, v51, _ =	vpop (xrf1);
	(xrf1) =	vsort.dscd.msk.f32 $0xffff, v0, v1  }
0x15d: {  	v53 =	vsel vm0, v52, v12;
	v54 =	vsel vm0, v51, v19;
	v12 =	vperm.xlane v18, v4;
	v18, v19, _ =	vpop (xrf1)  }
0x15e: {  	v55 =	vsel vm0, v18, v24;
	v24 =	vsel vm0, v19, v25;
	(xrf1) =	vsort.dscd.msk.f32 $0xffff, v53, v54;
	v0, v1, _ =	vpop (xrf1)  }
0x15f: {  	v26 =	vsel vm0, v0, v26;
	v25 =	vsel vm0, v1, v27;
	(xrf1) =	vsort.dscd.msk.f32 $0xffff, v55, v24;
	v18, v19, _ =	vpop (xrf1)  }
0x160: {  	v24 =	vsel vm0, v18, v2;
	v18 =	vsel vm0, v19, v23;
	(xrf1) =	vsort.dscd.msk.f32 $0xffff, v26, v25  }
0x161: {  	v17 =	vperm.xlane v17, v4;
	v33 =	vperm.xlane v50, v4;
	v56, v57, _ =	vpop (xrf1);
	(xrf1) =	vsort.dscd.msk.f32 $0xffff, v24, v18;
	v18 =	vld [tilespmem:$0x1FEC0]  }
0x162: {  	v7 =	vperm.xlane v7, v4;
	v8 =	vperm.xlane v8, v4  }
0x163: {  	v5 =	vperm.xlane v5, v4;
	v11 =	vperm.xlane v11, v4;
	v23 =	vsel vm0, v56, v6;
	v58, v6, _ =	vpop (xrf1)  }
0x164: {  	v3 =	vperm.xlane v3, v4;
	v19 =	vsel vm0, v57, v28;
	v24 =	vsel vm0, v58, v20;
	v59, v60, _ =	vpop (xrf1)  }
0x165: {  	v20 =	vsel vm0, v6, v29;
	(xrf1) =	vsort.dscd.msk.f32 $0xffff, v23, v19;
	v23 =	vsel vm0, v59, v30;
	v61, v6, _ =	vpop (xrf1)  }
0x166: {  	(xrf1) =	vsort.dscd.msk.f32 $0xffff, v24, v20;
	v20 =	vsel vm0, v61, v21;
	v62, v63, _ =	vpop (xrf1);
	(erf) = vrcp.f32 v18;
	v18 =	vsel vm0, v60, v31  }
0x167: {  	v19 =	vsel vm0, v6, v22;
	v34, v6, _ =	vpop (xrf1);
	(xrf1) =	vsort.dscd.msk.f32 $0xffff, v23, v18;
	v18 =	vsel vm0, v62, v15  }
0x168: {  	v35, v36, _ =	vpop (xrf1);
	v15 =	vsel vm0, v63, v16;
	v16 =	vsel vm0, v34, v13;
	(xrf1) =	vsort.dscd.msk.f32 $0xffff, v20, v19  }
0x169: {  	v13 =	vsel vm0, v6, v14;
	v14 =	vsel vm0, v35, v9;
	v37, v6, _ =	vpop (xrf1);
	(xrf1) =	vsort.dscd.msk.f32 $0xffff, v18, v15  }
0x16a: {  	v9 =	vsel vm0, v36, v32;
	v38, v39, _ =	vpop (xrf1);
	v15 =	vsel vm0, v37, v17;
	(xrf1) =	vsort.dscd.msk.f32 $0xffff, v16, v13  }
0x16b: {  	v13 =	vsel vm0, v6, v33;
	v40, v6, _ =	vpop (xrf1);
	(xrf1) =	vsort.dscd.msk.f32 $0xffff, v14, v9;
	v9 =	vsel vm0, v38, v7  }
0x16c: {  	v45 =	vld [tilespmem:$0x1FEE0];
	v7 =	vsel vm0, v39, v8;
	v8 =	vsel vm0, v40, v5;
	v41, v42, _ =	vpop (xrf1);
	(xrf1) =	vsort.dscd.msk.f32 $0xffff, v15, v13  }
0x16d: {  	v6 =	vsel vm0, v6, v11;
	v0 =	vsel vm0, v41, v3;
	v3, v5, _ =	vpop (xrf1);
	(xrf1) =	vsort.dscd.msk.f32 $0xffff, v9, v7  }
0x16e: {  	v46 =	vmul.f32 $1.442695020e+00, v3;
	v29 =	vperm.xlane v5, v4;
	v3, v5, _ =	vpop (xrf1);
	(xrf1) =	vsort.dscd.msk.f32 $0xffff, v8, v6;
	v6 =	vld [tilespmem:$0x1FEF0]  }
0x16f: {  	v47 =	vmul.f32 $1.442695020e+00, v3;
	v28 =	vperm.xlane v5, v4;
	v3, v5, _ =	vpop (xrf1)  }
0x170: {  	v1 =	vsel vm0, v42, v12;
	v43 =	vpop (erf);
	(erf) = vpow2.f32 v46  }
0x171: {  	(xrf1) =	vsort.dscd.msk.f32 $0xffff, v0, v1;
	v3 =	vmul.f32 $1.442695020e+00, v3;
	v1 =	vmul.f32 v43, v45  }
0x172: {  	(erf) = vpow2.f32 v47  }
0x173: {  	v44 =	vld [tilespmem:$0x1FED0];
	v27 =	vperm.xlane v5, v4;
	(erf) = vpow2.f32 v3;
	v1 =	vsel vm0, v1, v6;
	v5, v6, _ =	vpop (xrf1)  }
0x174: {  	v48 =	vmul.f32 $1.442695020e+00, v5;
	v26 =	vperm.xlane v6, v4;
	v5, v6, _ =	vpop (xrf1)  }
0x175: {  	v21 =	vperm.xlane v6, v4;
	v6, v7, _ =	vpop (xrf1)  }
0x176: {  	v50, v8, _ =	vpop (xrf1)  }
0x177: {  	v51, v9, _ =	vpop (xrf1)  }
0x178: {  	v0 =	vsel vm0, v10, v44;
	v5 =	vmul.f32 $1.442695020e+00, v5;
	v6 =	vmul.f32 $1.442695020e+00, v6;
	v3, v10, _ =	vpop (xrf1)  }
0x179: {  	(erf) = vpow2.f32 v48;
	v25 =	vperm.xlane v7, v4;
	v55 =	vpop (erf)  }
0x17a: {  	v2 =	vmul.f32 $1.442695020e+00, v50;
	(erf) = vpow2.f32 v5;
	v52, v11, _ =	vpop (xrf1)  }
0x17b: {  	[tilespmem:s10+$0x40] =	vst v0;
	v0 =	vmul.f32 $1.442695020e+00, v51;
	(erf) = vpow2.f32 v6;
	v7 =	vpop (erf)  }
0x17c: {  	v3 =	vmul.f32 $1.442695020e+00, v3;
	(erf) = vpow2.f32 v2;
	v5, v12, _ =	vpop (xrf1)  }
0x17d: {  	v24 =	vperm.xlane v8, v4;
	v56 =	vnsel vm0, $0x0, v55;
	(erf) = vpow2.f32 v0;
	v8 =	vpop (erf)  }
0x17e: {  	[tilespmem:s10+$0x50] =	vst v1;
	v1 =	vmul.f32 $1.442695020e+00, v52;
	(xrf2) =	vadd.scan.msk.f32 $0xffff, v56;
	v6, v13, _ =	vpop (xrf1);
	(erf) = vpow2.f32 v3  }
0x17f: {  	v23 =	vperm.xlane v9, v4;
	v5 =	vmul.f32 $1.442695020e+00, v5;
	v53, v14, _ =	vpop (xrf1)  }
0x180: {  	v6 =	vmul.f32 $1.442695020e+00, v6;
	(erf) = vpow2.f32 v1;
	v54, v15, _ =	vpop (xrf1)  }
0x181: {  	v2 =	vmul.f32 $1.442695020e+00, v53;
	(erf) = vpow2.f32 v5;
	v3, v31, _ =	vpop (xrf1)  }
0x182: {  	v19 =	vperm.xlane v10, v4;
	v10 =	vld [tilespmem:$0x1FF00];
	v5 =	vnsel vm0, $0x0, v7;
	(erf) = vpow2.f32 v6;
	v9 =	vpop (erf)  }
0x183: {  	v0 =	vmul.f32 $1.442695020e+00, v54;
	(xrf2) =	vadd.scan.msk.f32 $0xffff, v5;
	(erf) = vpow2.f32 v2;
	v30 =	vpop (erf)  }
0x184: {  	v3 =	vmul.f32 $1.442695020e+00, v3;
	v22 =	vpop (erf)  }
0x185: {  	(erf) = vpow2.f32 v0;
	v20 =	vpop (erf)  }
0x186: {  	v16 =	vperm.xlane v13, v4;
	(erf) = vpow2.f32 v3;
	v13 =	vpop (erf)  }
0x187: {  	v17 =	vperm.xlane v12, v4;
	(erf) = vrcp.f32 v10;
	v12 =	vpop (erf)  }
0x188: {  	v45, _, _ =	vpop (xrf2)  }
0x189: {  	v18 =	vperm.xlane v11, v4;
	v11 =	vpop (erf)  }
0x18a: {  	v6 =	vnsel vm0, $0x0, v8;
	v40 =	vperm.xlane v15, v4;
	v15 =	vpop (erf)  }
0x18b: {  	v43 =	vperm.xlane v14, v4;
	(xrf2) =	vadd.scan.msk.f32 $0xffff, v6;
	v57 =	vnsel vm0, $0x0, v9;
	v14 =	vpop (erf)  }
0x18c: {  	(xrf2) =	vadd.scan.msk.f32 $0xffff, v57;
	v44 =	vpop (erf)  }
0x18d: {  	v58 =	vnsel vm0, $0x0, v30;
	v48, _, _ =	vpop (xrf2)  }
0x18e: {  	(xrf2) =	vadd.scan.msk.f32 $0xffff, v58;
	v38 =	vbroadcast v45, $0xF;
	v42 =	vpop (erf)  }
0x18f: {  	v47 =	vld [tilespmem:$0x1FF10];
	v63 =	vpop (erf)  }
0x190: {  	v59 =	vnsel vm0, $0x0, v22;
	v46 =	vpop (erf);
	(erf) = vrcp.f32 v38  }
0x191: {  	v50 =	vld [tilespmem:$0x1FF20];
	(xrf2) =	vadd.scan.msk.f32 $0xffff, v59;
	v2 =	vbroadcast v48, $0xF;
	_ =	sdelay $0x1  }
0x192: {  	(erf) = vrcp.f32 v2  }
0x193: {  	v0 =	vmul.f32 v46, v47  }
0x194: {  	v3 =	vnsel vm0, $0x0, v20;
	v51, _, _ =	vpop (xrf2)  }
0x195: {  	(xrf2) =	vadd.scan.msk.f32 $0xffff, v3;
	v52, _, _ =	vpop (xrf2);
	v38 =	vsel vm0, v0, v50;
	v0 =	vbroadcast v51, $0xF  }
0x196: {  	v1 =	vbroadcast v52, $0xF  }
0x197: {  	v10 =	vnsel vm0, $0x0, v13;
	v53, _, _ =	vpop (xrf2);
	(erf) = vrcp.f32 v0  }
0x198: {  	v5 =	vnsel vm0, $0x0, v12;
	(xrf2) =	vadd.scan.msk.f32 $0xffff, v10;
	v54 =	vpop (erf);
	(erf) = vrcp.f32 v1  }
0x199: {  	(xrf2) =	vadd.scan.msk.f32 $0xffff, v5;
	v0 =	vbroadcast v53, $0xF  }
0x19a: {  	v61 =	vnsel vm0, $0x0, v11;
	v56, _, _ =	vpop (xrf2)  }
0x19b: {  	(xrf2) =	vadd.scan.msk.f32 $0xffff, v61;
	v3 =	vpop (erf);
	(erf) = vrcp.f32 v0  }
0x19c: {  	v60 =	vperm.xlane v31, v4;
	_ =	sdelay $0x1  }
0x19d: {  	v39 =	vmovc v60;
	v62 =	vnsel vm0, $0x0, v15;
	v6 =	vnsel vm0, $0x0, v14;
	v37 =	vnsel vm0, $0x0, v44  }
0x19e: {  	s11 =	sadd.s32 $0x10, s11;
	v32 =	vnsel vm0, $0x0, v42;
	v31 =	vnsel vm0, $0x0, v63;
	v58, _, _ =	vpop (xrf2);
	v55 =	vmul.f32 v54, v55  }
0x19f: {  	p0 =	slt.u32 s11, $0x120;
	v41 =	vmov v63;
	[tilespmem:s10+$0x60] =	vst v38;
	v2 =	vbroadcast v56, $0xF;
	v57 =	vmul.f32 v3, v7;
	v3 =	vpop (erf)  }
.Ltmp0:
0x1a0: {  	(xrf2) =	vadd.scan.msk.f32 $0xffff, v62;
	v1 =	vbroadcast v58, $0xF;
	v5 =	vsel vm0, v55, v29;
	v59 =	vmul.f32 v3, v8;
	v3 =	vpop (erf);
	(pc) =	sbr.rel @p0 .LBB2_2-.Ltmp0, $4  }
0x1a1: {  	v60, _, _ =	vpop (xrf2);
	(xrf2) =	vadd.scan.msk.f32 $0xffff, v6;
	[tilespmem:s9+$0xFFFFFF80] =	vst v5;
	v0 =	vsel vm0, v57, v28;
	v61 =	vmul.f32 v3, v9  }
0x1a2: {  	v62, _, _ =	vpop (xrf2);
	(erf) = vrcp.f32 v2;
	[tilespmem:s9+$0xFFFFFF90] =	vst v0;
	v2 =	vbroadcast v60, $0xF;
	v0 =	vsel vm0, v59, v27  }
0x1a3: {  	v27 =	vbroadcast v62, $0xF;
	(erf) = vrcp.f32 v1;
	[tilespmem:s9+$0xFFFFFFA0] =	vst v0;
	v63 =	vpop (erf);
	v0 =	vsel vm0, v61, v26  }
0x1a4: {  	s12 =	sadd.s32 $0x400, s12;
	s10 =	smov.u32 s9;
	(xrf2) =	vadd.scan.msk.f32 $0xffff, v37;
	v28, _, _ =	vpop (xrf2);
	(erf) = vrcp.f32 v2;
	v26 =	vmul.f32 v63, v30;
	[tilespmem:s9+$0xFFFFFFB0] =	vst v0  }
0x1a5: {  	(xrf2) =	vadd.scan.msk.f32 $0xffff, v32  }
0x1a6: {  	(xrf2) =	vadd.scan.msk.f32 $0xffff, v31;
	_ =	sdelay $0x5  }
0x1a7: {  	v1 =	vbroadcast v28, $0xF;
	v0, _, _ =	vpop (xrf2)  }
0x1a8: {  	(erf) = vrcp.f32 v27;
	v0 =	vbroadcast v0, $0xF;
	v2, _, _ =	vpop (xrf2)  }
0x1a9: {  	(erf) = vrcp.f32 v1;
	v1 =	vbroadcast v2, $0xF;
	v2, _, _ =	vpop (xrf2)  }
0x1aa: {  	(erf) = vrcp.f32 v0;
	v0 =	vbroadcast v2, $0xF;
	v2, _, _ =	vpop (xrf2)  }
0x1ab: {  	(erf) = vrcp.f32 v1;
	v1 =	vbroadcast v2, $0xF;
	v2, _, _ =	vpop (xrf2)  }
0x1ac: {  	v2 =	vbroadcast v2, $0xF;
	(erf) = vrcp.f32 v0  }
0x1ad: {  	(erf) = vrcp.f32 v1  }
0x1ae: {  	v0 =	vpop (erf);
	(erf) = vrcp.f32 v2  }
0x1af: {  	v3 =	vsel vm0, v26, v21;
	v1 =	vpop (erf);
	v0 =	vmul.f32 v0, v22  }
0x1b0: {  	v2 =	vpop (erf);
	v1 =	vmul.f32 v1, v20  }
0x1b1: {  	[tilespmem:s9+$0xFFFFFFC0] =	vst v3;
	v5 =	vpop (erf);
	v0 =	vsel vm0, v0, v25;
	v2 =	vmul.f32 v2, v13  }
0x1b2: {  	v3 =	vpop (erf);
	[tilespmem:s9+$0xFFFFFFD0] =	vst v0;
	v0 =	vsel vm0, v1, v24;
	v1 =	vmul.f32 v5, v12  }
0x1b3: {  	v5 =	vpop (erf);
	[tilespmem:s9+$0xFFFFFFE0] =	vst v0;
	v0 =	vsel vm0, v2, v23;
	v2 =	vmul.f32 v3, v11  }
0x1b4: {  	[tilespmem:s9+$0xFFFFFFF0] =	vst v0;
	v0 =	vsel vm0, v1, v19;
	v1 =	vmul.f32 v5, v15;
	v3 =	vpop (erf)  }
0x1b5: {  	[tilespmem:s9+$0x0] =	vst v0;
	v0 =	vsel vm0, v2, v18;
	v2 =	vmul.f32 v3, v14;
	v3 =	vpop (erf)  }
0x1b6: {  	[tilespmem:s9+$0x10] =	vst v0;
	v0 =	vsel vm0, v1, v17;
	v1 =	vmul.f32 v3, v44;
	v3 =	vpop (erf)  }
0x1b7: {  	[tilespmem:s9+$0x20] =	vst v0;
	v0 =	vsel vm0, v2, v16;
	v2 =	vmul.f32 v3, v42;
	v3 =	vpop (erf)  }
0x1b8: {  	[tilespmem:s9+$0x30] =	vst v0;
	v0 =	vsel vm0, v1, v43;
	v1 =	vmul.f32 v3, v41  }
0x1b9: {  	s8 =	sadd.s32 $0x1, s8;
	[tilespmem:s10+$0x40] =	vst v0;
	v0 =	vsel vm0, v2, v40  }
0x1ba: {  	p0 =	sne.s32 s8, s5;
	[tilespmem:s10+$0x50] =	vst v0;
	v0 =	vsel vm0, v1, v39  }
.Ltmp1:
0x1bb: {  	[tilespmem:s10+$0x60] =	vst v0;
	(pc) =	sbr.rel @p0 .LBB2_1-.Ltmp1, $4  }
0x1bc: {  	[hbm4b:s4+s2] =	stream.linear.scatter [tilespmem:s7], [sflag:$0x1], $0x1300, $0x38;
	[tilespmem:$0x5F00] =	vst v63  }
0x1bd: {  	_ =	swait.ge [sflag:s6], $0x1300  }
0x1be: {  	[sflag:s6] =	ssyncset.done $0x0;
	v1 =	vld [tilespmem:$0x1FFE0]  }
0x1bf: {  	v3 =	vmov v49;
	v0 =	vlaneseq.u32;
	v2 =	vld [tilespmem:$0x1FFF0];
	[sflag:s6] =	ssyncadd.s32 $0xFFFFED00  }
0x1c0: {  	_ =	sfence.sel $0x180000  }
0x1c1: {  	[bflag:$0x0] =	sbarrier.arrive $0xFFFF  }
0x1c2: {  	p0 =	sne.s32 s0, $0x0;
	_ =	strace $0x9000004D  }
0x1c3: {  	s0 =	sadd.s32 @!p0 $0x100000, s1;
	[bflag:$0x2] =	sbarrier.arrive $0xFFFF  }
0x1c4: {  	[sflag:s0] =	ssyncadd.tile.s32 @!p0 $0x1;
	_ =	shalt  }
.Lfunc_end2:
_tile_overlayer_lowered:
.L_overlay_start_2:
0x1c5: {  	(tag) =	ssettag $0x2  }
0x1c6: {  	s0 =	rddreg [dreg:$0x0];
	s2 =	stileid.u32  }
0x1c7: {  	s1 =	rddreg [dreg:$0x1];
	p0 =	sne.s32 s2, $0x0  }
0x1c8: {  	s3 =	rddreg [dreg:$0x2];
	[bflag:$0x3] =	sbarrier.arrive $0xFFFF;
	s2 =	simm.s32 @!p0 $0x1C01  }
0x1c9: {  	[timem:s3], [sflag:s2] =	dma.local @!p0 [hbm:s0], s1  }
0x1ca: {  	s0 =	simm.s32 @!p0 $0x1  }
0x1cb: {  	_ =	swait.ge @!p0 [sflag:s0], s1  }
0x1cc: {  	s1 =	ssub.s32 @!p0 $0x0, s1;
	[sflag:s0] =	ssyncset.done @!p0 $0x0  }
0x1cd: {  	[sflag:s0] =	ssyncadd.s32 @!p0 s1  }
0x1ce: {  	[bflag:$0x3] =	sbarrier.arrive $0xFFFF  }
0x1cf: {  	_ =	shalt  }

// kernel: kernel.19.cloned.1.call-start
scs
__scs_entry_jumppad:
0x0: {  	(pc) =	sbr.rel $0x88, $3  }
0x1: {  	(tag) =	ssettag $0x0;
	lr =	simm.s32 $0x1  }
0x2: {  	[smem:$0x3F9F] =	sst lr;
	_ =	strace $0xD0000000  }
0x3: {  	_ = 	snop  }
0x4: {  	_ = 	snop  }
0x5: {  	_ = 	snop  }
0x6: {  	_ = 	snop  }
0x7: {  	_ = 	snop  }
__scs_overlays_trampoline_lowered:
0x8: {  	[smem:$0x3FAE] =	sst s0  }
0x9: {  	[smem:$0x3FAF] =	sst s1  }
0xa: {  	[smem:$0x3FB0] =	sst s2  }
0xb: {  	[smem:$0x3FB1] =	sst s3  }
0xc: {  	[smem:$0x3FB2] =	sst s4  }
0xd: {  	[smem:$0x3FB3] =	sst s5  }
0xe: {  	[smem:$0x3FB4] =	sst s6  }
0xf: {  	[smem:$0x3FB5] =	sst s7  }
0x10: {  	[smem:$0x3FB6] =	sst s8  }
0x11: {  	[smem:$0x3FB7] =	sst s9;
	s0 =	simm.s32 @!p0 $0x0  }
0x12: {  	s1 =	sld [smem:$0x3F9D];
	s0 =	simm.s32 @p0 $0x1  }
0x13: {  	[smem:$0x3FB8] =	sst s0;
	s0 =	simm.s32 @!p1 $0x0  }
0x14: {  	s2 =	sld [smem:$0x3F9C];
	s0 =	simm.s32 @p1 $0x1  }
0x15: {  	[smem:$0x3FB9] =	sst s0;
	s0 =	simm.s32 @!p2 $0x0  }
0x16: {  	s3 =	sld [smem:$0x3FDB];
	s0 =	simm.s32 @p2 $0x1  }
0x17: {  	s4 =	simm.s32 $0x1BF5;
	[smem:$0x3FBB] =	sst s0  }
0x18: {  	s0 =	sld [smem:$0x3F9E];
	_ =	swait.ge [sflag:s4], $0x0  }
0x19: {  	s7 =	sld [smem:$0x3F9F]  }
0x1a: {  	s8 =	sadd.s32 $0xFFFFE003, lr  }
0x1b: {  	s9 =	sadd.s32 $0xFFFFFEF7, lr;
	s5 =	simm.s32 $0xFFFFFFFF;
	p2 =	slt.u32 s8, $0xFFFFF086  }
0x1c: {  	p1 =	slt.u32 s9, $0xF7A;
	s5 =	simm.s32 @!p2 $0x0  }
0x1d: {  	s5 =	simm.s32 @p1 $0x1;
	p0 =	seq.s32 s7, s2  }
0x1e: {  	s7 =	smul.u32 @!p0 $0xF7A, s2;
	p2 =	seq.s32 @!p0 s5, $0x0  }
0x1f: {  	s9 =	smul.u32 $0xF7A, s1;
	s8 =	simm.s32 @!p0 $0x1BF5;
	p2 =	por !p2, p0  }
0x20: {  	[sflag:s8] =	ssyncset.s32 @!p0 $0xFFFFF086;
	s6 =	sadd.s32 @!p0 s3, s7;
	s7 =	simm.s32 @!p0 $0x108  }
0x21: {  	s3 =	sadd.s32 s3, s9;
	s6 =	sadd.s32 @!p0 $0x88, s6;
	s7 =	simm.s32 @p2 $0x1082  }
0x22: {  	[simem:s7], [sflag:s8] =	dma.local @!p0 [hbm:s6], $0xF7A  }
0x23: {  	s9 =	sor.u32 $0xD0000000, s2;
	s6 =	simm.s32 $0x108;
	_ =	swait.ge @!p0 [sflag:s8], $0x0  }
0x24: {  	s3 =	sadd.s32 $0x88, s3;
	s6 =	simm.s32 @!p1 $0x1082;
	[sflag:s4] =	ssyncset.s32 $0xFFFFF086  }
0x25: {  	[simem:s6], [sflag:s4] =	dma.local [hbm:s3], $0xF7A  }
0x26: {  	[smem:$0x3F9F] =	sst s1;
	(tag) =	ssettag s2;
	_ =	strace s9  }
0x27: {  	s1 =	sld [smem:$0x3FAF]  }
0x28: {  	s2 =	sld [smem:$0x3FB0]  }
0x29: {  	s4 =	sld [smem:$0x3FB2]  }
0x2a: {  	p0 =	seq.s32 s5, $0x0;
	s5 =	sld [smem:$0x3FB3]  }
0x2b: {  	s6 =	sld [smem:$0x3FB4]  }
0x2c: {  	s7 =	sld [smem:$0x3FB5]  }
0x2d: {  	s3 =	simm.s32 $0x108;
	s8 =	sld [smem:$0x3FB6]  }
0x2e: {  	s3 =	simm.s32 @!p0 $0x1082;
	s9 =	sld [smem:$0x3FB7]  }
0x2f: {  	lr =	sadd.s32 s0, s3;
	s0 =	sld [smem:$0x3FAE]  }
0x30: {  	s3 =	sld [smem:$0x3FB1]  }
0x31: {  	[smem:$0x3FBA] =	sst s10  }
0x32: {  	s10 =	sld [smem:$0x3FB8];
	_ =	sdelay $0x3  }
0x33: {  	p0 =	seq.s32 s10, $0x1;
	s10 =	sld [smem:$0x3FBA];
	_ =	sdelay $0x3  }
0x34: {  	[smem:$0x3FBA] =	sst s10  }
0x35: {  	s10 =	sld [smem:$0x3FB9];
	_ =	sdelay $0x3  }
0x36: {  	p1 =	seq.s32 s10, $0x1;
	s10 =	sld [smem:$0x3FBA];
	_ =	sdelay $0x3  }
0x37: {  	[smem:$0x3FBA] =	sst s10  }
0x38: {  	s10 =	sld [smem:$0x3FBB]  }
0x39: {  	_ = 	snop;
	(pc) =	sbr.ind lr, $3  }
0x3a: {  	_ = 	snop  }
0x3b: {  	_ = 	snop  }
0x3c: {  	p2 =	seq.s32 s10, $0x1;
	s10 =	sld [smem:$0x3FBA]  }
0x3d: {  	_ =	shalt  }
0x3e: {  	_ =	shalt  }
0x3f: {  	_ =	shalt  }
0x40: {  	_ =	shalt  }
0x41: {  	_ =	shalt  }
0x42: {  	_ =	shalt  }
0x43: {  	_ =	shalt  }
0x44: {  	_ =	shalt  }
0x45: {  	_ =	shalt  }
0x46: {  	_ =	shalt  }
0x47: {  	_ =	shalt  }
0x48: {  	_ =	shalt  }
0x49: {  	_ =	shalt  }
0x4a: {  	_ =	shalt  }
0x4b: {  	_ =	shalt  }
0x4c: {  	_ =	shalt  }
0x4d: {  	_ =	shalt  }
0x4e: {  	_ =	shalt  }
0x4f: {  	_ =	shalt  }
0x50: {  	_ =	shalt  }
0x51: {  	_ =	shalt  }
0x52: {  	_ =	shalt  }
0x53: {  	_ =	shalt  }
0x54: {  	_ =	shalt  }
0x55: {  	_ =	shalt  }
0x56: {  	_ =	shalt  }
0x57: {  	_ =	shalt  }
0x58: {  	_ =	shalt  }
0x59: {  	_ =	shalt  }
0x5a: {  	_ =	shalt  }
0x5b: {  	_ =	shalt  }
0x5c: {  	_ =	shalt  }
0x5d: {  	_ =	shalt  }
0x5e: {  	_ =	shalt  }
0x5f: {  	_ =	shalt  }
0x60: {  	_ =	shalt  }
0x61: {  	_ =	shalt  }
0x62: {  	_ =	shalt  }
0x63: {  	_ =	shalt  }
0x64: {  	_ =	shalt  }
0x65: {  	_ =	shalt  }
0x66: {  	_ =	shalt  }
0x67: {  	_ =	shalt  }
0x68: {  	_ =	shalt  }
0x69: {  	_ =	shalt  }
0x6a: {  	_ =	shalt  }
0x6b: {  	_ =	shalt  }
0x6c: {  	_ =	shalt  }
0x6d: {  	_ =	shalt  }
0x6e: {  	_ =	shalt  }
0x6f: {  	_ =	shalt  }
0x70: {  	_ =	shalt  }
0x71: {  	_ =	shalt  }
0x72: {  	_ =	shalt  }
0x73: {  	_ =	shalt  }
0x74: {  	_ =	shalt  }
0x75: {  	_ =	shalt  }
0x76: {  	_ =	shalt  }
0x77: {  	_ =	shalt  }
0x78: {  	_ =	shalt  }
0x79: {  	_ =	shalt  }
0x7a: {  	_ =	shalt  }
0x7b: {  	_ =	shalt  }
0x7c: {  	_ =	shalt  }
0x7d: {  	_ =	shalt  }
0x7e: {  	_ =	shalt  }
0x7f: {  	_ =	shalt  }
0x80: {  	_ =	shalt  }
0x81: {  	_ =	shalt  }
0x82: {  	_ =	shalt  }
0x83: {  	_ =	shalt  }
0x84: {  	_ =	shalt  }
0x85: {  	_ =	shalt  }
0x86: {  	_ =	shalt  }
0x87: {  	_ =	shalt  }
.Lfunc_end0:
.L_simem_size_0:
called_computation.3_lowered:
.L_overlay_start_0:
0x88: {  	s2 =	sld [smem:$0x3FD9]  }
0x89: {  	s3 =	sld [smem:$0x3FFE];
	_ =	sdelay $0x1  }
0x8a: {  	s1 =	srdreg.scid  }
0x8b: {  	s0 =	sand.u32 $0x1, s1  }
0x8c: {  	s15 =	sshll.u32 s0, $0xA;
	s2 =	sadd.s32 s3, s2  }
0x8d: {  	s2 =	sadd.s32 s2, s15  }
0x8e: {  	[smem:$0x3FC6] =	sst s2  }
0x8f: {  	_ = 	snop  }
0x90: {  	s2 =	sld [smem:$0x3FD0];
	_ =	sdelay $0x2  }
0x91: {  	s16 =	simm.s32 $0xD;
	s4 =	simm.s32 $0x10  }
0x92: {  	[smem:s4], [sflag:s16] =	dma.local [hbm:s2], $0x1  }
0x93: {  	_ =	swait.eq [sflag:s16], $0x1  }
0x94: {  	[sflag:s16] =	ssyncset.done $0x0  }
0x95: {  	[sflag:s16] =	ssyncadd.s32 $0xFFFFFFFF  }
0x96: {  	s17 =	sld [smem:$0x11];
	(tm) =	ssettm $0x1  }
0x97: {  	s18 =	sld [smem:$0x3FFB];
	_ =	sdelay $0x3  }
0x98: {  	_ =	strace s18  }
0x99: {  	s2 =	sld [smem:$0x3FFC];
	_ =	sdelay $0x3  }
0x9a: {  	_ =	strace s2  }
0x9b: {  	s2 =	sld [smem:$0x3FFD];
	_ =	sdelay $0x3  }
0x9c: {  	_ =	strace s2  }
0x9d: {  	_ =	strace $0x8FFFFFFF  }
0x9e: {  	s19 =	sld [smem:$0x3FDB];
	_ =	sdelay $0x1  }
0x9f: {  	s20 =	simm.s32 $_scs_section_size  }
0xa0: {  	s5 =	simm.s32 $_size__tile_overlayer_lowered;
	s6 =	simm.s32 $_tile_overlayer_lowered  }
0xa1: {  	s7 =	simm.s32 $0x1BFF;
	s21 =	sshll.u32 s6, $0x1;
	s4 =	sadd.s32 s20, s19  }
0xa2: {  	s22 =	simm.s32 $0x0;
	s5 =	sshll.u32 s5, $0x1;
	s6 =	sadd.s32 s21, s4  }
0xa3: {  	[timem:s22], [sflag:s7] =	dma.local [hbm:s6], s5  }
0xa4: {  	_ =	swait.ge [sflag:s7], s5  }
0xa5: {  	s5 =	ssub.s32 $0x0, s5;
	[sflag:s7] =	ssyncset.done $0x0  }
0xa6: {  	[sflag:s7] =	ssyncadd.s32 s5;
	_ =	sdelay $0x1  }
0xa7: {  	s23 =	simm.s32 $0x1B8B  }
0xa8: {  	_ =	swait.ge [sflag:s23], $0x1  }
0xa9: {  	[sflag:s23] =	ssyncset.done $0x0  }
0xaa: {  	[sflag:s23] =	ssyncadd.s32 $0xFFFFFFFF  }
0xab: {  	s5 =	sld [smem:$0x0]  }
0xac: {  	s6 =	sand.u32 $0xFFFFFFFE, s1  }
0xad: {  	p0 =	sne.s32 s1, s6  }
0xae: {  	s6 =	sshll.u32 @p0 s6, $0xE  }
0xaf: {  	s6 =	sadd.s32 @p0 $0x11B8D, s6;
	s7 =	sshll.u32 @p0 s5, $0x11  }
0xb0: {  	s6 =	sor.u32 @p0 s7, s6  }
0xb1: {  	[sflag:s6] =	ssyncadd.remote.s32 @p0 $0x1;
	_ =	sdelay $0x1  }
0xb2: {  	s6 =	simm.s32 @p0 $0x1B8D  }
0xb3: {  	_ =	swait.eq @p0 [sflag:s6], $0x1  }
0xb4: {  	[sflag:s6] =	ssyncadd.s32 @p0 $0xFFFFFFFF  }
0xb5: {  	s7 =	sshll.u32 @!p0 s1, $0xE  }
0xb6: {  	s7 =	sor.u32 @!p0 $0x4000, s7;
	s6 =	simm.s32 @!p0 $0x1B8D  }
0xb7: {  	s5 =	sshll.u32 @!p0 s5, $0x11;
	s7 =	sadd.s32 @!p0 $0x11B8D, s7;
	_ =	swait.eq @!p0 [sflag:s6], $0x1  }
0xb8: {  	s5 =	sor.u32 @!p0 s5, s7;
	[sflag:s6] =	ssyncadd.s32 @!p0 $0xFFFFFFFF  }
0xb9: {  	s25 =	simm.s32 $0x1B8E;
	s24 =	sld [smem:$0x3FFE];
	[sflag:s5] =	ssyncadd.remote.s32 @!p0 $0x1  }
0xba: {  	s26 =	simm.s32 $execute0_lowered;
	[smem:$0x3FD2] =	sst s25  }
0xbb: {  	s6 =	sshll.u32 s26, $0x1;
	_ =	strace $0x8000004F;
	[dreg:$0x1] =	wrdreg $0xFFFFFFFF  }
0xbc: {  	s28 =	simm.s32 $_size_execute0_lowered;
	s4 =	sadd.s32 s4, s6;
	[dreg:$0x0] =	wrdreg $0x0  }
0xbd: {  	s6 =	sshll.u32 s28, $0x1;
	[dreg:$0x2] =	wrdreg s4  }
0xbe: {  	[dreg:$0x3] =	wrdreg s6  }
0xbf: {  	[dreg:$0x4] =	wrdreg $0xC0  }
0xc0: {  	_ =	task [dreg:s22], $0x5FFFF  }
0xc1: {  	[dreg:$0x1] =	wrdreg $0xFFFFFFFF  }
0xc2: {  	[dreg:$0x0] =	wrdreg $0x60  }
0xc3: {  	[dreg:$0x2] =	wrdreg s17  }
0xc4: {  	[dreg:$0x3] =	wrdreg s24  }
0xc5: {  	[dreg:$0x4] =	wrdreg $0xC  }
0xc6: {  	_ =	task.clear_ibuf [dreg:s22], $0x5FFFF;
	_ =	strace $0x9000004F  }
0xc7: {  	s29 =	simm.s32 $0xC;
	_ =	strace $0x80000051  }
0xc8: {  	_ =	swait.ge [sflag:s29], $0x1  }
0xc9: {  	[sflag:s29] =	ssyncadd.s32 $0xFFFFFFFF  }
0xca: {  	_ =	strace $0x90000051  }
0xcb: {  	_ =	sfence  }
0xcc: {  	s30 =	sld [smem:$0x0];
	_ =	sdelay $0x2  }
0xcd: {  	s31 =	sshll.u32 s1, $0xD;
	s1 =	sshrl.u32 s1, $0x2  }
0xce: {  	s4 =	sand.u32 $0x4000, s31;
	s1 =	sadd.s32 s1, s30  }
0xcf: {  	s0 =	sor.u32 s4, s0;
	s1 =	sshll.u32 s1, $0x11  }
0xd0: {  	s0 =	sor.u32 s1, s0  }
0xd1: {  	s0 =	sadd.s32 $0x8F2B, s0  }
0xd2: {  	[sflag:s0] =	ssyncadd.remote.s32 $0x1  }
0xd3: {  	_ =	sfence.sel $0xFFFF  }
0xd4: {  	[dreg:$0x0] =	wrdreg $0xFFFFFFFF;
	(pc) =	sbr.abs _section_cstart, $3  }
0xd5: {  	[dreg:$0x1] =	wrdreg $0xFFFFFFFF  }
0xd6: {  	_ =	task.clear_ibuf [dreg:s22], $0x2FFFF;
	_ =	strace $0x9FFFFFFF  }
0xd7: {  	(tm) =	ssettm $0x7FFFFFFF  }
tec
execute0_lowered:
.L_overlay_start_1:
0x0: {  	(tag) =	ssettag $0x1  }
0x1: {  	s3 =	rddreg [dreg:$0x0]  }
0x2: {  	s1 =	srdreg.scid;
	s0 =	stileid.u32  }
0x3: {  	s4 =	rddreg [dreg:$0x1];
	s5 =	sand.u32 $0x1, s1;
	s2 =	sshll.u32 s0, $0x1  }
0x4: {  	s1 =	rddreg [dreg:$0x2];
	s6 =	sor.u32 s5, s2  }
0x5: {  	s2 =	simm.s32 $0x0;
	s5 =	ssub.s32 $0x2, s5;
	s7 =	smul.u32 $0xE0, s6  }
0x6: {  	v0 =	vlaneseq.u32;
	[smem:$0x7FF] =	sst s2;
	s8 =	sshrl.u32 s5, $0x1;
	s6 =	smul.u32 $0x380, s6  }
0x7: {  	v4 =	vmul.u32 $0xFFFFFFFF, v0;
	v1 =	vor.u32 $0x10, v0;
	_ =	strace $0x80000050;
	s5 =	ssub.s32 s5, s8;
	s8 =	simm.s32 $0x0  }
0x8: {  	v2 =	vor.u32 $0x20, v0;
	[tilespmem:$0x1FFE0] =	vst v1;
	s4 =	sadd.s32 s7, s4;
	s3 =	sadd.s32 s3, s6;
	s5 =	smax.u32 s5, $0x1  }
0x9: {  	vm0 =	vmmov $0xff;
	v3 =	vor.u32 $0x30, v0;
	v4 =	vadd.s32 $0xF, v4;
	[tilespmem:$0x1FFF0] =	vst v2;
	s6 =	simm.s32 $0x1;
	s7 =	simm.s32 $0x1C00;
	s4 =	sadd.s32 $0x43C00, s4  }
.LBB2_1:
0xa: {  	[tilespmem:s2], [sflag:$0x1] =	stream.linear.gather [hbm4b:s3+s2], $0x1C00, $0x38;
	[tilespmem:$0x2300] =	vst v63  }
0xb: {  	_ =	swait.ge [sflag:s6], $0x1C00  }
0xc: {  	[sflag:s6] =	ssyncset.done $0x0  }
0xd: {  	s9 =	simm.s32 $0x200;
	[sflag:s6] =	ssyncadd.s32 $0xFFFFE400  }
0xe: {  	v5 =	vld [tilespmem:s9+$0x1F0]  }
0xf: {  	v6 =	vld [tilespmem:s9+$0x1D0]  }
0x10: {  	v7 =	vld [tilespmem:s9+$0x1E0]  }
0x11: {  	v8 =	vld [tilespmem:s9+$0xFFFFFE30]  }
0x12: {  	v9 =	vld [tilespmem:s9+$0x1C0]  }
0x13: {  	v10 =	vld [tilespmem:s9+$0xFFFFFE70];
	(xrf1) =	vsort.dscd.msk.f32 $0xffff, v5, v3  }
0x14: {  	v5 =	vld [tilespmem:s9+$0xFFFFFEB0];
	(xrf1) =	vsort.dscd.msk.f32 $0xffff, v6, v1  }
0x15: {  	v6 =	vld [tilespmem:s9+$0xFFFFFEF0];
	(xrf1) =	vsort.dscd.msk.f32 $0xffff, v7, v2  }
0x16: {  	v7 =	vld [tilespmem:s9+$0xFFFFFF30];
	(xrf1) =	vsort.dscd.msk.f32 $0xffff, v8, v3  }
0x17: {  	v8 =	vld [tilespmem:s9+$0xFFFFFF70];
	(xrf1) =	vsort.dscd.msk.f32 $0xffff, v9, v0  }
0x18: {  	v9 =	vld [tilespmem:s9+$0xFFFFFFB0];
	(xrf1) =	vsort.dscd.msk.f32 $0xffff, v10, v3  }
0x19: {  	v10 =	vld [tilespmem:s9+$0xFFFFFFF0];
	(xrf1) =	vsort.dscd.msk.f32 $0xffff, v5, v3  }
0x1a: {  	v5 =	vld [tilespmem:s9+$0x30];
	(xrf1) =	vsort.dscd.msk.f32 $0xffff, v6, v3  }
0x1b: {  	v6 =	vld [tilespmem:s9+$0x70];
	(xrf1) =	vsort.dscd.msk.f32 $0xffff, v7, v3  }
0x1c: {  	v7 =	vld [tilespmem:s9+$0xB0];
	(xrf1) =	vsort.dscd.msk.f32 $0xffff, v8, v3  }
0x1d: {  	v8 =	vld [tilespmem:s9+$0xF0];
	(xrf1) =	vsort.dscd.msk.f32 $0xffff, v9, v3  }
0x1e: {  	v9 =	vld [tilespmem:s9+$0x130];
	(xrf1) =	vsort.dscd.msk.f32 $0xffff, v10, v3  }
0x1f: {  	(xrf1) =	vsort.dscd.msk.f32 $0xffff, v5, v3  }
0x20: {  	(xrf1) =	vsort.dscd.msk.f32 $0xffff, v6, v3  }
0x21: {  	v5 =	vld [tilespmem:s9+$0x170];
	(xrf1) =	vsort.dscd.msk.f32 $0xffff, v7, v3;
	v6, v7, _ =	vpop (xrf1)  }
0x22: {  	v6 =	vperm.xlane v6, v4;
	v7 =	vperm.xlane v7, v4;
	(xrf1) =	vsort.dscd.msk.f32 $0xffff, v8, v3;
	v8, v10, _ =	vpop (xrf1)  }
0x23: {  	v11 =	vld [tilespmem:s9+$0x1B0];
	v8 =	vperm.xlane v8, v4;
	(xrf1) =	vsort.dscd.msk.f32 $0xffff, v9, v3;
	v9, v12, _ =	vpop (xrf1)  }
0x24: {  	v13 =	vld [tilespmem:s9+$0xFFFFFE10];
	v10 =	vperm.xlane v10, v4;
	v6 =	vsel vm0, v9, v6;
	v7 =	vsel vm0, v12, v7;
	v15, v16, _ =	vpop (xrf1)  }
0x25: {  	v9 =	vld [tilespmem:s9+$0xFFFFFE20];
	v12, v14, _ =	vpop (xrf1);
	(xrf1) =	vsort.dscd.msk.f32 $0xffff, v6, v7  }
0x26: {  	v6 =	vld [tilespmem:s9+$0xFFFFFE50];
	v7 =	vsel vm0, v12, v8;
	v8 =	vsel vm0, v14, v10;
	(xrf1) =	vsort.dscd.msk.f32 $0xffff, v5, v3  }
0x27: {  	v5 =	vld [tilespmem:s9+$0xFFFFFE60];
	v17, v18, _ =	vpop (xrf1);
	(xrf1) =	vsort.dscd.msk.f32 $0xffff, v7, v8  }
0x28: {  	v7 =	vld [tilespmem:s9+$0xFFFFFE90];
	v19, v20, _ =	vpop (xrf1);
	(xrf1) =	vsort.dscd.msk.f32 $0xffff, v11, v3  }
0x29: {  	v8 =	vld [tilespmem:s9+$0xFFFFFEA0];
	v21, v22, _ =	vpop (xrf1);
	(xrf1) =	vsort.dscd.msk.f32 $0xffff, v13, v1  }
0x2a: {  	v10 =	vld [tilespmem:s9+$0xFFFFFED0];
	v23, v24, _ =	vpop (xrf1);
	(xrf1) =	vsort.dscd.msk.f32 $0xffff, v9, v2  }
0x2b: {  	v9 =	vld [tilespmem:s9+$0xFFFFFEE0];
	v25, v26, _ =	vpop (xrf1);
	(xrf1) =	vsort.dscd.msk.f32 $0xffff, v6, v1  }
0x2c: {  	v6 =	vld [tilespmem:s9+$0xFFFFFF10];
	v27, v28, _ =	vpop (xrf1);
	(xrf1) =	vsort.dscd.msk.f32 $0xffff, v5, v2  }
0x2d: {  	v5 =	vld [tilespmem:s9+$0xFFFFFF20];
	v29, v30, _ =	vpop (xrf1);
	(xrf1) =	vsort.dscd.msk.f32 $0xffff, v7, v1  }
0x2e: {  	v7 =	vld [tilespmem:s9+$0xFFFFFF50];
	v31, v32, _ =	vpop (xrf1);
	(xrf1) =	vsort.dscd.msk.f32 $0xffff, v8, v2  }
0x2f: {  	v33, v34, _ =	vpop (xrf1);
	(xrf1) =	vsort.dscd.msk.f32 $0xffff, v10, v1  }
0x30: {  	v35, v36, _ =	vpop (xrf1);
	(xrf1) =	vsort.dscd.msk.f32 $0xffff, v9, v2  }
0x31: {  	v37, v38, _ =	vpop (xrf1);
	(xrf1) =	vsort.dscd.msk.f32 $0xffff, v6, v1  }
0x32: {  	v8 =	vld [tilespmem:s9+$0xFFFFFF60];
	v10, v6, _ =	vpop (xrf1);
	(xrf1) =	vsort.dscd.msk.f32 $0xffff, v5, v2  }
0x33: {  	v11 =	vld [tilespmem:s9+$0xFFFFFF90];
	(xrf1) =	vsort.dscd.msk.f32 $0xffff, v7, v1;
	v5, v7, _ =	vpop (xrf1)  }
0x34: {  	v9 =	vld [tilespmem:s9+$0xFFFFFFA0];
	v5 =	vperm.xlane v5, v4;
	_ =	sdelay $0x1  }
0x35: {  	[tilespmem:$0x1FF30] =	vst v6  }
0x36: {  	v13 =	vld [tilespmem:s9+$0xFFFFFFD0];
	(xrf1) =	vsort.dscd.msk.f32 $0xffff, v8, v2;
	v14, v6, _ =	vpop (xrf1)  }
0x37: {  	v39 =	vld [tilespmem:s9+$0xFFFFFFE0];
	[tilespmem:$0x1FF40] =	vst v6;
	(xrf1) =	vsort.dscd.msk.f32 $0xffff, v11, v1;
	v11, v12, _ =	vpop (xrf1)  }
0x38: {  	v40 =	vld [tilespmem:s9+$0x10];
	v11 =	vsel vm0, v11, v5;
	(xrf1) =	vsort.dscd.msk.f32 $0xffff, v9, v2;
	v9, v5, _ =	vpop (xrf1)  }
0x39: {  	v7 =	vperm.xlane v7, v4;
	v41 =	vld [tilespmem:s9+$0x20];
	[tilespmem:$0x1FF50] =	vst v5;
	v6, v5, _ =	vpop (xrf1)  }
0x3a: {  	v43 =	vld [tilespmem:s9+$0x50];
	[tilespmem:$0x1FFC0] =	vst v6  }
0x3b: {  	v42 =	vsel vm0, v12, v7;
	[tilespmem:$0x1FFD0] =	vst v5;
	v44, v45, _ =	vpop (xrf1)  }
0x3c: {  	(xrf1) =	vsort.dscd.msk.f32 $0xffff, v11, v42;
	v63 =	vld [tilespmem:s9+$0x60];
	v6, v5, _ =	vpop (xrf1)  }
0x3d: {  	(xrf1) =	vsort.dscd.msk.f32 $0xffff, v13, v1;
	v47 =	vld [tilespmem:s9+$0x90];
	[tilespmem:$0x1FF60] =	vst v6  }
0x3e: {  	(xrf1) =	vsort.dscd.msk.f32 $0xffff, v39, v2;
	[tilespmem:$0x1FF70] =	vst v5;
	v50, v51, _ =	vpop (xrf1)  }
0x3f: {  	(xrf1) =	vsort.dscd.msk.f32 $0xffff, v40, v1;
	v40 =	vperm.xlane v18, v4;
	v49 =	vld [tilespmem:s9+$0xA0];
	v18, v5, _ =	vpop (xrf1)  }
0x40: {  	v52 =	vld [tilespmem:s9+$0xD0];
	[tilespmem:$0x1FF80] =	vst v5;
	v53, v54, _ =	vpop (xrf1)  }
0x41: {  	(xrf1) =	vsort.dscd.msk.f32 $0xffff, v41, v2;
	v41 =	vld [tilespmem:s9+$0xE0];
	v6, v5, _ =	vpop (xrf1)  }
0x42: {  	(xrf1) =	vsort.dscd.msk.f32 $0xffff, v43, v1;
	v43 =	vld [tilespmem:s9+$0x110];
	[tilespmem:$0x1FF90] =	vst v6  }
0x43: {  	v46 =	vperm.xlane v15, v4;
	[tilespmem:$0x1FFA0] =	vst v5;
	(xrf1) =	vsort.dscd.msk.f32 $0xffff, v63, v2;
	v55, v56, _ =	vpop (xrf1)  }
0x44: {  	v48 =	vperm.xlane v17, v4;
	v20 =	vperm.xlane v20, v4;
	v42 =	vld [tilespmem:s9+$0x120];
	(xrf1) =	vsort.dscd.msk.f32 $0xffff, v47, v1;
	v58, v5, _ =	vpop (xrf1)  }
0x45: {  	v21 =	vperm.xlane v21, v4;
	v22 =	vperm.xlane v22, v4;
	v47 =	vld [tilespmem:s9+$0x150];
	[tilespmem:$0x1FFB0] =	vst v5;
	(xrf1) =	vsort.dscd.msk.f32 $0xffff, v49, v2  }
0x46: {  	v23 =	vperm.xlane v23, v4;
	v24 =	vperm.xlane v24, v4;
	v59, v60, _ =	vpop (xrf1);
	v49 =	vld [tilespmem:s9+$0x160];
	(xrf1) =	vsort.dscd.msk.f32 $0xffff, v52, v1  }
0x47: {  	v25 =	vperm.xlane v25, v4;
	v26 =	vperm.xlane v26, v4;
	v52 =	vld [tilespmem:s9+$0x190];
	v61, v62, _ =	vpop (xrf1);
	(xrf1) =	vsort.dscd.msk.f32 $0xffff, v41, v2  }
0x48: {  	v27 =	vperm.xlane v27, v4;
	v28 =	vperm.xlane v28, v4;
	v41 =	vld [tilespmem:s9+$0x1A0];
	v63, v7, _ =	vpop (xrf1);
	(xrf1) =	vsort.dscd.msk.f32 $0xffff, v43, v1  }
0x49: {  	v29 =	vperm.xlane v29, v4;
	v30 =	vperm.xlane v30, v4;
	v43, v57, _ =	vpop (xrf1);
	(xrf1) =	vsort.dscd.msk.f32 $0xffff, v42, v2  }
0x4a: {  	v31 =	vperm.xlane v31, v4;
	v39 =	vperm.xlane v16, v4;
	v42 =	vld [tilespmem:s9+$0xFFFFFE40];
	v5, v6, _ =	vpop (xrf1);
	(xrf1) =	vsort.dscd.msk.f32 $0xffff, v47, v1  }
0x4b: {  	v33 =	vperm.xlane v33, v4;
	v47 =	vperm.xlane v38, v4;
	v38 =	vld [tilespmem:s9+$0xFFFFFE80];
	(xrf1) =	vsort.dscd.msk.f32 $0xffff, v49, v2;
	v8, v49, _ =	vpop (xrf1)  }
0x4c: {  	v44 =	vsel vm0, v44, v46;
	v39 =	vsel vm0, v45, v39;
	v45 =	vld [tilespmem:s9+$0xFFFFFEC0];
	(xrf1) =	vsort.dscd.msk.f32 $0xffff, v52, v1;
	v46, v52, _ =	vpop (xrf1)  }
0x4d: {  	v0 =	vlaneseq.u32;
	v48 =	vsel vm0, v50, v48;
	v40 =	vsel vm0, v51, v40;
	v50 =	vld [tilespmem:s9+$0xFFFFFF00];
	(xrf1) =	vsort.dscd.msk.f32 $0xffff, v41, v2;
	v41, v51, _ =	vpop (xrf1)  }
0x4e: {  	v35 =	vperm.xlane v35, v4;
	v20 =	vsel vm0, v54, v20;
	v21 =	vsel vm0, v55, v21;
	v1 =	vld [tilespmem:s9+$0xFFFFFF40];
	v54, v55, _ =	vpop (xrf1)  }
0x4f: {  	v22 =	vsel vm0, v56, v22;
	v23 =	vsel vm0, v59, v23;
	v56 =	vld [tilespmem:s9+$0xFFFFFF80];
	(xrf1) =	vsort.dscd.msk.f32 $0xffff, v42, v0;
	v2, v59, _ =	vpop (xrf1)  }
0x50: {  	v24 =	vsel vm0, v60, v24;
	v60 =	vld [tilespmem:s9+$0xFFFFFFC0];
	v25 =	vsel vm0, v63, v25;
	(xrf1) =	vsort.dscd.msk.f32 $0xffff, v38, v0;
	v38, v63, _ =	vpop (xrf1)  }
0x51: {  	v11 =	vsel vm0, v7, v26;
	v26 =	vsel vm0, v5, v27;
	(xrf1) =	vsort.dscd.msk.f32 $0xffff, v45, v0;
	v27, v45, _ =	vpop (xrf1)  }
0x52: {  	v13 =	vsel vm0, v6, v28;
	v28 =	vsel vm0, v41, v29;
	(xrf1) =	vsort.dscd.msk.f32 $0xffff, v50, v0;
	v29, v41, _ =	vpop (xrf1)  }
0x53: {  	v37 =	vperm.xlane v37, v4;
	v5 =	vld [tilespmem:s9+$0x0];
	v31 =	vsel vm0, v2, v31;
	(xrf1) =	vsort.dscd.msk.f32 $0xffff, v1, v0;
	v1, v2, _ =	vpop (xrf1)  }
0x54: {  	v30 =	vsel vm0, v51, v30;
	v51 =	vld [tilespmem:s9+$0x40];
	v27 =	vsel vm0, v27, v33;
	(xrf1) =	vsort.dscd.msk.f32 $0xffff, v56, v0;
	v33, v56, _ =	vpop (xrf1)  }
0x55: {  	v32 =	vperm.xlane v32, v4;
	v50 =	vld [tilespmem:s9+$0xFFFFFE00];
	v35 =	vsel vm0, v1, v35;
	(xrf1) =	vsort.dscd.msk.f32 $0xffff, v60, v0;
	v1, v60, _ =	vpop (xrf1)  }
0x56: {  	v34 =	vperm.xlane v34, v4;
	v37 =	vsel vm0, v1, v37;
	v1 =	vld [tilespmem:$0x1FF30]  }
0x57: {  	v19 =	vperm.xlane v19, v4;
	v32 =	vsel vm0, v59, v32;
	v59 =	vld [tilespmem:s9+$0x80]  }
0x58: {  	v34 =	vsel vm0, v45, v34;
	v45 =	vld [tilespmem:s9+$0xC0]  }
0x59: {  	v36 =	vperm.xlane v36, v4;
	v19 =	vsel vm0, v53, v19;
	v53 =	vld [tilespmem:s9+$0x100];
	(xrf1) =	vsort.dscd.msk.f32 $0xffff, v5, v0  }
0x5a: {  	v10 =	vperm.xlane v10, v4;
	v42, v16, _ =	vpop (xrf1);
	(xrf1) =	vsort.dscd.msk.f32 $0xffff, v50, v0  }
0x5b: {  	v36 =	vsel vm0, v2, v36;
	v2, v5, _ =	vpop (xrf1);
	(xrf1) =	vsort.dscd.msk.f32 $0xffff, v51, v0;
	v6 =	vperm.xlane v1, v4  }
0x5c: {  	v51, v17, _ =	vpop (xrf1);
	(xrf1) =	vsort.dscd.msk.f32 $0xffff, v59, v0  }
0x5d: {  	v12 =	vsel vm0, v2, v10;
	v59 =	vld [tilespmem:$0x1FF40];
	v10 =	vsel vm0, v5, v6;
	v2, v5, _ =	vpop (xrf1);
	(xrf1) =	vsort.dscd.msk.f32 $0xffff, v45, v0  }
0x5e: {  	(xrf1) =	vsort.dscd.msk.f32 $0xffff, v53, v0;
	v53 =	vld [tilespmem:$0x1FF50];
	_ =	sdelay $0x3  }
0x5f: {  	v47 =	vsel vm0, v60, v47;
	v60 =	vld [tilespmem:s9+$0x140]  }
0x60: {  	v6 =	vperm.xlane v59, v4;
	v7 =	vperm.xlane v53, v4;
	v53 =	vld [tilespmem:$0x1FF60]  }
0x61: {  	v50 =	vld [tilespmem:s9+$0x180]  }
0x62: {  	v14 =	vperm.xlane v14, v4;
	_ =	sdelay $0x1  }
0x63: {  	v45 =	vperm.xlane v9, v4;
	v14 =	vsel vm0, v2, v14;
	v59, v15, _ =	vpop (xrf1)  }
0x64: {  	v9 =	vsel vm0, v5, v6;
	(xrf1) =	vsort.dscd.msk.f32 $0xffff, v60, v0;
	v2, v6, _ =	vpop (xrf1);
	v53 =	vperm.xlane v53, v4  }
0x65: {  	(xrf1) =	vsort.dscd.msk.f32 $0xffff, v50, v0;
	v50, v5, _ =	vpop (xrf1)  }
0x66: {  	v8 =	vmul.f32 $1.442695020e+00, v8;
	(xrf1) =	vsort.dscd.msk.f32 $0xffff, v44, v39;
	v44 =	vsel vm0, v50, v53;
	v50 =	vld [tilespmem:$0x1FF90]  }
0x67: {  	v60 =	vld [tilespmem:$0x1FF70];
	_ =	sdelay $0x1  }
0x68: {  	v18 =	vperm.xlane v18, v4  }
0x69: {  	(erf) = vpow2.f32 v8;
	v45 =	vsel vm0, v2, v45;
	v8, v2, _ =	vpop (xrf1)  }
0x6a: {  	v18 =	vsel vm0, v8, v18;
	v8 =	vperm.xlane v50, v4  }
0x6b: {  	v0 =	vld [tilespmem:$0x1FF80];
	v60 =	vperm.xlane v60, v4;
	_ =	sdelay $0x1  }
0x6c: {  	v58 =	vperm.xlane v58, v4;
	(xrf1) =	vsort.dscd.msk.f32 $0xffff, v48, v40;
	v40, v48, _ =	vpop (xrf1);
	v5 =	vsel vm0, v5, v60;
	v60 =	vld [tilespmem:$0x1FFB0]  }
0x6d: {  	(xrf1) =	vsort.dscd.msk.f32 $0xffff, v19, v20;
	v53 =	vld [tilespmem:$0x1FFA0];
	v40 =	vsel vm0, v40, v8;
	v8, v19, _ =	vpop (xrf1)  }
0x6e: {  	v20 =	vsel vm0, v8, v58;
	v8 =	vperm.xlane v61, v4  }
0x6f: {  	v6 =	vsel vm0, v6, v7;
	v7 =	vperm.xlane v0, v4;
	(xrf1) =	vsort.dscd.msk.f32 $0xffff, v21, v22;
	v21, v22, _ =	vpop (xrf1)  }
0x70: {  	v58 =	vld [tilespmem:$0x1FFC0];
	v21 =	vsel vm0, v21, v8;
	v8 =	vperm.xlane v57, v4  }
0x71: {  	v43 =	vperm.xlane v43, v4;
	v7 =	vsel vm0, v2, v7  }
0x72: {  	v2 =	vperm.xlane v60, v4;
	v39 =	vperm.xlane v53, v4;
	(xrf1) =	vsort.dscd.msk.f32 $0xffff, v23, v24  }
0x73: {  	v53 =	vperm.xlane v62, v4;
	v23, v24, _ =	vpop (xrf1);
	(xrf1) =	vsort.dscd.msk.f32 $0xffff, v25, v11;
	v57 =	vperm.xlane v46, v4  }
0x74: {  	v62 =	vld [tilespmem:$0x1FFD0];
	v25 =	vperm.xlane v52, v4;
	v23 =	vsel vm0, v23, v43;
	v24 =	vsel vm0, v24, v8;
	v8, v11, _ =	vpop (xrf1)  }
0x75: {  	v60 =	vperm.xlane v58, v4;
	(xrf1) =	vsort.dscd.msk.f32 $0xffff, v26, v13;
	v43 =	vsel vm0, v8, v57;
	v8 =	vpop (erf)  }
0x76: {  	v61 =	vperm.xlane v54, v4;
	v13, v26, _ =	vpop (xrf1);
	(xrf1) =	vsort.dscd.msk.f32 $0xffff, v28, v30  }
0x77: {  	v11 =	vsel vm0, v11, v25;
	v25 =	vnsel vm0, $0x0, v8;
	v28, v30, _ =	vpop (xrf1);
	(xrf1) =	vsort.dscd.msk.f32 $0xffff, v31, v32  }
0x78: {  	v19 =	vsel vm0, v19, v2;
	v2 =	vperm.xlane v55, v4;
	(xrf2) =	vadd.scan.msk.f32 $0xffff, v25;
	v31, v32, _ =	vpop (xrf1)  }
0x79: {  	v1 =	vperm.xlane v62, v4;
	(xrf1) =	vsort.dscd.msk.f32 $0xffff, v27, v34;
	v27, v34, _ =	vpop (xrf1)  }
0x7a: {  	v25 =	vsel vm0, v26, v2;
	v26 =	vsel vm0, v28, v60;
	(xrf1) =	vsort.dscd.msk.f32 $0xffff, v35, v36;
	v58, v60, _ =	vpop (xrf1)  }
0x7b: {  	v13 =	vsel vm0, v13, v61;
	v28 =	vsel vm0, v30, v1;
	(xrf1) =	vsort.dscd.msk.f32 $0xffff, v37, v47;
	v62, v61, _ =	vpop (xrf1)  }
0x7c: {  	(xrf1) =	vsort.dscd.msk.f32 $0xffff, v12, v10;
	v10, v12, _ =	vpop (xrf1)  }
0x7d: {  	v29 =	vperm.xlane v29, v4;
	(xrf1) =	vsort.dscd.msk.f32 $0xffff, v14, v9;
	v9, v14, _ =	vpop (xrf1)  }
0x7e: {  	v41 =	vperm.xlane v41, v4;
	v17 =	vperm.xlane v17, v4;
	(xrf1) =	vsort.dscd.msk.f32 $0xffff, v45, v6;
	v6, v2, _ =	vpop (xrf1)  }
0x7f: {  	v33 =	vperm.xlane v33, v4;
	v15 =	vperm.xlane v15, v4;
	(xrf1) =	vsort.dscd.msk.f32 $0xffff, v26, v28;
	v26, v28, _ =	vpop (xrf1)  }
0x80: {  	v0 =	vperm.xlane v42, v4;
	v22 =	vsel vm0, v22, v53;
	(xrf1) =	vsort.dscd.msk.f32 $0xffff, v44, v5;
	v5, v42, _ =	vpop (xrf1)  }
0x81: {  	v39 =	vsel vm0, v48, v39;
	v57 =	vperm.xlane v63, v4;
	(xrf1) =	vsort.dscd.msk.f32 $0xffff, v18, v7;
	v7, v18, _ =	vpop (xrf1)  }
0x82: {  	v30 =	vperm.xlane v38, v4;
	v12 =	vsel vm0, v12, v17;
	(xrf1) =	vsort.dscd.msk.f32 $0xffff, v40, v39;
	v17, v45, _ =	vpop (xrf1)  }
0x83: {  	v16 =	vperm.xlane v16, v4;
	v14 =	vsel vm0, v14, v15;
	(xrf1) =	vsort.dscd.msk.f32 $0xffff, v20, v19;
	v15, v19, _ =	vpop (xrf1)  }
0x84: {  	v30 =	vsel vm0, v31, v30;
	v31 =	vsel vm0, v32, v57;
	(xrf1) =	vsort.dscd.msk.f32 $0xffff, v21, v22;
	v21, v22, _ =	vpop (xrf1)  }
0x85: {  	v27 =	vsel vm0, v27, v29;
	v29 =	vsel vm0, v34, v41;
	(xrf1) =	vsort.dscd.msk.f32 $0xffff, v23, v24;
	v23, v24, _ =	vpop (xrf1)  }
0x86: {  	v63 =	vperm.xlane v56, v4;
	v41 =	vperm.xlane v51, v4;
	(xrf1) =	vsort.dscd.msk.f32 $0xffff, v43, v11;
	v11, v47, _ =	vpop (xrf1)  }
0x87: {  	v32 =	vsel vm0, v58, v33;
	v34 =	vsel vm0, v62, v0;
	(xrf1) =	vsort.dscd.msk.f32 $0xffff, v13, v25;
	v13, v25, _ =	vpop (xrf1)  }
0x88: {  	v16 =	vsel vm0, v61, v16;
	v44 =	vperm.xlane v59, v4;
	(xrf1) =	vsort.dscd.msk.f32 $0xffff, v30, v31;
	v30, v31, _ =	vpop (xrf1)  }
0x89: {  	v1 =	vsel vm0, v60, v63;
	v10 =	vsel vm0, v10, v41;
	(xrf1) =	vsort.dscd.msk.f32 $0xffff, v27, v29;
	v27, v29, _ =	vpop (xrf1)  }
0x8a: {  	v9 =	vsel vm0, v9, v44;
	(xrf1) =	vsort.dscd.msk.f32 $0xffff, v32, v1;
	v32, v33, _ =	vpop (xrf1)  }
0x8b: {  	(xrf1) =	vsort.dscd.msk.f32 $0xffff, v34, v16;
	v16, v34, _ =	vpop (xrf1)  }
0x8c: {  	v6 =	vperm.xlane v6, v4;
	(xrf1) =	vsort.dscd.msk.f32 $0xffff, v10, v12;
	v10, v12, _ =	vpop (xrf1)  }
0x8d: {  	v20 =	vperm.xlane v2, v4;
	(xrf1) =	vsort.dscd.msk.f32 $0xffff, v9, v14;
	v9, v14, _ =	vpop (xrf1)  }
0x8e: {  	v26 =	vperm.xlane v26, v4;
	v28 =	vperm.xlane v28, v4;
	v6 =	vsel vm0, v9, v6  }
0x8f: {  	v9 =	vsel vm0, v14, v20;
	v14 =	vperm.xlane v31, v4;
	v20 =	vperm.xlane v27, v4;
	v27, v31, _ =	vpop (xrf1)  }
0x90: {  	(xrf1) =	vsort.dscd.msk.f32 $0xffff, v6, v9;
	v9 =	vsel vm0, v27, v26;
	v26 =	vsel vm0, v31, v28;
	_ =	sdelay $0x1  }
0x91: {  	v5 =	vperm.xlane v5, v4  }
0x92: {  	v7 =	vperm.xlane v7, v4;
	v18 =	vperm.xlane v18, v4;
	v27, v28, _ =	vpop (xrf1)  }
0x93: {  	v46 =	vperm.xlane v42, v4;
	(xrf1) =	vsort.dscd.msk.f32 $0xffff, v9, v26;
	v9, v26, _ =	vpop (xrf1)  }
0x94: {  	v5 =	vsel vm0, v27, v5;
	v7 =	vsel vm0, v9, v7;
	v9 =	vsel vm0, v26, v18;
	_ =	sdelay $0x1  }
0x95: {  	v17 =	vperm.xlane v17, v4;
	v15 =	vperm.xlane v15, v4;
	v27 =	vsel vm0, v28, v46  }
0x96: {  	v19 =	vperm.xlane v19, v4;
	(xrf1) =	vsort.dscd.msk.f32 $0xffff, v5, v27;
	v5, v18, _ =	vpop (xrf1)  }
0x97: {  	v36 =	vperm.xlane v45, v4;
	v5 =	vsel vm0, v5, v17;
	(xrf1) =	vsort.dscd.msk.f32 $0xffff, v7, v9;
	v7, v9, _ =	vpop (xrf1)  }
0x98: {  	v9 =	vsel vm0, v9, v19  }
0x99: {  	v22 =	vperm.xlane v22, v4;
	v17 =	vsel vm0, v18, v36;
	v7 =	vsel vm0, v7, v15  }
0x9a: {  	v21 =	vperm.xlane v21, v4;
	(xrf1) =	vsort.dscd.msk.f32 $0xffff, v5, v17;
	v5, v15, _ =	vpop (xrf1)  }
0x9b: {  	v24 =	vperm.xlane v24, v4;
	v15 =	vsel vm0, v15, v22  }
0x9c: {  	v23 =	vperm.xlane v23, v4;
	v5 =	vsel vm0, v5, v21;
	(xrf1) =	vsort.dscd.msk.f32 $0xffff, v7, v9;
	v7, v9, _ =	vpop (xrf1)  }
0x9d: {  	v9 =	vsel vm0, v9, v24  }
0x9e: {  	v11 =	vperm.xlane v11, v4;
	v37 =	vperm.xlane v47, v4;
	v7 =	vsel vm0, v7, v23  }
0x9f: {  	(xrf1) =	vsort.dscd.msk.f32 $0xffff, v5, v15;
	v5, v15, _ =	vpop (xrf1)  }
0xa0: {  	v25 =	vperm.xlane v25, v4;
	v5 =	vsel vm0, v5, v11;
	v11 =	vsel vm0, v15, v37  }
0xa1: {  	v13 =	vperm.xlane v13, v4;
	(xrf1) =	vsort.dscd.msk.f32 $0xffff, v7, v9;
	v7, v9, _ =	vpop (xrf1)  }
0xa2: {  	v9 =	vsel vm0, v9, v25  }
0xa3: {  	v48, _, _ =	vpop (xrf2);
	v7 =	vsel vm0, v7, v13  }
0xa4: {  	v30 =	vperm.xlane v30, v4;
	v26 =	vbroadcast v48, $0xF;
	(xrf1) =	vsort.dscd.msk.f32 $0xffff, v5, v11;
	v5, v11, _ =	vpop (xrf1)  }
0xa5: {  	v11 =	vsel vm0, v11, v14  }
0xa6: {  	v6 =	vperm.xlane v29, v4;
	(erf) = vrcp.f32 v26;
	v5 =	vsel vm0, v5, v30;
	(xrf1) =	vsort.dscd.msk.f32 $0xffff, v7, v9;
	v7, v9, _ =	vpop (xrf1)  }
0xa7: {  	v7 =	vsel vm0, v7, v20  }
0xa8: {  	v13 =	vperm.xlane v32, v4;
	v6 =	vsel vm0, v9, v6  }
0xa9: {  	v15 =	vperm.xlane v16, v4;
	(xrf1) =	vsort.dscd.msk.f32 $0xffff, v5, v11;
	v5, v11, _ =	vpop (xrf1)  }
0xaa: {  	v10 =	vperm.xlane v10, v4;
	v14 =	vperm.xlane v33, v4;
	v9, v16, _ =	vpop (xrf1)  }
0xab: {  	v17 =	vperm.xlane v34, v4;
	(xrf1) =	vsort.dscd.msk.f32 $0xffff, v7, v6;
	v9 =	vsel vm0, v9, v15;
	v6, v7, _ =	vpop (xrf1)  }
0xac: {  	v12 =	vperm.xlane v12, v4;
	v5 =	vsel vm0, v5, v13;
	v11 =	vsel vm0, v11, v14;
	v13, v18, _ =	vpop (xrf1)  }
0xad: {  	v14 =	vsel vm0, v16, v17;
	(xrf1) =	vsort.dscd.msk.f32 $0xffff, v5, v11;
	v6 =	vsel vm0, v6, v10;
	v5 =	vmul.f32 $1.442695020e+00, v13  }
0xae: {  	(xrf1) =	vsort.dscd.msk.f32 $0xffff, v9, v14;
	v9, v16, _ =	vpop (xrf1)  }
0xaf: {  	v19 =	vpop (erf);
	v7 =	vsel vm0, v7, v12;
	v9 =	vmul.f32 $1.442695020e+00, v9  }
0xb0: {  	v10, v17, _ =	vpop (xrf1);
	(erf) = vpow2.f32 v5  }
0xb1: {  	(xrf1) =	vsort.dscd.msk.f32 $0xffff, v6, v7;
	(erf) = vpow2.f32 v9;
	v9 =	vmul.f32 $1.442695020e+00, v10;
	v5, v6, _ =	vpop (xrf1)  }
0xb2: {  	v7, v21, _ =	vpop (xrf1)  }
0xb3: {  	v5 =	vmul.f32 $1.442695020e+00, v5;
	(erf) = vpow2.f32 v9;
	v10, v23, _ =	vpop (xrf1)  }
0xb4: {  	v7 =	vmul.f32 $1.442695020e+00, v7;
	v11, v24, _ =	vpop (xrf1)  }
0xb5: {  	v12, v26, _ =	vpop (xrf1)  }
0xb6: {  	v10 =	vmul.f32 $1.442695020e+00, v10;
	(erf) = vpow2.f32 v5;
	v9, v27, _ =	vpop (xrf1)  }
0xb7: {  	v11 =	vmul.f32 $1.442695020e+00, v11;
	v5, v28, _ =	vpop (xrf1)  }
0xb8: {  	(erf) = vpow2.f32 v7;
	v9 =	vmul.f32 $1.442695020e+00, v9;
	v7, v29, _ =	vpop (xrf1)  }
0xb9: {  	v12 =	vmul.f32 $1.442695020e+00, v12;
	(erf) = vpow2.f32 v10;
	v25 =	vpop (erf)  }
0xba: {  	(erf) = vpow2.f32 v11;
	v10, v30, _ =	vpop (xrf1);
	v11 =	vnsel vm0, $0x0, v25  }
0xbb: {  	(erf) = vpow2.f32 v12;
	v5 =	vmul.f32 $1.442695020e+00, v5;
	v31 =	vpop (erf);
	(xrf2) =	vadd.scan.msk.f32 $0xffff, v11  }
0xbc: {  	(erf) = vpow2.f32 v9;
	v12 =	vnsel vm0, $0x0, v31;
	v9 =	vpop (erf)  }
0xbd: {  	(xrf2) =	vadd.scan.msk.f32 $0xffff, v12;
	(erf) = vpow2.f32 v5;
	v11, v50, _ =	vpop (xrf1);
	v5 =	vnsel vm0, $0x0, v9  }
0xbe: {  	v7 =	vmul.f32 $1.442695020e+00, v7;
	v13, v51, _ =	vpop (xrf1);
	(xrf2) =	vadd.scan.msk.f32 $0xffff, v5  }
0xbf: {  	v53 =	vpop (erf)  }
0xc0: {  	v10 =	vmul.f32 $1.442695020e+00, v10;
	(erf) = vpow2.f32 v7;
	v12, v52, _ =	vpop (xrf1)  }
0xc1: {  	v5 =	vmul.f32 $1.442695020e+00, v11;
	v54 =	vpop (erf);
	v7 =	vmul.f32 $1.442695020e+00, v13  }
0xc2: {  	(erf) = vpow2.f32 v10;
	v22 =	vpop (erf)  }
0xc3: {  	(erf) = vpow2.f32 v5;
	v5 =	vnsel vm0, $0x0, v53;
	v10 =	vmul.f32 $1.442695020e+00, v12;
	v20 =	vpop (erf)  }
0xc4: {  	(erf) = vpow2.f32 v7;
	(xrf2) =	vadd.scan.msk.f32 $0xffff, v5;
	v5 =	vnsel vm0, $0x0, v54;
	v13 =	vpop (erf)  }
0xc5: {  	(xrf2) =	vadd.scan.msk.f32 $0xffff, v5;
	v5 =	vnsel vm0, $0x0, v22;
	v7, _, _ =	vpop (xrf2)  }
0xc6: {  	(erf) = vpow2.f32 v10;
	v12 =	vpop (erf);
	v7 =	vbroadcast v7, $0xF  }
0xc7: {  	v10, _, _ =	vpop (xrf2)  }
0xc8: {  	(xrf2) =	vadd.scan.msk.f32 $0xffff, v5;
	v10 =	vbroadcast v10, $0xF;
	(erf) = vrcp.f32 v7;
	v5, _, _ =	vpop (xrf2)  }
0xc9: {  	v11 =	vpop (erf);
	v5 =	vbroadcast v5, $0xF  }
0xca: {  	v55 =	vnsel vm0, $0x0, v20;
	v15 =	vpop (erf);
	(erf) = vrcp.f32 v10  }
0xcb: {  	v14 =	vpop (erf);
	(xrf2) =	vadd.scan.msk.f32 $0xffff, v55;
	(erf) = vrcp.f32 v5  }
0xcc: {  	v44 =	vpop (erf)  }
0xcd: {  	v42 =	vpop (erf)  }
0xce: {  	v56, _, _ =	vpop (xrf2)  }
0xcf: {  	v8 =	vmul.f32 v19, v8;
	v41 =	vpop (erf);
	v19 =	vbroadcast v56, $0xF  }
0xd0: {  	v59, _, _ =	vpop (xrf2)  }
0xd1: {  	v58 =	vnsel vm0, $0x0, v13;
	(erf) = vrcp.f32 v19;
	v61 =	vpop (erf)  }
0xd2: {  	v57 =	vperm.xlane v49, v4;
	(xrf2) =	vadd.scan.msk.f32 $0xffff, v58;
	v39 =	vmul.f32 v61, v25;
	v25, _, _ =	vpop (xrf2)  }
0xd3: {  	v18 =	vperm.xlane v18, v4;
	v62 =	vperm.xlane v17, v4;
	v17 =	vpop (erf)  }
0xd4: {  	v16 =	vperm.xlane v16, v4;
	v63 =	vperm.xlane v6, v4;
	v19 =	vnsel vm0, $0x0, v12;
	v6 =	vpop (erf)  }
0xd5: {  	s9 =	simm.s32 $0x1C80;
	v8 =	vsel vm0, v8, v57;
	v60 =	vbroadcast v59, $0xF;
	(xrf2) =	vadd.scan.msk.f32 $0xffff, v19;
	v6 =	vmul.f32 v6, v9;
	v9, _, _ =	vpop (xrf2)  }
0xd6: {  	[tilespmem:s9+$0x70] =	vst v8;
	v19 =	vnsel vm0, $0x0, v11;
	v17 =	vmul.f32 v17, v31;
	v9 =	vbroadcast v9, $0xF  }
0xd7: {  	(erf) = vrcp.f32 v60;
	(xrf2) =	vadd.scan.msk.f32 $0xffff, v19;
	v31 =	vbroadcast v25, $0xF;
	v8 =	vsel vm0, v39, v18  }
0xd8: {  	v21 =	vperm.xlane v21, v4;
	[tilespmem:s9+$0xFFFFFF80] =	vst v8;
	v8 =	vsel vm0, v17, v16  }
0xd9: {  	v24 =	vperm.xlane v24, v4;
	(erf) = vrcp.f32 v31;
	[tilespmem:s9+$0xFFFFFF90] =	vst v8;
	v8 =	vnsel vm0, $0x0, v15  }
0xda: {  	v25 =	vperm.xlane v23, v4;
	(erf) = vrcp.f32 v9;
	v9 =	vpop (erf)  }
0xdb: {  	v23 =	vperm.xlane v26, v4;
	v26 =	vmul.f32 v9, v53  }
0xdc: {  	v43 =	vperm.xlane v50, v4;
	v19 =	vperm.xlane v27, v4;
	v27 =	vnsel vm0, $0x0, v14;
	(xrf2) =	vadd.scan.msk.f32 $0xffff, v8;
	v8, _, _ =	vpop (xrf2)  }
0xdd: {  	v18 =	vperm.xlane v28, v4;
	v28 =	vbroadcast v8, $0xF;
	v26 =	vsel vm0, v26, v63  }
0xde: {  	v49 =	vmovc v3;
	v40 =	vperm.xlane v51, v4;
	v32 =	vnsel vm0, $0x0, v42;
	v39 =	vperm.xlane v52, v4  }
0xdf: {  	v17 =	vperm.xlane v29, v4;
	v16 =	vperm.xlane v30, v4;
	v29 =	vnsel vm0, $0x0, v44;
	(xrf2) =	vadd.scan.msk.f32 $0xffff, v27;
	v27, _, _ =	vpop (xrf2)  }
0xe0: {  	v31 =	vnsel vm0, $0x0, v41;
	v6 =	vsel vm0, v6, v62;
	v27 =	vbroadcast v27, $0xF;
	[tilespmem:s9+$0xFFFFFFB0] =	vst v26;
	v26 =	vpop (erf)  }
0xe1: {  	s11 =	simm.s32 $0x0;
	s12 =	simm.s32 $0x600;
	s10 =	simm.s32 $0x1C80;
	[tilespmem:s9+$0xFFFFFFA0] =	vst v6;
	(xrf2) =	vadd.scan.msk.f32 $0xffff, v29;
	(erf) = vrcp.f32 v28;
	v28, _, _ =	vpop (xrf2);
	v26 =	vmul.f32 v26, v54  }
.LBB2_2:
0xe2: {  	_ =	sdelay $0x3  }
0xe3: {  	v29 =	vld [tilespmem:s12+$0x1F0]  }
0xe4: {  	v45 =	vld [tilespmem:$0x1FFE0]  }
0xe5: {  	v52 =	vld [tilespmem:$0x1FFF0];
	v21 =	vsel vm0, v26, v21;
	v26 =	vbroadcast v28, $0xF;
	v28 =	vpop (erf)  }
0xe6: {  	[tilespmem:s9+$0xFFFFFFC0] =	vst v21;
	(erf) = vrcp.f32 v27;
	v27 =	vld [tilespmem:s12+$0x1D0];
	v21 =	vmul.f32 v28, v22  }
0xe7: {  	v22 =	vld [tilespmem:s12+$0x1E0];
	v28, _, _ =	vpop (xrf2)  }
0xe8: {  	(xrf2) =	vadd.scan.msk.f32 $0xffff, v32;
	v30 =	vld [tilespmem:s12+$0xFFFFFE30];
	v21 =	vsel vm0, v21, v25;
	v25 =	vbroadcast v28, $0xF;
	v28 =	vpop (erf)  }
0xe9: {  	(xrf1) =	vsort.dscd.msk.f32 $0xffff, v29, v49;
	(erf) = vrcp.f32 v26;
	v26 =	vld [tilespmem:s12+$0x1C0];
	v20 =	vmul.f32 v28, v20  }
0xea: {  	(xrf2) =	vadd.scan.msk.f32 $0xffff, v31;
	[tilespmem:s9+$0xFFFFFFD0] =	vst v21;
	v21 =	vld [tilespmem:s12+$0xFFFFFE70];
	v28, _, _ =	vpop (xrf2)  }
0xeb: {  	v29 =	vld [tilespmem:s12+$0xFFFFFEB0];
	(xrf1) =	vsort.dscd.msk.f32 $0xffff, v27, v45;
	v27 =	vpop (erf);
	v20 =	vsel vm0, v20, v24;
	v24 =	vbroadcast v28, $0xF  }
0xec: {  	(erf) = vrcp.f32 v25;
	v25 =	vld [tilespmem:s12+$0xFFFFFEF0];
	(xrf1) =	vsort.dscd.msk.f32 $0xffff, v22, v52;
	v13 =	vmul.f32 v27, v13  }
0xed: {  	v31 =	vlaneseq.u32;
	[tilespmem:s9+$0xFFFFFFE0] =	vst v20;
	v20 =	vld [tilespmem:s12+$0xFFFFFF30];
	(xrf1) =	vsort.dscd.msk.f32 $0xffff, v30, v49;
	(erf) = vrcp.f32 v24  }
0xee: {  	v22, _, _ =	vpop (xrf2);
	v24 =	vld [tilespmem:s12+$0xFFFFFF70];
	(xrf1) =	vsort.dscd.msk.f32 $0xffff, v26, v31;
	v23 =	vsel vm0, v13, v23  }
0xef: {  	v0 =	vbroadcast v22, $0xF;
	v26 =	vld [tilespmem:s12+$0xFFFFFFB0];
	v22 =	vpop (erf);
	(xrf1) =	vsort.dscd.msk.f32 $0xffff, v21, v49;
	[tilespmem:s9+$0xFFFFFFF0] =	vst v23  }
0xf0: {  	v12 =	vmul.f32 v22, v12;
	v21 =	vld [tilespmem:s12+$0xFFFFFFF0];
	(xrf1) =	vsort.dscd.msk.f32 $0xffff, v29, v49  }
0xf1: {  	v23 =	vld [tilespmem:s12+$0x30];
	(xrf1) =	vsort.dscd.msk.f32 $0xffff, v25, v49  }
0xf2: {  	v22, _, _ =	vpop (xrf2);
	v25 =	vld [tilespmem:s12+$0x70];
	v19 =	vsel vm0, v12, v19;
	(xrf1) =	vsort.dscd.msk.f32 $0xffff, v20, v49  }
0xf3: {  	v56 =	vbroadcast v22, $0xF;
	v22 =	vpop (erf);
	[tilespmem:s9+$0x0] =	vst v19;
	v19 =	vld [tilespmem:s12+$0xB0];
	(xrf1) =	vsort.dscd.msk.f32 $0xffff, v24, v49  }
0xf4: {  	v20, _, _ =	vpop (xrf2);
	v11 =	vmul.f32 v22, v11;
	v22 =	vld [tilespmem:s12+$0xF0];
	(xrf1) =	vsort.dscd.msk.f32 $0xffff, v26, v49  }
0xf5: {  	v57 =	vbroadcast v20, $0xF;
	v20 =	vpop (erf);
	(xrf1) =	vsort.dscd.msk.f32 $0xffff, v21, v49  }
0xf6: {  	v24 =	vld [tilespmem:s12+$0x130];
	v15 =	vmul.f32 v20, v15;
	(xrf1) =	vsort.dscd.msk.f32 $0xffff, v23, v49;
	v20 =	vpop (erf)  }
0xf7: {  	(xrf1) =	vsort.dscd.msk.f32 $0xffff, v25, v49  }
0xf8: {  	v18 =	vsel vm0, v11, v18;
	v14 =	vmul.f32 v20, v14;
	(xrf1) =	vsort.dscd.msk.f32 $0xffff, v19, v49;
	v19, v20, _ =	vpop (xrf1)  }
0xf9: {  	[tilespmem:s9+$0x10] =	vst v18;
	v18 =	vld [tilespmem:s12+$0x170];
	(xrf1) =	vsort.dscd.msk.f32 $0xffff, v22, v49;
	v19 =	vperm.xlane v19, v4;
	v22, v23, _ =	vpop (xrf1)  }
0xfa: {  	v15 =	vsel vm0, v15, v17;
	v20 =	vperm.xlane v20, v4;
	v22 =	vperm.xlane v22, v4;
	v58, v26, _ =	vpop (xrf1)  }
0xfb: {  	v21 =	vld [tilespmem:s12+$0x1B0];
	(xrf1) =	vsort.dscd.msk.f32 $0xffff, v24, v49;
	v14 =	vsel vm0, v14, v16;
	v16 =	vperm.xlane v23, v4;
	v23, v24, _ =	vpop (xrf1)  }
0xfc: {  	v17 =	vld [tilespmem:s12+$0xFFFFFE10];
	v19 =	vsel vm0, v58, v19;
	v20 =	vsel vm0, v26, v20;
	v30 =	vperm.xlane v24, v4;
	v59, v24, _ =	vpop (xrf1)  }
0xfd: {  	(xrf1) =	vsort.dscd.msk.f32 $0xffff, v19, v20;
	v16 =	vsel vm0, v24, v16  }
0xfe: {  	[tilespmem:s9+$0x20] =	vst v15;
	v15 =	vld [tilespmem:s12+$0xFFFFFE20];
	v29 =	vperm.xlane v23, v4;
	v20 =	vsel vm0, v59, v22;
	v22, v23, _ =	vpop (xrf1);
	(xrf1) =	vsort.dscd.msk.f32 $0xffff, v18, v49  }
0xff: {  	v25 =	vld [tilespmem:s12+$0xFFFFFE50];
	v60, v24, _ =	vpop (xrf1);
	(xrf1) =	vsort.dscd.msk.f32 $0xffff, v20, v16  }
0x100: {  	[tilespmem:$0x1FF10] =	vst v41;
	v27 =	vld [tilespmem:s12+$0xFFFFFE60];
	v41 =	vperm.xlane v23, v4;
	v16, v23, _ =	vpop (xrf1);
	(xrf1) =	vsort.dscd.msk.f32 $0xffff, v21, v49  }
0x101: {  	[tilespmem:s9+$0x30] =	vst v14;
	v14 =	vld [tilespmem:s12+$0xFFFFFE90];
	(xrf1) =	vsort.dscd.msk.f32 $0xffff, v17, v45  }
0x102: {  	v19 =	vld [tilespmem:s12+$0xFFFFFEA0];
	v48 =	vperm.xlane v24, v4;
	v61, v17, _ =	vpop (xrf1)  }
0x103: {  	v18 =	vld [tilespmem:s12+$0xFFFFFED0];
	v37 =	vperm.xlane v16, v4;
	v38 =	vperm.xlane v23, v4;
	(xrf1) =	vsort.dscd.msk.f32 $0xffff, v15, v52;
	v15, v16, _ =	vpop (xrf1)  }
0x104: {  	[tilespmem:$0x1FEA0] =	vst v44;
	v20 =	vld [tilespmem:s12+$0xFFFFFEE0];
	v44 =	vperm.xlane v17, v4;
	v1 =	vperm.xlane v15, v4;
	(xrf1) =	vsort.dscd.msk.f32 $0xffff, v25, v45;
	v15, v24, _ =	vpop (xrf1)  }
0x105: {  	[tilespmem:$0x1FE40] =	vst v0;
	v21 =	vld [tilespmem:s12+$0xFFFFFF10];
	v50 =	vperm.xlane v16, v4;
	v0 =	vperm.xlane v24, v4;
	(xrf1) =	vsort.dscd.msk.f32 $0xffff, v27, v52;
	v2, v24, _ =	vpop (xrf1)  }
0x106: {  	[tilespmem:$0x1FEF0] =	vst v40;
	v23 =	vld [tilespmem:s12+$0xFFFFFF20];
	v16 =	vperm.xlane v15, v4;
	v46 =	vperm.xlane v24, v4;
	(xrf1) =	vsort.dscd.msk.f32 $0xffff, v14, v45;
	v14, v15, _ =	vpop (xrf1)  }
0x107: {  	[tilespmem:$0x1FF20] =	vst v39;
	v17 =	vld [tilespmem:s12+$0xFFFFFF50];
	v39 =	vperm.xlane v14, v4;
	v40 =	vperm.xlane v15, v4;
	(xrf1) =	vsort.dscd.msk.f32 $0xffff, v19, v52;
	v14, v15, _ =	vpop (xrf1)  }
0x108: {  	v33 =	vperm.xlane v14, v4;
	v34 =	vperm.xlane v15, v4;
	(xrf1) =	vsort.dscd.msk.f32 $0xffff, v18, v45;
	v14, v15, _ =	vpop (xrf1)  }
0x109: {  	v25 =	vld [tilespmem:s12+$0xFFFFFF60];
	v18 =	vperm.xlane v14, v4;
	v32 =	vperm.xlane v15, v4;
	(xrf1) =	vsort.dscd.msk.f32 $0xffff, v20, v52;
	v14, v15, _ =	vpop (xrf1)  }
0x10a: {  	v26 =	vld [tilespmem:s12+$0xFFFFFF90];
	v27 =	vperm.xlane v14, v4;
	v28 =	vperm.xlane v15, v4;
	(xrf1) =	vsort.dscd.msk.f32 $0xffff, v21, v45;
	v14, v15, _ =	vpop (xrf1)  }
0x10b: {  	v35 =	vld [tilespmem:s12+$0xFFFFFFA0];
	v62 =	vperm.xlane v14, v4;
	v19 =	vperm.xlane v15, v4;
	(xrf1) =	vsort.dscd.msk.f32 $0xffff, v23, v52;
	v14, v15, _ =	vpop (xrf1)  }
0x10c: {  	(xrf1) =	vsort.dscd.msk.f32 $0xffff, v17, v45;
	v14 =	vperm.xlane v14, v4;
	v15 =	vperm.xlane v15, v4;
	v17, v20, _ =	vpop (xrf1)  }
0x10d: {  	v36 =	vld [tilespmem:s12+$0xFFFFFFD0];
	v23 =	vperm.xlane v17, v4;
	v24 =	vperm.xlane v20, v4;
	v17, v20, _ =	vpop (xrf1)  }
0x10e: {  	(xrf1) =	vsort.dscd.msk.f32 $0xffff, v25, v52;
	v14 =	vsel vm0, v17, v14;
	v15 =	vsel vm0, v20, v15;
	v17, v20, _ =	vpop (xrf1)  }
0x10f: {  	(xrf1) =	vsort.dscd.msk.f32 $0xffff, v26, v45;
	v25 =	vperm.xlane v17, v4;
	v26 =	vperm.xlane v20, v4;
	v17, v20, _ =	vpop (xrf1)  }
0x110: {  	[tilespmem:$0x1FEE0] =	vst v42;
	v42 =	vld [tilespmem:s12+$0xFFFFFFE0];
	(xrf1) =	vsort.dscd.msk.f32 $0xffff, v35, v52;
	v35 =	vperm.xlane v20, v4  }
0x111: {  	v51 =	vld [tilespmem:s12+$0x10];
	(xrf1) =	vsort.dscd.msk.f32 $0xffff, v14, v15;
	v63 =	vperm.xlane v17, v4;
	v17, v20, _ =	vpop (xrf1)  }
0x112: {  	v53 =	vld [tilespmem:s12+$0x20];
	v22 =	vperm.xlane v22, v4;
	(xrf1) =	vsort.dscd.msk.f32 $0xffff, v36, v45;
	v36 =	vsel vm0, v17, v29;
	v21, v29, _ =	vpop (xrf1);
	[tilespmem:$0x1FE90] =	vst v35  }
0x113: {  	v54 =	vld [tilespmem:s12+$0x50];
	[tilespmem:$0x1FE50] =	vst v36;
	v35 =	vperm.xlane v21, v4;
	v36 =	vperm.xlane v29, v4;
	v21, v29, _ =	vpop (xrf1)  }
0x114: {  	v55 =	vld [tilespmem:s12+$0x60];
	v20 =	vsel vm0, v20, v30;
	v21 =	vsel vm0, v21, v22;
	v22 =	vsel vm0, v29, v41;
	v29, v30, _ =	vpop (xrf1)  }
0x115: {  	[tilespmem:$0x1FEC0] =	vst v56;
	v56 =	vld [tilespmem:s12+$0x90];
	(xrf1) =	vsort.dscd.msk.f32 $0xffff, v42, v52;
	v41 =	vperm.xlane v29, v4;
	v42 =	vperm.xlane v30, v4;
	v29, v30, _ =	vpop (xrf1)  }
0x116: {  	[tilespmem:$0x1FF00] =	vst v57;
	v57 =	vld [tilespmem:s12+$0xA0];
	(xrf1) =	vsort.dscd.msk.f32 $0xffff, v51, v45;
	v51 =	vsel vm0, v30, v48  }
0x117: {  	v58 =	vld [tilespmem:s12+$0xD0];
	v47 =	vperm.xlane v60, v4;
	(xrf1) =	vsort.dscd.msk.f32 $0xffff, v53, v52  }
0x118: {  	[tilespmem:$0x1FED0] =	vst v43;
	v59 =	vld [tilespmem:s12+$0xE0];
	v43 =	vperm.xlane v61, v4;
	(xrf1) =	vsort.dscd.msk.f32 $0xffff, v54, v45;
	v53, v54, _ =	vpop (xrf1)  }
0x119: {  	v60 =	vld [tilespmem:s12+$0x110];
	v12 =	vperm.xlane v2, v4;
	v47 =	vsel vm0, v29, v47;
	(xrf1) =	vsort.dscd.msk.f32 $0xffff, v55, v52;
	[tilespmem:$0x1FE70] =	vst v51;
	v51, v2, _ =	vpop (xrf1)  }
0x11a: {  	(xrf1) =	vsort.dscd.msk.f32 $0xffff, v56, v45;
	v30 =	vsel vm0, v51, v37;
	v29 =	vsel vm0, v2, v38;
	v38, v37, _ =	vpop (xrf1)  }
0x11b: {  	v61 =	vld [tilespmem:s12+$0x120];
	[tilespmem:$0x1FE60] =	vst v47;
	v47 =	vperm.xlane v53, v4;
	v48 =	vperm.xlane v54, v4;
	(xrf1) =	vsort.dscd.msk.f32 $0xffff, v57, v52;
	v2, v57, _ =	vpop (xrf1)  }
0x11c: {  	[tilespmem:$0x1FE30] =	vst v62;
	v62 =	vld [tilespmem:s12+$0x150];
	v53 =	vperm.xlane v38, v4;
	v54 =	vperm.xlane v37, v4;
	(xrf1) =	vsort.dscd.msk.f32 $0xffff, v58, v45;
	v38, v37, _ =	vpop (xrf1)  }
0x11d: {  	[tilespmem:$0x1FE80] =	vst v63;
	v63 =	vld [tilespmem:s12+$0x160];
	v43 =	vsel vm0, v2, v43;
	(xrf1) =	vsort.dscd.msk.f32 $0xffff, v59, v52;
	v55 =	vperm.xlane v38, v4;
	v38, v2, _ =	vpop (xrf1)  }
0x11e: {  	v5 =	vld [tilespmem:s12+$0x190];
	(xrf1) =	vsort.dscd.msk.f32 $0xffff, v60, v45;
	v38 =	vsel vm0, v38, v1;
	v50 =	vsel vm0, v2, v50;
	v2, v1, _ =	vpop (xrf1)  }
0x11f: {  	v6 =	vld [tilespmem:s12+$0x1A0];
	v56 =	vperm.xlane v37, v4;
	v37, v10, _ =	vpop (xrf1)  }
0x120: {  	v8 =	vld [tilespmem:s12+$0xFFFFFE40];
	(xrf1) =	vsort.dscd.msk.f32 $0xffff, v61, v52;
	v51 =	vsel vm0, v37, v16;
	v37 =	vsel vm0, v10, v0;
	v61, v0, _ =	vpop (xrf1)  }
0x121: {  	v9 =	vld [tilespmem:s12+$0xFFFFFE80];
	v44 =	vsel vm0, v57, v44;
	v57 =	vperm.xlane v2, v4;
	(xrf1) =	vsort.dscd.msk.f32 $0xffff, v62, v45;
	v17 =	vmul.f32 $1.442695020e+00, v61;
	v61, v2, _ =	vpop (xrf1)  }
0x122: {  	v11 =	vld [tilespmem:s12+$0xFFFFFEC0];
	(xrf1) =	vsort.dscd.msk.f32 $0xffff, v63, v52  }
0x123: {  	v59 =	vld [tilespmem:s12+$0xFFFFFF00];
	v16 =	vperm.xlane v61, v4;
	v3, v61, _ =	vpop (xrf1);
	(xrf1) =	vsort.dscd.msk.f32 $0xffff, v5, v45  }
0x124: {  	v60 =	vld [tilespmem:s12+$0xFFFFFF40];
	(erf) = vpow2.f32 v17;
	v45 =	vsel vm0, v3, v12;
	v3, v5, _ =	vpop (xrf1);
	(xrf1) =	vsort.dscd.msk.f32 $0xffff, v6, v52  }
0x125: {  	v7 =	vld [tilespmem:s12+$0xFFFFFF80];
	v58 =	vperm.xlane v1, v4;
	(xrf1) =	vsort.dscd.msk.f32 $0xffff, v8, v31;
	v8, v1, _ =	vpop (xrf1)  }
0x126: {  	v15 =	vperm.xlane v2, v4;
	(xrf1) =	vsort.dscd.msk.f32 $0xffff, v9, v31;
	v9, v2, _ =	vpop (xrf1)  }
0x127: {  	v10 =	vld [tilespmem:s12+$0xFFFFFFC0];
	(xrf1) =	vsort.dscd.msk.f32 $0xffff, v11, v31;
	v11, v52, _ =	vpop (xrf1)  }
0x128: {  	v62 =	vld [tilespmem:s12+$0x0];
	v17 =	vsel vm0, v8, v39;
	v8 =	vsel vm0, v52, v34;
	(xrf1) =	vsort.dscd.msk.f32 $0xffff, v59, v31;
	v34, v52, _ =	vpop (xrf1)  }
0x129: {  	[tilespmem:$0x1FEB0] =	vst v0;
	v14 =	vperm.xlane v5, v4;
	v59 =	vperm.xlane v52, v4;
	(xrf1) =	vsort.dscd.msk.f32 $0xffff, v60, v31;
	v52, v0, _ =	vpop (xrf1)  }
0x12a: {  	v39 =	vsel vm0, v1, v40;
	v1 =	vld [tilespmem:s12+$0xFFFFFE00];
	v5 =	vsel vm0, v0, v32;
	(xrf1) =	vsort.dscd.msk.f32 $0xffff, v7, v31;
	v7, v0, _ =	vpop (xrf1)  }
0x12b: {  	v52 =	vsel vm0, v52, v18;
	v18 =	vld [tilespmem:$0x1FE30];
	v32 =	vperm.xlane v0, v4;
	v60, v0, _ =	vpop (xrf1)  }
0x12c: {  	v63 =	vld [tilespmem:s12+$0x40];
	v13 =	vperm.xlane v3, v4;
	(xrf1) =	vsort.dscd.msk.f32 $0xffff, v10, v31;
	v3 =	vsel vm0, v0, v28;
	v10, v28, _ =	vpop (xrf1)  }
0x12d: {  	v12 =	vld [tilespmem:s12+$0x80];
	(xrf1) =	vsort.dscd.msk.f32 $0xffff, v62, v31;
	v62 =	vpop (erf)  }
0x12e: {  	v27 =	vsel vm0, v60, v27;
	v60 =	vperm.xlane v10, v4;
	v10 =	vnsel vm0, $0x0, v62  }
0x12f: {  	v6 =	vld [tilespmem:s12+$0xC0];
	(xrf1) =	vsort.dscd.msk.f32 $0xffff, v1, v31;
	v1, v0, _ =	vpop (xrf1)  }
0x130: {  	v40 =	vld [tilespmem:s12+$0x100];
	v0 =	vsel vm0, v0, v19;
	(xrf2) =	vadd.scan.msk.f32 $0xffff, v10;
	v1 =	vsel vm0, v1, v18;
	v18, v19, _ =	vpop (xrf1)  }
0x131: {  	(xrf1) =	vsort.dscd.msk.f32 $0xffff, v63, v31;
	v10, v63, _ =	vpop (xrf1)  }
0x132: {  	(xrf1) =	vsort.dscd.msk.f32 $0xffff, v12, v31;
	v23 =	vsel vm0, v10, v23;
	v10, v12, _ =	vpop (xrf1)  }
0x133: {  	v46 =	vsel vm0, v61, v46;
	v61 =	vperm.xlane v2, v4  }
0x134: {  	v2 =	vld [tilespmem:s12+$0x140];
	v24 =	vsel vm0, v63, v24;
	(xrf1) =	vsort.dscd.msk.f32 $0xffff, v6, v31;
	v63 =	vperm.xlane v10, v4;
	v6, v10, _ =	vpop (xrf1)  }
0x135: {  	v6 =	vsel vm0, v6, v25;
	v25 =	vsel vm0, v10, v26;
	v10, v26, _ =	vpop (xrf1);
	(xrf1) =	vsort.dscd.msk.f32 $0xffff, v40, v31;
	v40 =	vld [tilespmem:$0x1FE40]  }
0x136: {  	v11 =	vsel vm0, v11, v33;
	v33 =	vld [tilespmem:s12+$0x180];
	_ =	sdelay $0x2  }
0x137: {  	v35 =	vsel vm0, v10, v35;
	v26 =	vsel vm0, v26, v36;
	v10, v36, _ =	vpop (xrf1)  }
0x138: {  	(xrf1) =	vsort.dscd.msk.f32 $0xffff, v2, v31;
	v2 =	vsel vm0, v10, v41;
	(erf) = vrcp.f32 v40;
	v10, v40, _ =	vpop (xrf1)  }
0x139: {  	(xrf1) =	vsort.dscd.msk.f32 $0xffff, v33, v31;
	v33 =	vsel vm0, v10, v47;
	v10 =	vld [tilespmem:$0x1FE50];
	_ =	sdelay $0x4  }
0x13a: {  	(xrf1) =	vsort.dscd.msk.f32 $0xffff, v10, v20;
	v10, v20, _ =	vpop (xrf1)  }
0x13b: {  	v53 =	vsel vm0, v10, v53;
	v20 =	vsel vm0, v20, v54;
	v10, v54, _ =	vpop (xrf1)  }
0x13c: {  	v31 =	vld [tilespmem:$0x1FE70];
	(xrf1) =	vsort.dscd.msk.f32 $0xffff, v21, v22;
	v55 =	vsel vm0, v10, v55;
	v10, v21, _ =	vpop (xrf1)  }
0x13d: {  	v22 =	vsel vm0, v10, v57;
	v10 =	vld [tilespmem:$0x1FE60];
	_ =	sdelay $0x4  }
0x13e: {  	(xrf1) =	vsort.dscd.msk.f32 $0xffff, v10, v31;
	v10, _, _ =	vpop (xrf2)  }
0x13f: {  	(xrf1) =	vsort.dscd.msk.f32 $0xffff, v30, v29;
	v29, v30, _ =	vpop (xrf1)  }
0x140: {  	v10 =	vbroadcast v10, $0xF;
	v16 =	vsel vm0, v29, v16;
	v15 =	vsel vm0, v30, v15;
	(xrf1) =	vsort.dscd.msk.f32 $0xffff, v43, v44;
	v29, v30, _ =	vpop (xrf1)  }
0x141: {  	v13 =	vsel vm0, v29, v13;
	v14 =	vsel vm0, v30, v14;
	v29, v30, _ =	vpop (xrf1);
	(xrf1) =	vsort.dscd.msk.f32 $0xffff, v38, v50  }
0x142: {  	(erf) = vrcp.f32 v10;
	v10 =	vld [tilespmem:$0x1FE80];
	(xrf1) =	vsort.dscd.msk.f32 $0xffff, v51, v37  }
0x143: {  	v21 =	vsel vm0, v21, v58;
	v58, v57, _ =	vpop (xrf1);
	(xrf1) =	vsort.dscd.msk.f32 $0xffff, v45, v46  }
0x144: {  	v7 =	vperm.xlane v7, v4;
	v19 =	vperm.xlane v19, v4;
	(xrf1) =	vsort.dscd.msk.f32 $0xffff, v17, v39;
	v17, v43, _ =	vpop (xrf1)  }
0x145: {  	v18 =	vperm.xlane v18, v4;
	v12 =	vperm.xlane v12, v4;
	(xrf1) =	vsort.dscd.msk.f32 $0xffff, v11, v8;
	v8, v11, _ =	vpop (xrf1)  }
0x146: {  	v7 =	vsel vm0, v8, v7;
	v8 =	vsel vm0, v11, v32;
	(xrf1) =	vsort.dscd.msk.f32 $0xffff, v52, v5;
	v5, v11, _ =	vpop (xrf1)  }
0x147: {  	v29 =	vsel vm0, v29, v10;
	v10 =	vld [tilespmem:$0x1FE90];
	(xrf1) =	vsort.dscd.msk.f32 $0xffff, v27, v3;
	v3, v27, _ =	vpop (xrf1)  }
0x148: {  	v31 =	vld [tilespmem:$0x1FEA0];
	v3 =	vsel vm0, v3, v18;
	(xrf1) =	vsort.dscd.msk.f32 $0xffff, v1, v0;
	v0, v1, _ =	vpop (xrf1)  }
0x149: {  	v18 =	vsel vm0, v27, v19;
	v1 =	vsel vm0, v1, v12;
	v12, v19, _ =	vpop (xrf1);
	(xrf1) =	vsort.dscd.msk.f32 $0xffff, v23, v24;
	v23 =	vld [tilespmem:$0x1FEB0]  }
0x14a: {  	v9 =	vperm.xlane v9, v4;
	v34 =	vperm.xlane v34, v4  }
0x14b: {  	v28 =	vperm.xlane v28, v4;
	v36 =	vsel vm0, v36, v42;
	v40 =	vsel vm0, v40, v48  }
0x14c: {  	v42 =	vsel vm0, v54, v56;
	v9 =	vsel vm0, v58, v9;
	v30 =	vsel vm0, v30, v10;
	v10 =	vpop (erf)  }
0x14d: {  	v61 =	vsel vm0, v57, v61;
	(xrf1) =	vsort.dscd.msk.f32 $0xffff, v6, v25;
	v10 =	vmul.f32 v10, v31;
	v6 =	vpop (erf)  }
0x14e: {  	v24, v25, _ =	vpop (xrf1);
	(xrf1) =	vsort.dscd.msk.f32 $0xffff, v29, v30;
	v45 =	vmul.f32 v6, v62;
	v31 =	vperm.xlane v23, v4  }
0x14f: {  	v17 =	vsel vm0, v17, v34;
	v44 =	vsel vm0, v43, v59;
	(xrf1) =	vsort.dscd.msk.f32 $0xffff, v35, v26;
	v26, v27, _ =	vpop (xrf1)  }
0x150: {  	v5 =	vsel vm0, v5, v60;
	(xrf1) =	vsort.dscd.msk.f32 $0xffff, v2, v36;
	v46, v23, _ =	vpop (xrf1);
	v30 =	vsel vm0, v45, v31  }
0x151: {  	v11 =	vsel vm0, v11, v28;
	v0 =	vsel vm0, v0, v63;
	(xrf1) =	vsort.dscd.msk.f32 $0xffff, v33, v40;
	v6, v28, _ =	vpop (xrf1)  }
0x152: {  	s9 =	sadd.s32 $0x100, s9;
	v12 =	vperm.xlane v12, v4;
	v19 =	vperm.xlane v19, v4;
	(xrf1) =	vsort.dscd.msk.f32 $0xffff, v53, v20;
	v20, v29, _ =	vpop (xrf1)  }
0x153: {  	v24 =	vperm.xlane v24, v4;
	v25 =	vperm.xlane v25, v4;
	[tilespmem:s9+$0x70] =	vst v30;
	(xrf1) =	vsort.dscd.msk.f32 $0xffff, v55, v42;
	v30, v31, _ =	vpop (xrf1)  }
0x154: {  	v26 =	vperm.xlane v26, v4;
	v27 =	vperm.xlane v27, v4;
	(xrf1) =	vsort.dscd.msk.f32 $0xffff, v22, v21;
	v21, v22, _ =	vpop (xrf1)  }
0x155: {  	v2 =	vperm.xlane v46, v4;
	v23 =	vperm.xlane v23, v4;
	(xrf1) =	vsort.dscd.msk.f32 $0xffff, v16, v15;
	v15, v16, _ =	vpop (xrf1)  }
0x156: {  	v6 =	vperm.xlane v6, v4;
	v28 =	vperm.xlane v28, v4;
	(xrf1) =	vsort.dscd.msk.f32 $0xffff, v13, v14;
	v13, v14, _ =	vpop (xrf1)  }
0x157: {  	v20 =	vperm.xlane v20, v4;
	v29 =	vperm.xlane v29, v4;
	(xrf1) =	vsort.dscd.msk.f32 $0xffff, v9, v61;
	v9, v48, _ =	vpop (xrf1)  }
0x158: {  	v30 =	vperm.xlane v30, v4;
	v31 =	vperm.xlane v31, v4;
	(xrf1) =	vsort.dscd.msk.f32 $0xffff, v17, v44;
	v17, v50, _ =	vpop (xrf1)  }
0x159: {  	v21 =	vperm.xlane v21, v4;
	v22 =	vperm.xlane v22, v4;
	(xrf1) =	vsort.dscd.msk.f32 $0xffff, v7, v8;
	v7, v8, _ =	vpop (xrf1)  }
0x15a: {  	v15 =	vperm.xlane v15, v4;
	v16 =	vperm.xlane v16, v4;
	(xrf1) =	vsort.dscd.msk.f32 $0xffff, v5, v11;
	v5, v11, _ =	vpop (xrf1)  }
0x15b: {  	v13 =	vperm.xlane v13, v4;
	v14 =	vperm.xlane v14, v4;
	(xrf1) =	vsort.dscd.msk.f32 $0xffff, v3, v18;
	v3, v18, _ =	vpop (xrf1)  }
0x15c: {  	v9 =	vperm.xlane v9, v4;
	v32 =	vperm.xlane v48, v4;
	v52, v51, _ =	vpop (xrf1);
	(xrf1) =	vsort.dscd.msk.f32 $0xffff, v0, v1  }
0x15d: {  	v53 =	vsel vm0, v52, v12;
	v54 =	vsel vm0, v51, v19;
	v12 =	vperm.xlane v18, v4;
	v18, v19, _ =	vpop (xrf1)  }
0x15e: {  	v55 =	vsel vm0, v18, v24;
	v24 =	vsel vm0, v19, v25;
	(xrf1) =	vsort.dscd.msk.f32 $0xffff, v53, v54;
	v0, v1, _ =	vpop (xrf1)  }
0x15f: {  	v26 =	vsel vm0, v0, v26;
	v25 =	vsel vm0, v1, v27;
	(xrf1) =	vsort.dscd.msk.f32 $0xffff, v55, v24;
	v18, v19, _ =	vpop (xrf1)  }
0x160: {  	v24 =	vsel vm0, v18, v2;
	v18 =	vsel vm0, v19, v23;
	(xrf1) =	vsort.dscd.msk.f32 $0xffff, v26, v25  }
0x161: {  	v17 =	vperm.xlane v17, v4;
	v33 =	vperm.xlane v50, v4;
	v56, v57, _ =	vpop (xrf1);
	(xrf1) =	vsort.dscd.msk.f32 $0xffff, v24, v18;
	v18 =	vld [tilespmem:$0x1FEC0]  }
0x162: {  	v7 =	vperm.xlane v7, v4;
	v8 =	vperm.xlane v8, v4  }
0x163: {  	v5 =	vperm.xlane v5, v4;
	v11 =	vperm.xlane v11, v4;
	v23 =	vsel vm0, v56, v6;
	v58, v6, _ =	vpop (xrf1)  }
0x164: {  	v3 =	vperm.xlane v3, v4;
	v19 =	vsel vm0, v57, v28;
	v24 =	vsel vm0, v58, v20;
	v59, v60, _ =	vpop (xrf1)  }
0x165: {  	v20 =	vsel vm0, v6, v29;
	(xrf1) =	vsort.dscd.msk.f32 $0xffff, v23, v19;
	v23 =	vsel vm0, v59, v30;
	v61, v6, _ =	vpop (xrf1)  }
0x166: {  	(xrf1) =	vsort.dscd.msk.f32 $0xffff, v24, v20;
	v20 =	vsel vm0, v61, v21;
	v62, v63, _ =	vpop (xrf1);
	(erf) = vrcp.f32 v18;
	v18 =	vsel vm0, v60, v31  }
0x167: {  	v19 =	vsel vm0, v6, v22;
	v34, v6, _ =	vpop (xrf1);
	(xrf1) =	vsort.dscd.msk.f32 $0xffff, v23, v18;
	v18 =	vsel vm0, v62, v15  }
0x168: {  	v35, v36, _ =	vpop (xrf1);
	v15 =	vsel vm0, v63, v16;
	v16 =	vsel vm0, v34, v13;
	(xrf1) =	vsort.dscd.msk.f32 $0xffff, v20, v19  }
0x169: {  	v13 =	vsel vm0, v6, v14;
	v14 =	vsel vm0, v35, v9;
	v37, v6, _ =	vpop (xrf1);
	(xrf1) =	vsort.dscd.msk.f32 $0xffff, v18, v15  }
0x16a: {  	v9 =	vsel vm0, v36, v32;
	v38, v39, _ =	vpop (xrf1);
	v15 =	vsel vm0, v37, v17;
	(xrf1) =	vsort.dscd.msk.f32 $0xffff, v16, v13  }
0x16b: {  	v13 =	vsel vm0, v6, v33;
	v40, v6, _ =	vpop (xrf1);
	(xrf1) =	vsort.dscd.msk.f32 $0xffff, v14, v9;
	v9 =	vsel vm0, v38, v7  }
0x16c: {  	v45 =	vld [tilespmem:$0x1FEE0];
	v7 =	vsel vm0, v39, v8;
	v8 =	vsel vm0, v40, v5;
	v41, v42, _ =	vpop (xrf1);
	(xrf1) =	vsort.dscd.msk.f32 $0xffff, v15, v13  }
0x16d: {  	v6 =	vsel vm0, v6, v11;
	v0 =	vsel vm0, v41, v3;
	v3, v5, _ =	vpop (xrf1);
	(xrf1) =	vsort.dscd.msk.f32 $0xffff, v9, v7  }
0x16e: {  	v46 =	vmul.f32 $1.442695020e+00, v3;
	v29 =	vperm.xlane v5, v4;
	v3, v5, _ =	vpop (xrf1);
	(xrf1) =	vsort.dscd.msk.f32 $0xffff, v8, v6;
	v6 =	vld [tilespmem:$0x1FEF0]  }
0x16f: {  	v47 =	vmul.f32 $1.442695020e+00, v3;
	v28 =	vperm.xlane v5, v4;
	v3, v5, _ =	vpop (xrf1)  }
0x170: {  	v1 =	vsel vm0, v42, v12;
	v43 =	vpop (erf);
	(erf) = vpow2.f32 v46  }
0x171: {  	(xrf1) =	vsort.dscd.msk.f32 $0xffff, v0, v1;
	v3 =	vmul.f32 $1.442695020e+00, v3;
	v1 =	vmul.f32 v43, v45  }
0x172: {  	(erf) = vpow2.f32 v47  }
0x173: {  	v44 =	vld [tilespmem:$0x1FED0];
	v27 =	vperm.xlane v5, v4;
	(erf) = vpow2.f32 v3;
	v1 =	vsel vm0, v1, v6;
	v5, v6, _ =	vpop (xrf1)  }
0x174: {  	v48 =	vmul.f32 $1.442695020e+00, v5;
	v26 =	vperm.xlane v6, v4;
	v5, v6, _ =	vpop (xrf1)  }
0x175: {  	v21 =	vperm.xlane v6, v4;
	v6, v7, _ =	vpop (xrf1)  }
0x176: {  	v50, v8, _ =	vpop (xrf1)  }
0x177: {  	v51, v9, _ =	vpop (xrf1)  }
0x178: {  	v0 =	vsel vm0, v10, v44;
	v5 =	vmul.f32 $1.442695020e+00, v5;
	v6 =	vmul.f32 $1.442695020e+00, v6;
	v3, v10, _ =	vpop (xrf1)  }
0x179: {  	(erf) = vpow2.f32 v48;
	v25 =	vperm.xlane v7, v4;
	v55 =	vpop (erf)  }
0x17a: {  	v2 =	vmul.f32 $1.442695020e+00, v50;
	(erf) = vpow2.f32 v5;
	v52, v11, _ =	vpop (xrf1)  }
0x17b: {  	[tilespmem:s10+$0x40] =	vst v0;
	v0 =	vmul.f32 $1.442695020e+00, v51;
	(erf) = vpow2.f32 v6;
	v7 =	vpop (erf)  }
0x17c: {  	v3 =	vmul.f32 $1.442695020e+00, v3;
	(erf) = vpow2.f32 v2;
	v5, v12, _ =	vpop (xrf1)  }
0x17d: {  	v24 =	vperm.xlane v8, v4;
	v56 =	vnsel vm0, $0x0, v55;
	(erf) = vpow2.f32 v0;
	v8 =	vpop (erf)  }
0x17e: {  	[tilespmem:s10+$0x50] =	vst v1;
	v1 =	vmul.f32 $1.442695020e+00, v52;
	(xrf2) =	vadd.scan.msk.f32 $0xffff, v56;
	v6, v13, _ =	vpop (xrf1);
	(erf) = vpow2.f32 v3  }
0x17f: {  	v23 =	vperm.xlane v9, v4;
	v5 =	vmul.f32 $1.442695020e+00, v5;
	v53, v14, _ =	vpop (xrf1)  }
0x180: {  	v6 =	vmul.f32 $1.442695020e+00, v6;
	(erf) = vpow2.f32 v1;
	v54, v15, _ =	vpop (xrf1)  }
0x181: {  	v2 =	vmul.f32 $1.442695020e+00, v53;
	(erf) = vpow2.f32 v5;
	v3, v31, _ =	vpop (xrf1)  }
0x182: {  	v19 =	vperm.xlane v10, v4;
	v10 =	vld [tilespmem:$0x1FF00];
	v5 =	vnsel vm0, $0x0, v7;
	(erf) = vpow2.f32 v6;
	v9 =	vpop (erf)  }
0x183: {  	v0 =	vmul.f32 $1.442695020e+00, v54;
	(xrf2) =	vadd.scan.msk.f32 $0xffff, v5;
	(erf) = vpow2.f32 v2;
	v30 =	vpop (erf)  }
0x184: {  	v3 =	vmul.f32 $1.442695020e+00, v3;
	v22 =	vpop (erf)  }
0x185: {  	(erf) = vpow2.f32 v0;
	v20 =	vpop (erf)  }
0x186: {  	v16 =	vperm.xlane v13, v4;
	(erf) = vpow2.f32 v3;
	v13 =	vpop (erf)  }
0x187: {  	v17 =	vperm.xlane v12, v4;
	(erf) = vrcp.f32 v10;
	v12 =	vpop (erf)  }
0x188: {  	v45, _, _ =	vpop (xrf2)  }
0x189: {  	v18 =	vperm.xlane v11, v4;
	v11 =	vpop (erf)  }
0x18a: {  	v6 =	vnsel vm0, $0x0, v8;
	v40 =	vperm.xlane v15, v4;
	v15 =	vpop (erf)  }
0x18b: {  	v43 =	vperm.xlane v14, v4;
	(xrf2) =	vadd.scan.msk.f32 $0xffff, v6;
	v57 =	vnsel vm0, $0x0, v9;
	v14 =	vpop (erf)  }
0x18c: {  	(xrf2) =	vadd.scan.msk.f32 $0xffff, v57;
	v44 =	vpop (erf)  }
0x18d: {  	v58 =	vnsel vm0, $0x0, v30;
	v48, _, _ =	vpop (xrf2)  }
0x18e: {  	(xrf2) =	vadd.scan.msk.f32 $0xffff, v58;
	v38 =	vbroadcast v45, $0xF;
	v42 =	vpop (erf)  }
0x18f: {  	v47 =	vld [tilespmem:$0x1FF10];
	v63 =	vpop (erf)  }
0x190: {  	v59 =	vnsel vm0, $0x0, v22;
	v46 =	vpop (erf);
	(erf) = vrcp.f32 v38  }
0x191: {  	v50 =	vld [tilespmem:$0x1FF20];
	(xrf2) =	vadd.scan.msk.f32 $0xffff, v59;
	v2 =	vbroadcast v48, $0xF;
	_ =	sdelay $0x1  }
0x192: {  	(erf) = vrcp.f32 v2  }
0x193: {  	v0 =	vmul.f32 v46, v47  }
0x194: {  	v3 =	vnsel vm0, $0x0, v20;
	v51, _, _ =	vpop (xrf2)  }
0x195: {  	(xrf2) =	vadd.scan.msk.f32 $0xffff, v3;
	v52, _, _ =	vpop (xrf2);
	v38 =	vsel vm0, v0, v50;
	v0 =	vbroadcast v51, $0xF  }
0x196: {  	v1 =	vbroadcast v52, $0xF  }
0x197: {  	v10 =	vnsel vm0, $0x0, v13;
	v53, _, _ =	vpop (xrf2);
	(erf) = vrcp.f32 v0  }
0x198: {  	v5 =	vnsel vm0, $0x0, v12;
	(xrf2) =	vadd.scan.msk.f32 $0xffff, v10;
	v54 =	vpop (erf);
	(erf) = vrcp.f32 v1  }
0x199: {  	(xrf2) =	vadd.scan.msk.f32 $0xffff, v5;
	v0 =	vbroadcast v53, $0xF  }
0x19a: {  	v61 =	vnsel vm0, $0x0, v11;
	v56, _, _ =	vpop (xrf2)  }
0x19b: {  	(xrf2) =	vadd.scan.msk.f32 $0xffff, v61;
	v3 =	vpop (erf);
	(erf) = vrcp.f32 v0  }
0x19c: {  	v60 =	vperm.xlane v31, v4;
	_ =	sdelay $0x1  }
0x19d: {  	v39 =	vmovc v60;
	v62 =	vnsel vm0, $0x0, v15;
	v6 =	vnsel vm0, $0x0, v14;
	v37 =	vnsel vm0, $0x0, v44  }
0x19e: {  	s11 =	sadd.s32 $0x10, s11;
	v32 =	vnsel vm0, $0x0, v42;
	v31 =	vnsel vm0, $0x0, v63;
	v58, _, _ =	vpop (xrf2);
	v55 =	vmul.f32 v54, v55  }
0x19f: {  	p0 =	slt.u32 s11, $0x60;
	v41 =	vmov v63;
	[tilespmem:s10+$0x60] =	vst v38;
	v2 =	vbroadcast v56, $0xF;
	v57 =	vmul.f32 v3, v7;
	v3 =	vpop (erf)  }
.Ltmp0:
0x1a0: {  	(xrf2) =	vadd.scan.msk.f32 $0xffff, v62;
	v1 =	vbroadcast v58, $0xF;
	v5 =	vsel vm0, v55, v29;
	v59 =	vmul.f32 v3, v8;
	v3 =	vpop (erf);
	(pc) =	sbr.rel @p0 .LBB2_2-.Ltmp0, $4  }
0x1a1: {  	v60, _, _ =	vpop (xrf2);
	(xrf2) =	vadd.scan.msk.f32 $0xffff, v6;
	[tilespmem:s9+$0xFFFFFF80] =	vst v5;
	v0 =	vsel vm0, v57, v28;
	v61 =	vmul.f32 v3, v9  }
0x1a2: {  	v62, _, _ =	vpop (xrf2);
	(erf) = vrcp.f32 v2;
	[tilespmem:s9+$0xFFFFFF90] =	vst v0;
	v2 =	vbroadcast v60, $0xF;
	v0 =	vsel vm0, v59, v27  }
0x1a3: {  	v27 =	vbroadcast v62, $0xF;
	(erf) = vrcp.f32 v1;
	[tilespmem:s9+$0xFFFFFFA0] =	vst v0;
	v63 =	vpop (erf);
	v0 =	vsel vm0, v61, v26  }
0x1a4: {  	s12 =	sadd.s32 $0x400, s12;
	s10 =	smov.u32 s9;
	(xrf2) =	vadd.scan.msk.f32 $0xffff, v37;
	v28, _, _ =	vpop (xrf2);
	(erf) = vrcp.f32 v2;
	v26 =	vmul.f32 v63, v30;
	[tilespmem:s9+$0xFFFFFFB0] =	vst v0  }
0x1a5: {  	(xrf2) =	vadd.scan.msk.f32 $0xffff, v32  }
0x1a6: {  	(xrf2) =	vadd.scan.msk.f32 $0xffff, v31;
	_ =	sdelay $0x5  }
0x1a7: {  	v1 =	vbroadcast v28, $0xF;
	v0, _, _ =	vpop (xrf2)  }
0x1a8: {  	(erf) = vrcp.f32 v27;
	v0 =	vbroadcast v0, $0xF;
	v2, _, _ =	vpop (xrf2)  }
0x1a9: {  	(erf) = vrcp.f32 v1;
	v1 =	vbroadcast v2, $0xF;
	v2, _, _ =	vpop (xrf2)  }
0x1aa: {  	(erf) = vrcp.f32 v0;
	v0 =	vbroadcast v2, $0xF;
	v2, _, _ =	vpop (xrf2)  }
0x1ab: {  	(erf) = vrcp.f32 v1;
	v1 =	vbroadcast v2, $0xF;
	v2, _, _ =	vpop (xrf2)  }
0x1ac: {  	v2 =	vbroadcast v2, $0xF;
	(erf) = vrcp.f32 v0  }
0x1ad: {  	(erf) = vrcp.f32 v1  }
0x1ae: {  	v0 =	vpop (erf);
	(erf) = vrcp.f32 v2  }
0x1af: {  	v3 =	vsel vm0, v26, v21;
	v1 =	vpop (erf);
	v0 =	vmul.f32 v0, v22  }
0x1b0: {  	v2 =	vpop (erf);
	v1 =	vmul.f32 v1, v20  }
0x1b1: {  	[tilespmem:s9+$0xFFFFFFC0] =	vst v3;
	v5 =	vpop (erf);
	v0 =	vsel vm0, v0, v25;
	v2 =	vmul.f32 v2, v13  }
0x1b2: {  	v3 =	vpop (erf);
	[tilespmem:s9+$0xFFFFFFD0] =	vst v0;
	v0 =	vsel vm0, v1, v24;
	v1 =	vmul.f32 v5, v12  }
0x1b3: {  	v5 =	vpop (erf);
	[tilespmem:s9+$0xFFFFFFE0] =	vst v0;
	v0 =	vsel vm0, v2, v23;
	v2 =	vmul.f32 v3, v11  }
0x1b4: {  	[tilespmem:s9+$0xFFFFFFF0] =	vst v0;
	v0 =	vsel vm0, v1, v19;
	v1 =	vmul.f32 v5, v15;
	v3 =	vpop (erf)  }
0x1b5: {  	[tilespmem:s9+$0x0] =	vst v0;
	v0 =	vsel vm0, v2, v18;
	v2 =	vmul.f32 v3, v14;
	v3 =	vpop (erf)  }
0x1b6: {  	[tilespmem:s9+$0x10] =	vst v0;
	v0 =	vsel vm0, v1, v17;
	v1 =	vmul.f32 v3, v44;
	v3 =	vpop (erf)  }
0x1b7: {  	[tilespmem:s9+$0x20] =	vst v0;
	v0 =	vsel vm0, v2, v16;
	v2 =	vmul.f32 v3, v42;
	v3 =	vpop (erf)  }
0x1b8: {  	[tilespmem:s9+$0x30] =	vst v0;
	v0 =	vsel vm0, v1, v43;
	v1 =	vmul.f32 v3, v41  }
0x1b9: {  	s8 =	sadd.s32 $0x1, s8;
	[tilespmem:s10+$0x40] =	vst v0;
	v0 =	vsel vm0, v2, v40  }
0x1ba: {  	p0 =	sne.s32 s8, s5;
	[tilespmem:s10+$0x50] =	vst v0;
	v0 =	vsel vm0, v1, v39  }
.Ltmp1:
0x1bb: {  	[tilespmem:s10+$0x60] =	vst v0;
	(pc) =	sbr.rel @p0 .LBB2_1-.Ltmp1, $4  }
0x1bc: {  	[hbm4b:s4+s2] =	stream.linear.scatter [tilespmem:s7], [sflag:$0x1], $0x700, $0x38;
	[tilespmem:$0x2300] =	vst v63  }
0x1bd: {  	_ =	swait.ge [sflag:s6], $0x700  }
0x1be: {  	[sflag:s6] =	ssyncset.done $0x0;
	v1 =	vld [tilespmem:$0x1FFE0]  }
0x1bf: {  	v3 =	vmov v49;
	v0 =	vlaneseq.u32;
	v2 =	vld [tilespmem:$0x1FFF0];
	[sflag:s6] =	ssyncadd.s32 $0xFFFFF900  }
0x1c0: {  	_ =	sfence.sel $0x180000  }
0x1c1: {  	[bflag:$0x0] =	sbarrier.arrive $0xFFFF  }
0x1c2: {  	p0 =	sne.s32 s0, $0x0;
	_ =	strace $0x90000050  }
0x1c3: {  	s0 =	sadd.s32 @!p0 $0x100000, s1;
	[bflag:$0x2] =	sbarrier.arrive $0xFFFF  }
0x1c4: {  	[sflag:s0] =	ssyncadd.tile.s32 @!p0 $0x1;
	_ =	shalt  }
.Lfunc_end2:
_tile_overlayer_lowered:
.L_overlay_start_2:
0x1c5: {  	(tag) =	ssettag $0x2  }
0x1c6: {  	s0 =	rddreg [dreg:$0x0];
	s2 =	stileid.u32  }
0x1c7: {  	s1 =	rddreg [dreg:$0x1];
	p0 =	sne.s32 s2, $0x0  }
0x1c8: {  	s3 =	rddreg [dreg:$0x2];
	[bflag:$0x3] =	sbarrier.arrive $0xFFFF;
	s2 =	simm.s32 @!p0 $0x1C01  }
0x1c9: {  	[timem:s3], [sflag:s2] =	dma.local @!p0 [hbm:s0], s1  }
0x1ca: {  	s0 =	simm.s32 @!p0 $0x1  }
0x1cb: {  	_ =	swait.ge @!p0 [sflag:s0], s1  }
0x1cc: {  	s1 =	ssub.s32 @!p0 $0x0, s1;
	[sflag:s0] =	ssyncset.done @!p0 $0x0  }
0x1cd: {  	[sflag:s0] =	ssyncadd.s32 @!p0 s1  }
0x1ce: {  	[bflag:$0x3] =	sbarrier.arrive $0xFFFF  }
0x1cf: {  	_ =	shalt  }

</sc_bundles>
